<compile_context>
chip_gen: v7x
topology: tpu7x:2x2x1
jax: 0.10.2.dev20260603
libtpu: 0.0.44.dev20260713+nightly
codegen_flags: <defaults>
</compile_context>

<pallas_src>
import jax
import jax.numpy as jnp
from jax import lax
from jax.experimental import pallas as pl
from jax.experimental.pallas import tpu as pltpu
from jax.experimental.pallas import tpu_sc as plsc

_SMOOTH = 1e-5
_C = 19
_NC, _NS, _NL = 2, 16, 16
_NW = _NC * _NS
_CR = 4
_W = 512
_LN2 = 0.6931471805599453


def _log16(x):
    xi = plsc.bitcast(x, jnp.int32)
    e = (xi >> 23) - 127
    m = plsc.bitcast((xi & 0x007FFFFF) | 0x3F800000, jnp.float32)
    big = m > 1.4142135
    m = jnp.where(big, m * 0.5, m)
    e = jnp.where(big, e + 1, e)
    t = (m - 1.0) / (m + 1.0)
    t2 = t * t
    p = 2.0 + t2 * (2.0 / 3.0 + t2 * (2.0 / 5.0 + t2 * (2.0 / 7.0)))
    return e.astype(jnp.float32) * _LN2 + t * p


def _sc_body(lg_hbm, tg_hbm, out_hbm, buf0, buf1, tb0, tb1, accv, sem0, sem1):
    B, _, H, _ = lg_hbm.shape
    cpb = H // _CR
    cpw = (B * cpb) // _NW
    a_coef = 1.0 - _SMOOTH - _SMOOTH / (_C - 1)
    b_coef = _SMOOTH / (_C - 1)
    wid = lax.axis_index("s") * _NC + lax.axis_index("c")
    bufs, tbs, sems = (buf0, buf1), (tb0, tb1), (sem0, sem1)
    lane = lax.broadcasted_iota(jnp.int32, (_NL,), 0)

    def issue(i, q):
        cid = wid * cpw + i
        b = cid // cpb
        r0 = (cid % cpb) * _CR
        pltpu.async_copy(
            lg_hbm.at[b, :, pl.ds(r0, _CR), :], bufs[q], sems[q])
        pltpu.async_copy(
            tg_hbm.at[b, 0, pl.ds(r0, _CR), :], tbs[q], sems[q])

    def drain(q):
        pltpu.make_async_copy(
            lg_hbm.at[0, :, pl.ds(0, _CR), :], bufs[q], sems[q]).wait()
        pltpu.make_async_copy(
            tg_hbm.at[0, 0, pl.ds(0, _CR), :], tbs[q], sems[q]).wait()

    def px16(buf, tbuf, r, w0, acc):
        t16 = tbuf[r, pl.ds(w0, _NL)]
        lgt = plsc.load_gather(buf, [t16, lane * 0 + r, lane + w0])
        rows = [buf[c, r, pl.ds(w0, _NL)] for c in range(_C)]
        while len(rows) > 1:
            nxt = [rows[2 * j] + rows[2 * j + 1] for j in range(len(rows) // 2)]
            if len(rows) % 2:
                nxt.append(rows[-1])
            rows = nxt
        pt = a_coef * lgt + (b_coef * rows[0] + _SMOOTH)
        om = 1.0 - pt
        return acc + om * om * _log16(pt)

    def pair_body(j, acc):
        for p in (0, 1):
            i = j * 2 + p

            @pl.when(i + 1 < cpw)
            def _():
                issue(i + 1, 1 - p)

            drain(p)

            def k_body(k, acc):
                w0 = k * (2 * _NL)
                for r in range(_CR):
                    acc = px16(bufs[p], tbs[p], r, w0, acc)
                    acc = px16(bufs[p], tbs[p], r, w0 + _NL, acc)
                return acc

            acc = lax.fori_loop(0, _W // (2 * _NL), k_body, acc)
        return acc

    issue(0, 0)
    acc = lax.fori_loop(0, cpw // 2, pair_body,
                        jnp.zeros((_NL,), jnp.float32))
    accv[...] = acc
    pltpu.sync_copy(accv, out_hbm.at[wid])


def kernel(logit, target):
    B, C, H, W = logit.shape
    tgt = target.astype(jnp.int32)
    mesh = plsc.VectorSubcoreMesh(core_axis_name="c", subcore_axis_name="s")
    partials = pl.kernel(
        _sc_body,
        out_type=jax.ShapeDtypeStruct((_NW, _NL), jnp.float32),
        mesh=mesh,
        scratch_types=[
            pltpu.VMEM((_C, _CR, _W), jnp.float32),
            pltpu.VMEM((_C, _CR, _W), jnp.float32),
            pltpu.VMEM((_CR, _W), jnp.int32),
            pltpu.VMEM((_CR, _W), jnp.int32),
            pltpu.VMEM((_NL,), jnp.float32),
            pltpu.SemaphoreType.DMA,
            pltpu.SemaphoreType.DMA,
        ],
        compiler_params=pltpu.CompilerParams(needs_layout_passes=False),
    )(logit, tgt)
    return -jnp.sum(partials) / (B * H * W)

# --- scband reference (transcript-rebuilt; emitter-appended) ---
"""Pipeline reference for scband-focal-loss-34024730919444 (READ-ONLY COPY).

The authoritative reference and input builder live on the scoring server;
editing this copy changes nothing except your own understanding.
"""

import jax, jax.numpy as jnp
import numpy as np


def setup_inputs(seed: int = 0) -> dict:
    key = jax.random.key(seed)
    k1, k2 = jax.random.split(key)
    logit = jax.random.uniform(k1, (8, 19, 512, 512), dtype=jnp.float32)
    target = jax.random.randint(k2, (8, 1, 512, 512), 0, 19).astype(jnp.int64)
    return {"logit": logit, "target": target}


def reference(logit, target):
    gamma = 2.0
    smooth = 1e-05
    num_class = logit.shape[1]
    B, C = logit.shape[0], logit.shape[1]
    # flatten spatial dims: [B, C, H, W] -> [B, C, HW] -> [B, HW, C] -> [N, C]
    lg = logit.reshape(B, C, -1)
    lg = jnp.transpose(lg, (0, 2, 1)).reshape(-1, C)
    tgt = jnp.squeeze(target, 1).reshape(-1).astype(jnp.int32)
    N = lg.shape[0]
    # one-hot via scatter-overwrite (matches torch scatter_)
    one_hot = jnp.zeros((N, C), dtype=lg.dtype).at[jnp.arange(N), tgt].set(1.0)
    one_hot = jnp.clip(one_hot, smooth / (num_class - 1), 1.0 - smooth)
    pt = jnp.sum(one_hot * lg, axis=1) + smooth
    logpt = jnp.log(pt)
    # alpha is None -> ones(num_class, 1); gather by target then squeeze
    alpha = jnp.ones((num_class, 1), dtype=lg.dtype)
    alpha_t = jnp.squeeze(alpha[tgt], axis=-1)
    loss = -1.0 * alpha_t * jnp.power(1.0 - pt, gamma) * logpt
    return jnp.mean(loss)

if __name__ == "__main__":
    import jax
    _d = setup_inputs()
    print(jax.jit(kernel)(*tuple(_d.values())))

</pallas_src>

<mosaic_0001>
#map = affine_map<(d0, d1) -> (0, 0, 0, 0)>
#map1 = affine_map<(d0, d1) -> (0, 0)>
module attributes {stable_mosaic.version = 14 : i64} {
  func.func @_sc_body(%arg0: i32, %arg1: i32, %arg2: memref<8x19x512x512xf32, #tpu.memory_space<hbm>>, %arg3: memref<8x1x512x512xi32, #tpu.memory_space<hbm>>, %arg4: memref<32x16xf32, #tpu.memory_space<hbm>>, %arg5: memref<19x4x512xf32, #tpu.memory_space<vmem>>, %arg6: memref<19x4x512xf32, #tpu.memory_space<vmem>>, %arg7: memref<4x512xi32, #tpu.memory_space<vmem>>, %arg8: memref<4x512xi32, #tpu.memory_space<vmem>>, %arg9: memref<16xf32, #tpu.memory_space<vmem>>, %arg10: memref<!tpu.dma_semaphore, #tpu.memory_space<semaphore_mem>>, %arg11: memref<!tpu.dma_semaphore, #tpu.memory_space<semaphore_mem>>) attributes {dimension_semantics = [#tpu.dimension_semantics<core_parallel>, #tpu.dimension_semantics<subcore_parallel>], iteration_bounds = array<i64: 2, 16>, scalar_prefetch = 0 : i64, scratch_operands = 7 : i64, tpu.core_type = #tpu.core_type<sc_vector_subcore>, window_params = [{transform_indices = #map}, {transform_indices = #map}, {transform_indices = #map1}]} {
    %mul3A = arith.constant 2 : i32
    %mul3A_0 = arith.muli %arg1, %mul3A : i32
    %add3A = arith.addi %mul3A_0, %arg0 : i32
    %iota3A = tpu.iota {dimensions = array<i32: 0>} : vector<16xi32>
    %mul3A_1 = arith.constant 32 : i32
    %mul3A_2 = arith.muli %add3A, %mul3A_1 : i32
    %add3A_3 = arith.constant 0 : i32
    %add3A_4 = arith.addi %mul3A_2, %add3A_3 : i32
    %jit3A = arith.constant 128 : i32
    %div3A = arith.divsi %add3A_4, %jit3A : i32
    %sign3A = arith.constant 0 : i32
    %sign3A_5 = arith.cmpi sgt, %add3A_4, %sign3A : i32
    %sign3A_6 = arith.extui %sign3A_5 : i1 to i32
    %sign3A_7 = arith.constant 0 : i32
    %sign3A_8 = arith.cmpi slt, %add3A_4, %sign3A_7 : i32
    %sign3A_9 = arith.extui %sign3A_8 : i1 to i32
    %sign3A_10 = arith.subi %sign3A_6, %sign3A_9 : i32
    %sign3A_11 = arith.constant 0 : i32
    %sign3A_12 = arith.cmpi sgt, %jit3A, %sign3A_11 : i32
    %sign3A_13 = arith.extui %sign3A_12 : i1 to i32
    %sign3A_14 = arith.constant 0 : i32
    %sign3A_15 = arith.cmpi slt, %jit3A, %sign3A_14 : i32
    %sign3A_16 = arith.extui %sign3A_15 : i1 to i32
    %sign3A_17 = arith.subi %sign3A_13, %sign3A_16 : i32
    %ne3A = arith.cmpi ne, %sign3A_10, %sign3A_17 : i32
    %rem3A = arith.remsi %add3A_4, %jit3A : i32
    %ne3A_18 = arith.constant 0 : i32
    %ne3A_19 = arith.cmpi ne, %rem3A, %ne3A_18 : i32
    %and3A = arith.andi %ne3A, %ne3A_19 : i1
    %sub3A = arith.constant 1 : i32
    %sub3A_20 = arith.subi %div3A, %sub3A : i32
    %select_n3A = arith.select %and3A, %sub3A_20, %div3A : i32
    %jit3A_21 = arith.constant 128 : i32
    %eq3A = arith.constant 0 : i32
    %eq3A_22 = arith.cmpi eq, %jit3A_21, %eq3A : i32
    %jit3A_23 = arith.constant 1 : i32
    %select_n3A_24 = arith.select %eq3A_22, %jit3A_23, %jit3A_21 : i32
    %rem3A_25 = arith.remsi %add3A_4, %select_n3A_24 : i32
    %ne3A_26 = arith.constant 0 : i32
    %ne3A_27 = arith.cmpi ne, %rem3A_25, %ne3A_26 : i32
    %lt3A = arith.constant 0 : i32
    %lt3A_28 = arith.cmpi slt, %rem3A_25, %lt3A : i32
    %lt3A_29 = arith.constant 0 : i32
    %lt3A_30 = arith.cmpi slt, %select_n3A_24, %lt3A_29 : i32
    %ne3A_31 = arith.xori %lt3A_28, %lt3A_30 : i1
    %and3A_32 = arith.andi %ne3A_31, %ne3A_27 : i1
    %add3A_33 = arith.addi %rem3A_25, %select_n3A_24 : i32
    %select_n3A_34 = arith.select %and3A_32, %add3A_33, %rem3A_25 : i32
    %mul3A_35 = arith.constant 4 : i32
    %mul3A_36 = arith.muli %select_n3A_34, %mul3A_35 : i32
    %dma_start3A = arith.constant 0 : i32
    %dma_start3A_37 = arith.constant 0 : i32
    %dma_start3A_38 = tpu.memref_slice %arg2[%select_n3A, %dma_start3A, %mul3A_36, %dma_start3A_37] : memref<8x19x512x512xf32, #tpu.memory_space<hbm>> -> memref<1x19x4x512xf32, #tpu.memory_space<hbm>>
    %dma_start3A_39 = tpu.memref_squeeze %dma_start3A_38 : memref<1x19x4x512xf32, #tpu.memory_space<hbm>> -> memref<19x4x512xf32, #tpu.memory_space<hbm>>
    %dma_start3A_40 = arith.constant 0 : i32
    %dma_start3A_41 = arith.constant 0 : i32
    %dma_start3A_42 = tpu.memref_slice %arg2[%select_n3A, %dma_start3A_40, %mul3A_36, %dma_start3A_41] : memref<8x19x512x512xf32, #tpu.memory_space<hbm>> -> memref<1x19x4x512xf32, #tpu.memory_space<hbm>>
    %dma_start3A_43 = tpu.memref_squeeze %dma_start3A_42 : memref<1x19x4x512xf32, #tpu.memory_space<hbm>> -> memref<19x4x512xf32, #tpu.memory_space<hbm>>
    tpu.enqueue_dma source(%dma_start3A_43 : memref<19x4x512xf32, #tpu.memory_space<hbm>>) target(%arg5 : memref<19x4x512xf32, #tpu.memory_space<vmem>>) target_semaphore(%arg10 : memref<!tpu.dma_semaphore, #tpu.memory_space<semaphore_mem>>)
    %dma_start3A_44 = arith.constant 0 : i32
    %dma_start3A_45 = arith.constant 0 : i32
    %dma_start3A_46 = tpu.memref_slice %arg3[%select_n3A, %dma_start3A_44, %mul3A_36, %dma_start3A_45] : memref<8x1x512x512xi32, #tpu.memory_space<hbm>> -> memref<1x1x4x512xi32, #tpu.memory_space<hbm>>
    %dma_start3A_47 = tpu.memref_squeeze %dma_start3A_46 : memref<1x1x4x512xi32, #tpu.memory_space<hbm>> -> memref<4x512xi32, #tpu.memory_space<hbm>>
    %dma_start3A_48 = arith.constant 0 : i32
    %dma_start3A_49 = tpu.memref_slice %arg3[%select_n3A, %dma_start3A_44, %mul3A_36, %dma_start3A_48] : memref<8x1x512x512xi32, #tpu.memory_space<hbm>> -> memref<1x1x4x512xi32, #tpu.memory_space<hbm>>
    %dma_start3A_50 = tpu.memref_squeeze %dma_start3A_49 : memref<1x1x4x512xi32, #tpu.memory_space<hbm>> -> memref<4x512xi32, #tpu.memory_space<hbm>>
    tpu.enqueue_dma source(%dma_start3A_50 : memref<4x512xi32, #tpu.memory_space<hbm>>) target(%arg7 : memref<4x512xi32, #tpu.memory_space<vmem>>) target_semaphore(%arg10 : memref<!tpu.dma_semaphore, #tpu.memory_space<semaphore_mem>>)
    %broadcast_in_dim3A = arith.constant 0.000000e+00 : f32
    %broadcast_in_dim3A_51 = vector.broadcast %broadcast_in_dim3A : f32 to vector<16xf32>
    %scan3A = arith.constant 0 : i32
    %scan3A_52 = arith.constant 16 : i32
    %scan3A_53 = arith.addi %scan3A, %scan3A_52 : i32
    %scan3A_54 = arith.constant 1 : i32
    %scan3A_55 = scf.for %scan3A_58 = %scan3A to %scan3A_53 step %scan3A_54 iter_args(%scan3A_59 = %broadcast_in_dim3A_51) -> (vector<16xf32>)  : i32 {
      %mul3A_60 = arith.constant 2 : i32
      %mul3A_61 = arith.muli %scan3A_58, %mul3A_60 : i32
      %add3A_62 = arith.constant 0 : i32
      %add3A_63 = arith.addi %mul3A_61, %add3A_62 : i32
      %add3A_64 = arith.constant 1 : i32
      %add3A_65 = arith.addi %add3A_63, %add3A_64 : i32
      %lt3A_66 = arith.constant 32 : i32
      %lt3A_67 = arith.cmpi slt, %add3A_65, %lt3A_66 : i32
      %convert_element_type3A = arith.extui %lt3A_67 : i1 to i32
      %cond3A = arith.constant 0 : i32
      %cond3A_68 = arith.cmpi ne, %convert_element_type3A, %cond3A : i32
      scf.if %cond3A_68 {
        %add3A_133 = arith.constant 1 : i32
        %add3A_134 = arith.addi %add3A_63, %add3A_133 : i32
        %mul3A_135 = arith.constant 32 : i32
        %mul3A_136 = arith.muli %add3A, %mul3A_135 : i32
        %add3A_137 = arith.addi %mul3A_136, %add3A_134 : i32
        %jit3A_138 = arith.constant 128 : i32
        %div3A_139 = arith.divsi %add3A_137, %jit3A_138 : i32
        %sign3A_140 = arith.constant 0 : i32
        %sign3A_141 = arith.cmpi sgt, %add3A_137, %sign3A_140 : i32
        %sign3A_142 = arith.extui %sign3A_141 : i1 to i32
        %sign3A_143 = arith.constant 0 : i32
        %sign3A_144 = arith.cmpi slt, %add3A_137, %sign3A_143 : i32
        %sign3A_145 = arith.extui %sign3A_144 : i1 to i32
        %sign3A_146 = arith.subi %sign3A_142, %sign3A_145 : i32
        %sign3A_147 = arith.constant 0 : i32
        %sign3A_148 = arith.cmpi sgt, %jit3A_138, %sign3A_147 : i32
        %sign3A_149 = arith.extui %sign3A_148 : i1 to i32
        %sign3A_150 = arith.constant 0 : i32
        %sign3A_151 = arith.cmpi slt, %jit3A_138, %sign3A_150 : i32
        %sign3A_152 = arith.extui %sign3A_151 : i1 to i32
        %sign3A_153 = arith.subi %sign3A_149, %sign3A_152 : i32
        %ne3A_154 = arith.cmpi ne, %sign3A_146, %sign3A_153 : i32
        %rem3A_155 = arith.remsi %add3A_137, %jit3A_138 : i32
        %ne3A_156 = arith.constant 0 : i32
        %ne3A_157 = arith.cmpi ne, %rem3A_155, %ne3A_156 : i32
        %and3A_158 = arith.andi %ne3A_154, %ne3A_157 : i1
        %sub3A_159 = arith.constant 1 : i32
        %sub3A_160 = arith.subi %div3A_139, %sub3A_159 : i32
        %select_n3A_161 = arith.select %and3A_158, %sub3A_160, %div3A_139 : i32
        %jit3A_162 = arith.constant 128 : i32
        %eq3A_163 = arith.constant 0 : i32
        %eq3A_164 = arith.cmpi eq, %jit3A_162, %eq3A_163 : i32
        %jit3A_165 = arith.constant 1 : i32
        %select_n3A_166 = arith.select %eq3A_164, %jit3A_165, %jit3A_162 : i32
        %rem3A_167 = arith.remsi %add3A_137, %select_n3A_166 : i32
        %ne3A_168 = arith.constant 0 : i32
        %ne3A_169 = arith.cmpi ne, %rem3A_167, %ne3A_168 : i32
        %lt3A_170 = arith.constant 0 : i32
        %lt3A_171 = arith.cmpi slt, %rem3A_167, %lt3A_170 : i32
        %lt3A_172 = arith.constant 0 : i32
        %lt3A_173 = arith.cmpi slt, %select_n3A_166, %lt3A_172 : i32
        %ne3A_174 = arith.xori %lt3A_171, %lt3A_173 : i1
        %and3A_175 = arith.andi %ne3A_174, %ne3A_169 : i1
        %add3A_176 = arith.addi %rem3A_167, %select_n3A_166 : i32
        %select_n3A_177 = arith.select %and3A_175, %add3A_176, %rem3A_167 : i32
        %mul3A_178 = arith.constant 4 : i32
        %mul3A_179 = arith.muli %select_n3A_177, %mul3A_178 : i32
        %dma_start3A_180 = arith.constant 0 : i32
        %dma_start3A_181 = arith.constant 0 : i32
        %dma_start3A_182 = tpu.memref_slice %arg2[%select_n3A_161, %dma_start3A_180, %mul3A_179, %dma_start3A_181] : memref<8x19x512x512xf32, #tpu.memory_space<hbm>> -> memref<1x19x4x512xf32, #tpu.memory_space<hbm>>
        %dma_start3A_183 = tpu.memref_squeeze %dma_start3A_182 : memref<1x19x4x512xf32, #tpu.memory_space<hbm>> -> memref<19x4x512xf32, #tpu.memory_space<hbm>>
        %dma_start3A_184 = arith.constant 0 : i32
        %dma_start3A_185 = arith.constant 0 : i32
        %dma_start3A_186 = tpu.memref_slice %arg2[%select_n3A_161, %dma_start3A_184, %mul3A_179, %dma_start3A_185] : memref<8x19x512x512xf32, #tpu.memory_space<hbm>> -> memref<1x19x4x512xf32, #tpu.memory_space<hbm>>
        %dma_start3A_187 = tpu.memref_squeeze %dma_start3A_186 : memref<1x19x4x512xf32, #tpu.memory_space<hbm>> -> memref<19x4x512xf32, #tpu.memory_space<hbm>>
        tpu.enqueue_dma source(%dma_start3A_187 : memref<19x4x512xf32, #tpu.memory_space<hbm>>) target(%arg6 : memref<19x4x512xf32, #tpu.memory_space<vmem>>) target_semaphore(%arg11 : memref<!tpu.dma_semaphore, #tpu.memory_space<semaphore_mem>>)
        %dma_start3A_188 = arith.constant 0 : i32
        %dma_start3A_189 = arith.constant 0 : i32
        %dma_start3A_190 = tpu.memref_slice %arg3[%select_n3A_161, %dma_start3A_188, %mul3A_179, %dma_start3A_189] : memref<8x1x512x512xi32, #tpu.memory_space<hbm>> -> memref<1x1x4x512xi32, #tpu.memory_space<hbm>>
        %dma_start3A_191 = tpu.memref_squeeze %dma_start3A_190 : memref<1x1x4x512xi32, #tpu.memory_space<hbm>> -> memref<4x512xi32, #tpu.memory_space<hbm>>
        %dma_start3A_192 = arith.constant 0 : i32
        %dma_start3A_193 = tpu.memref_slice %arg3[%select_n3A_161, %dma_start3A_188, %mul3A_179, %dma_start3A_192] : memref<8x1x512x512xi32, #tpu.memory_space<hbm>> -> memref<1x1x4x512xi32, #tpu.memory_space<hbm>>
        %dma_start3A_194 = tpu.memref_squeeze %dma_start3A_193 : memref<1x1x4x512xi32, #tpu.memory_space<hbm>> -> memref<4x512xi32, #tpu.memory_space<hbm>>
        tpu.enqueue_dma source(%dma_start3A_194 : memref<4x512xi32, #tpu.memory_space<hbm>>) target(%arg8 : memref<4x512xi32, #tpu.memory_space<vmem>>) target_semaphore(%arg11 : memref<!tpu.dma_semaphore, #tpu.memory_space<semaphore_mem>>)
      } else {
      }
      %dma_wait3A = arith.constant 0 : i32
      %dma_wait3A_69 = arith.constant 0 : i32
      %dma_wait3A_70 = arith.constant 0 : i32
      %dma_wait3A_71 = arith.constant 0 : i32
      %dma_wait3A_72 = tpu.memref_slice %arg2[%dma_wait3A, %dma_wait3A_69, %dma_wait3A_70, %dma_wait3A_71] : memref<8x19x512x512xf32, #tpu.memory_space<hbm>> -> memref<1x19x4x512xf32, #tpu.memory_space<hbm>>
      %dma_wait3A_73 = tpu.memref_squeeze %dma_wait3A_72 : memref<1x19x4x512xf32, #tpu.memory_space<hbm>> -> memref<19x4x512xf32, #tpu.memory_space<hbm>>
      %dma_wait3A_74 = arith.constant 0 : i32
      %dma_wait3A_75 = arith.constant 0 : i32
      %dma_wait3A_76 = arith.constant 0 : i32
      %dma_wait3A_77 = tpu.memref_slice %arg2[%dma_wait3A, %dma_wait3A_74, %dma_wait3A_75, %dma_wait3A_76] : memref<8x19x512x512xf32, #tpu.memory_space<hbm>> -> memref<1x19x4x512xf32, #tpu.memory_space<hbm>>
      %dma_wait3A_78 = tpu.memref_squeeze %dma_wait3A_77 : memref<1x19x4x512xf32, #tpu.memory_space<hbm>> -> memref<19x4x512xf32, #tpu.memory_space<hbm>>
      tpu.wait_dma2 semaphore(%arg10 : memref<!tpu.dma_semaphore, #tpu.memory_space<semaphore_mem>>) src(%dma_wait3A_78 : memref<19x4x512xf32, #tpu.memory_space<hbm>>) dst(%arg5 : memref<19x4x512xf32, #tpu.memory_space<vmem>>)
      %dma_wait3A_79 = arith.constant 0 : i32
      %dma_wait3A_80 = arith.constant 0 : i32
      %dma_wait3A_81 = arith.constant 0 : i32
      %dma_wait3A_82 = arith.constant 0 : i32
      %dma_wait3A_83 = tpu.memref_slice %arg3[%dma_wait3A_79, %dma_wait3A_80, %dma_wait3A_81, %dma_wait3A_82] : memref<8x1x512x512xi32, #tpu.memory_space<hbm>> -> memref<1x1x4x512xi32, #tpu.memory_space<hbm>>
      %dma_wait3A_84 = tpu.memref_squeeze %dma_wait3A_83 : memref<1x1x4x512xi32, #tpu.memory_space<hbm>> -> memref<4x512xi32, #tpu.memory_space<hbm>>
      %dma_wait3A_85 = arith.constant 0 : i32
      %dma_wait3A_86 = arith.constant 0 : i32
      %dma_wait3A_87 = tpu.memref_slice %arg3[%dma_wait3A_79, %dma_wait3A_80, %dma_wait3A_85, %dma_wait3A_86] : memref<8x1x512x512xi32, #tpu.memory_space<hbm>> -> memref<1x1x4x512xi32, #tpu.memory_space<hbm>>
      %dma_wait3A_88 = tpu.memref_squeeze %dma_wait3A_87 : memref<1x1x4x512xi32, #tpu.memory_space<hbm>> -> memref<4x512xi32, #tpu.memory_space<hbm>>
      tpu.wait_dma2 semaphore(%arg10 : memref<!tpu.dma_semaphore, #tpu.memory_space<semaphore_mem>>) src(%dma_wait3A_88 : memref<4x512xi32, #tpu.memory_space<hbm>>) dst(%arg7 : memref<4x512xi32, #tpu.memory_space<vmem>>)
      %scan3A_89 = arith.constant 0 : i32
      %scan3A_90 = arith.constant 16 : i32
      %scan3A_91 = arith.addi %scan3A_89, %scan3A_90 : i32
      %scan3A_92 = arith.constant 1 : i32
      %scan3A_93 = scf.for %scan3A_133 = %scan3A_89 to %scan3A_91 step %scan3A_92 iter_args(%scan3A_134 = %scan3A_59) -> (vector<16xf32>)  : i32 {
        %mul3A_135 = arith.constant 32 : i32
        %mul3A_136 = arith.muli %scan3A_133, %mul3A_135 : i32
        %get3A = arith.constant 0 : i32
        %get3A_137 = arith.index_cast %get3A : i32 to index
        %get3A_138 = arith.index_cast %mul3A_136 : i32 to index
        %get3A_139 = tpu.vector_load %arg7[%get3A_137, %get3A_138] {strides = array<i32>} : memref<4x512xi32, #tpu.memory_space<vmem>>, vector<16xi32>,
        %mul3A_140 = arith.constant 0 : i32
        %mul3A_141 = vector.broadcast %mul3A_140 : i32 to vector<16xi32>
        %mul3A_142 = arith.muli %iota3A, %mul3A_141 : vector<16xi32>
        %add3A_143 = arith.constant 0 : i32
        %add3A_144 = vector.broadcast %add3A_143 : i32 to vector<16xi32>
        %add3A_145 = arith.addi %mul3A_142, %add3A_144 : vector<16xi32>
        %add3A_146 = vector.broadcast %mul3A_136 : i32 to vector<16xi32>
        %add3A_147 = arith.addi %iota3A, %add3A_146 : vector<16xi32>
        %gather3A = tpu.vector_load_idx %arg5[%get3A_139, %add3A_145, %add3A_147] : memref<19x4x512xf32, #tpu.memory_space<vmem>>[vector<16xi32>, vector<16xi32>, vector<16xi32>], vector<16xf32>,
        %get3A_148 = arith.constant 0 : i32
        %get3A_149 = arith.constant 0 : i32
        %get3A_150 = arith.index_cast %get3A_148 : i32 to index
        %get3A_151 = arith.index_cast %get3A_149 : i32 to index
        %get3A_152 = arith.index_cast %mul3A_136 : i32 to index
        %get3A_153 = tpu.vector_load %arg5[%get3A_150, %get3A_151, %get3A_152] {strides = array<i32>} : memref<19x4x512xf32, #tpu.memory_space<vmem>>, vector<16xf32>,
        %get3A_154 = arith.constant 1 : i32
        %get3A_155 = arith.constant 0 : i32
        %get3A_156 = arith.index_cast %get3A_154 : i32 to index
        %get3A_157 = arith.index_cast %get3A_155 : i32 to index
        %get3A_158 = arith.index_cast %mul3A_136 : i32 to index
        %get3A_159 = tpu.vector_load %arg5[%get3A_156, %get3A_157, %get3A_158] {strides = array<i32>} : memref<19x4x512xf32, #tpu.memory_space<vmem>>, vector<16xf32>,
        %get3A_160 = arith.constant 2 : i32
        %get3A_161 = arith.constant 0 : i32
        %get3A_162 = arith.index_cast %get3A_160 : i32 to index
        %get3A_163 = arith.index_cast %get3A_161 : i32 to index
        %get3A_164 = arith.index_cast %mul3A_136 : i32 to index
        %get3A_165 = tpu.vector_load %arg5[%get3A_162, %get3A_163, %get3A_164] {strides = array<i32>} : memref<19x4x512xf32, #tpu.memory_space<vmem>>, vector<16xf32>,
        %get3A_166 = arith.constant 3 : i32
        %get3A_167 = arith.constant 0 : i32
        %get3A_168 = arith.index_cast %get3A_166 : i32 to index
        %get3A_169 = arith.index_cast %get3A_167 : i32 to index
        %get3A_170 = arith.index_cast %mul3A_136 : i32 to index
        %get3A_171 = tpu.vector_load %arg5[%get3A_168, %get3A_169, %get3A_170] {strides = array<i32>} : memref<19x4x512xf32, #tpu.memory_space<vmem>>, vector<16xf32>,
        %get3A_172 = arith.constant 4 : i32
        %get3A_173 = arith.constant 0 : i32
        %get3A_174 = arith.index_cast %get3A_172 : i32 to index
        %get3A_175 = arith.index_cast %get3A_173 : i32 to index
        %get3A_176 = arith.index_cast %mul3A_136 : i32 to index
        %get3A_177 = tpu.vector_load %arg5[%get3A_174, %get3A_175, %get3A_176] {strides = array<i32>} : memref<19x4x512xf32, #tpu.memory_space<vmem>>, vector<16xf32>,
        %get3A_178 = arith.constant 5 : i32
        %get3A_179 = arith.constant 0 : i32
        %get3A_180 = arith.index_cast %get3A_178 : i32 to index
        %get3A_181 = arith.index_cast %get3A_179 : i32 to index
        %get3A_182 = arith.index_cast %mul3A_136 : i32 to index
        %get3A_183 = tpu.vector_load %arg5[%get3A_180, %get3A_181, %get3A_182] {strides = array<i32>} : memref<19x4x512xf32, #tpu.memory_space<vmem>>, vector<16xf32>,
        %get3A_184 = arith.constant 6 : i32
        %get3A_185 = arith.constant 0 : i32
        %get3A_186 = arith.index_cast %get3A_184 : i32 to index
        %get3A_187 = arith.index_cast %get3A_185 : i32 to index
        %get3A_188 = arith.index_cast %mul3A_136 : i32 to index
        %get3A_189 = tpu.vector_load %arg5[%get3A_186, %get3A_187, %get3A_188] {strides = array<i32>} : memref<19x4x512xf32, #tpu.memory_space<vmem>>, vector<16xf32>,
        %get3A_190 = arith.constant 7 : i32
        %get3A_191 = arith.constant 0 : i32
        %get3A_192 = arith.index_cast %get3A_190 : i32 to index
        %get3A_193 = arith.index_cast %get3A_191 : i32 to index
        %get3A_194 = arith.index_cast %mul3A_136 : i32 to index
        %get3A_195 = tpu.vector_load %arg5[%get3A_192, %get3A_193, %get3A_194] {strides = array<i32>} : memref<19x4x512xf32, #tpu.memory_space<vmem>>, vector<16xf32>,
        %get3A_196 = arith.constant 8 : i32
        %get3A_197 = arith.constant 0 : i32
        %get3A_198 = arith.index_cast %get3A_196 : i32 to index
        %get3A_199 = arith.index_cast %get3A_197 : i32 to index
        %get3A_200 = arith.index_cast %mul3A_136 : i32 to index
        %get3A_201 = tpu.vector_load %arg5[%get3A_198, %get3A_199, %get3A_200] {strides = array<i32>} : memref<19x4x512xf32, #tpu.memory_space<vmem>>, vector<16xf32>,
        %get3A_202 = arith.constant 9 : i32
        %get3A_203 = arith.constant 0 : i32
        %get3A_204 = arith.index_cast %get3A_202 : i32 to index
        %get3A_205 = arith.index_cast %get3A_203 : i32 to index
        %get3A_206 = arith.index_cast %mul3A_136 : i32 to index
        %get3A_207 = tpu.vector_load %arg5[%get3A_204, %get3A_205, %get3A_206] {strides = array<i32>} : memref<19x4x512xf32, #tpu.memory_space<vmem>>, vector<16xf32>,
        %get3A_208 = arith.constant 10 : i32
        %get3A_209 = arith.constant 0 : i32
        %get3A_210 = arith.index_cast %get3A_208 : i32 to index
        %get3A_211 = arith.index_cast %get3A_209 : i32 to index
        %get3A_212 = arith.index_cast %mul3A_136 : i32 to index
        %get3A_213 = tpu.vector_load %arg5[%get3A_210, %get3A_211, %get3A_212] {strides = array<i32>} : memref<19x4x512xf32, #tpu.memory_space<vmem>>, vector<16xf32>,
        %get3A_214 = arith.constant 11 : i32
        %get3A_215 = arith.constant 0 : i32
        %get3A_216 = arith.index_cast %get3A_214 : i32 to index
        %get3A_217 = arith.index_cast %get3A_215 : i32 to index
        %get3A_218 = arith.index_cast %mul3A_136 : i32 to index
        %get3A_219 = tpu.vector_load %arg5[%get3A_216, %get3A_217, %get3A_218] {strides = array<i32>} : memref<19x4x512xf32, #tpu.memory_space<vmem>>, vector<16xf32>,
        %get3A_220 = arith.constant 12 : i32
        %get3A_221 = arith.constant 0 : i32
        %get3A_222 = arith.index_cast %get3A_220 : i32 to index
        %get3A_223 = arith.index_cast %get3A_221 : i32 to index
        %get3A_224 = arith.index_cast %mul3A_136 : i32 to index
        %get3A_225 = tpu.vector_load %arg5[%get3A_222, %get3A_223, %get3A_224] {strides = array<i32>} : memref<19x4x512xf32, #tpu.memory_space<vmem>>, vector<16xf32>,
        %get3A_226 = arith.constant 13 : i32
        %get3A_227 = arith.constant 0 : i32
        %get3A_228 = arith.index_cast %get3A_226 : i32 to index
        %get3A_229 = arith.index_cast %get3A_227 : i32 to index
        %get3A_230 = arith.index_cast %mul3A_136 : i32 to index
        %get3A_231 = tpu.vector_load %arg5[%get3A_228, %get3A_229, %get3A_230] {strides = array<i32>} : memref<19x4x512xf32, #tpu.memory_space<vmem>>, vector<16xf32>,
        %get3A_232 = arith.constant 14 : i32
        %get3A_233 = arith.constant 0 : i32
        %get3A_234 = arith.index_cast %get3A_232 : i32 to index
        %get3A_235 = arith.index_cast %get3A_233 : i32 to index
        %get3A_236 = arith.index_cast %mul3A_136 : i32 to index
        %get3A_237 = tpu.vector_load %arg5[%get3A_234, %get3A_235, %get3A_236] {strides = array<i32>} : memref<19x4x512xf32, #tpu.memory_space<vmem>>, vector<16xf32>,
        %get3A_238 = arith.constant 15 : i32
        %get3A_239 = arith.constant 0 : i32
        %get3A_240 = arith.index_cast %get3A_238 : i32 to index
        %get3A_241 = arith.index_cast %get3A_239 : i32 to index
        %get3A_242 = arith.index_cast %mul3A_136 : i32 to index
        %get3A_243 = tpu.vector_load %arg5[%get3A_240, %get3A_241, %get3A_242] {strides = array<i32>} : memref<19x4x512xf32, #tpu.memory_space<vmem>>, vector<16xf32>,
        %get3A_244 = arith.constant 16 : i32
        %get3A_245 = arith.constant 0 : i32
        %get3A_246 = arith.index_cast %get3A_244 : i32 to index
        %get3A_247 = arith.index_cast %get3A_245 : i32 to index
        %get3A_248 = arith.index_cast %mul3A_136 : i32 to index
        %get3A_249 = tpu.vector_load %arg5[%get3A_246, %get3A_247, %get3A_248] {strides = array<i32>} : memref<19x4x512xf32, #tpu.memory_space<vmem>>, vector<16xf32>,
        %get3A_250 = arith.constant 17 : i32
        %get3A_251 = arith.constant 0 : i32
        %get3A_252 = arith.index_cast %get3A_250 : i32 to index
        %get3A_253 = arith.index_cast %get3A_251 : i32 to index
        %get3A_254 = arith.index_cast %mul3A_136 : i32 to index
        %get3A_255 = tpu.vector_load %arg5[%get3A_252, %get3A_253, %get3A_254] {strides = array<i32>} : memref<19x4x512xf32, #tpu.memory_space<vmem>>, vector<16xf32>,
        %get3A_256 = arith.constant 18 : i32
        %get3A_257 = arith.constant 0 : i32
        %get3A_258 = arith.index_cast %get3A_256 : i32 to index
        %get3A_259 = arith.index_cast %get3A_257 : i32 to index
        %get3A_260 = arith.index_cast %mul3A_136 : i32 to index
        %get3A_261 = tpu.vector_load %arg5[%get3A_258, %get3A_259, %get3A_260] {strides = array<i32>} : memref<19x4x512xf32, #tpu.memory_space<vmem>>, vector<16xf32>,
        %add3A_262 = arith.addf %get3A_153, %get3A_159 : vector<16xf32>
        %add3A_263 = arith.addf %get3A_165, %get3A_171 : vector<16xf32>
        %add3A_264 = arith.addf %get3A_177, %get3A_183 : vector<16xf32>
        %add3A_265 = arith.addf %get3A_189, %get3A_195 : vector<16xf32>
        %add3A_266 = arith.addf %get3A_201, %get3A_207 : vector<16xf32>
        %add3A_267 = arith.addf %get3A_213, %get3A_219 : vector<16xf32>
        %add3A_268 = arith.addf %get3A_225, %get3A_231 : vector<16xf32>
        %add3A_269 = arith.addf %get3A_237, %get3A_243 : vector<16xf32>
        %add3A_270 = arith.addf %get3A_249, %get3A_255 : vector<16xf32>
        %add3A_271 = arith.addf %add3A_262, %add3A_263 : vector<16xf32>
        %add3A_272 = arith.addf %add3A_264, %add3A_265 : vector<16xf32>
        %add3A_273 = arith.addf %add3A_266, %add3A_267 : vector<16xf32>
        %add3A_274 = arith.addf %add3A_268, %add3A_269 : vector<16xf32>
        %add3A_275 = arith.addf %add3A_270, %get3A_261 : vector<16xf32>
        %add3A_276 = arith.addf %add3A_271, %add3A_272 : vector<16xf32>
        %add3A_277 = arith.addf %add3A_273, %add3A_274 : vector<16xf32>
        %add3A_278 = arith.addf %add3A_276, %add3A_277 : vector<16xf32>
        %add3A_279 = arith.addf %add3A_278, %add3A_275 : vector<16xf32>
        %mul3A_280 = arith.constant 0.999989449 : f32
        %mul3A_281 = vector.broadcast %mul3A_280 : f32 to vector<16xf32>
        %mul3A_282 = arith.mulf %mul3A_281, %gather3A : vector<16xf32>
        %mul3A_283 = arith.constant 5.55555573E-7 : f32
        %mul3A_284 = vector.broadcast %mul3A_283 : f32 to vector<16xf32>
        %mul3A_285 = arith.mulf %mul3A_284, %add3A_279 : vector<16xf32>
        %add3A_286 = arith.constant 9.99999974E-6 : f32
        %add3A_287 = vector.broadcast %add3A_286 : f32 to vector<16xf32>
        %add3A_288 = arith.addf %mul3A_285, %add3A_287 : vector<16xf32>
        %add3A_289 = arith.addf %mul3A_282, %add3A_288 : vector<16xf32>
        %sub3A_290 = arith.constant 1.000000e+00 : f32
        %sub3A_291 = vector.broadcast %sub3A_290 : f32 to vector<16xf32>
        %sub3A_292 = arith.subf %sub3A_291, %add3A_289 : vector<16xf32>
        %mul3A_293 = arith.mulf %sub3A_292, %sub3A_292 : vector<16xf32>
        %bitcast3A = vector.bitcast %add3A_289 : vector<16xf32> to vector<16xi32>
        %shift_right_arithmetic3A = arith.constant 23 : i32
        %shift_right_arithmetic3A_294 = vector.broadcast %shift_right_arithmetic3A : i32 to vector<16xi32>
        %shift_right_arithmetic3A_295 = arith.shrsi %bitcast3A, %shift_right_arithmetic3A_294 : vector<16xi32>
        %sub3A_296 = arith.constant 127 : i32
        %sub3A_297 = vector.broadcast %sub3A_296 : i32 to vector<16xi32>
        %sub3A_298 = arith.subi %shift_right_arithmetic3A_295, %sub3A_297 : vector<16xi32>
        %and3A_299 = arith.constant 8388607 : i32
        %and3A_300 = vector.broadcast %and3A_299 : i32 to vector<16xi32>
        %and3A_301 = arith.andi %bitcast3A, %and3A_300 : vector<16xi32>
        %or3A = arith.constant 1065353216 : i32
        %or3A_302 = vector.broadcast %or3A : i32 to vector<16xi32>
        %or3A_303 = arith.ori %and3A_301, %or3A_302 : vector<16xi32>
        %bitcast3A_304 = vector.bitcast %or3A_303 : vector<16xi32> to vector<16xf32>
        %gt3A = arith.constant 1.41421354 : f32
        %gt3A_305 = vector.broadcast %gt3A : f32 to vector<16xf32>
        %gt3A_306 = arith.cmpf ogt, %bitcast3A_304, %gt3A_305 : vector<16xf32>
        %mul3A_307 = arith.constant 5.000000e-01 : f32
        %mul3A_308 = vector.broadcast %mul3A_307 : f32 to vector<16xf32>
        %mul3A_309 = arith.mulf %bitcast3A_304, %mul3A_308 : vector<16xf32>
        %select_n3A_310 = arith.select %gt3A_306, %mul3A_309, %bitcast3A_304 : vector<16xi1>, vector<16xf32>
        %add3A_311 = arith.constant 1 : i32
        %add3A_312 = vector.broadcast %add3A_311 : i32 to vector<16xi32>
        %add3A_313 = arith.addi %sub3A_298, %add3A_312 : vector<16xi32>
        %select_n3A_314 = arith.select %gt3A_306, %add3A_313, %sub3A_298 : vector<16xi1>, vector<16xi32>
        %sub3A_315 = arith.constant 1.000000e+00 : f32
        %sub3A_316 = vector.broadcast %sub3A_315 : f32 to vector<16xf32>
        %sub3A_317 = arith.subf %select_n3A_310, %sub3A_316 : vector<16xf32>
        %add3A_318 = arith.constant 1.000000e+00 : f32
        %add3A_319 = vector.broadcast %add3A_318 : f32 to vector<16xf32>
        %add3A_320 = arith.addf %select_n3A_310, %add3A_319 : vector<16xf32>
        %div3A_321 = arith.divf %sub3A_317, %add3A_320 : vector<16xf32>
        %mul3A_322 = arith.mulf %div3A_321, %div3A_321 : vector<16xf32>
        %mul3A_323 = arith.constant 0.285714298 : f32
        %mul3A_324 = vector.broadcast %mul3A_323 : f32 to vector<16xf32>
        %mul3A_325 = arith.mulf %mul3A_322, %mul3A_324 : vector<16xf32>
        %add3A_326 = arith.constant 4.000000e-01 : f32
        %add3A_327 = vector.broadcast %add3A_326 : f32 to vector<16xf32>
        %add3A_328 = arith.addf %add3A_327, %mul3A_325 : vector<16xf32>
        %mul3A_329 = arith.mulf %mul3A_322, %add3A_328 : vector<16xf32>
        %add3A_330 = arith.constant 0.666666686 : f32
        %add3A_331 = vector.broadcast %add3A_330 : f32 to vector<16xf32>
        %add3A_332 = arith.addf %add3A_331, %mul3A_329 : vector<16xf32>
        %mul3A_333 = arith.mulf %mul3A_322, %add3A_332 : vector<16xf32>
        %add3A_334 = arith.constant 2.000000e+00 : f32
        %add3A_335 = vector.broadcast %add3A_334 : f32 to vector<16xf32>
        %add3A_336 = arith.addf %add3A_335, %mul3A_333 : vector<16xf32>
        %convert_element_type3A_337 = arith.sitofp %select_n3A_314 : vector<16xi32> to vector<16xf32>
        %mul3A_338 = arith.constant 0.693147182 : f32
        %mul3A_339 = vector.broadcast %mul3A_338 : f32 to vector<16xf32>
        %mul3A_340 = arith.mulf %convert_element_type3A_337, %mul3A_339 : vector<16xf32>
        %mul3A_341 = arith.mulf %div3A_321, %add3A_336 : vector<16xf32>
        %add3A_342 = arith.addf %mul3A_340, %mul3A_341 : vector<16xf32>
        %mul3A_343 = arith.mulf %mul3A_293, %add3A_342 : vector<16xf32>
        %add3A_344 = arith.addf %scan3A_134, %mul3A_343 : vector<16xf32>
        %add3A_345 = arith.constant 16 : i32
        %add3A_346 = arith.addi %mul3A_136, %add3A_345 : i32
        %get3A_347 = arith.constant 0 : i32
        %get3A_348 = arith.index_cast %get3A_347 : i32 to index
        %get3A_349 = arith.index_cast %add3A_346 : i32 to index
        %get3A_350 = tpu.vector_load %arg7[%get3A_348, %get3A_349] {strides = array<i32>} : memref<4x512xi32, #tpu.memory_space<vmem>>, vector<16xi32>,
        %mul3A_351 = arith.constant 0 : i32
        %mul3A_352 = vector.broadcast %mul3A_351 : i32 to vector<16xi32>
        %mul3A_353 = arith.muli %iota3A, %mul3A_352 : vector<16xi32>
        %add3A_354 = arith.constant 0 : i32
        %add3A_355 = vector.broadcast %add3A_354 : i32 to vector<16xi32>
        %add3A_356 = arith.addi %mul3A_353, %add3A_355 : vector<16xi32>
        %add3A_357 = vector.broadcast %add3A_346 : i32 to vector<16xi32>
        %add3A_358 = arith.addi %iota3A, %add3A_357 : vector<16xi32>
        %gather3A_359 = tpu.vector_load_idx %arg5[%get3A_350, %add3A_356, %add3A_358] : memref<19x4x512xf32, #tpu.memory_space<vmem>>[vector<16xi32>, vector<16xi32>, vector<16xi32>], vector<16xf32>,
        %get3A_360 = arith.constant 0 : i32
        %get3A_361 = arith.constant 0 : i32
        %get3A_362 = arith.index_cast %get3A_360 : i32 to index
        %get3A_363 = arith.index_cast %get3A_361 : i32 to index
        %get3A_364 = arith.index_cast %add3A_346 : i32 to index
        %get3A_365 = tpu.vector_load %arg5[%get3A_362, %get3A_363, %get3A_364] {strides = array<i32>} : memref<19x4x512xf32, #tpu.memory_space<vmem>>, vector<16xf32>,
        %get3A_366 = arith.constant 1 : i32
        %get3A_367 = arith.constant 0 : i32
        %get3A_368 = arith.index_cast %get3A_366 : i32 to index
        %get3A_369 = arith.index_cast %get3A_367 : i32 to index
        %get3A_370 = arith.index_cast %add3A_346 : i32 to index
        %get3A_371 = tpu.vector_load %arg5[%get3A_368, %get3A_369, %get3A_370] {strides = array<i32>} : memref<19x4x512xf32, #tpu.memory_space<vmem>>, vector<16xf32>,
        %get3A_372 = arith.constant 2 : i32
        %get3A_373 = arith.constant 0 : i32
        %get3A_374 = arith.index_cast %get3A_372 : i32 to index
        %get3A_375 = arith.index_cast %get3A_373 : i32 to index
        %get3A_376 = arith.index_cast %add3A_346 : i32 to index
        %get3A_377 = tpu.vector_load %arg5[%get3A_374, %get3A_375, %get3A_376] {strides = array<i32>} : memref<19x4x512xf32, #tpu.memory_space<vmem>>, vector<16xf32>,
        %get3A_378 = arith.constant 3 : i32
        %get3A_379 = arith.constant 0 : i32
        %get3A_380 = arith.index_cast %get3A_378 : i32 to index
        %get3A_381 = arith.index_cast %get3A_379 : i32 to index
        %get3A_382 = arith.index_cast %add3A_346 : i32 to index
        %get3A_383 = tpu.vector_load %arg5[%get3A_380, %get3A_381, %get3A_382] {strides = array<i32>} : memref<19x4x512xf32, #tpu.memory_space<vmem>>, vector<16xf32>,
        %get3A_384 = arith.constant 4 : i32
        %get3A_385 = arith.constant 0 : i32
        %get3A_386 = arith.index_cast %get3A_384 : i32 to index
        %get3A_387 = arith.index_cast %get3A_385 : i32 to index
        %get3A_388 = arith.index_cast %add3A_346 : i32 to index
        %get3A_389 = tpu.vector_load %arg5[%get3A_386, %get3A_387, %get3A_388] {strides = array<i32>} : memref<19x4x512xf32, #tpu.memory_space<vmem>>, vector<16xf32>,
        %get3A_390 = arith.constant 5 : i32
        %get3A_391 = arith.constant 0 : i32
        %get3A_392 = arith.index_cast %get3A_390 : i32 to index
        %get3A_393 = arith.index_cast %get3A_391 : i32 to index
        %get3A_394 = arith.index_cast %add3A_346 : i32 to index
        %get3A_395 = tpu.vector_load %arg5[%get3A_392, %get3A_393, %get3A_394] {strides = array<i32>} : memref<19x4x512xf32, #tpu.memory_space<vmem>>, vector<16xf32>,
        %get3A_396 = arith.constant 6 : i32
        %get3A_397 = arith.constant 0 : i32
        %get3A_398 = arith.index_cast %get3A_396 : i32 to index
        %get3A_399 = arith.index_cast %get3A_397 : i32 to index
        %get3A_400 = arith.index_cast %add3A_346 : i32 to index
        %get3A_401 = tpu.vector_load %arg5[%get3A_398, %get3A_399, %get3A_400] {strides = array<i32>} : memref<19x4x512xf32, #tpu.memory_space<vmem>>, vector<16xf32>,
        %get3A_402 = arith.constant 7 : i32
        %get3A_403 = arith.constant 0 : i32
        %get3A_404 = arith.index_cast %get3A_402 : i32 to index
        %get3A_405 = arith.index_cast %get3A_403 : i32 to index
        %get3A_406 = arith.index_cast %add3A_346 : i32 to index
        %get3A_407 = tpu.vector_load %arg5[%get3A_404, %get3A_405, %get3A_406] {strides = array<i32>} : memref<19x4x512xf32, #tpu.memory_space<vmem>>, vector<16xf32>,
        %get3A_408 = arith.constant 8 : i32
        %get3A_409 = arith.constant 0 : i32
        %get3A_410 = arith.index_cast %get3A_408 : i32 to index
        %get3A_411 = arith.index_cast %get3A_409 : i32 to index
        %get3A_412 = arith.index_cast %add3A_346 : i32 to index
        %get3A_413 = tpu.vector_load %arg5[%get3A_410, %get3A_411, %get3A_412] {strides = array<i32>} : memref<19x4x512xf32, #tpu.memory_space<vmem>>, vector<16xf32>,
        %get3A_414 = arith.constant 9 : i32
        %get3A_415 = arith.constant 0 : i32
        %get3A_416 = arith.index_cast %get3A_414 : i32 to index
        %get3A_417 = arith.index_cast %get3A_415 : i32 to index
        %get3A_418 = arith.index_cast %add3A_346 : i32 to index
        %get3A_419 = tpu.vector_load %arg5[%get3A_416, %get3A_417, %get3A_418] {strides = array<i32>} : memref<19x4x512xf32, #tpu.memory_space<vmem>>, vector<16xf32>,
        %get3A_420 = arith.constant 10 : i32
        %get3A_421 = arith.constant 0 : i32
        %get3A_422 = arith.index_cast %get3A_420 : i32 to index
        %get3A_423 = arith.index_cast %get3A_421 : i32 to index
        %get3A_424 = arith.index_cast %add3A_346 : i32 to index
        %get3A_425 = tpu.vector_load %arg5[%get3A_422, %get3A_423, %get3A_424] {strides = array<i32>} : memref<19x4x512xf32, #tpu.memory_space<vmem>>, vector<16xf32>,
        %get3A_426 = arith.constant 11 : i32
        %get3A_427 = arith.constant 0 : i32
        %get3A_428 = arith.index_cast %get3A_426 : i32 to index
        %get3A_429 = arith.index_cast %get3A_427 : i32 to index
        %get3A_430 = arith.index_cast %add3A_346 : i32 to index
        %get3A_431 = tpu.vector_load %arg5[%get3A_428, %get3A_429, %get3A_430] {strides = array<i32>} : memref<19x4x512xf32, #tpu.memory_space<vmem>>, vector<16xf32>,
        %get3A_432 = arith.constant 12 : i32
        %get3A_433 = arith.constant 0 : i32
        %get3A_434 = arith.index_cast %get3A_432 : i32 to index
        %get3A_435 = arith.index_cast %get3A_433 : i32 to index
        %get3A_436 = arith.index_cast %add3A_346 : i32 to index
        %get3A_437 = tpu.vector_load %arg5[%get3A_434, %get3A_435, %get3A_436] {strides = array<i32>} : memref<19x4x512xf32, #tpu.memory_space<vmem>>, vector<16xf32>,
        %get3A_438 = arith.constant 13 : i32
        %get3A_439 = arith.constant 0 : i32
        %get3A_440 = arith.index_cast %get3A_438 : i32 to index
        %get3A_441 = arith.index_cast %get3A_439 : i32 to index
        %get3A_442 = arith.index_cast %add3A_346 : i32 to index
        %get3A_443 = tpu.vector_load %arg5[%get3A_440, %get3A_441, %get3A_442] {strides = array<i32>} : memref<19x4x512xf32, #tpu.memory_space<vmem>>, vector<16xf32>,
        %get3A_444 = arith.constant 14 : i32
        %get3A_445 = arith.constant 0 : i32
        %get3A_446 = arith.index_cast %get3A_444 : i32 to index
        %get3A_447 = arith.index_cast %get3A_445 : i32 to index
        %get3A_448 = arith.index_cast %add3A_346 : i32 to index
        %get3A_449 = tpu.vector_load %arg5[%get3A_446, %get3A_447, %get3A_448] {strides = array<i32>} : memref<19x4x512xf32, #tpu.memory_space<vmem>>, vector<16xf32>,
        %get3A_450 = arith.constant 15 : i32
        %get3A_451 = arith.constant 0 : i32
        %get3A_452 = arith.index_cast %get3A_450 : i32 to index
        %get3A_453 = arith.index_cast %get3A_451 : i32 to index
        %get3A_454 = arith.index_cast %add3A_346 : i32 to index
        %get3A_455 = tpu.vector_load %arg5[%get3A_452, %get3A_453, %get3A_454] {strides = array<i32>} : memref<19x4x512xf32, #tpu.memory_space<vmem>>, vector<16xf32>,
        %get3A_456 = arith.constant 16 : i32
        %get3A_457 = arith.constant 0 : i32
        %get3A_458 = arith.index_cast %get3A_456 : i32 to index
        %get3A_459 = arith.index_cast %get3A_457 : i32 to index
        %get3A_460 = arith.index_cast %add3A_346 : i32 to index
        %get3A_461 = tpu.vector_load %arg5[%get3A_458, %get3A_459, %get3A_460] {strides = array<i32>} : memref<19x4x512xf32, #tpu.memory_space<vmem>>, vector<16xf32>,
        %get3A_462 = arith.constant 17 : i32
        %get3A_463 = arith.constant 0 : i32
        %get3A_464 = arith.index_cast %get3A_462 : i32 to index
        %get3A_465 = arith.index_cast %get3A_463 : i32 to index
        %get3A_466 = arith.index_cast %add3A_346 : i32 to index
        %get3A_467 = tpu.vector_load %arg5[%get3A_464, %get3A_465, %get3A_466] {strides = array<i32>} : memref<19x4x512xf32, #tpu.memory_space<vmem>>, vector<16xf32>,
        %get3A_468 = arith.constant 18 : i32
        %get3A_469 = arith.constant 0 : i32
        %get3A_470 = arith.index_cast %get3A_468 : i32 to index
        %get3A_471 = arith.index_cast %get3A_469 : i32 to index
        %get3A_472 = arith.index_cast %add3A_346 : i32 to index
        %get3A_473 = tpu.vector_load %arg5[%get3A_470, %get3A_471, %get3A_472] {strides = array<i32>} : memref<19x4x512xf32, #tpu.memory_space<vmem>>, vector<16xf32>,
        %add3A_474 = arith.addf %get3A_365, %get3A_371 : vector<16xf32>
        %add3A_475 = arith.addf %get3A_377, %get3A_383 : vector<16xf32>
        %add3A_476 = arith.addf %get3A_389, %get3A_395 : vector<16xf32>
        %add3A_477 = arith.addf %get3A_401, %get3A_407 : vector<16xf32>
        %add3A_478 = arith.addf %get3A_413, %get3A_419 : vector<16xf32>
        %add3A_479 = arith.addf %get3A_425, %get3A_431 : vector<16xf32>
        %add3A_480 = arith.addf %get3A_437, %get3A_443 : vector<16xf32>
        %add3A_481 = arith.addf %get3A_449, %get3A_455 : vector<16xf32>
        %add3A_482 = arith.addf %get3A_461, %get3A_467 : vector<16xf32>
        %add3A_483 = arith.addf %add3A_474, %add3A_475 : vector<16xf32>
        %add3A_484 = arith.addf %add3A_476, %add3A_477 : vector<16xf32>
        %add3A_485 = arith.addf %add3A_478, %add3A_479 : vector<16xf32>
        %add3A_486 = arith.addf %add3A_480, %add3A_481 : vector<16xf32>
        %add3A_487 = arith.addf %add3A_482, %get3A_473 : vector<16xf32>
        %add3A_488 = arith.addf %add3A_483, %add3A_484 : vector<16xf32>
        %add3A_489 = arith.addf %add3A_485, %add3A_486 : vector<16xf32>
        %add3A_490 = arith.addf %add3A_488, %add3A_489 : vector<16xf32>
        %add3A_491 = arith.addf %add3A_490, %add3A_487 : vector<16xf32>
        %mul3A_492 = arith.constant 0.999989449 : f32
        %mul3A_493 = vector.broadcast %mul3A_492 : f32 to vector<16xf32>
        %mul3A_494 = arith.mulf %mul3A_493, %gather3A_359 : vector<16xf32>
        %mul3A_495 = arith.constant 5.55555573E-7 : f32
        %mul3A_496 = vector.broadcast %mul3A_495 : f32 to vector<16xf32>
        %mul3A_497 = arith.mulf %mul3A_496, %add3A_491 : vector<16xf32>
        %add3A_498 = arith.constant 9.99999974E-6 : f32
        %add3A_499 = vector.broadcast %add3A_498 : f32 to vector<16xf32>
        %add3A_500 = arith.addf %mul3A_497, %add3A_499 : vector<16xf32>
        %add3A_501 = arith.addf %mul3A_494, %add3A_500 : vector<16xf32>
        %sub3A_502 = arith.constant 1.000000e+00 : f32
        %sub3A_503 = vector.broadcast %sub3A_502 : f32 to vector<16xf32>
        %sub3A_504 = arith.subf %sub3A_503, %add3A_501 : vector<16xf32>
        %mul3A_505 = arith.mulf %sub3A_504, %sub3A_504 : vector<16xf32>
        %bitcast3A_506 = vector.bitcast %add3A_501 : vector<16xf32> to vector<16xi32>
        %shift_right_arithmetic3A_507 = arith.constant 23 : i32
        %shift_right_arithmetic3A_508 = vector.broadcast %shift_right_arithmetic3A_507 : i32 to vector<16xi32>
        %shift_right_arithmetic3A_509 = arith.shrsi %bitcast3A_506, %shift_right_arithmetic3A_508 : vector<16xi32>
        %sub3A_510 = arith.constant 127 : i32
        %sub3A_511 = vector.broadcast %sub3A_510 : i32 to vector<16xi32>
        %sub3A_512 = arith.subi %shift_right_arithmetic3A_509, %sub3A_511 : vector<16xi32>
        %and3A_513 = arith.constant 8388607 : i32
        %and3A_514 = vector.broadcast %and3A_513 : i32 to vector<16xi32>
        %and3A_515 = arith.andi %bitcast3A_506, %and3A_514 : vector<16xi32>
        %or3A_516 = arith.constant 1065353216 : i32
        %or3A_517 = vector.broadcast %or3A_516 : i32 to vector<16xi32>
        %or3A_518 = arith.ori %and3A_515, %or3A_517 : vector<16xi32>
        %bitcast3A_519 = vector.bitcast %or3A_518 : vector<16xi32> to vector<16xf32>
        %gt3A_520 = arith.constant 1.41421354 : f32
        %gt3A_521 = vector.broadcast %gt3A_520 : f32 to vector<16xf32>
        %gt3A_522 = arith.cmpf ogt, %bitcast3A_519, %gt3A_521 : vector<16xf32>
        %mul3A_523 = arith.constant 5.000000e-01 : f32
        %mul3A_524 = vector.broadcast %mul3A_523 : f32 to vector<16xf32>
        %mul3A_525 = arith.mulf %bitcast3A_519, %mul3A_524 : vector<16xf32>
        %select_n3A_526 = arith.select %gt3A_522, %mul3A_525, %bitcast3A_519 : vector<16xi1>, vector<16xf32>
        %add3A_527 = arith.constant 1 : i32
        %add3A_528 = vector.broadcast %add3A_527 : i32 to vector<16xi32>
        %add3A_529 = arith.addi %sub3A_512, %add3A_528 : vector<16xi32>
        %select_n3A_530 = arith.select %gt3A_522, %add3A_529, %sub3A_512 : vector<16xi1>, vector<16xi32>
        %sub3A_531 = arith.constant 1.000000e+00 : f32
        %sub3A_532 = vector.broadcast %sub3A_531 : f32 to vector<16xf32>
        %sub3A_533 = arith.subf %select_n3A_526, %sub3A_532 : vector<16xf32>
        %add3A_534 = arith.constant 1.000000e+00 : f32
        %add3A_535 = vector.broadcast %add3A_534 : f32 to vector<16xf32>
        %add3A_536 = arith.addf %select_n3A_526, %add3A_535 : vector<16xf32>
        %div3A_537 = arith.divf %sub3A_533, %add3A_536 : vector<16xf32>
        %mul3A_538 = arith.mulf %div3A_537, %div3A_537 : vector<16xf32>
        %mul3A_539 = arith.constant 0.285714298 : f32
        %mul3A_540 = vector.broadcast %mul3A_539 : f32 to vector<16xf32>
        %mul3A_541 = arith.mulf %mul3A_538, %mul3A_540 : vector<16xf32>
        %add3A_542 = arith.constant 4.000000e-01 : f32
        %add3A_543 = vector.broadcast %add3A_542 : f32 to vector<16xf32>
        %add3A_544 = arith.addf %add3A_543, %mul3A_541 : vector<16xf32>
        %mul3A_545 = arith.mulf %mul3A_538, %add3A_544 : vector<16xf32>
        %add3A_546 = arith.constant 0.666666686 : f32
        %add3A_547 = vector.broadcast %add3A_546 : f32 to vector<16xf32>
        %add3A_548 = arith.addf %add3A_547, %mul3A_545 : vector<16xf32>
        %mul3A_549 = arith.mulf %mul3A_538, %add3A_548 : vector<16xf32>
        %add3A_550 = arith.constant 2.000000e+00 : f32
        %add3A_551 = vector.broadcast %add3A_550 : f32 to vector<16xf32>
        %add3A_552 = arith.addf %add3A_551, %mul3A_549 : vector<16xf32>
        %convert_element_type3A_553 = arith.sitofp %select_n3A_530 : vector<16xi32> to vector<16xf32>
        %mul3A_554 = arith.constant 0.693147182 : f32
        %mul3A_555 = vector.broadcast %mul3A_554 : f32 to vector<16xf32>
        %mul3A_556 = arith.mulf %convert_element_type3A_553, %mul3A_555 : vector<16xf32>
        %mul3A_557 = arith.mulf %div3A_537, %add3A_552 : vector<16xf32>
        %add3A_558 = arith.addf %mul3A_556, %mul3A_557 : vector<16xf32>
        %mul3A_559 = arith.mulf %mul3A_505, %add3A_558 : vector<16xf32>
        %add3A_560 = arith.addf %add3A_344, %mul3A_559 : vector<16xf32>
        %get3A_561 = arith.constant 1 : i32
        %get3A_562 = arith.index_cast %get3A_561 : i32 to index
        %get3A_563 = arith.index_cast %mul3A_136 : i32 to index
        %get3A_564 = tpu.vector_load %arg7[%get3A_562, %get3A_563] {strides = array<i32>} : memref<4x512xi32, #tpu.memory_space<vmem>>, vector<16xi32>,
        %mul3A_565 = arith.constant 0 : i32
        %mul3A_566 = vector.broadcast %mul3A_565 : i32 to vector<16xi32>
        %mul3A_567 = arith.muli %iota3A, %mul3A_566 : vector<16xi32>
        %add3A_568 = arith.constant 1 : i32
        %add3A_569 = vector.broadcast %add3A_568 : i32 to vector<16xi32>
        %add3A_570 = arith.addi %mul3A_567, %add3A_569 : vector<16xi32>
        %add3A_571 = vector.broadcast %mul3A_136 : i32 to vector<16xi32>
        %add3A_572 = arith.addi %iota3A, %add3A_571 : vector<16xi32>
        %gather3A_573 = tpu.vector_load_idx %arg5[%get3A_564, %add3A_570, %add3A_572] : memref<19x4x512xf32, #tpu.memory_space<vmem>>[vector<16xi32>, vector<16xi32>, vector<16xi32>], vector<16xf32>,
        %get3A_574 = arith.constant 0 : i32
        %get3A_575 = arith.constant 1 : i32
        %get3A_576 = arith.index_cast %get3A_574 : i32 to index
        %get3A_577 = arith.index_cast %get3A_575 : i32 to index
        %get3A_578 = arith.index_cast %mul3A_136 : i32 to index
        %get3A_579 = tpu.vector_load %arg5[%get3A_576, %get3A_577, %get3A_578] {strides = array<i32>} : memref<19x4x512xf32, #tpu.memory_space<vmem>>, vector<16xf32>,
        %get3A_580 = arith.constant 1 : i32
        %get3A_581 = arith.constant 1 : i32
        %get3A_582 = arith.index_cast %get3A_580 : i32 to index
        %get3A_583 = arith.index_cast %get3A_581 : i32 to index
        %get3A_584 = arith.index_cast %mul3A_136 : i32 to index
        %get3A_585 = tpu.vector_load %arg5[%get3A_582, %get3A_583, %get3A_584] {strides = array<i32>} : memref<19x4x512xf32, #tpu.memory_space<vmem>>, vector<16xf32>,
        %get3A_586 = arith.constant 2 : i32
        %get3A_587 = arith.constant 1 : i32
        %get3A_588 = arith.index_cast %get3A_586 : i32 to index
        %get3A_589 = arith.index_cast %get3A_587 : i32 to index
        %get3A_590 = arith.index_cast %mul3A_136 : i32 to index
        %get3A_591 = tpu.vector_load %arg5[%get3A_588, %get3A_589, %get3A_590] {strides = array<i32>} : memref<19x4x512xf32, #tpu.memory_space<vmem>>, vector<16xf32>,
        %get3A_592 = arith.constant 3 : i32
        %get3A_593 = arith.constant 1 : i32
        %get3A_594 = arith.index_cast %get3A_592 : i32 to index
        %get3A_595 = arith.index_cast %get3A_593 : i32 to index
        %get3A_596 = arith.index_cast %mul3A_136 : i32 to index
        %get3A_597 = tpu.vector_load %arg5[%get3A_594, %get3A_595, %get3A_596] {strides = array<i32>} : memref<19x4x512xf32, #tpu.memory_space<vmem>>, vector<16xf32>,
        %get3A_598 = arith.constant 4 : i32
        %get3A_599 = arith.constant 1 : i32
        %get3A_600 = arith.index_cast %get3A_598 : i32 to index
        %get3A_601 = arith.index_cast %get3A_599 : i32 to index
        %get3A_602 = arith.index_cast %mul3A_136 : i32 to index
        %get3A_603 = tpu.vector_load %arg5[%get3A_600, %get3A_601, %get3A_602] {strides = array<i32>} : memref<19x4x512xf32, #tpu.memory_space<vmem>>, vector<16xf32>,
        %get3A_604 = arith.constant 5 : i32
        %get3A_605 = arith.constant 1 : i32
        %get3A_606 = arith.index_cast %get3A_604 : i32 to index
        %get3A_607 = arith.index_cast %get3A_605 : i32 to index
        %get3A_608 = arith.index_cast %mul3A_136 : i32 to index
        %get3A_609 = tpu.vector_load %arg5[%get3A_606, %get3A_607, %get3A_608] {strides = array<i32>} : memref<19x4x512xf32, #tpu.memory_space<vmem>>, vector<16xf32>,
        %get3A_610 = arith.constant 6 : i32
        %get3A_611 = arith.constant 1 : i32
        %get3A_612 = arith.index_cast %get3A_610 : i32 to index
        %get3A_613 = arith.index_cast %get3A_611 : i32 to index
        %get3A_614 = arith.index_cast %mul3A_136 : i32 to index
        %get3A_615 = tpu.vector_load %arg5[%get3A_612, %get3A_613, %get3A_614] {strides = array<i32>} : memref<19x4x512xf32, #tpu.memory_space<vmem>>, vector<16xf32>,
        %get3A_616 = arith.constant 7 : i32
        %get3A_617 = arith.constant 1 : i32
        %get3A_618 = arith.index_cast %get3A_616 : i32 to index
        %get3A_619 = arith.index_cast %get3A_617 : i32 to index
        %get3A_620 = arith.index_cast %mul3A_136 : i32 to index
        %get3A_621 = tpu.vector_load %arg5[%get3A_618, %get3A_619, %get3A_620] {strides = array<i32>} : memref<19x4x512xf32, #tpu.memory_space<vmem>>, vector<16xf32>,
        %get3A_622 = arith.constant 8 : i32
        %get3A_623 = arith.constant 1 : i32
        %get3A_624 = arith.index_cast %get3A_622 : i32 to index
        %get3A_625 = arith.index_cast %get3A_623 : i32 to index
        %get3A_626 = arith.index_cast %mul3A_136 : i32 to index
        %get3A_627 = tpu.vector_load %arg5[%get3A_624, %get3A_625, %get3A_626] {strides = array<i32>} : memref<19x4x512xf32, #tpu.memory_space<vmem>>, vector<16xf32>,
        %get3A_628 = arith.constant 9 : i32
        %get3A_629 = arith.constant 1 : i32
        %get3A_630 = arith.index_cast %get3A_628 : i32 to index
        %get3A_631 = arith.index_cast %get3A_629 : i32 to index
        %get3A_632 = arith.index_cast %mul3A_136 : i32 to index
        %get3A_633 = tpu.vector_load %arg5[%get3A_630, %get3A_631, %get3A_632] {strides = array<i32>} : memref<19x4x512xf32, #tpu.memory_space<vmem>>, vector<16xf32>,
        %get3A_634 = arith.constant 10 : i32
        %get3A_635 = arith.constant 1 : i32
        %get3A_636 = arith.index_cast %get3A_634 : i32 to index
        %get3A_637 = arith.index_cast %get3A_635 : i32 to index
        %get3A_638 = arith.index_cast %mul3A_136 : i32 to index
        %get3A_639 = tpu.vector_load %arg5[%get3A_636, %get3A_637, %get3A_638] {strides = array<i32>} : memref<19x4x512xf32, #tpu.memory_space<vmem>>, vector<16xf32>,
        %get3A_640 = arith.constant 11 : i32
        %get3A_641 = arith.constant 1 : i32
        %get3A_642 = arith.index_cast %get3A_640 : i32 to index
        %get3A_643 = arith.index_cast %get3A_641 : i32 to index
        %get3A_644 = arith.index_cast %mul3A_136 : i32 to index
        %get3A_645 = tpu.vector_load %arg5[%get3A_642, %get3A_643, %get3A_644] {strides = array<i32>} : memref<19x4x512xf32, #tpu.memory_space<vmem>>, vector<16xf32>,
        %get3A_646 = arith.constant 12 : i32
        %get3A_647 = arith.constant 1 : i32
        %get3A_648 = arith.index_cast %get3A_646 : i32 to index
        %get3A_649 = arith.index_cast %get3A_647 : i32 to index
        %get3A_650 = arith.index_cast %mul3A_136 : i32 to index
        %get3A_651 = tpu.vector_load %arg5[%get3A_648, %get3A_649, %get3A_650] {strides = array<i32>} : memref<19x4x512xf32, #tpu.memory_space<vmem>>, vector<16xf32>,
        %get3A_652 = arith.constant 13 : i32
        %get3A_653 = arith.constant 1 : i32
        %get3A_654 = arith.index_cast %get3A_652 : i32 to index
        %get3A_655 = arith.index_cast %get3A_653 : i32 to index
        %get3A_656 = arith.index_cast %mul3A_136 : i32 to index
        %get3A_657 = tpu.vector_load %arg5[%get3A_654, %get3A_655, %get3A_656] {strides = array<i32>} : memref<19x4x512xf32, #tpu.memory_space<vmem>>, vector<16xf32>,
        %get3A_658 = arith.constant 14 : i32
        %get3A_659 = arith.constant 1 : i32
        %get3A_660 = arith.index_cast %get3A_658 : i32 to index
        %get3A_661 = arith.index_cast %get3A_659 : i32 to index
        %get3A_662 = arith.index_cast %mul3A_136 : i32 to index
        %get3A_663 = tpu.vector_load %arg5[%get3A_660, %get3A_661, %get3A_662] {strides = array<i32>} : memref<19x4x512xf32, #tpu.memory_space<vmem>>, vector<16xf32>,
        %get3A_664 = arith.constant 15 : i32
        %get3A_665 = arith.constant 1 : i32
        %get3A_666 = arith.index_cast %get3A_664 : i32 to index
        %get3A_667 = arith.index_cast %get3A_665 : i32 to index
        %get3A_668 = arith.index_cast %mul3A_136 : i32 to index
        %get3A_669 = tpu.vector_load %arg5[%get3A_666, %get3A_667, %get3A_668] {strides = array<i32>} : memref<19x4x512xf32, #tpu.memory_space<vmem>>, vector<16xf32>,
        %get3A_670 = arith.constant 16 : i32
        %get3A_671 = arith.constant 1 : i32
        %get3A_672 = arith.index_cast %get3A_670 : i32 to index
        %get3A_673 = arith.index_cast %get3A_671 : i32 to index
        %get3A_674 = arith.index_cast %mul3A_136 : i32 to index
        %get3A_675 = tpu.vector_load %arg5[%get3A_672, %get3A_673, %get3A_674] {strides = array<i32>} : memref<19x4x512xf32, #tpu.memory_space<vmem>>, vector<16xf32>,
        %get3A_676 = arith.constant 17 : i32
        %get3A_677 = arith.constant 1 : i32
        %get3A_678 = arith.index_cast %get3A_676 : i32 to index
        %get3A_679 = arith.index_cast %get3A_677 : i32 to index
        %get3A_680 = arith.index_cast %mul3A_136 : i32 to index
        %get3A_681 = tpu.vector_load %arg5[%get3A_678, %get3A_679, %get3A_680] {strides = array<i32>} : memref<19x4x512xf32, #tpu.memory_space<vmem>>, vector<16xf32>,
        %get3A_682 = arith.constant 18 : i32
        %get3A_683 = arith.constant 1 : i32
        %get3A_684 = arith.index_cast %get3A_682 : i32 to index
        %get3A_685 = arith.index_cast %get3A_683 : i32 to index
        %get3A_686 = arith.index_cast %mul3A_136 : i32 to index
        %get3A_687 = tpu.vector_load %arg5[%get3A_684, %get3A_685, %get3A_686] {strides = array<i32>} : memref<19x4x512xf32, #tpu.memory_space<vmem>>, vector<16xf32>,
        %add3A_688 = arith.addf %get3A_579, %get3A_585 : vector<16xf32>
        %add3A_689 = arith.addf %get3A_591, %get3A_597 : vector<16xf32>
        %add3A_690 = arith.addf %get3A_603, %get3A_609 : vector<16xf32>
        %add3A_691 = arith.addf %get3A_615, %get3A_621 : vector<16xf32>
        %add3A_692 = arith.addf %get3A_627, %get3A_633 : vector<16xf32>
        %add3A_693 = arith.addf %get3A_639, %get3A_645 : vector<16xf32>
        %add3A_694 = arith.addf %get3A_651, %get3A_657 : vector<16xf32>
        %add3A_695 = arith.addf %get3A_663, %get3A_669 : vector<16xf32>
        %add3A_696 = arith.addf %get3A_675, %get3A_681 : vector<16xf32>
        %add3A_697 = arith.addf %add3A_688, %add3A_689 : vector<16xf32>
        %add3A_698 = arith.addf %add3A_690, %add3A_691 : vector<16xf32>
        %add3A_699 = arith.addf %add3A_692, %add3A_693 : vector<16xf32>
        %add3A_700 = arith.addf %add3A_694, %add3A_695 : vector<16xf32>
        %add3A_701 = arith.addf %add3A_696, %get3A_687 : vector<16xf32>
        %add3A_702 = arith.addf %add3A_697, %add3A_698 : vector<16xf32>
        %add3A_703 = arith.addf %add3A_699, %add3A_700 : vector<16xf32>
        %add3A_704 = arith.addf %add3A_702, %add3A_703 : vector<16xf32>
        %add3A_705 = arith.addf %add3A_704, %add3A_701 : vector<16xf32>
        %mul3A_706 = arith.constant 0.999989449 : f32
        %mul3A_707 = vector.broadcast %mul3A_706 : f32 to vector<16xf32>
        %mul3A_708 = arith.mulf %mul3A_707, %gather3A_573 : vector<16xf32>
        %mul3A_709 = arith.constant 5.55555573E-7 : f32
        %mul3A_710 = vector.broadcast %mul3A_709 : f32 to vector<16xf32>
        %mul3A_711 = arith.mulf %mul3A_710, %add3A_705 : vector<16xf32>
        %add3A_712 = arith.constant 9.99999974E-6 : f32
        %add3A_713 = vector.broadcast %add3A_712 : f32 to vector<16xf32>
        %add3A_714 = arith.addf %mul3A_711, %add3A_713 : vector<16xf32>
        %add3A_715 = arith.addf %mul3A_708, %add3A_714 : vector<16xf32>
        %sub3A_716 = arith.constant 1.000000e+00 : f32
        %sub3A_717 = vector.broadcast %sub3A_716 : f32 to vector<16xf32>
        %sub3A_718 = arith.subf %sub3A_717, %add3A_715 : vector<16xf32>
        %mul3A_719 = arith.mulf %sub3A_718, %sub3A_718 : vector<16xf32>
        %bitcast3A_720 = vector.bitcast %add3A_715 : vector<16xf32> to vector<16xi32>
        %shift_right_arithmetic3A_721 = arith.constant 23 : i32
        %shift_right_arithmetic3A_722 = vector.broadcast %shift_right_arithmetic3A_721 : i32 to vector<16xi32>
        %shift_right_arithmetic3A_723 = arith.shrsi %bitcast3A_720, %shift_right_arithmetic3A_722 : vector<16xi32>
        %sub3A_724 = arith.constant 127 : i32
        %sub3A_725 = vector.broadcast %sub3A_724 : i32 to vector<16xi32>
        %sub3A_726 = arith.subi %shift_right_arithmetic3A_723, %sub3A_725 : vector<16xi32>
        %and3A_727 = arith.constant 8388607 : i32
        %and3A_728 = vector.broadcast %and3A_727 : i32 to vector<16xi32>
        %and3A_729 = arith.andi %bitcast3A_720, %and3A_728 : vector<16xi32>
        %or3A_730 = arith.constant 1065353216 : i32
        %or3A_731 = vector.broadcast %or3A_730 : i32 to vector<16xi32>
        %or3A_732 = arith.ori %and3A_729, %or3A_731 : vector<16xi32>
        %bitcast3A_733 = vector.bitcast %or3A_732 : vector<16xi32> to vector<16xf32>
        %gt3A_734 = arith.constant 1.41421354 : f32
        %gt3A_735 = vector.broadcast %gt3A_734 : f32 to vector<16xf32>
        %gt3A_736 = arith.cmpf ogt, %bitcast3A_733, %gt3A_735 : vector<16xf32>
        %mul3A_737 = arith.constant 5.000000e-01 : f32
        %mul3A_738 = vector.broadcast %mul3A_737 : f32 to vector<16xf32>
        %mul3A_739 = arith.mulf %bitcast3A_733, %mul3A_738 : vector<16xf32>
        %select_n3A_740 = arith.select %gt3A_736, %mul3A_739, %bitcast3A_733 : vector<16xi1>, vector<16xf32>
        %add3A_741 = arith.constant 1 : i32
        %add3A_742 = vector.broadcast %add3A_741 : i32 to vector<16xi32>
        %add3A_743 = arith.addi %sub3A_726, %add3A_742 : vector<16xi32>
        %select_n3A_744 = arith.select %gt3A_736, %add3A_743, %sub3A_726 : vector<16xi1>, vector<16xi32>
        %sub3A_745 = arith.constant 1.000000e+00 : f32
        %sub3A_746 = vector.broadcast %sub3A_745 : f32 to vector<16xf32>
        %sub3A_747 = arith.subf %select_n3A_740, %sub3A_746 : vector<16xf32>
        %add3A_748 = arith.constant 1.000000e+00 : f32
        %add3A_749 = vector.broadcast %add3A_748 : f32 to vector<16xf32>
        %add3A_750 = arith.addf %select_n3A_740, %add3A_749 : vector<16xf32>
        %div3A_751 = arith.divf %sub3A_747, %add3A_750 : vector<16xf32>
        %mul3A_752 = arith.mulf %div3A_751, %div3A_751 : vector<16xf32>
        %mul3A_753 = arith.constant 0.285714298 : f32
        %mul3A_754 = vector.broadcast %mul3A_753 : f32 to vector<16xf32>
        %mul3A_755 = arith.mulf %mul3A_752, %mul3A_754 : vector<16xf32>
        %add3A_756 = arith.constant 4.000000e-01 : f32
        %add3A_757 = vector.broadcast %add3A_756 : f32 to vector<16xf32>
        %add3A_758 = arith.addf %add3A_757, %mul3A_755 : vector<16xf32>
        %mul3A_759 = arith.mulf %mul3A_752, %add3A_758 : vector<16xf32>
        %add3A_760 = arith.constant 0.666666686 : f32
        %add3A_761 = vector.broadcast %add3A_760 : f32 to vector<16xf32>
        %add3A_762 = arith.addf %add3A_761, %mul3A_759 : vector<16xf32>
        %mul3A_763 = arith.mulf %mul3A_752, %add3A_762 : vector<16xf32>
        %add3A_764 = arith.constant 2.000000e+00 : f32
        %add3A_765 = vector.broadcast %add3A_764 : f32 to vector<16xf32>
        %add3A_766 = arith.addf %add3A_765, %mul3A_763 : vector<16xf32>
        %convert_element_type3A_767 = arith.sitofp %select_n3A_744 : vector<16xi32> to vector<16xf32>
        %mul3A_768 = arith.constant 0.693147182 : f32
        %mul3A_769 = vector.broadcast %mul3A_768 : f32 to vector<16xf32>
        %mul3A_770 = arith.mulf %convert_element_type3A_767, %mul3A_769 : vector<16xf32>
        %mul3A_771 = arith.mulf %div3A_751, %add3A_766 : vector<16xf32>
        %add3A_772 = arith.addf %mul3A_770, %mul3A_771 : vector<16xf32>
        %mul3A_773 = arith.mulf %mul3A_719, %add3A_772 : vector<16xf32>
        %add3A_774 = arith.addf %add3A_560, %mul3A_773 : vector<16xf32>
        %add3A_775 = arith.constant 16 : i32
        %add3A_776 = arith.addi %mul3A_136, %add3A_775 : i32
        %get3A_777 = arith.constant 1 : i32
        %get3A_778 = arith.index_cast %get3A_777 : i32 to index
        %get3A_779 = arith.index_cast %add3A_776 : i32 to index
        %get3A_780 = tpu.vector_load %arg7[%get3A_778, %get3A_779] {strides = array<i32>} : memref<4x512xi32, #tpu.memory_space<vmem>>, vector<16xi32>,
        %mul3A_781 = arith.constant 0 : i32
        %mul3A_782 = vector.broadcast %mul3A_781 : i32 to vector<16xi32>
        %mul3A_783 = arith.muli %iota3A, %mul3A_782 : vector<16xi32>
        %add3A_784 = arith.constant 1 : i32
        %add3A_785 = vector.broadcast %add3A_784 : i32 to vector<16xi32>
        %add3A_786 = arith.addi %mul3A_783, %add3A_785 : vector<16xi32>
        %add3A_787 = vector.broadcast %add3A_776 : i32 to vector<16xi32>
        %add3A_788 = arith.addi %iota3A, %add3A_787 : vector<16xi32>
        %gather3A_789 = tpu.vector_load_idx %arg5[%get3A_780, %add3A_786, %add3A_788] : memref<19x4x512xf32, #tpu.memory_space<vmem>>[vector<16xi32>, vector<16xi32>, vector<16xi32>], vector<16xf32>,
        %get3A_790 = arith.constant 0 : i32
        %get3A_791 = arith.constant 1 : i32
        %get3A_792 = arith.index_cast %get3A_790 : i32 to index
        %get3A_793 = arith.index_cast %get3A_791 : i32 to index
        %get3A_794 = arith.index_cast %add3A_776 : i32 to index
        %get3A_795 = tpu.vector_load %arg5[%get3A_792, %get3A_793, %get3A_794] {strides = array<i32>} : memref<19x4x512xf32, #tpu.memory_space<vmem>>, vector<16xf32>,
        %get3A_796 = arith.constant 1 : i32
        %get3A_797 = arith.constant 1 : i32
        %get3A_798 = arith.index_cast %get3A_796 : i32 to index
        %get3A_799 = arith.index_cast %get3A_797 : i32 to index
        %get3A_800 = arith.index_cast %add3A_776 : i32 to index
        %get3A_801 = tpu.vector_load %arg5[%get3A_798, %get3A_799, %get3A_800] {strides = array<i32>} : memref<19x4x512xf32, #tpu.memory_space<vmem>>, vector<16xf32>,
        %get3A_802 = arith.constant 2 : i32
        %get3A_803 = arith.constant 1 : i32
        %get3A_804 = arith.index_cast %get3A_802 : i32 to index
        %get3A_805 = arith.index_cast %get3A_803 : i32 to index
        %get3A_806 = arith.index_cast %add3A_776 : i32 to index
        %get3A_807 = tpu.vector_load %arg5[%get3A_804, %get3A_805, %get3A_806] {strides = array<i32>} : memref<19x4x512xf32, #tpu.memory_space<vmem>>, vector<16xf32>,
        %get3A_808 = arith.constant 3 : i32
        %get3A_809 = arith.constant 1 : i32
        %get3A_810 = arith.index_cast %get3A_808 : i32 to index
        %get3A_811 = arith.index_cast %get3A_809 : i32 to index
        %get3A_812 = arith.index_cast %add3A_776 : i32 to index
        %get3A_813 = tpu.vector_load %arg5[%get3A_810, %get3A_811, %get3A_812] {strides = array<i32>} : memref<19x4x512xf32, #tpu.memory_space<vmem>>, vector<16xf32>,
        %get3A_814 = arith.constant 4 : i32
        %get3A_815 = arith.constant 1 : i32
        %get3A_816 = arith.index_cast %get3A_814 : i32 to index
        %get3A_817 = arith.index_cast %get3A_815 : i32 to index
        %get3A_818 = arith.index_cast %add3A_776 : i32 to index
        %get3A_819 = tpu.vector_load %arg5[%get3A_816, %get3A_817, %get3A_818] {strides = array<i32>} : memref<19x4x512xf32, #tpu.memory_space<vmem>>, vector<16xf32>,
        %get3A_820 = arith.constant 5 : i32
        %get3A_821 = arith.constant 1 : i32
        %get3A_822 = arith.index_cast %get3A_820 : i32 to index
        %get3A_823 = arith.index_cast %get3A_821 : i32 to index
        %get3A_824 = arith.index_cast %add3A_776 : i32 to index
        %get3A_825 = tpu.vector_load %arg5[%get3A_822, %get3A_823, %get3A_824] {strides = array<i32>} : memref<19x4x512xf32, #tpu.memory_space<vmem>>, vector<16xf32>,
        %get3A_826 = arith.constant 6 : i32
        %get3A_827 = arith.constant 1 : i32
        %get3A_828 = arith.index_cast %get3A_826 : i32 to index
        %get3A_829 = arith.index_cast %get3A_827 : i32 to index
        %get3A_830 = arith.index_cast %add3A_776 : i32 to index
        %get3A_831 = tpu.vector_load %arg5[%get3A_828, %get3A_829, %get3A_830] {strides = array<i32>} : memref<19x4x512xf32, #tpu.memory_space<vmem>>, vector<16xf32>,
        %get3A_832 = arith.constant 7 : i32
        %get3A_833 = arith.constant 1 : i32
        %get3A_834 = arith.index_cast %get3A_832 : i32 to index
        %get3A_835 = arith.index_cast %get3A_833 : i32 to index
        %get3A_836 = arith.index_cast %add3A_776 : i32 to index
        %get3A_837 = tpu.vector_load %arg5[%get3A_834, %get3A_835, %get3A_836] {strides = array<i32>} : memref<19x4x512xf32, #tpu.memory_space<vmem>>, vector<16xf32>,
        %get3A_838 = arith.constant 8 : i32
        %get3A_839 = arith.constant 1 : i32
        %get3A_840 = arith.index_cast %get3A_838 : i32 to index
        %get3A_841 = arith.index_cast %get3A_839 : i32 to index
        %get3A_842 = arith.index_cast %add3A_776 : i32 to index
        %get3A_843 = tpu.vector_load %arg5[%get3A_840, %get3A_841, %get3A_842] {strides = array<i32>} : memref<19x4x512xf32, #tpu.memory_space<vmem>>, vector<16xf32>,
        %get3A_844 = arith.constant 9 : i32
        %get3A_845 = arith.constant 1 : i32
        %get3A_846 = arith.index_cast %get3A_844 : i32 to index
        %get3A_847 = arith.index_cast %get3A_845 : i32 to index
        %get3A_848 = arith.index_cast %add3A_776 : i32 to index
        %get3A_849 = tpu.vector_load %arg5[%get3A_846, %get3A_847, %get3A_848] {strides = array<i32>} : memref<19x4x512xf32, #tpu.memory_space<vmem>>, vector<16xf32>,
        %get3A_850 = arith.constant 10 : i32
        %get3A_851 = arith.constant 1 : i32
        %get3A_852 = arith.index_cast %get3A_850 : i32 to index
        %get3A_853 = arith.index_cast %get3A_851 : i32 to index
        %get3A_854 = arith.index_cast %add3A_776 : i32 to index
        %get3A_855 = tpu.vector_load %arg5[%get3A_852, %get3A_853, %get3A_854] {strides = array<i32>} : memref<19x4x512xf32, #tpu.memory_space<vmem>>, vector<16xf32>,
        %get3A_856 = arith.constant 11 : i32
        %get3A_857 = arith.constant 1 : i32
        %get3A_858 = arith.index_cast %get3A_856 : i32 to index
        %get3A_859 = arith.index_cast %get3A_857 : i32 to index
        %get3A_860 = arith.index_cast %add3A_776 : i32 to index
        %get3A_861 = tpu.vector_load %arg5[%get3A_858, %get3A_859, %get3A_860] {strides = array<i32>} : memref<19x4x512xf32, #tpu.memory_space<vmem>>, vector<16xf32>,
        %get3A_862 = arith.constant 12 : i32
        %get3A_863 = arith.constant 1 : i32
        %get3A_864 = arith.index_cast %get3A_862 : i32 to index
        %get3A_865 = arith.index_cast %get3A_863 : i32 to index
        %get3A_866 = arith.index_cast %add3A_776 : i32 to index
        %get3A_867 = tpu.vector_load %arg5[%get3A_864, %get3A_865, %get3A_866] {strides = array<i32>} : memref<19x4x512xf32, #tpu.memory_space<vmem>>, vector<16xf32>,
        %get3A_868 = arith.constant 13 : i32
        %get3A_869 = arith.constant 1 : i32
        %get3A_870 = arith.index_cast %get3A_868 : i32 to index
        %get3A_871 = arith.index_cast %get3A_869 : i32 to index
        %get3A_872 = arith.index_cast %add3A_776 : i32 to index
        %get3A_873 = tpu.vector_load %arg5[%get3A_870, %get3A_871, %get3A_872] {strides = array<i32>} : memref<19x4x512xf32, #tpu.memory_space<vmem>>, vector<16xf32>,
        %get3A_874 = arith.constant 14 : i32
        %get3A_875 = arith.constant 1 : i32
        %get3A_876 = arith.index_cast %get3A_874 : i32 to index
        %get3A_877 = arith.index_cast %get3A_875 : i32 to index
        %get3A_878 = arith.index_cast %add3A_776 : i32 to index
        %get3A_879 = tpu.vector_load %arg5[%get3A_876, %get3A_877, %get3A_878] {strides = array<i32>} : memref<19x4x512xf32, #tpu.memory_space<vmem>>, vector<16xf32>,
        %get3A_880 = arith.constant 15 : i32
        %get3A_881 = arith.constant 1 : i32
        %get3A_882 = arith.index_cast %get3A_880 : i32 to index
        %get3A_883 = arith.index_cast %get3A_881 : i32 to index
        %get3A_884 = arith.index_cast %add3A_776 : i32 to index
        %get3A_885 = tpu.vector_load %arg5[%get3A_882, %get3A_883, %get3A_884] {strides = array<i32>} : memref<19x4x512xf32, #tpu.memory_space<vmem>>, vector<16xf32>,
        %get3A_886 = arith.constant 16 : i32
        %get3A_887 = arith.constant 1 : i32
        %get3A_888 = arith.index_cast %get3A_886 : i32 to index
        %get3A_889 = arith.index_cast %get3A_887 : i32 to index
        %get3A_890 = arith.index_cast %add3A_776 : i32 to index
        %get3A_891 = tpu.vector_load %arg5[%get3A_888, %get3A_889, %get3A_890] {strides = array<i32>} : memref<19x4x512xf32, #tpu.memory_space<vmem>>, vector<16xf32>,
        %get3A_892 = arith.constant 17 : i32
        %get3A_893 = arith.constant 1 : i32
        %get3A_894 = arith.index_cast %get3A_892 : i32 to index
        %get3A_895 = arith.index_cast %get3A_893 : i32 to index
        %get3A_896 = arith.index_cast %add3A_776 : i32 to index
        %get3A_897 = tpu.vector_load %arg5[%get3A_894, %get3A_895, %get3A_896] {strides = array<i32>} : memref<19x4x512xf32, #tpu.memory_space<vmem>>, vector<16xf32>,
        %get3A_898 = arith.constant 18 : i32
        %get3A_899 = arith.constant 1 : i32
        %get3A_900 = arith.index_cast %get3A_898 : i32 to index
        %get3A_901 = arith.index_cast %get3A_899 : i32 to index
        %get3A_902 = arith.index_cast %add3A_776 : i32 to index
        %get3A_903 = tpu.vector_load %arg5[%get3A_900, %get3A_901, %get3A_902] {strides = array<i32>} : memref<19x4x512xf32, #tpu.memory_space<vmem>>, vector<16xf32>,
        %add3A_904 = arith.addf %get3A_795, %get3A_801 : vector<16xf32>
        %add3A_905 = arith.addf %get3A_807, %get3A_813 : vector<16xf32>
        %add3A_906 = arith.addf %get3A_819, %get3A_825 : vector<16xf32>
        %add3A_907 = arith.addf %get3A_831, %get3A_837 : vector<16xf32>
        %add3A_908 = arith.addf %get3A_843, %get3A_849 : vector<16xf32>
        %add3A_909 = arith.addf %get3A_855, %get3A_861 : vector<16xf32>
        %add3A_910 = arith.addf %get3A_867, %get3A_873 : vector<16xf32>
        %add3A_911 = arith.addf %get3A_879, %get3A_885 : vector<16xf32>
        %add3A_912 = arith.addf %get3A_891, %get3A_897 : vector<16xf32>
        %add3A_913 = arith.addf %add3A_904, %add3A_905 : vector<16xf32>
        %add3A_914 = arith.addf %add3A_906, %add3A_907 : vector<16xf32>
        %add3A_915 = arith.addf %add3A_908, %add3A_909 : vector<16xf32>
        %add3A_916 = arith.addf %add3A_910, %add3A_911 : vector<16xf32>
        %add3A_917 = arith.addf %add3A_912, %get3A_903 : vector<16xf32>
        %add3A_918 = arith.addf %add3A_913, %add3A_914 : vector<16xf32>
        %add3A_919 = arith.addf %add3A_915, %add3A_916 : vector<16xf32>
        %add3A_920 = arith.addf %add3A_918, %add3A_919 : vector<16xf32>
        %add3A_921 = arith.addf %add3A_920, %add3A_917 : vector<16xf32>
        %mul3A_922 = arith.constant 0.999989449 : f32
        %mul3A_923 = vector.broadcast %mul3A_922 : f32 to vector<16xf32>
        %mul3A_924 = arith.mulf %mul3A_923, %gather3A_789 : vector<16xf32>
        %mul3A_925 = arith.constant 5.55555573E-7 : f32
        %mul3A_926 = vector.broadcast %mul3A_925 : f32 to vector<16xf32>
        %mul3A_927 = arith.mulf %mul3A_926, %add3A_921 : vector<16xf32>
        %add3A_928 = arith.constant 9.99999974E-6 : f32
        %add3A_929 = vector.broadcast %add3A_928 : f32 to vector<16xf32>
        %add3A_930 = arith.addf %mul3A_927, %add3A_929 : vector<16xf32>
        %add3A_931 = arith.addf %mul3A_924, %add3A_930 : vector<16xf32>
        %sub3A_932 = arith.constant 1.000000e+00 : f32
        %sub3A_933 = vector.broadcast %sub3A_932 : f32 to vector<16xf32>
        %sub3A_934 = arith.subf %sub3A_933, %add3A_931 : vector<16xf32>
        %mul3A_935 = arith.mulf %sub3A_934, %sub3A_934 : vector<16xf32>
        %bitcast3A_936 = vector.bitcast %add3A_931 : vector<16xf32> to vector<16xi32>
        %shift_right_arithmetic3A_937 = arith.constant 23 : i32
        %shift_right_arithmetic3A_938 = vector.broadcast %shift_right_arithmetic3A_937 : i32 to vector<16xi32>
        %shift_right_arithmetic3A_939 = arith.shrsi %bitcast3A_936, %shift_right_arithmetic3A_938 : vector<16xi32>
        %sub3A_940 = arith.constant 127 : i32
        %sub3A_941 = vector.broadcast %sub3A_940 : i32 to vector<16xi32>
        %sub3A_942 = arith.subi %shift_right_arithmetic3A_939, %sub3A_941 : vector<16xi32>
        %and3A_943 = arith.constant 8388607 : i32
        %and3A_944 = vector.broadcast %and3A_943 : i32 to vector<16xi32>
        %and3A_945 = arith.andi %bitcast3A_936, %and3A_944 : vector<16xi32>
        %or3A_946 = arith.constant 1065353216 : i32
        %or3A_947 = vector.broadcast %or3A_946 : i32 to vector<16xi32>
        %or3A_948 = arith.ori %and3A_945, %or3A_947 : vector<16xi32>
        %bitcast3A_949 = vector.bitcast %or3A_948 : vector<16xi32> to vector<16xf32>
        %gt3A_950 = arith.constant 1.41421354 : f32
        %gt3A_951 = vector.broadcast %gt3A_950 : f32 to vector<16xf32>
        %gt3A_952 = arith.cmpf ogt, %bitcast3A_949, %gt3A_951 : vector<16xf32>
        %mul3A_953 = arith.constant 5.000000e-01 : f32
        %mul3A_954 = vector.broadcast %mul3A_953 : f32 to vector<16xf32>
        %mul3A_955 = arith.mulf %bitcast3A_949, %mul3A_954 : vector<16xf32>
        %select_n3A_956 = arith.select %gt3A_952, %mul3A_955, %bitcast3A_949 : vector<16xi1>, vector<16xf32>
        %add3A_957 = arith.constant 1 : i32
        %add3A_958 = vector.broadcast %add3A_957 : i32 to vector<16xi32>
        %add3A_959 = arith.addi %sub3A_942, %add3A_958 : vector<16xi32>
        %select_n3A_960 = arith.select %gt3A_952, %add3A_959, %sub3A_942 : vector<16xi1>, vector<16xi32>
        %sub3A_961 = arith.constant 1.000000e+00 : f32
        %sub3A_962 = vector.broadcast %sub3A_961 : f32 to vector<16xf32>
        %sub3A_963 = arith.subf %select_n3A_956, %sub3A_962 : vector<16xf32>
        %add3A_964 = arith.constant 1.000000e+00 : f32
        %add3A_965 = vector.broadcast %add3A_964 : f32 to vector<16xf32>
        %add3A_966 = arith.addf %select_n3A_956, %add3A_965 : vector<16xf32>
        %div3A_967 = arith.divf %sub3A_963, %add3A_966 : vector<16xf32>
        %mul3A_968 = arith.mulf %div3A_967, %div3A_967 : vector<16xf32>
        %mul3A_969 = arith.constant 0.285714298 : f32
        %mul3A_970 = vector.broadcast %mul3A_969 : f32 to vector<16xf32>
        %mul3A_971 = arith.mulf %mul3A_968, %mul3A_970 : vector<16xf32>
        %add3A_972 = arith.constant 4.000000e-01 : f32
        %add3A_973 = vector.broadcast %add3A_972 : f32 to vector<16xf32>
        %add3A_974 = arith.addf %add3A_973, %mul3A_971 : vector<16xf32>
        %mul3A_975 = arith.mulf %mul3A_968, %add3A_974 : vector<16xf32>
        %add3A_976 = arith.constant 0.666666686 : f32
        %add3A_977 = vector.broadcast %add3A_976 : f32 to vector<16xf32>
        %add3A_978 = arith.addf %add3A_977, %mul3A_975 : vector<16xf32>
        %mul3A_979 = arith.mulf %mul3A_968, %add3A_978 : vector<16xf32>
        %add3A_980 = arith.constant 2.000000e+00 : f32
        %add3A_981 = vector.broadcast %add3A_980 : f32 to vector<16xf32>
        %add3A_982 = arith.addf %add3A_981, %mul3A_979 : vector<16xf32>
        %convert_element_type3A_983 = arith.sitofp %select_n3A_960 : vector<16xi32> to vector<16xf32>
        %mul3A_984 = arith.constant 0.693147182 : f32
        %mul3A_985 = vector.broadcast %mul3A_984 : f32 to vector<16xf32>
        %mul3A_986 = arith.mulf %convert_element_type3A_983, %mul3A_985 : vector<16xf32>
        %mul3A_987 = arith.mulf %div3A_967, %add3A_982 : vector<16xf32>
        %add3A_988 = arith.addf %mul3A_986, %mul3A_987 : vector<16xf32>
        %mul3A_989 = arith.mulf %mul3A_935, %add3A_988 : vector<16xf32>
        %add3A_990 = arith.addf %add3A_774, %mul3A_989 : vector<16xf32>
        %get3A_991 = arith.constant 2 : i32
        %get3A_992 = arith.index_cast %get3A_991 : i32 to index
        %get3A_993 = arith.index_cast %mul3A_136 : i32 to index
        %get3A_994 = tpu.vector_load %arg7[%get3A_992, %get3A_993] {strides = array<i32>} : memref<4x512xi32, #tpu.memory_space<vmem>>, vector<16xi32>,
        %mul3A_995 = arith.constant 0 : i32
        %mul3A_996 = vector.broadcast %mul3A_995 : i32 to vector<16xi32>
        %mul3A_997 = arith.muli %iota3A, %mul3A_996 : vector<16xi32>
        %add3A_998 = arith.constant 2 : i32
        %add3A_999 = vector.broadcast %add3A_998 : i32 to vector<16xi32>
        %add3A_1000 = arith.addi %mul3A_997, %add3A_999 : vector<16xi32>
        %add3A_1001 = vector.broadcast %mul3A_136 : i32 to vector<16xi32>
        %add3A_1002 = arith.addi %iota3A, %add3A_1001 : vector<16xi32>
        %gather3A_1003 = tpu.vector_load_idx %arg5[%get3A_994, %add3A_1000, %add3A_1002] : memref<19x4x512xf32, #tpu.memory_space<vmem>>[vector<16xi32>, vector<16xi32>, vector<16xi32>], vector<16xf32>,
        %get3A_1004 = arith.constant 0 : i32
        %get3A_1005 = arith.constant 2 : i32
        %get3A_1006 = arith.index_cast %get3A_1004 : i32 to index
        %get3A_1007 = arith.index_cast %get3A_1005 : i32 to index
        %get3A_1008 = arith.index_cast %mul3A_136 : i32 to index
        %get3A_1009 = tpu.vector_load %arg5[%get3A_1006, %get3A_1007, %get3A_1008] {strides = array<i32>} : memref<19x4x512xf32, #tpu.memory_space<vmem>>, vector<16xf32>,
        %get3A_1010 = arith.constant 1 : i32
        %get3A_1011 = arith.constant 2 : i32
        %get3A_1012 = arith.index_cast %get3A_1010 : i32 to index
        %get3A_1013 = arith.index_cast %get3A_1011 : i32 to index
        %get3A_1014 = arith.index_cast %mul3A_136 : i32 to index
        %get3A_1015 = tpu.vector_load %arg5[%get3A_1012, %get3A_1013, %get3A_1014] {strides = array<i32>} : memref<19x4x512xf32, #tpu.memory_space<vmem>>, vector<16xf32>,
        %get3A_1016 = arith.constant 2 : i32
        %get3A_1017 = arith.constant 2 : i32
        %get3A_1018 = arith.index_cast %get3A_1016 : i32 to index
        %get3A_1019 = arith.index_cast %get3A_1017 : i32 to index
        %get3A_1020 = arith.index_cast %mul3A_136 : i32 to index
        %get3A_1021 = tpu.vector_load %arg5[%get3A_1018, %get3A_1019, %get3A_1020] {strides = array<i32>} : memref<19x4x512xf32, #tpu.memory_space<vmem>>, vector<16xf32>,
        %get3A_1022 = arith.constant 3 : i32
        %get3A_1023 = arith.constant 2 : i32
        %get3A_1024 = arith.index_cast %get3A_1022 : i32 to index
        %get3A_1025 = arith.index_cast %get3A_1023 : i32 to index
        %get3A_1026 = arith.index_cast %mul3A_136 : i32 to index
        %get3A_1027 = tpu.vector_load %arg5[%get3A_1024, %get3A_1025, %get3A_1026] {strides = array<i32>} : memref<19x4x512xf32, #tpu.memory_space<vmem>>, vector<16xf32>,
        %get3A_1028 = arith.constant 4 : i32
        %get3A_1029 = arith.constant 2 : i32
        %get3A_1030 = arith.index_cast %get3A_1028 : i32 to index
        %get3A_1031 = arith.index_cast %get3A_1029 : i32 to index
        %get3A_1032 = arith.index_cast %mul3A_136 : i32 to index
        %get3A_1033 = tpu.vector_load %arg5[%get3A_1030, %get3A_1031, %get3A_1032] {strides = array<i32>} : memref<19x4x512xf32, #tpu.memory_space<vmem>>, vector<16xf32>,
        %get3A_1034 = arith.constant 5 : i32
        %get3A_1035 = arith.constant 2 : i32
        %get3A_1036 = arith.index_cast %get3A_1034 : i32 to index
        %get3A_1037 = arith.index_cast %get3A_1035 : i32 to index
        %get3A_1038 = arith.index_cast %mul3A_136 : i32 to index
        %get3A_1039 = tpu.vector_load %arg5[%get3A_1036, %get3A_1037, %get3A_1038] {strides = array<i32>} : memref<19x4x512xf32, #tpu.memory_space<vmem>>, vector<16xf32>,
        %get3A_1040 = arith.constant 6 : i32
        %get3A_1041 = arith.constant 2 : i32
        %get3A_1042 = arith.index_cast %get3A_1040 : i32 to index
        %get3A_1043 = arith.index_cast %get3A_1041 : i32 to index
        %get3A_1044 = arith.index_cast %mul3A_136 : i32 to index
        %get3A_1045 = tpu.vector_load %arg5[%get3A_1042, %get3A_1043, %get3A_1044] {strides = array<i32>} : memref<19x4x512xf32, #tpu.memory_space<vmem>>, vector<16xf32>,
        %get3A_1046 = arith.constant 7 : i32
        %get3A_1047 = arith.constant 2 : i32
        %get3A_1048 = arith.index_cast %get3A_1046 : i32 to index
        %get3A_1049 = arith.index_cast %get3A_1047 : i32 to index
        %get3A_1050 = arith.index_cast %mul3A_136 : i32 to index
        %get3A_1051 = tpu.vector_load %arg5[%get3A_1048, %get3A_1049, %get3A_1050] {strides = array<i32>} : memref<19x4x512xf32, #tpu.memory_space<vmem>>, vector<16xf32>,
        %get3A_1052 = arith.constant 8 : i32
        %get3A_1053 = arith.constant 2 : i32
        %get3A_1054 = arith.index_cast %get3A_1052 : i32 to index
        %get3A_1055 = arith.index_cast %get3A_1053 : i32 to index
        %get3A_1056 = arith.index_cast %mul3A_136 : i32 to index
        %get3A_1057 = tpu.vector_load %arg5[%get3A_1054, %get3A_1055, %get3A_1056] {strides = array<i32>} : memref<19x4x512xf32, #tpu.memory_space<vmem>>, vector<16xf32>,
        %get3A_1058 = arith.constant 9 : i32
        %get3A_1059 = arith.constant 2 : i32
        %get3A_1060 = arith.index_cast %get3A_1058 : i32 to index
        %get3A_1061 = arith.index_cast %get3A_1059 : i32 to index
        %get3A_1062 = arith.index_cast %mul3A_136 : i32 to index
        %get3A_1063 = tpu.vector_load %arg5[%get3A_1060, %get3A_1061, %get3A_1062] {strides = array<i32>} : memref<19x4x512xf32, #tpu.memory_space<vmem>>, vector<16xf32>,
        %get3A_1064 = arith.constant 10 : i32
        %get3A_1065 = arith.constant 2 : i32
        %get3A_1066 = arith.index_cast %get3A_1064 : i32 to index
        %get3A_1067 = arith.index_cast %get3A_1065 : i32 to index
        %get3A_1068 = arith.index_cast %mul3A_136 : i32 to index
        %get3A_1069 = tpu.vector_load %arg5[%get3A_1066, %get3A_1067, %get3A_1068] {strides = array<i32>} : memref<19x4x512xf32, #tpu.memory_space<vmem>>, vector<16xf32>,
        %get3A_1070 = arith.constant 11 : i32
        %get3A_1071 = arith.constant 2 : i32
        %get3A_1072 = arith.index_cast %get3A_1070 : i32 to index
        %get3A_1073 = arith.index_cast %get3A_1071 : i32 to index
        %get3A_1074 = arith.index_cast %mul3A_136 : i32 to index
        %get3A_1075 = tpu.vector_load %arg5[%get3A_1072, %get3A_1073, %get3A_1074] {strides = array<i32>} : memref<19x4x512xf32, #tpu.memory_space<vmem>>, vector<16xf32>,
        %get3A_1076 = arith.constant 12 : i32
        %get3A_1077 = arith.constant 2 : i32
        %get3A_1078 = arith.index_cast %get3A_1076 : i32 to index
        %get3A_1079 = arith.index_cast %get3A_1077 : i32 to index
        %get3A_1080 = arith.index_cast %mul3A_136 : i32 to index
        %get3A_1081 = tpu.vector_load %arg5[%get3A_1078, %get3A_1079, %get3A_1080] {strides = array<i32>} : memref<19x4x512xf32, #tpu.memory_space<vmem>>, vector<16xf32>,
        %get3A_1082 = arith.constant 13 : i32
        %get3A_1083 = arith.constant 2 : i32
        %get3A_1084 = arith.index_cast %get3A_1082 : i32 to index
        %get3A_1085 = arith.index_cast %get3A_1083 : i32 to index
        %get3A_1086 = arith.index_cast %mul3A_136 : i32 to index
        %get3A_1087 = tpu.vector_load %arg5[%get3A_1084, %get3A_1085, %get3A_1086] {strides = array<i32>} : memref<19x4x512xf32, #tpu.memory_space<vmem>>, vector<16xf32>,
        %get3A_1088 = arith.constant 14 : i32
        %get3A_1089 = arith.constant 2 : i32
        %get3A_1090 = arith.index_cast %get3A_1088 : i32 to index
        %get3A_1091 = arith.index_cast %get3A_1089 : i32 to index
        %get3A_1092 = arith.index_cast %mul3A_136 : i32 to index
        %get3A_1093 = tpu.vector_load %arg5[%get3A_1090, %get3A_1091, %get3A_1092] {strides = array<i32>} : memref<19x4x512xf32, #tpu.memory_space<vmem>>, vector<16xf32>,
        %get3A_1094 = arith.constant 15 : i32
        %get3A_1095 = arith.constant 2 : i32
        %get3A_1096 = arith.index_cast %get3A_1094 : i32 to index
        %get3A_1097 = arith.index_cast %get3A_1095 : i32 to index
        %get3A_1098 = arith.index_cast %mul3A_136 : i32 to index
        %get3A_1099 = tpu.vector_load %arg5[%get3A_1096, %get3A_1097, %get3A_1098] {strides = array<i32>} : memref<19x4x512xf32, #tpu.memory_space<vmem>>, vector<16xf32>,
        %get3A_1100 = arith.constant 16 : i32
        %get3A_1101 = arith.constant 2 : i32
        %get3A_1102 = arith.index_cast %get3A_1100 : i32 to index
        %get3A_1103 = arith.index_cast %get3A_1101 : i32 to index
        %get3A_1104 = arith.index_cast %mul3A_136 : i32 to index
        %get3A_1105 = tpu.vector_load %arg5[%get3A_1102, %get3A_1103, %get3A_1104] {strides = array<i32>} : memref<19x4x512xf32, #tpu.memory_space<vmem>>, vector<16xf32>,
        %get3A_1106 = arith.constant 17 : i32
        %get3A_1107 = arith.constant 2 : i32
        %get3A_1108 = arith.index_cast %get3A_1106 : i32 to index
        %get3A_1109 = arith.index_cast %get3A_1107 : i32 to index
        %get3A_1110 = arith.index_cast %mul3A_136 : i32 to index
        %get3A_1111 = tpu.vector_load %arg5[%get3A_1108, %get3A_1109, %get3A_1110] {strides = array<i32>} : memref<19x4x512xf32, #tpu.memory_space<vmem>>, vector<16xf32>,
        %get3A_1112 = arith.constant 18 : i32
        %get3A_1113 = arith.constant 2 : i32
        %get3A_1114 = arith.index_cast %get3A_1112 : i32 to index
        %get3A_1115 = arith.index_cast %get3A_1113 : i32 to index
        %get3A_1116 = arith.index_cast %mul3A_136 : i32 to index
        %get3A_1117 = tpu.vector_load %arg5[%get3A_1114, %get3A_1115, %get3A_1116] {strides = array<i32>} : memref<19x4x512xf32, #tpu.memory_space<vmem>>, vector<16xf32>,
        %add3A_1118 = arith.addf %get3A_1009, %get3A_1015 : vector<16xf32>
        %add3A_1119 = arith.addf %get3A_1021, %get3A_1027 : vector<16xf32>
        %add3A_1120 = arith.addf %get3A_1033, %get3A_1039 : vector<16xf32>
        %add3A_1121 = arith.addf %get3A_1045, %get3A_1051 : vector<16xf32>
        %add3A_1122 = arith.addf %get3A_1057, %get3A_1063 : vector<16xf32>
        %add3A_1123 = arith.addf %get3A_1069, %get3A_1075 : vector<16xf32>
        %add3A_1124 = arith.addf %get3A_1081, %get3A_1087 : vector<16xf32>
        %add3A_1125 = arith.addf %get3A_1093, %get3A_1099 : vector<16xf32>
        %add3A_1126 = arith.addf %get3A_1105, %get3A_1111 : vector<16xf32>
        %add3A_1127 = arith.addf %add3A_1118, %add3A_1119 : vector<16xf32>
        %add3A_1128 = arith.addf %add3A_1120, %add3A_1121 : vector<16xf32>
        %add3A_1129 = arith.addf %add3A_1122, %add3A_1123 : vector<16xf32>
        %add3A_1130 = arith.addf %add3A_1124, %add3A_1125 : vector<16xf32>
        %add3A_1131 = arith.addf %add3A_1126, %get3A_1117 : vector<16xf32>
        %add3A_1132 = arith.addf %add3A_1127, %add3A_1128 : vector<16xf32>
        %add3A_1133 = arith.addf %add3A_1129, %add3A_1130 : vector<16xf32>
        %add3A_1134 = arith.addf %add3A_1132, %add3A_1133 : vector<16xf32>
        %add3A_1135 = arith.addf %add3A_1134, %add3A_1131 : vector<16xf32>
        %mul3A_1136 = arith.constant 0.999989449 : f32
        %mul3A_1137 = vector.broadcast %mul3A_1136 : f32 to vector<16xf32>
        %mul3A_1138 = arith.mulf %mul3A_1137, %gather3A_1003 : vector<16xf32>
        %mul3A_1139 = arith.constant 5.55555573E-7 : f32
        %mul3A_1140 = vector.broadcast %mul3A_1139 : f32 to vector<16xf32>
        %mul3A_1141 = arith.mulf %mul3A_1140, %add3A_1135 : vector<16xf32>
        %add3A_1142 = arith.constant 9.99999974E-6 : f32
        %add3A_1143 = vector.broadcast %add3A_1142 : f32 to vector<16xf32>
        %add3A_1144 = arith.addf %mul3A_1141, %add3A_1143 : vector<16xf32>
        %add3A_1145 = arith.addf %mul3A_1138, %add3A_1144 : vector<16xf32>
        %sub3A_1146 = arith.constant 1.000000e+00 : f32
        %sub3A_1147 = vector.broadcast %sub3A_1146 : f32 to vector<16xf32>
        %sub3A_1148 = arith.subf %sub3A_1147, %add3A_1145 : vector<16xf32>
        %mul3A_1149 = arith.mulf %sub3A_1148, %sub3A_1148 : vector<16xf32>
        %bitcast3A_1150 = vector.bitcast %add3A_1145 : vector<16xf32> to vector<16xi32>
        %shift_right_arithmetic3A_1151 = arith.constant 23 : i32
        %shift_right_arithmetic3A_1152 = vector.broadcast %shift_right_arithmetic3A_1151 : i32 to vector<16xi32>
        %shift_right_arithmetic3A_1153 = arith.shrsi %bitcast3A_1150, %shift_right_arithmetic3A_1152 : vector<16xi32>
        %sub3A_1154 = arith.constant 127 : i32
        %sub3A_1155 = vector.broadcast %sub3A_1154 : i32 to vector<16xi32>
        %sub3A_1156 = arith.subi %shift_right_arithmetic3A_1153, %sub3A_1155 : vector<16xi32>
        %and3A_1157 = arith.constant 8388607 : i32
        %and3A_1158 = vector.broadcast %and3A_1157 : i32 to vector<16xi32>
        %and3A_1159 = arith.andi %bitcast3A_1150, %and3A_1158 : vector<16xi32>
        %or3A_1160 = arith.constant 1065353216 : i32
        %or3A_1161 = vector.broadcast %or3A_1160 : i32 to vector<16xi32>
        %or3A_1162 = arith.ori %and3A_1159, %or3A_1161 : vector<16xi32>
        %bitcast3A_1163 = vector.bitcast %or3A_1162 : vector<16xi32> to vector<16xf32>
        %gt3A_1164 = arith.constant 1.41421354 : f32
        %gt3A_1165 = vector.broadcast %gt3A_1164 : f32 to vector<16xf32>
        %gt3A_1166 = arith.cmpf ogt, %bitcast3A_1163, %gt3A_1165 : vector<16xf32>
        %mul3A_1167 = arith.constant 5.000000e-01 : f32
        %mul3A_1168 = vector.broadcast %mul3A_1167 : f32 to vector<16xf32>
        %mul3A_1169 = arith.mulf %bitcast3A_1163, %mul3A_1168 : vector<16xf32>
        %select_n3A_1170 = arith.select %gt3A_1166, %mul3A_1169, %bitcast3A_1163 : vector<16xi1>, vector<16xf32>
        %add3A_1171 = arith.constant 1 : i32
        %add3A_1172 = vector.broadcast %add3A_1171 : i32 to vector<16xi32>
        %add3A_1173 = arith.addi %sub3A_1156, %add3A_1172 : vector<16xi32>
        %select_n3A_1174 = arith.select %gt3A_1166, %add3A_1173, %sub3A_1156 : vector<16xi1>, vector<16xi32>
        %sub3A_1175 = arith.constant 1.000000e+00 : f32
        %sub3A_1176 = vector.broadcast %sub3A_1175 : f32 to vector<16xf32>
        %sub3A_1177 = arith.subf %select_n3A_1170, %sub3A_1176 : vector<16xf32>
        %add3A_1178 = arith.constant 1.000000e+00 : f32
        %add3A_1179 = vector.broadcast %add3A_1178 : f32 to vector<16xf32>
        %add3A_1180 = arith.addf %select_n3A_1170, %add3A_1179 : vector<16xf32>
        %div3A_1181 = arith.divf %sub3A_1177, %add3A_1180 : vector<16xf32>
        %mul3A_1182 = arith.mulf %div3A_1181, %div3A_1181 : vector<16xf32>
        %mul3A_1183 = arith.constant 0.285714298 : f32
        %mul3A_1184 = vector.broadcast %mul3A_1183 : f32 to vector<16xf32>
        %mul3A_1185 = arith.mulf %mul3A_1182, %mul3A_1184 : vector<16xf32>
        %add3A_1186 = arith.constant 4.000000e-01 : f32
        %add3A_1187 = vector.broadcast %add3A_1186 : f32 to vector<16xf32>
        %add3A_1188 = arith.addf %add3A_1187, %mul3A_1185 : vector<16xf32>
        %mul3A_1189 = arith.mulf %mul3A_1182, %add3A_1188 : vector<16xf32>
        %add3A_1190 = arith.constant 0.666666686 : f32
        %add3A_1191 = vector.broadcast %add3A_1190 : f32 to vector<16xf32>
        %add3A_1192 = arith.addf %add3A_1191, %mul3A_1189 : vector<16xf32>
        %mul3A_1193 = arith.mulf %mul3A_1182, %add3A_1192 : vector<16xf32>
        %add3A_1194 = arith.constant 2.000000e+00 : f32
        %add3A_1195 = vector.broadcast %add3A_1194 : f32 to vector<16xf32>
        %add3A_1196 = arith.addf %add3A_1195, %mul3A_1193 : vector<16xf32>
        %convert_element_type3A_1197 = arith.sitofp %select_n3A_1174 : vector<16xi32> to vector<16xf32>
        %mul3A_1198 = arith.constant 0.693147182 : f32
        %mul3A_1199 = vector.broadcast %mul3A_1198 : f32 to vector<16xf32>
        %mul3A_1200 = arith.mulf %convert_element_type3A_1197, %mul3A_1199 : vector<16xf32>
        %mul3A_1201 = arith.mulf %div3A_1181, %add3A_1196 : vector<16xf32>
        %add3A_1202 = arith.addf %mul3A_1200, %mul3A_1201 : vector<16xf32>
        %mul3A_1203 = arith.mulf %mul3A_1149, %add3A_1202 : vector<16xf32>
        %add3A_1204 = arith.addf %add3A_990, %mul3A_1203 : vector<16xf32>
        %add3A_1205 = arith.constant 16 : i32
        %add3A_1206 = arith.addi %mul3A_136, %add3A_1205 : i32
        %get3A_1207 = arith.constant 2 : i32
        %get3A_1208 = arith.index_cast %get3A_1207 : i32 to index
        %get3A_1209 = arith.index_cast %add3A_1206 : i32 to index
        %get3A_1210 = tpu.vector_load %arg7[%get3A_1208, %get3A_1209] {strides = array<i32>} : memref<4x512xi32, #tpu.memory_space<vmem>>, vector<16xi32>,
        %mul3A_1211 = arith.constant 0 : i32
        %mul3A_1212 = vector.broadcast %mul3A_1211 : i32 to vector<16xi32>
        %mul3A_1213 = arith.muli %iota3A, %mul3A_1212 : vector<16xi32>
        %add3A_1214 = arith.constant 2 : i32
        %add3A_1215 = vector.broadcast %add3A_1214 : i32 to vector<16xi32>
        %add3A_1216 = arith.addi %mul3A_1213, %add3A_1215 : vector<16xi32>
        %add3A_1217 = vector.broadcast %add3A_1206 : i32 to vector<16xi32>
        %add3A_1218 = arith.addi %iota3A, %add3A_1217 : vector<16xi32>
        %gather3A_1219 = tpu.vector_load_idx %arg5[%get3A_1210, %add3A_1216, %add3A_1218] : memref<19x4x512xf32, #tpu.memory_space<vmem>>[vector<16xi32>, vector<16xi32>, vector<16xi32>], vector<16xf32>,
        %get3A_1220 = arith.constant 0 : i32
        %get3A_1221 = arith.constant 2 : i32
        %get3A_1222 = arith.index_cast %get3A_1220 : i32 to index
        %get3A_1223 = arith.index_cast %get3A_1221 : i32 to index
        %get3A_1224 = arith.index_cast %add3A_1206 : i32 to index
        %get3A_1225 = tpu.vector_load %arg5[%get3A_1222, %get3A_1223, %get3A_1224] {strides = array<i32>} : memref<19x4x512xf32, #tpu.memory_space<vmem>>, vector<16xf32>,
        %get3A_1226 = arith.constant 1 : i32
        %get3A_1227 = arith.constant 2 : i32
        %get3A_1228 = arith.index_cast %get3A_1226 : i32 to index
        %get3A_1229 = arith.index_cast %get3A_1227 : i32 to index
        %get3A_1230 = arith.index_cast %add3A_1206 : i32 to index
        %get3A_1231 = tpu.vector_load %arg5[%get3A_1228, %get3A_1229, %get3A_1230] {strides = array<i32>} : memref<19x4x512xf32, #tpu.memory_space<vmem>>, vector<16xf32>,
        %get3A_1232 = arith.constant 2 : i32
        %get3A_1233 = arith.constant 2 : i32
        %get3A_1234 = arith.index_cast %get3A_1232 : i32 to index
        %get3A_1235 = arith.index_cast %get3A_1233 : i32 to index
        %get3A_1236 = arith.index_cast %add3A_1206 : i32 to index
        %get3A_1237 = tpu.vector_load %arg5[%get3A_1234, %get3A_1235, %get3A_1236] {strides = array<i32>} : memref<19x4x512xf32, #tpu.memory_space<vmem>>, vector<16xf32>,
        %get3A_1238 = arith.constant 3 : i32
        %get3A_1239 = arith.constant 2 : i32
        %get3A_1240 = arith.index_cast %get3A_1238 : i32 to index
        %get3A_1241 = arith.index_cast %get3A_1239 : i32 to index
        %get3A_1242 = arith.index_cast %add3A_1206 : i32 to index
        %get3A_1243 = tpu.vector_load %arg5[%get3A_1240, %get3A_1241, %get3A_1242] {strides = array<i32>} : memref<19x4x512xf32, #tpu.memory_space<vmem>>, vector<16xf32>,
        %get3A_1244 = arith.constant 4 : i32
        %get3A_1245 = arith.constant 2 : i32
        %get3A_1246 = arith.index_cast %get3A_1244 : i32 to index
        %get3A_1247 = arith.index_cast %get3A_1245 : i32 to index
        %get3A_1248 = arith.index_cast %add3A_1206 : i32 to index
        %get3A_1249 = tpu.vector_load %arg5[%get3A_1246, %get3A_1247, %get3A_1248] {strides = array<i32>} : memref<19x4x512xf32, #tpu.memory_space<vmem>>, vector<16xf32>,
        %get3A_1250 = arith.constant 5 : i32
        %get3A_1251 = arith.constant 2 : i32
        %get3A_1252 = arith.index_cast %get3A_1250 : i32 to index
        %get3A_1253 = arith.index_cast %get3A_1251 : i32 to index
        %get3A_1254 = arith.index_cast %add3A_1206 : i32 to index
        %get3A_1255 = tpu.vector_load %arg5[%get3A_1252, %get3A_1253, %get3A_1254] {strides = array<i32>} : memref<19x4x512xf32, #tpu.memory_space<vmem>>, vector<16xf32>,
        %get3A_1256 = arith.constant 6 : i32
        %get3A_1257 = arith.constant 2 : i32
        %get3A_1258 = arith.index_cast %get3A_1256 : i32 to index
        %get3A_1259 = arith.index_cast %get3A_1257 : i32 to index
        %get3A_1260 = arith.index_cast %add3A_1206 : i32 to index
        %get3A_1261 = tpu.vector_load %arg5[%get3A_1258, %get3A_1259, %get3A_1260] {strides = array<i32>} : memref<19x4x512xf32, #tpu.memory_space<vmem>>, vector<16xf32>,
        %get3A_1262 = arith.constant 7 : i32
        %get3A_1263 = arith.constant 2 : i32
        %get3A_1264 = arith.index_cast %get3A_1262 : i32 to index
        %get3A_1265 = arith.index_cast %get3A_1263 : i32 to index
        %get3A_1266 = arith.index_cast %add3A_1206 : i32 to index
        %get3A_1267 = tpu.vector_load %arg5[%get3A_1264, %get3A_1265, %get3A_1266] {strides = array<i32>} : memref<19x4x512xf32, #tpu.memory_space<vmem>>, vector<16xf32>,
        %get3A_1268 = arith.constant 8 : i32
        %get3A_1269 = arith.constant 2 : i32
        %get3A_1270 = arith.index_cast %get3A_1268 : i32 to index
        %get3A_1271 = arith.index_cast %get3A_1269 : i32 to index
        %get3A_1272 = arith.index_cast %add3A_1206 : i32 to index
        %get3A_1273 = tpu.vector_load %arg5[%get3A_1270, %get3A_1271, %get3A_1272] {strides = array<i32>} : memref<19x4x512xf32, #tpu.memory_space<vmem>>, vector<16xf32>,
        %get3A_1274 = arith.constant 9 : i32
        %get3A_1275 = arith.constant 2 : i32
        %get3A_1276 = arith.index_cast %get3A_1274 : i32 to index
        %get3A_1277 = arith.index_cast %get3A_1275 : i32 to index
        %get3A_1278 = arith.index_cast %add3A_1206 : i32 to index
        %get3A_1279 = tpu.vector_load %arg5[%get3A_1276, %get3A_1277, %get3A_1278] {strides = array<i32>} : memref<19x4x512xf32, #tpu.memory_space<vmem>>, vector<16xf32>,
        %get3A_1280 = arith.constant 10 : i32
        %get3A_1281 = arith.constant 2 : i32
        %get3A_1282 = arith.index_cast %get3A_1280 : i32 to index
        %get3A_1283 = arith.index_cast %get3A_1281 : i32 to index
        %get3A_1284 = arith.index_cast %add3A_1206 : i32 to index
        %get3A_1285 = tpu.vector_load %arg5[%get3A_1282, %get3A_1283, %get3A_1284] {strides = array<i32>} : memref<19x4x512xf32, #tpu.memory_space<vmem>>, vector<16xf32>,
        %get3A_1286 = arith.constant 11 : i32
        %get3A_1287 = arith.constant 2 : i32
        %get3A_1288 = arith.index_cast %get3A_1286 : i32 to index
        %get3A_1289 = arith.index_cast %get3A_1287 : i32 to index
        %get3A_1290 = arith.index_cast %add3A_1206 : i32 to index
        %get3A_1291 = tpu.vector_load %arg5[%get3A_1288, %get3A_1289, %get3A_1290] {strides = array<i32>} : memref<19x4x512xf32, #tpu.memory_space<vmem>>, vector<16xf32>,
        %get3A_1292 = arith.constant 12 : i32
        %get3A_1293 = arith.constant 2 : i32
        %get3A_1294 = arith.index_cast %get3A_1292 : i32 to index
        %get3A_1295 = arith.index_cast %get3A_1293 : i32 to index
        %get3A_1296 = arith.index_cast %add3A_1206 : i32 to index
        %get3A_1297 = tpu.vector_load %arg5[%get3A_1294, %get3A_1295, %get3A_1296] {strides = array<i32>} : memref<19x4x512xf32, #tpu.memory_space<vmem>>, vector<16xf32>,
        %get3A_1298 = arith.constant 13 : i32
        %get3A_1299 = arith.constant 2 : i32
        %get3A_1300 = arith.index_cast %get3A_1298 : i32 to index
        %get3A_1301 = arith.index_cast %get3A_1299 : i32 to index
        %get3A_1302 = arith.index_cast %add3A_1206 : i32 to index
        %get3A_1303 = tpu.vector_load %arg5[%get3A_1300, %get3A_1301, %get3A_1302] {strides = array<i32>} : memref<19x4x512xf32, #tpu.memory_space<vmem>>, vector<16xf32>,
        %get3A_1304 = arith.constant 14 : i32
        %get3A_1305 = arith.constant 2 : i32
        %get3A_1306 = arith.index_cast %get3A_1304 : i32 to index
        %get3A_1307 = arith.index_cast %get3A_1305 : i32 to index
        %get3A_1308 = arith.index_cast %add3A_1206 : i32 to index
        %get3A_1309 = tpu.vector_load %arg5[%get3A_1306, %get3A_1307, %get3A_1308] {strides = array<i32>} : memref<19x4x512xf32, #tpu.memory_space<vmem>>, vector<16xf32>,
        %get3A_1310 = arith.constant 15 : i32
        %get3A_1311 = arith.constant 2 : i32
        %get3A_1312 = arith.index_cast %get3A_1310 : i32 to index
        %get3A_1313 = arith.index_cast %get3A_1311 : i32 to index
        %get3A_1314 = arith.index_cast %add3A_1206 : i32 to index
        %get3A_1315 = tpu.vector_load %arg5[%get3A_1312, %get3A_1313, %get3A_1314] {strides = array<i32>} : memref<19x4x512xf32, #tpu.memory_space<vmem>>, vector<16xf32>,
        %get3A_1316 = arith.constant 16 : i32
        %get3A_1317 = arith.constant 2 : i32
        %get3A_1318 = arith.index_cast %get3A_1316 : i32 to index
        %get3A_1319 = arith.index_cast %get3A_1317 : i32 to index
        %get3A_1320 = arith.index_cast %add3A_1206 : i32 to index
        %get3A_1321 = tpu.vector_load %arg5[%get3A_1318, %get3A_1319, %get3A_1320] {strides = array<i32>} : memref<19x4x512xf32, #tpu.memory_space<vmem>>, vector<16xf32>,
        %get3A_1322 = arith.constant 17 : i32
        %get3A_1323 = arith.constant 2 : i32
        %get3A_1324 = arith.index_cast %get3A_1322 : i32 to index
        %get3A_1325 = arith.index_cast %get3A_1323 : i32 to index
        %get3A_1326 = arith.index_cast %add3A_1206 : i32 to index
        %get3A_1327 = tpu.vector_load %arg5[%get3A_1324, %get3A_1325, %get3A_1326] {strides = array<i32>} : memref<19x4x512xf32, #tpu.memory_space<vmem>>, vector<16xf32>,
        %get3A_1328 = arith.constant 18 : i32
        %get3A_1329 = arith.constant 2 : i32
        %get3A_1330 = arith.index_cast %get3A_1328 : i32 to index
        %get3A_1331 = arith.index_cast %get3A_1329 : i32 to index
        %get3A_1332 = arith.index_cast %add3A_1206 : i32 to index
        %get3A_1333 = tpu.vector_load %arg5[%get3A_1330, %get3A_1331, %get3A_1332] {strides = array<i32>} : memref<19x4x512xf32, #tpu.memory_space<vmem>>, vector<16xf32>,
        %add3A_1334 = arith.addf %get3A_1225, %get3A_1231 : vector<16xf32>
        %add3A_1335 = arith.addf %get3A_1237, %get3A_1243 : vector<16xf32>
        %add3A_1336 = arith.addf %get3A_1249, %get3A_1255 : vector<16xf32>
        %add3A_1337 = arith.addf %get3A_1261, %get3A_1267 : vector<16xf32>
        %add3A_1338 = arith.addf %get3A_1273, %get3A_1279 : vector<16xf32>
        %add3A_1339 = arith.addf %get3A_1285, %get3A_1291 : vector<16xf32>
        %add3A_1340 = arith.addf %get3A_1297, %get3A_1303 : vector<16xf32>
        %add3A_1341 = arith.addf %get3A_1309, %get3A_1315 : vector<16xf32>
        %add3A_1342 = arith.addf %get3A_1321, %get3A_1327 : vector<16xf32>
        %add3A_1343 = arith.addf %add3A_1334, %add3A_1335 : vector<16xf32>
        %add3A_1344 = arith.addf %add3A_1336, %add3A_1337 : vector<16xf32>
        %add3A_1345 = arith.addf %add3A_1338, %add3A_1339 : vector<16xf32>
        %add3A_1346 = arith.addf %add3A_1340, %add3A_1341 : vector<16xf32>
        %add3A_1347 = arith.addf %add3A_1342, %get3A_1333 : vector<16xf32>
        %add3A_1348 = arith.addf %add3A_1343, %add3A_1344 : vector<16xf32>
        %add3A_1349 = arith.addf %add3A_1345, %add3A_1346 : vector<16xf32>
        %add3A_1350 = arith.addf %add3A_1348, %add3A_1349 : vector<16xf32>
        %add3A_1351 = arith.addf %add3A_1350, %add3A_1347 : vector<16xf32>
        %mul3A_1352 = arith.constant 0.999989449 : f32
        %mul3A_1353 = vector.broadcast %mul3A_1352 : f32 to vector<16xf32>
        %mul3A_1354 = arith.mulf %mul3A_1353, %gather3A_1219 : vector<16xf32>
        %mul3A_1355 = arith.constant 5.55555573E-7 : f32
        %mul3A_1356 = vector.broadcast %mul3A_1355 : f32 to vector<16xf32>
        %mul3A_1357 = arith.mulf %mul3A_1356, %add3A_1351 : vector<16xf32>
        %add3A_1358 = arith.constant 9.99999974E-6 : f32
        %add3A_1359 = vector.broadcast %add3A_1358 : f32 to vector<16xf32>
        %add3A_1360 = arith.addf %mul3A_1357, %add3A_1359 : vector<16xf32>
        %add3A_1361 = arith.addf %mul3A_1354, %add3A_1360 : vector<16xf32>
        %sub3A_1362 = arith.constant 1.000000e+00 : f32
        %sub3A_1363 = vector.broadcast %sub3A_1362 : f32 to vector<16xf32>
        %sub3A_1364 = arith.subf %sub3A_1363, %add3A_1361 : vector<16xf32>
        %mul3A_1365 = arith.mulf %sub3A_1364, %sub3A_1364 : vector<16xf32>
        %bitcast3A_1366 = vector.bitcast %add3A_1361 : vector<16xf32> to vector<16xi32>
        %shift_right_arithmetic3A_1367 = arith.constant 23 : i32
        %shift_right_arithmetic3A_1368 = vector.broadcast %shift_right_arithmetic3A_1367 : i32 to vector<16xi32>
        %shift_right_arithmetic3A_1369 = arith.shrsi %bitcast3A_1366, %shift_right_arithmetic3A_1368 : vector<16xi32>
        %sub3A_1370 = arith.constant 127 : i32
        %sub3A_1371 = vector.broadcast %sub3A_1370 : i32 to vector<16xi32>
        %sub3A_1372 = arith.subi %shift_right_arithmetic3A_1369, %sub3A_1371 : vector<16xi32>
        %and3A_1373 = arith.constant 8388607 : i32
        %and3A_1374 = vector.broadcast %and3A_1373 : i32 to vector<16xi32>
        %and3A_1375 = arith.andi %bitcast3A_1366, %and3A_1374 : vector<16xi32>
        %or3A_1376 = arith.constant 1065353216 : i32
        %or3A_1377 = vector.broadcast %or3A_1376 : i32 to vector<16xi32>
        %or3A_1378 = arith.ori %and3A_1375, %or3A_1377 : vector<16xi32>
        %bitcast3A_1379 = vector.bitcast %or3A_1378 : vector<16xi32> to vector<16xf32>
        %gt3A_1380 = arith.constant 1.41421354 : f32
        %gt3A_1381 = vector.broadcast %gt3A_1380 : f32 to vector<16xf32>
        %gt3A_1382 = arith.cmpf ogt, %bitcast3A_1379, %gt3A_1381 : vector<16xf32>
        %mul3A_1383 = arith.constant 5.000000e-01 : f32
        %mul3A_1384 = vector.broadcast %mul3A_1383 : f32 to vector<16xf32>
        %mul3A_1385 = arith.mulf %bitcast3A_1379, %mul3A_1384 : vector<16xf32>
        %select_n3A_1386 = arith.select %gt3A_1382, %mul3A_1385, %bitcast3A_1379 : vector<16xi1>, vector<16xf32>
        %add3A_1387 = arith.constant 1 : i32
        %add3A_1388 = vector.broadcast %add3A_1387 : i32 to vector<16xi32>
        %add3A_1389 = arith.addi %sub3A_1372, %add3A_1388 : vector<16xi32>
        %select_n3A_1390 = arith.select %gt3A_1382, %add3A_1389, %sub3A_1372 : vector<16xi1>, vector<16xi32>
        %sub3A_1391 = arith.constant 1.000000e+00 : f32
        %sub3A_1392 = vector.broadcast %sub3A_1391 : f32 to vector<16xf32>
        %sub3A_1393 = arith.subf %select_n3A_1386, %sub3A_1392 : vector<16xf32>
        %add3A_1394 = arith.constant 1.000000e+00 : f32
        %add3A_1395 = vector.broadcast %add3A_1394 : f32 to vector<16xf32>
        %add3A_1396 = arith.addf %select_n3A_1386, %add3A_1395 : vector<16xf32>
        %div3A_1397 = arith.divf %sub3A_1393, %add3A_1396 : vector<16xf32>
        %mul3A_1398 = arith.mulf %div3A_1397, %div3A_1397 : vector<16xf32>
        %mul3A_1399 = arith.constant 0.285714298 : f32
        %mul3A_1400 = vector.broadcast %mul3A_1399 : f32 to vector<16xf32>
        %mul3A_1401 = arith.mulf %mul3A_1398, %mul3A_1400 : vector<16xf32>
        %add3A_1402 = arith.constant 4.000000e-01 : f32
        %add3A_1403 = vector.broadcast %add3A_1402 : f32 to vector<16xf32>
        %add3A_1404 = arith.addf %add3A_1403, %mul3A_1401 : vector<16xf32>
        %mul3A_1405 = arith.mulf %mul3A_1398, %add3A_1404 : vector<16xf32>
        %add3A_1406 = arith.constant 0.666666686 : f32
        %add3A_1407 = vector.broadcast %add3A_1406 : f32 to vector<16xf32>
        %add3A_1408 = arith.addf %add3A_1407, %mul3A_1405 : vector<16xf32>
        %mul3A_1409 = arith.mulf %mul3A_1398, %add3A_1408 : vector<16xf32>
        %add3A_1410 = arith.constant 2.000000e+00 : f32
        %add3A_1411 = vector.broadcast %add3A_1410 : f32 to vector<16xf32>
        %add3A_1412 = arith.addf %add3A_1411, %mul3A_1409 : vector<16xf32>
        %convert_element_type3A_1413 = arith.sitofp %select_n3A_1390 : vector<16xi32> to vector<16xf32>
        %mul3A_1414 = arith.constant 0.693147182 : f32
        %mul3A_1415 = vector.broadcast %mul3A_1414 : f32 to vector<16xf32>
        %mul3A_1416 = arith.mulf %convert_element_type3A_1413, %mul3A_1415 : vector<16xf32>
        %mul3A_1417 = arith.mulf %div3A_1397, %add3A_1412 : vector<16xf32>
        %add3A_1418 = arith.addf %mul3A_1416, %mul3A_1417 : vector<16xf32>
        %mul3A_1419 = arith.mulf %mul3A_1365, %add3A_1418 : vector<16xf32>
        %add3A_1420 = arith.addf %add3A_1204, %mul3A_1419 : vector<16xf32>
        %get3A_1421 = arith.constant 3 : i32
        %get3A_1422 = arith.index_cast %get3A_1421 : i32 to index
        %get3A_1423 = arith.index_cast %mul3A_136 : i32 to index
        %get3A_1424 = tpu.vector_load %arg7[%get3A_1422, %get3A_1423] {strides = array<i32>} : memref<4x512xi32, #tpu.memory_space<vmem>>, vector<16xi32>,
        %mul3A_1425 = arith.constant 0 : i32
        %mul3A_1426 = vector.broadcast %mul3A_1425 : i32 to vector<16xi32>
        %mul3A_1427 = arith.muli %iota3A, %mul3A_1426 : vector<16xi32>
        %add3A_1428 = arith.constant 3 : i32
        %add3A_1429 = vector.broadcast %add3A_1428 : i32 to vector<16xi32>
        %add3A_1430 = arith.addi %mul3A_1427, %add3A_1429 : vector<16xi32>
        %add3A_1431 = vector.broadcast %mul3A_136 : i32 to vector<16xi32>
        %add3A_1432 = arith.addi %iota3A, %add3A_1431 : vector<16xi32>
        %gather3A_1433 = tpu.vector_load_idx %arg5[%get3A_1424, %add3A_1430, %add3A_1432] : memref<19x4x512xf32, #tpu.memory_space<vmem>>[vector<16xi32>, vector<16xi32>, vector<16xi32>], vector<16xf32>,
        %get3A_1434 = arith.constant 0 : i32
        %get3A_1435 = arith.constant 3 : i32
        %get3A_1436 = arith.index_cast %get3A_1434 : i32 to index
        %get3A_1437 = arith.index_cast %get3A_1435 : i32 to index
        %get3A_1438 = arith.index_cast %mul3A_136 : i32 to index
        %get3A_1439 = tpu.vector_load %arg5[%get3A_1436, %get3A_1437, %get3A_1438] {strides = array<i32>} : memref<19x4x512xf32, #tpu.memory_space<vmem>>, vector<16xf32>,
        %get3A_1440 = arith.constant 1 : i32
        %get3A_1441 = arith.constant 3 : i32
        %get3A_1442 = arith.index_cast %get3A_1440 : i32 to index
        %get3A_1443 = arith.index_cast %get3A_1441 : i32 to index
        %get3A_1444 = arith.index_cast %mul3A_136 : i32 to index
        %get3A_1445 = tpu.vector_load %arg5[%get3A_1442, %get3A_1443, %get3A_1444] {strides = array<i32>} : memref<19x4x512xf32, #tpu.memory_space<vmem>>, vector<16xf32>,
        %get3A_1446 = arith.constant 2 : i32
        %get3A_1447 = arith.constant 3 : i32
        %get3A_1448 = arith.index_cast %get3A_1446 : i32 to index
        %get3A_1449 = arith.index_cast %get3A_1447 : i32 to index
        %get3A_1450 = arith.index_cast %mul3A_136 : i32 to index
        %get3A_1451 = tpu.vector_load %arg5[%get3A_1448, %get3A_1449, %get3A_1450] {strides = array<i32>} : memref<19x4x512xf32, #tpu.memory_space<vmem>>, vector<16xf32>,
        %get3A_1452 = arith.constant 3 : i32
        %get3A_1453 = arith.constant 3 : i32
        %get3A_1454 = arith.index_cast %get3A_1452 : i32 to index
        %get3A_1455 = arith.index_cast %get3A_1453 : i32 to index
        %get3A_1456 = arith.index_cast %mul3A_136 : i32 to index
        %get3A_1457 = tpu.vector_load %arg5[%get3A_1454, %get3A_1455, %get3A_1456] {strides = array<i32>} : memref<19x4x512xf32, #tpu.memory_space<vmem>>, vector<16xf32>,
        %get3A_1458 = arith.constant 4 : i32
        %get3A_1459 = arith.constant 3 : i32
        %get3A_1460 = arith.index_cast %get3A_1458 : i32 to index
        %get3A_1461 = arith.index_cast %get3A_1459 : i32 to index
        %get3A_1462 = arith.index_cast %mul3A_136 : i32 to index
        %get3A_1463 = tpu.vector_load %arg5[%get3A_1460, %get3A_1461, %get3A_1462] {strides = array<i32>} : memref<19x4x512xf32, #tpu.memory_space<vmem>>, vector<16xf32>,
        %get3A_1464 = arith.constant 5 : i32
        %get3A_1465 = arith.constant 3 : i32
        %get3A_1466 = arith.index_cast %get3A_1464 : i32 to index
        %get3A_1467 = arith.index_cast %get3A_1465 : i32 to index
        %get3A_1468 = arith.index_cast %mul3A_136 : i32 to index
        %get3A_1469 = tpu.vector_load %arg5[%get3A_1466, %get3A_1467, %get3A_1468] {strides = array<i32>} : memref<19x4x512xf32, #tpu.memory_space<vmem>>, vector<16xf32>,
        %get3A_1470 = arith.constant 6 : i32
        %get3A_1471 = arith.constant 3 : i32
        %get3A_1472 = arith.index_cast %get3A_1470 : i32 to index
        %get3A_1473 = arith.index_cast %get3A_1471 : i32 to index
        %get3A_1474 = arith.index_cast %mul3A_136 : i32 to index
        %get3A_1475 = tpu.vector_load %arg5[%get3A_1472, %get3A_1473, %get3A_1474] {strides = array<i32>} : memref<19x4x512xf32, #tpu.memory_space<vmem>>, vector<16xf32>,
        %get3A_1476 = arith.constant 7 : i32
        %get3A_1477 = arith.constant 3 : i32
        %get3A_1478 = arith.index_cast %get3A_1476 : i32 to index
        %get3A_1479 = arith.index_cast %get3A_1477 : i32 to index
        %get3A_1480 = arith.index_cast %mul3A_136 : i32 to index
        %get3A_1481 = tpu.vector_load %arg5[%get3A_1478, %get3A_1479, %get3A_1480] {strides = array<i32>} : memref<19x4x512xf32, #tpu.memory_space<vmem>>, vector<16xf32>,
        %get3A_1482 = arith.constant 8 : i32
        %get3A_1483 = arith.constant 3 : i32
        %get3A_1484 = arith.index_cast %get3A_1482 : i32 to index
        %get3A_1485 = arith.index_cast %get3A_1483 : i32 to index
        %get3A_1486 = arith.index_cast %mul3A_136 : i32 to index
        %get3A_1487 = tpu.vector_load %arg5[%get3A_1484, %get3A_1485, %get3A_1486] {strides = array<i32>} : memref<19x4x512xf32, #tpu.memory_space<vmem>>, vector<16xf32>,
        %get3A_1488 = arith.constant 9 : i32
        %get3A_1489 = arith.constant 3 : i32
        %get3A_1490 = arith.index_cast %get3A_1488 : i32 to index
        %get3A_1491 = arith.index_cast %get3A_1489 : i32 to index
        %get3A_1492 = arith.index_cast %mul3A_136 : i32 to index
        %get3A_1493 = tpu.vector_load %arg5[%get3A_1490, %get3A_1491, %get3A_1492] {strides = array<i32>} : memref<19x4x512xf32, #tpu.memory_space<vmem>>, vector<16xf32>,
        %get3A_1494 = arith.constant 10 : i32
        %get3A_1495 = arith.constant 3 : i32
        %get3A_1496 = arith.index_cast %get3A_1494 : i32 to index
        %get3A_1497 = arith.index_cast %get3A_1495 : i32 to index
        %get3A_1498 = arith.index_cast %mul3A_136 : i32 to index
        %get3A_1499 = tpu.vector_load %arg5[%get3A_1496, %get3A_1497, %get3A_1498] {strides = array<i32>} : memref<19x4x512xf32, #tpu.memory_space<vmem>>, vector<16xf32>,
        %get3A_1500 = arith.constant 11 : i32
        %get3A_1501 = arith.constant 3 : i32
        %get3A_1502 = arith.index_cast %get3A_1500 : i32 to index
        %get3A_1503 = arith.index_cast %get3A_1501 : i32 to index
        %get3A_1504 = arith.index_cast %mul3A_136 : i32 to index
        %get3A_1505 = tpu.vector_load %arg5[%get3A_1502, %get3A_1503, %get3A_1504] {strides = array<i32>} : memref<19x4x512xf32, #tpu.memory_space<vmem>>, vector<16xf32>,
        %get3A_1506 = arith.constant 12 : i32
        %get3A_1507 = arith.constant 3 : i32
        %get3A_1508 = arith.index_cast %get3A_1506 : i32 to index
        %get3A_1509 = arith.index_cast %get3A_1507 : i32 to index
        %get3A_1510 = arith.index_cast %mul3A_136 : i32 to index
        %get3A_1511 = tpu.vector_load %arg5[%get3A_1508, %get3A_1509, %get3A_1510] {strides = array<i32>} : memref<19x4x512xf32, #tpu.memory_space<vmem>>, vector<16xf32>,
        %get3A_1512 = arith.constant 13 : i32
        %get3A_1513 = arith.constant 3 : i32
        %get3A_1514 = arith.index_cast %get3A_1512 : i32 to index
        %get3A_1515 = arith.index_cast %get3A_1513 : i32 to index
        %get3A_1516 = arith.index_cast %mul3A_136 : i32 to index
        %get3A_1517 = tpu.vector_load %arg5[%get3A_1514, %get3A_1515, %get3A_1516] {strides = array<i32>} : memref<19x4x512xf32, #tpu.memory_space<vmem>>, vector<16xf32>,
        %get3A_1518 = arith.constant 14 : i32
        %get3A_1519 = arith.constant 3 : i32
        %get3A_1520 = arith.index_cast %get3A_1518 : i32 to index
        %get3A_1521 = arith.index_cast %get3A_1519 : i32 to index
        %get3A_1522 = arith.index_cast %mul3A_136 : i32 to index
        %get3A_1523 = tpu.vector_load %arg5[%get3A_1520, %get3A_1521, %get3A_1522] {strides = array<i32>} : memref<19x4x512xf32, #tpu.memory_space<vmem>>, vector<16xf32>,
        %get3A_1524 = arith.constant 15 : i32
        %get3A_1525 = arith.constant 3 : i32
        %get3A_1526 = arith.index_cast %get3A_1524 : i32 to index
        %get3A_1527 = arith.index_cast %get3A_1525 : i32 to index
        %get3A_1528 = arith.index_cast %mul3A_136 : i32 to index
        %get3A_1529 = tpu.vector_load %arg5[%get3A_1526, %get3A_1527, %get3A_1528] {strides = array<i32>} : memref<19x4x512xf32, #tpu.memory_space<vmem>>, vector<16xf32>,
        %get3A_1530 = arith.constant 16 : i32
        %get3A_1531 = arith.constant 3 : i32
        %get3A_1532 = arith.index_cast %get3A_1530 : i32 to index
        %get3A_1533 = arith.index_cast %get3A_1531 : i32 to index
        %get3A_1534 = arith.index_cast %mul3A_136 : i32 to index
        %get3A_1535 = tpu.vector_load %arg5[%get3A_1532, %get3A_1533, %get3A_1534] {strides = array<i32>} : memref<19x4x512xf32, #tpu.memory_space<vmem>>, vector<16xf32>,
        %get3A_1536 = arith.constant 17 : i32
        %get3A_1537 = arith.constant 3 : i32
        %get3A_1538 = arith.index_cast %get3A_1536 : i32 to index
        %get3A_1539 = arith.index_cast %get3A_1537 : i32 to index
        %get3A_1540 = arith.index_cast %mul3A_136 : i32 to index
        %get3A_1541 = tpu.vector_load %arg5[%get3A_1538, %get3A_1539, %get3A_1540] {strides = array<i32>} : memref<19x4x512xf32, #tpu.memory_space<vmem>>, vector<16xf32>,
        %get3A_1542 = arith.constant 18 : i32
        %get3A_1543 = arith.constant 3 : i32
        %get3A_1544 = arith.index_cast %get3A_1542 : i32 to index
        %get3A_1545 = arith.index_cast %get3A_1543 : i32 to index
        %get3A_1546 = arith.index_cast %mul3A_136 : i32 to index
        %get3A_1547 = tpu.vector_load %arg5[%get3A_1544, %get3A_1545, %get3A_1546] {strides = array<i32>} : memref<19x4x512xf32, #tpu.memory_space<vmem>>, vector<16xf32>,
        %add3A_1548 = arith.addf %get3A_1439, %get3A_1445 : vector<16xf32>
        %add3A_1549 = arith.addf %get3A_1451, %get3A_1457 : vector<16xf32>
        %add3A_1550 = arith.addf %get3A_1463, %get3A_1469 : vector<16xf32>
        %add3A_1551 = arith.addf %get3A_1475, %get3A_1481 : vector<16xf32>
        %add3A_1552 = arith.addf %get3A_1487, %get3A_1493 : vector<16xf32>
        %add3A_1553 = arith.addf %get3A_1499, %get3A_1505 : vector<16xf32>
        %add3A_1554 = arith.addf %get3A_1511, %get3A_1517 : vector<16xf32>
        %add3A_1555 = arith.addf %get3A_1523, %get3A_1529 : vector<16xf32>
        %add3A_1556 = arith.addf %get3A_1535, %get3A_1541 : vector<16xf32>
        %add3A_1557 = arith.addf %add3A_1548, %add3A_1549 : vector<16xf32>
        %add3A_1558 = arith.addf %add3A_1550, %add3A_1551 : vector<16xf32>
        %add3A_1559 = arith.addf %add3A_1552, %add3A_1553 : vector<16xf32>
        %add3A_1560 = arith.addf %add3A_1554, %add3A_1555 : vector<16xf32>
        %add3A_1561 = arith.addf %add3A_1556, %get3A_1547 : vector<16xf32>
        %add3A_1562 = arith.addf %add3A_1557, %add3A_1558 : vector<16xf32>
        %add3A_1563 = arith.addf %add3A_1559, %add3A_1560 : vector<16xf32>
        %add3A_1564 = arith.addf %add3A_1562, %add3A_1563 : vector<16xf32>
        %add3A_1565 = arith.addf %add3A_1564, %add3A_1561 : vector<16xf32>
        %mul3A_1566 = arith.constant 0.999989449 : f32
        %mul3A_1567 = vector.broadcast %mul3A_1566 : f32 to vector<16xf32>
        %mul3A_1568 = arith.mulf %mul3A_1567, %gather3A_1433 : vector<16xf32>
        %mul3A_1569 = arith.constant 5.55555573E-7 : f32
        %mul3A_1570 = vector.broadcast %mul3A_1569 : f32 to vector<16xf32>
        %mul3A_1571 = arith.mulf %mul3A_1570, %add3A_1565 : vector<16xf32>
        %add3A_1572 = arith.constant 9.99999974E-6 : f32
        %add3A_1573 = vector.broadcast %add3A_1572 : f32 to vector<16xf32>
        %add3A_1574 = arith.addf %mul3A_1571, %add3A_1573 : vector<16xf32>
        %add3A_1575 = arith.addf %mul3A_1568, %add3A_1574 : vector<16xf32>
        %sub3A_1576 = arith.constant 1.000000e+00 : f32
        %sub3A_1577 = vector.broadcast %sub3A_1576 : f32 to vector<16xf32>
        %sub3A_1578 = arith.subf %sub3A_1577, %add3A_1575 : vector<16xf32>
        %mul3A_1579 = arith.mulf %sub3A_1578, %sub3A_1578 : vector<16xf32>
        %bitcast3A_1580 = vector.bitcast %add3A_1575 : vector<16xf32> to vector<16xi32>
        %shift_right_arithmetic3A_1581 = arith.constant 23 : i32
        %shift_right_arithmetic3A_1582 = vector.broadcast %shift_right_arithmetic3A_1581 : i32 to vector<16xi32>
        %shift_right_arithmetic3A_1583 = arith.shrsi %bitcast3A_1580, %shift_right_arithmetic3A_1582 : vector<16xi32>
        %sub3A_1584 = arith.constant 127 : i32
        %sub3A_1585 = vector.broadcast %sub3A_1584 : i32 to vector<16xi32>
        %sub3A_1586 = arith.subi %shift_right_arithmetic3A_1583, %sub3A_1585 : vector<16xi32>
        %and3A_1587 = arith.constant 8388607 : i32
        %and3A_1588 = vector.broadcast %and3A_1587 : i32 to vector<16xi32>
        %and3A_1589 = arith.andi %bitcast3A_1580, %and3A_1588 : vector<16xi32>
        %or3A_1590 = arith.constant 1065353216 : i32
        %or3A_1591 = vector.broadcast %or3A_1590 : i32 to vector<16xi32>
        %or3A_1592 = arith.ori %and3A_1589, %or3A_1591 : vector<16xi32>
        %bitcast3A_1593 = vector.bitcast %or3A_1592 : vector<16xi32> to vector<16xf32>
        %gt3A_1594 = arith.constant 1.41421354 : f32
        %gt3A_1595 = vector.broadcast %gt3A_1594 : f32 to vector<16xf32>
        %gt3A_1596 = arith.cmpf ogt, %bitcast3A_1593, %gt3A_1595 : vector<16xf32>
        %mul3A_1597 = arith.constant 5.000000e-01 : f32
        %mul3A_1598 = vector.broadcast %mul3A_1597 : f32 to vector<16xf32>
        %mul3A_1599 = arith.mulf %bitcast3A_1593, %mul3A_1598 : vector<16xf32>
        %select_n3A_1600 = arith.select %gt3A_1596, %mul3A_1599, %bitcast3A_1593 : vector<16xi1>, vector<16xf32>
        %add3A_1601 = arith.constant 1 : i32
        %add3A_1602 = vector.broadcast %add3A_1601 : i32 to vector<16xi32>
        %add3A_1603 = arith.addi %sub3A_1586, %add3A_1602 : vector<16xi32>
        %select_n3A_1604 = arith.select %gt3A_1596, %add3A_1603, %sub3A_1586 : vector<16xi1>, vector<16xi32>
        %sub3A_1605 = arith.constant 1.000000e+00 : f32
        %sub3A_1606 = vector.broadcast %sub3A_1605 : f32 to vector<16xf32>
        %sub3A_1607 = arith.subf %select_n3A_1600, %sub3A_1606 : vector<16xf32>
        %add3A_1608 = arith.constant 1.000000e+00 : f32
        %add3A_1609 = vector.broadcast %add3A_1608 : f32 to vector<16xf32>
        %add3A_1610 = arith.addf %select_n3A_1600, %add3A_1609 : vector<16xf32>
        %div3A_1611 = arith.divf %sub3A_1607, %add3A_1610 : vector<16xf32>
        %mul3A_1612 = arith.mulf %div3A_1611, %div3A_1611 : vector<16xf32>
        %mul3A_1613 = arith.constant 0.285714298 : f32
        %mul3A_1614 = vector.broadcast %mul3A_1613 : f32 to vector<16xf32>
        %mul3A_1615 = arith.mulf %mul3A_1612, %mul3A_1614 : vector<16xf32>
        %add3A_1616 = arith.constant 4.000000e-01 : f32
        %add3A_1617 = vector.broadcast %add3A_1616 : f32 to vector<16xf32>
        %add3A_1618 = arith.addf %add3A_1617, %mul3A_1615 : vector<16xf32>
        %mul3A_1619 = arith.mulf %mul3A_1612, %add3A_1618 : vector<16xf32>
        %add3A_1620 = arith.constant 0.666666686 : f32
        %add3A_1621 = vector.broadcast %add3A_1620 : f32 to vector<16xf32>
        %add3A_1622 = arith.addf %add3A_1621, %mul3A_1619 : vector<16xf32>
        %mul3A_1623 = arith.mulf %mul3A_1612, %add3A_1622 : vector<16xf32>
        %add3A_1624 = arith.constant 2.000000e+00 : f32
        %add3A_1625 = vector.broadcast %add3A_1624 : f32 to vector<16xf32>
        %add3A_1626 = arith.addf %add3A_1625, %mul3A_1623 : vector<16xf32>
        %convert_element_type3A_1627 = arith.sitofp %select_n3A_1604 : vector<16xi32> to vector<16xf32>
        %mul3A_1628 = arith.constant 0.693147182 : f32
        %mul3A_1629 = vector.broadcast %mul3A_1628 : f32 to vector<16xf32>
        %mul3A_1630 = arith.mulf %convert_element_type3A_1627, %mul3A_1629 : vector<16xf32>
        %mul3A_1631 = arith.mulf %div3A_1611, %add3A_1626 : vector<16xf32>
        %add3A_1632 = arith.addf %mul3A_1630, %mul3A_1631 : vector<16xf32>
        %mul3A_1633 = arith.mulf %mul3A_1579, %add3A_1632 : vector<16xf32>
        %add3A_1634 = arith.addf %add3A_1420, %mul3A_1633 : vector<16xf32>
        %add3A_1635 = arith.constant 16 : i32
        %add3A_1636 = arith.addi %mul3A_136, %add3A_1635 : i32
        %get3A_1637 = arith.constant 3 : i32
        %get3A_1638 = arith.index_cast %get3A_1637 : i32 to index
        %get3A_1639 = arith.index_cast %add3A_1636 : i32 to index
        %get3A_1640 = tpu.vector_load %arg7[%get3A_1638, %get3A_1639] {strides = array<i32>} : memref<4x512xi32, #tpu.memory_space<vmem>>, vector<16xi32>,
        %mul3A_1641 = arith.constant 0 : i32
        %mul3A_1642 = vector.broadcast %mul3A_1641 : i32 to vector<16xi32>
        %mul3A_1643 = arith.muli %iota3A, %mul3A_1642 : vector<16xi32>
        %add3A_1644 = arith.constant 3 : i32
        %add3A_1645 = vector.broadcast %add3A_1644 : i32 to vector<16xi32>
        %add3A_1646 = arith.addi %mul3A_1643, %add3A_1645 : vector<16xi32>
        %add3A_1647 = vector.broadcast %add3A_1636 : i32 to vector<16xi32>
        %add3A_1648 = arith.addi %iota3A, %add3A_1647 : vector<16xi32>
        %gather3A_1649 = tpu.vector_load_idx %arg5[%get3A_1640, %add3A_1646, %add3A_1648] : memref<19x4x512xf32, #tpu.memory_space<vmem>>[vector<16xi32>, vector<16xi32>, vector<16xi32>], vector<16xf32>,
        %get3A_1650 = arith.constant 0 : i32
        %get3A_1651 = arith.constant 3 : i32
        %get3A_1652 = arith.index_cast %get3A_1650 : i32 to index
        %get3A_1653 = arith.index_cast %get3A_1651 : i32 to index
        %get3A_1654 = arith.index_cast %add3A_1636 : i32 to index
        %get3A_1655 = tpu.vector_load %arg5[%get3A_1652, %get3A_1653, %get3A_1654] {strides = array<i32>} : memref<19x4x512xf32, #tpu.memory_space<vmem>>, vector<16xf32>,
        %get3A_1656 = arith.constant 1 : i32
        %get3A_1657 = arith.constant 3 : i32
        %get3A_1658 = arith.index_cast %get3A_1656 : i32 to index
        %get3A_1659 = arith.index_cast %get3A_1657 : i32 to index
        %get3A_1660 = arith.index_cast %add3A_1636 : i32 to index
        %get3A_1661 = tpu.vector_load %arg5[%get3A_1658, %get3A_1659, %get3A_1660] {strides = array<i32>} : memref<19x4x512xf32, #tpu.memory_space<vmem>>, vector<16xf32>,
        %get3A_1662 = arith.constant 2 : i32
        %get3A_1663 = arith.constant 3 : i32
        %get3A_1664 = arith.index_cast %get3A_1662 : i32 to index
        %get3A_1665 = arith.index_cast %get3A_1663 : i32 to index
        %get3A_1666 = arith.index_cast %add3A_1636 : i32 to index
        %get3A_1667 = tpu.vector_load %arg5[%get3A_1664, %get3A_1665, %get3A_1666] {strides = array<i32>} : memref<19x4x512xf32, #tpu.memory_space<vmem>>, vector<16xf32>,
        %get3A_1668 = arith.constant 3 : i32
        %get3A_1669 = arith.constant 3 : i32
        %get3A_1670 = arith.index_cast %get3A_1668 : i32 to index
        %get3A_1671 = arith.index_cast %get3A_1669 : i32 to index
        %get3A_1672 = arith.index_cast %add3A_1636 : i32 to index
        %get3A_1673 = tpu.vector_load %arg5[%get3A_1670, %get3A_1671, %get3A_1672] {strides = array<i32>} : memref<19x4x512xf32, #tpu.memory_space<vmem>>, vector<16xf32>,
        %get3A_1674 = arith.constant 4 : i32
        %get3A_1675 = arith.constant 3 : i32
        %get3A_1676 = arith.index_cast %get3A_1674 : i32 to index
        %get3A_1677 = arith.index_cast %get3A_1675 : i32 to index
        %get3A_1678 = arith.index_cast %add3A_1636 : i32 to index
        %get3A_1679 = tpu.vector_load %arg5[%get3A_1676, %get3A_1677, %get3A_1678] {strides = array<i32>} : memref<19x4x512xf32, #tpu.memory_space<vmem>>, vector<16xf32>,
        %get3A_1680 = arith.constant 5 : i32
        %get3A_1681 = arith.constant 3 : i32
        %get3A_1682 = arith.index_cast %get3A_1680 : i32 to index
        %get3A_1683 = arith.index_cast %get3A_1681 : i32 to index
        %get3A_1684 = arith.index_cast %add3A_1636 : i32 to index
        %get3A_1685 = tpu.vector_load %arg5[%get3A_1682, %get3A_1683, %get3A_1684] {strides = array<i32>} : memref<19x4x512xf32, #tpu.memory_space<vmem>>, vector<16xf32>,
        %get3A_1686 = arith.constant 6 : i32
        %get3A_1687 = arith.constant 3 : i32
        %get3A_1688 = arith.index_cast %get3A_1686 : i32 to index
        %get3A_1689 = arith.index_cast %get3A_1687 : i32 to index
        %get3A_1690 = arith.index_cast %add3A_1636 : i32 to index
        %get3A_1691 = tpu.vector_load %arg5[%get3A_1688, %get3A_1689, %get3A_1690] {strides = array<i32>} : memref<19x4x512xf32, #tpu.memory_space<vmem>>, vector<16xf32>,
        %get3A_1692 = arith.constant 7 : i32
        %get3A_1693 = arith.constant 3 : i32
        %get3A_1694 = arith.index_cast %get3A_1692 : i32 to index
        %get3A_1695 = arith.index_cast %get3A_1693 : i32 to index
        %get3A_1696 = arith.index_cast %add3A_1636 : i32 to index
        %get3A_1697 = tpu.vector_load %arg5[%get3A_1694, %get3A_1695, %get3A_1696] {strides = array<i32>} : memref<19x4x512xf32, #tpu.memory_space<vmem>>, vector<16xf32>,
        %get3A_1698 = arith.constant 8 : i32
        %get3A_1699 = arith.constant 3 : i32
        %get3A_1700 = arith.index_cast %get3A_1698 : i32 to index
        %get3A_1701 = arith.index_cast %get3A_1699 : i32 to index
        %get3A_1702 = arith.index_cast %add3A_1636 : i32 to index
        %get3A_1703 = tpu.vector_load %arg5[%get3A_1700, %get3A_1701, %get3A_1702] {strides = array<i32>} : memref<19x4x512xf32, #tpu.memory_space<vmem>>, vector<16xf32>,
        %get3A_1704 = arith.constant 9 : i32
        %get3A_1705 = arith.constant 3 : i32
        %get3A_1706 = arith.index_cast %get3A_1704 : i32 to index
        %get3A_1707 = arith.index_cast %get3A_1705 : i32 to index
        %get3A_1708 = arith.index_cast %add3A_1636 : i32 to index
        %get3A_1709 = tpu.vector_load %arg5[%get3A_1706, %get3A_1707, %get3A_1708] {strides = array<i32>} : memref<19x4x512xf32, #tpu.memory_space<vmem>>, vector<16xf32>,
        %get3A_1710 = arith.constant 10 : i32
        %get3A_1711 = arith.constant 3 : i32
        %get3A_1712 = arith.index_cast %get3A_1710 : i32 to index
        %get3A_1713 = arith.index_cast %get3A_1711 : i32 to index
        %get3A_1714 = arith.index_cast %add3A_1636 : i32 to index
        %get3A_1715 = tpu.vector_load %arg5[%get3A_1712, %get3A_1713, %get3A_1714] {strides = array<i32>} : memref<19x4x512xf32, #tpu.memory_space<vmem>>, vector<16xf32>,
        %get3A_1716 = arith.constant 11 : i32
        %get3A_1717 = arith.constant 3 : i32
        %get3A_1718 = arith.index_cast %get3A_1716 : i32 to index
        %get3A_1719 = arith.index_cast %get3A_1717 : i32 to index
        %get3A_1720 = arith.index_cast %add3A_1636 : i32 to index
        %get3A_1721 = tpu.vector_load %arg5[%get3A_1718, %get3A_1719, %get3A_1720] {strides = array<i32>} : memref<19x4x512xf32, #tpu.memory_space<vmem>>, vector<16xf32>,
        %get3A_1722 = arith.constant 12 : i32
        %get3A_1723 = arith.constant 3 : i32
        %get3A_1724 = arith.index_cast %get3A_1722 : i32 to index
        %get3A_1725 = arith.index_cast %get3A_1723 : i32 to index
        %get3A_1726 = arith.index_cast %add3A_1636 : i32 to index
        %get3A_1727 = tpu.vector_load %arg5[%get3A_1724, %get3A_1725, %get3A_1726] {strides = array<i32>} : memref<19x4x512xf32, #tpu.memory_space<vmem>>, vector<16xf32>,
        %get3A_1728 = arith.constant 13 : i32
        %get3A_1729 = arith.constant 3 : i32
        %get3A_1730 = arith.index_cast %get3A_1728 : i32 to index
        %get3A_1731 = arith.index_cast %get3A_1729 : i32 to index
        %get3A_1732 = arith.index_cast %add3A_1636 : i32 to index
        %get3A_1733 = tpu.vector_load %arg5[%get3A_1730, %get3A_1731, %get3A_1732] {strides = array<i32>} : memref<19x4x512xf32, #tpu.memory_space<vmem>>, vector<16xf32>,
        %get3A_1734 = arith.constant 14 : i32
        %get3A_1735 = arith.constant 3 : i32
        %get3A_1736 = arith.index_cast %get3A_1734 : i32 to index
        %get3A_1737 = arith.index_cast %get3A_1735 : i32 to index
        %get3A_1738 = arith.index_cast %add3A_1636 : i32 to index
        %get3A_1739 = tpu.vector_load %arg5[%get3A_1736, %get3A_1737, %get3A_1738] {strides = array<i32>} : memref<19x4x512xf32, #tpu.memory_space<vmem>>, vector<16xf32>,
        %get3A_1740 = arith.constant 15 : i32
        %get3A_1741 = arith.constant 3 : i32
        %get3A_1742 = arith.index_cast %get3A_1740 : i32 to index
        %get3A_1743 = arith.index_cast %get3A_1741 : i32 to index
        %get3A_1744 = arith.index_cast %add3A_1636 : i32 to index
        %get3A_1745 = tpu.vector_load %arg5[%get3A_1742, %get3A_1743, %get3A_1744] {strides = array<i32>} : memref<19x4x512xf32, #tpu.memory_space<vmem>>, vector<16xf32>,
        %get3A_1746 = arith.constant 16 : i32
        %get3A_1747 = arith.constant 3 : i32
        %get3A_1748 = arith.index_cast %get3A_1746 : i32 to index
        %get3A_1749 = arith.index_cast %get3A_1747 : i32 to index
        %get3A_1750 = arith.index_cast %add3A_1636 : i32 to index
        %get3A_1751 = tpu.vector_load %arg5[%get3A_1748, %get3A_1749, %get3A_1750] {strides = array<i32>} : memref<19x4x512xf32, #tpu.memory_space<vmem>>, vector<16xf32>,
        %get3A_1752 = arith.constant 17 : i32
        %get3A_1753 = arith.constant 3 : i32
        %get3A_1754 = arith.index_cast %get3A_1752 : i32 to index
        %get3A_1755 = arith.index_cast %get3A_1753 : i32 to index
        %get3A_1756 = arith.index_cast %add3A_1636 : i32 to index
        %get3A_1757 = tpu.vector_load %arg5[%get3A_1754, %get3A_1755, %get3A_1756] {strides = array<i32>} : memref<19x4x512xf32, #tpu.memory_space<vmem>>, vector<16xf32>,
        %get3A_1758 = arith.constant 18 : i32
        %get3A_1759 = arith.constant 3 : i32
        %get3A_1760 = arith.index_cast %get3A_1758 : i32 to index
        %get3A_1761 = arith.index_cast %get3A_1759 : i32 to index
        %get3A_1762 = arith.index_cast %add3A_1636 : i32 to index
        %get3A_1763 = tpu.vector_load %arg5[%get3A_1760, %get3A_1761, %get3A_1762] {strides = array<i32>} : memref<19x4x512xf32, #tpu.memory_space<vmem>>, vector<16xf32>,
        %add3A_1764 = arith.addf %get3A_1655, %get3A_1661 : vector<16xf32>
        %add3A_1765 = arith.addf %get3A_1667, %get3A_1673 : vector<16xf32>
        %add3A_1766 = arith.addf %get3A_1679, %get3A_1685 : vector<16xf32>
        %add3A_1767 = arith.addf %get3A_1691, %get3A_1697 : vector<16xf32>
        %add3A_1768 = arith.addf %get3A_1703, %get3A_1709 : vector<16xf32>
        %add3A_1769 = arith.addf %get3A_1715, %get3A_1721 : vector<16xf32>
        %add3A_1770 = arith.addf %get3A_1727, %get3A_1733 : vector<16xf32>
        %add3A_1771 = arith.addf %get3A_1739, %get3A_1745 : vector<16xf32>
        %add3A_1772 = arith.addf %get3A_1751, %get3A_1757 : vector<16xf32>
        %add3A_1773 = arith.addf %add3A_1764, %add3A_1765 : vector<16xf32>
        %add3A_1774 = arith.addf %add3A_1766, %add3A_1767 : vector<16xf32>
        %add3A_1775 = arith.addf %add3A_1768, %add3A_1769 : vector<16xf32>
        %add3A_1776 = arith.addf %add3A_1770, %add3A_1771 : vector<16xf32>
        %add3A_1777 = arith.addf %add3A_1772, %get3A_1763 : vector<16xf32>
        %add3A_1778 = arith.addf %add3A_1773, %add3A_1774 : vector<16xf32>
        %add3A_1779 = arith.addf %add3A_1775, %add3A_1776 : vector<16xf32>
        %add3A_1780 = arith.addf %add3A_1778, %add3A_1779 : vector<16xf32>
        %add3A_1781 = arith.addf %add3A_1780, %add3A_1777 : vector<16xf32>
        %mul3A_1782 = arith.constant 0.999989449 : f32
        %mul3A_1783 = vector.broadcast %mul3A_1782 : f32 to vector<16xf32>
        %mul3A_1784 = arith.mulf %mul3A_1783, %gather3A_1649 : vector<16xf32>
        %mul3A_1785 = arith.constant 5.55555573E-7 : f32
        %mul3A_1786 = vector.broadcast %mul3A_1785 : f32 to vector<16xf32>
        %mul3A_1787 = arith.mulf %mul3A_1786, %add3A_1781 : vector<16xf32>
        %add3A_1788 = arith.constant 9.99999974E-6 : f32
        %add3A_1789 = vector.broadcast %add3A_1788 : f32 to vector<16xf32>
        %add3A_1790 = arith.addf %mul3A_1787, %add3A_1789 : vector<16xf32>
        %add3A_1791 = arith.addf %mul3A_1784, %add3A_1790 : vector<16xf32>
        %sub3A_1792 = arith.constant 1.000000e+00 : f32
        %sub3A_1793 = vector.broadcast %sub3A_1792 : f32 to vector<16xf32>
        %sub3A_1794 = arith.subf %sub3A_1793, %add3A_1791 : vector<16xf32>
        %mul3A_1795 = arith.mulf %sub3A_1794, %sub3A_1794 : vector<16xf32>
        %bitcast3A_1796 = vector.bitcast %add3A_1791 : vector<16xf32> to vector<16xi32>
        %shift_right_arithmetic3A_1797 = arith.constant 23 : i32
        %shift_right_arithmetic3A_1798 = vector.broadcast %shift_right_arithmetic3A_1797 : i32 to vector<16xi32>
        %shift_right_arithmetic3A_1799 = arith.shrsi %bitcast3A_1796, %shift_right_arithmetic3A_1798 : vector<16xi32>
        %sub3A_1800 = arith.constant 127 : i32
        %sub3A_1801 = vector.broadcast %sub3A_1800 : i32 to vector<16xi32>
        %sub3A_1802 = arith.subi %shift_right_arithmetic3A_1799, %sub3A_1801 : vector<16xi32>
        %and3A_1803 = arith.constant 8388607 : i32
        %and3A_1804 = vector.broadcast %and3A_1803 : i32 to vector<16xi32>
        %and3A_1805 = arith.andi %bitcast3A_1796, %and3A_1804 : vector<16xi32>
        %or3A_1806 = arith.constant 1065353216 : i32
        %or3A_1807 = vector.broadcast %or3A_1806 : i32 to vector<16xi32>
        %or3A_1808 = arith.ori %and3A_1805, %or3A_1807 : vector<16xi32>
        %bitcast3A_1809 = vector.bitcast %or3A_1808 : vector<16xi32> to vector<16xf32>
        %gt3A_1810 = arith.constant 1.41421354 : f32
        %gt3A_1811 = vector.broadcast %gt3A_1810 : f32 to vector<16xf32>
        %gt3A_1812 = arith.cmpf ogt, %bitcast3A_1809, %gt3A_1811 : vector<16xf32>
        %mul3A_1813 = arith.constant 5.000000e-01 : f32
        %mul3A_1814 = vector.broadcast %mul3A_1813 : f32 to vector<16xf32>
        %mul3A_1815 = arith.mulf %bitcast3A_1809, %mul3A_1814 : vector<16xf32>
        %select_n3A_1816 = arith.select %gt3A_1812, %mul3A_1815, %bitcast3A_1809 : vector<16xi1>, vector<16xf32>
        %add3A_1817 = arith.constant 1 : i32
        %add3A_1818 = vector.broadcast %add3A_1817 : i32 to vector<16xi32>
        %add3A_1819 = arith.addi %sub3A_1802, %add3A_1818 : vector<16xi32>
        %select_n3A_1820 = arith.select %gt3A_1812, %add3A_1819, %sub3A_1802 : vector<16xi1>, vector<16xi32>
        %sub3A_1821 = arith.constant 1.000000e+00 : f32
        %sub3A_1822 = vector.broadcast %sub3A_1821 : f32 to vector<16xf32>
        %sub3A_1823 = arith.subf %select_n3A_1816, %sub3A_1822 : vector<16xf32>
        %add3A_1824 = arith.constant 1.000000e+00 : f32
        %add3A_1825 = vector.broadcast %add3A_1824 : f32 to vector<16xf32>
        %add3A_1826 = arith.addf %select_n3A_1816, %add3A_1825 : vector<16xf32>
        %div3A_1827 = arith.divf %sub3A_1823, %add3A_1826 : vector<16xf32>
        %mul3A_1828 = arith.mulf %div3A_1827, %div3A_1827 : vector<16xf32>
        %mul3A_1829 = arith.constant 0.285714298 : f32
        %mul3A_1830 = vector.broadcast %mul3A_1829 : f32 to vector<16xf32>
        %mul3A_1831 = arith.mulf %mul3A_1828, %mul3A_1830 : vector<16xf32>
        %add3A_1832 = arith.constant 4.000000e-01 : f32
        %add3A_1833 = vector.broadcast %add3A_1832 : f32 to vector<16xf32>
        %add3A_1834 = arith.addf %add3A_1833, %mul3A_1831 : vector<16xf32>
        %mul3A_1835 = arith.mulf %mul3A_1828, %add3A_1834 : vector<16xf32>
        %add3A_1836 = arith.constant 0.666666686 : f32
        %add3A_1837 = vector.broadcast %add3A_1836 : f32 to vector<16xf32>
        %add3A_1838 = arith.addf %add3A_1837, %mul3A_1835 : vector<16xf32>
        %mul3A_1839 = arith.mulf %mul3A_1828, %add3A_1838 : vector<16xf32>
        %add3A_1840 = arith.constant 2.000000e+00 : f32
        %add3A_1841 = vector.broadcast %add3A_1840 : f32 to vector<16xf32>
        %add3A_1842 = arith.addf %add3A_1841, %mul3A_1839 : vector<16xf32>
        %convert_element_type3A_1843 = arith.sitofp %select_n3A_1820 : vector<16xi32> to vector<16xf32>
        %mul3A_1844 = arith.constant 0.693147182 : f32
        %mul3A_1845 = vector.broadcast %mul3A_1844 : f32 to vector<16xf32>
        %mul3A_1846 = arith.mulf %convert_element_type3A_1843, %mul3A_1845 : vector<16xf32>
        %mul3A_1847 = arith.mulf %div3A_1827, %add3A_1842 : vector<16xf32>
        %add3A_1848 = arith.addf %mul3A_1846, %mul3A_1847 : vector<16xf32>
        %mul3A_1849 = arith.mulf %mul3A_1795, %add3A_1848 : vector<16xf32>
        %add3A_1850 = arith.addf %add3A_1634, %mul3A_1849 : vector<16xf32>
        scf.yield %add3A_1850 : vector<16xf32>
      }
      %scan3A_94 = arith.constant 16 : i32
      %mul3A_95 = arith.constant 2 : i32
      %mul3A_96 = arith.muli %scan3A_58, %mul3A_95 : i32
      %add3A_97 = arith.constant 1 : i32
      %add3A_98 = arith.addi %mul3A_96, %add3A_97 : i32
      %add3A_99 = arith.constant 1 : i32
      %add3A_100 = arith.addi %add3A_98, %add3A_99 : i32
      %lt3A_101 = arith.constant 32 : i32
      %lt3A_102 = arith.cmpi slt, %add3A_100, %lt3A_101 : i32
      %convert_element_type3A_103 = arith.extui %lt3A_102 : i1 to i32
      %cond3A_104 = arith.constant 0 : i32
      %cond3A_105 = arith.cmpi ne, %convert_element_type3A_103, %cond3A_104 : i32
      scf.if %cond3A_105 {
        %add3A_133 = arith.constant 1 : i32
        %add3A_134 = arith.addi %add3A_98, %add3A_133 : i32
        %mul3A_135 = arith.constant 32 : i32
        %mul3A_136 = arith.muli %add3A, %mul3A_135 : i32
        %add3A_137 = arith.addi %mul3A_136, %add3A_134 : i32
        %jit3A_138 = arith.constant 128 : i32
        %div3A_139 = arith.divsi %add3A_137, %jit3A_138 : i32
        %sign3A_140 = arith.constant 0 : i32
        %sign3A_141 = arith.cmpi sgt, %add3A_137, %sign3A_140 : i32
        %sign3A_142 = arith.extui %sign3A_141 : i1 to i32
        %sign3A_143 = arith.constant 0 : i32
        %sign3A_144 = arith.cmpi slt, %add3A_137, %sign3A_143 : i32
        %sign3A_145 = arith.extui %sign3A_144 : i1 to i32
        %sign3A_146 = arith.subi %sign3A_142, %sign3A_145 : i32
        %sign3A_147 = arith.constant 0 : i32
        %sign3A_148 = arith.cmpi sgt, %jit3A_138, %sign3A_147 : i32
        %sign3A_149 = arith.extui %sign3A_148 : i1 to i32
        %sign3A_150 = arith.constant 0 : i32
        %sign3A_151 = arith.cmpi slt, %jit3A_138, %sign3A_150 : i32
        %sign3A_152 = arith.extui %sign3A_151 : i1 to i32
        %sign3A_153 = arith.subi %sign3A_149, %sign3A_152 : i32
        %ne3A_154 = arith.cmpi ne, %sign3A_146, %sign3A_153 : i32
        %rem3A_155 = arith.remsi %add3A_137, %jit3A_138 : i32
        %ne3A_156 = arith.constant 0 : i32
        %ne3A_157 = arith.cmpi ne, %rem3A_155, %ne3A_156 : i32
        %and3A_158 = arith.andi %ne3A_154, %ne3A_157 : i1
        %sub3A_159 = arith.constant 1 : i32
        %sub3A_160 = arith.subi %div3A_139, %sub3A_159 : i32
        %select_n3A_161 = arith.select %and3A_158, %sub3A_160, %div3A_139 : i32
        %jit3A_162 = arith.constant 128 : i32
        %eq3A_163 = arith.constant 0 : i32
        %eq3A_164 = arith.cmpi eq, %jit3A_162, %eq3A_163 : i32
        %jit3A_165 = arith.constant 1 : i32
        %select_n3A_166 = arith.select %eq3A_164, %jit3A_165, %jit3A_162 : i32
        %rem3A_167 = arith.remsi %add3A_137, %select_n3A_166 : i32
        %ne3A_168 = arith.constant 0 : i32
        %ne3A_169 = arith.cmpi ne, %rem3A_167, %ne3A_168 : i32
        %lt3A_170 = arith.constant 0 : i32
        %lt3A_171 = arith.cmpi slt, %rem3A_167, %lt3A_170 : i32
        %lt3A_172 = arith.constant 0 : i32
        %lt3A_173 = arith.cmpi slt, %select_n3A_166, %lt3A_172 : i32
        %ne3A_174 = arith.xori %lt3A_171, %lt3A_173 : i1
        %and3A_175 = arith.andi %ne3A_174, %ne3A_169 : i1
        %add3A_176 = arith.addi %rem3A_167, %select_n3A_166 : i32
        %select_n3A_177 = arith.select %and3A_175, %add3A_176, %rem3A_167 : i32
        %mul3A_178 = arith.constant 4 : i32
        %mul3A_179 = arith.muli %select_n3A_177, %mul3A_178 : i32
        %dma_start3A_180 = arith.constant 0 : i32
        %dma_start3A_181 = arith.constant 0 : i32
        %dma_start3A_182 = tpu.memref_slice %arg2[%select_n3A_161, %dma_start3A_180, %mul3A_179, %dma_start3A_181] : memref<8x19x512x512xf32, #tpu.memory_space<hbm>> -> memref<1x19x4x512xf32, #tpu.memory_space<hbm>>
        %dma_start3A_183 = tpu.memref_squeeze %dma_start3A_182 : memref<1x19x4x512xf32, #tpu.memory_space<hbm>> -> memref<19x4x512xf32, #tpu.memory_space<hbm>>
        %dma_start3A_184 = arith.constant 0 : i32
        %dma_start3A_185 = arith.constant 0 : i32
        %dma_start3A_186 = tpu.memref_slice %arg2[%select_n3A_161, %dma_start3A_184, %mul3A_179, %dma_start3A_185] : memref<8x19x512x512xf32, #tpu.memory_space<hbm>> -> memref<1x19x4x512xf32, #tpu.memory_space<hbm>>
        %dma_start3A_187 = tpu.memref_squeeze %dma_start3A_186 : memref<1x19x4x512xf32, #tpu.memory_space<hbm>> -> memref<19x4x512xf32, #tpu.memory_space<hbm>>
        tpu.enqueue_dma source(%dma_start3A_187 : memref<19x4x512xf32, #tpu.memory_space<hbm>>) target(%arg5 : memref<19x4x512xf32, #tpu.memory_space<vmem>>) target_semaphore(%arg10 : memref<!tpu.dma_semaphore, #tpu.memory_space<semaphore_mem>>)
        %dma_start3A_188 = arith.constant 0 : i32
        %dma_start3A_189 = arith.constant 0 : i32
        %dma_start3A_190 = tpu.memref_slice %arg3[%select_n3A_161, %dma_start3A_188, %mul3A_179, %dma_start3A_189] : memref<8x1x512x512xi32, #tpu.memory_space<hbm>> -> memref<1x1x4x512xi32, #tpu.memory_space<hbm>>
        %dma_start3A_191 = tpu.memref_squeeze %dma_start3A_190 : memref<1x1x4x512xi32, #tpu.memory_space<hbm>> -> memref<4x512xi32, #tpu.memory_space<hbm>>
        %dma_start3A_192 = arith.constant 0 : i32
        %dma_start3A_193 = tpu.memref_slice %arg3[%select_n3A_161, %dma_start3A_188, %mul3A_179, %dma_start3A_192] : memref<8x1x512x512xi32, #tpu.memory_space<hbm>> -> memref<1x1x4x512xi32, #tpu.memory_space<hbm>>
        %dma_start3A_194 = tpu.memref_squeeze %dma_start3A_193 : memref<1x1x4x512xi32, #tpu.memory_space<hbm>> -> memref<4x512xi32, #tpu.memory_space<hbm>>
        tpu.enqueue_dma source(%dma_start3A_194 : memref<4x512xi32, #tpu.memory_space<hbm>>) target(%arg7 : memref<4x512xi32, #tpu.memory_space<vmem>>) target_semaphore(%arg10 : memref<!tpu.dma_semaphore, #tpu.memory_space<semaphore_mem>>)
      } else {
      }
      %dma_wait3A_106 = arith.constant 0 : i32
      %dma_wait3A_107 = arith.constant 0 : i32
      %dma_wait3A_108 = arith.constant 0 : i32
      %dma_wait3A_109 = arith.constant 0 : i32
      %dma_wait3A_110 = tpu.memref_slice %arg2[%dma_wait3A_106, %dma_wait3A_107, %dma_wait3A_108, %dma_wait3A_109] : memref<8x19x512x512xf32, #tpu.memory_space<hbm>> -> memref<1x19x4x512xf32, #tpu.memory_space<hbm>>
      %dma_wait3A_111 = tpu.memref_squeeze %dma_wait3A_110 : memref<1x19x4x512xf32, #tpu.memory_space<hbm>> -> memref<19x4x512xf32, #tpu.memory_space<hbm>>
      %dma_wait3A_112 = arith.constant 0 : i32
      %dma_wait3A_113 = arith.constant 0 : i32
      %dma_wait3A_114 = arith.constant 0 : i32
      %dma_wait3A_115 = tpu.memref_slice %arg2[%dma_wait3A_106, %dma_wait3A_112, %dma_wait3A_113, %dma_wait3A_114] : memref<8x19x512x512xf32, #tpu.memory_space<hbm>> -> memref<1x19x4x512xf32, #tpu.memory_space<hbm>>
      %dma_wait3A_116 = tpu.memref_squeeze %dma_wait3A_115 : memref<1x19x4x512xf32, #tpu.memory_space<hbm>> -> memref<19x4x512xf32, #tpu.memory_space<hbm>>
      tpu.wait_dma2 semaphore(%arg11 : memref<!tpu.dma_semaphore, #tpu.memory_space<semaphore_mem>>) src(%dma_wait3A_116 : memref<19x4x512xf32, #tpu.memory_space<hbm>>) dst(%arg6 : memref<19x4x512xf32, #tpu.memory_space<vmem>>)
      %dma_wait3A_117 = arith.constant 0 : i32
      %dma_wait3A_118 = arith.constant 0 : i32
      %dma_wait3A_119 = arith.constant 0 : i32
      %dma_wait3A_120 = arith.constant 0 : i32
      %dma_wait3A_121 = tpu.memref_slice %arg3[%dma_wait3A_117, %dma_wait3A_118, %dma_wait3A_119, %dma_wait3A_120] : memref<8x1x512x512xi32, #tpu.memory_space<hbm>> -> memref<1x1x4x512xi32, #tpu.memory_space<hbm>>
      %dma_wait3A_122 = tpu.memref_squeeze %dma_wait3A_121 : memref<1x1x4x512xi32, #tpu.memory_space<hbm>> -> memref<4x512xi32, #tpu.memory_space<hbm>>
      %dma_wait3A_123 = arith.constant 0 : i32
      %dma_wait3A_124 = arith.constant 0 : i32
      %dma_wait3A_125 = tpu.memref_slice %arg3[%dma_wait3A_117, %dma_wait3A_118, %dma_wait3A_123, %dma_wait3A_124] : memref<8x1x512x512xi32, #tpu.memory_space<hbm>> -> memref<1x1x4x512xi32, #tpu.memory_space<hbm>>
      %dma_wait3A_126 = tpu.memref_squeeze %dma_wait3A_125 : memref<1x1x4x512xi32, #tpu.memory_space<hbm>> -> memref<4x512xi32, #tpu.memory_space<hbm>>
      tpu.wait_dma2 semaphore(%arg11 : memref<!tpu.dma_semaphore, #tpu.memory_space<semaphore_mem>>) src(%dma_wait3A_126 : memref<4x512xi32, #tpu.memory_space<hbm>>) dst(%arg8 : memref<4x512xi32, #tpu.memory_space<vmem>>)
      %scan3A_127 = arith.constant 0 : i32
      %scan3A_128 = arith.constant 16 : i32
      %scan3A_129 = arith.addi %scan3A_127, %scan3A_128 : i32
      %scan3A_130 = arith.constant 1 : i32
      %scan3A_131 = scf.for %scan3A_133 = %scan3A_127 to %scan3A_129 step %scan3A_130 iter_args(%scan3A_134 = %scan3A_93) -> (vector<16xf32>)  : i32 {
        %mul3A_135 = arith.constant 32 : i32
        %mul3A_136 = arith.muli %scan3A_133, %mul3A_135 : i32
        %get3A = arith.constant 0 : i32
        %get3A_137 = arith.index_cast %get3A : i32 to index
        %get3A_138 = arith.index_cast %mul3A_136 : i32 to index
        %get3A_139 = tpu.vector_load %arg8[%get3A_137, %get3A_138] {strides = array<i32>} : memref<4x512xi32, #tpu.memory_space<vmem>>, vector<16xi32>,
        %mul3A_140 = arith.constant 0 : i32
        %mul3A_141 = vector.broadcast %mul3A_140 : i32 to vector<16xi32>
        %mul3A_142 = arith.muli %iota3A, %mul3A_141 : vector<16xi32>
        %add3A_143 = arith.constant 0 : i32
        %add3A_144 = vector.broadcast %add3A_143 : i32 to vector<16xi32>
        %add3A_145 = arith.addi %mul3A_142, %add3A_144 : vector<16xi32>
        %add3A_146 = vector.broadcast %mul3A_136 : i32 to vector<16xi32>
        %add3A_147 = arith.addi %iota3A, %add3A_146 : vector<16xi32>
        %gather3A = tpu.vector_load_idx %arg6[%get3A_139, %add3A_145, %add3A_147] : memref<19x4x512xf32, #tpu.memory_space<vmem>>[vector<16xi32>, vector<16xi32>, vector<16xi32>], vector<16xf32>,
        %get3A_148 = arith.constant 0 : i32
        %get3A_149 = arith.constant 0 : i32
        %get3A_150 = arith.index_cast %get3A_148 : i32 to index
        %get3A_151 = arith.index_cast %get3A_149 : i32 to index
        %get3A_152 = arith.index_cast %mul3A_136 : i32 to index
        %get3A_153 = tpu.vector_load %arg6[%get3A_150, %get3A_151, %get3A_152] {strides = array<i32>} : memref<19x4x512xf32, #tpu.memory_space<vmem>>, vector<16xf32>,
        %get3A_154 = arith.constant 1 : i32
        %get3A_155 = arith.constant 0 : i32
        %get3A_156 = arith.index_cast %get3A_154 : i32 to index
        %get3A_157 = arith.index_cast %get3A_155 : i32 to index
        %get3A_158 = arith.index_cast %mul3A_136 : i32 to index
        %get3A_159 = tpu.vector_load %arg6[%get3A_156, %get3A_157, %get3A_158] {strides = array<i32>} : memref<19x4x512xf32, #tpu.memory_space<vmem>>, vector<16xf32>,
        %get3A_160 = arith.constant 2 : i32
        %get3A_161 = arith.constant 0 : i32
        %get3A_162 = arith.index_cast %get3A_160 : i32 to index
        %get3A_163 = arith.index_cast %get3A_161 : i32 to index
        %get3A_164 = arith.index_cast %mul3A_136 : i32 to index
        %get3A_165 = tpu.vector_load %arg6[%get3A_162, %get3A_163, %get3A_164] {strides = array<i32>} : memref<19x4x512xf32, #tpu.memory_space<vmem>>, vector<16xf32>,
        %get3A_166 = arith.constant 3 : i32
        %get3A_167 = arith.constant 0 : i32
        %get3A_168 = arith.index_cast %get3A_166 : i32 to index
        %get3A_169 = arith.index_cast %get3A_167 : i32 to index
        %get3A_170 = arith.index_cast %mul3A_136 : i32 to index
        %get3A_171 = tpu.vector_load %arg6[%get3A_168, %get3A_169, %get3A_170] {strides = array<i32>} : memref<19x4x512xf32, #tpu.memory_space<vmem>>, vector<16xf32>,
        %get3A_172 = arith.constant 4 : i32
        %get3A_173 = arith.constant 0 : i32
        %get3A_174 = arith.index_cast %get3A_172 : i32 to index
        %get3A_175 = arith.index_cast %get3A_173 : i32 to index
        %get3A_176 = arith.index_cast %mul3A_136 : i32 to index
        %get3A_177 = tpu.vector_load %arg6[%get3A_174, %get3A_175, %get3A_176] {strides = array<i32>} : memref<19x4x512xf32, #tpu.memory_space<vmem>>, vector<16xf32>,
        %get3A_178 = arith.constant 5 : i32
        %get3A_179 = arith.constant 0 : i32
        %get3A_180 = arith.index_cast %get3A_178 : i32 to index
        %get3A_181 = arith.index_cast %get3A_179 : i32 to index
        %get3A_182 = arith.index_cast %mul3A_136 : i32 to index
        %get3A_183 = tpu.vector_load %arg6[%get3A_180, %get3A_181, %get3A_182] {strides = array<i32>} : memref<19x4x512xf32, #tpu.memory_space<vmem>>, vector<16xf32>,
        %get3A_184 = arith.constant 6 : i32
        %get3A_185 = arith.constant 0 : i32
        %get3A_186 = arith.index_cast %get3A_184 : i32 to index
        %get3A_187 = arith.index_cast %get3A_185 : i32 to index
        %get3A_188 = arith.index_cast %mul3A_136 : i32 to index
        %get3A_189 = tpu.vector_load %arg6[%get3A_186, %get3A_187, %get3A_188] {strides = array<i32>} : memref<19x4x512xf32, #tpu.memory_space<vmem>>, vector<16xf32>,
        %get3A_190 = arith.constant 7 : i32
        %get3A_191 = arith.constant 0 : i32
        %get3A_192 = arith.index_cast %get3A_190 : i32 to index
        %get3A_193 = arith.index_cast %get3A_191 : i32 to index
        %get3A_194 = arith.index_cast %mul3A_136 : i32 to index
        %get3A_195 = tpu.vector_load %arg6[%get3A_192, %get3A_193, %get3A_194] {strides = array<i32>} : memref<19x4x512xf32, #tpu.memory_space<vmem>>, vector<16xf32>,
        %get3A_196 = arith.constant 8 : i32
        %get3A_197 = arith.constant 0 : i32
        %get3A_198 = arith.index_cast %get3A_196 : i32 to index
        %get3A_199 = arith.index_cast %get3A_197 : i32 to index
        %get3A_200 = arith.index_cast %mul3A_136 : i32 to index
        %get3A_201 = tpu.vector_load %arg6[%get3A_198, %get3A_199, %get3A_200] {strides = array<i32>} : memref<19x4x512xf32, #tpu.memory_space<vmem>>, vector<16xf32>,
        %get3A_202 = arith.constant 9 : i32
        %get3A_203 = arith.constant 0 : i32
        %get3A_204 = arith.index_cast %get3A_202 : i32 to index
        %get3A_205 = arith.index_cast %get3A_203 : i32 to index
        %get3A_206 = arith.index_cast %mul3A_136 : i32 to index
        %get3A_207 = tpu.vector_load %arg6[%get3A_204, %get3A_205, %get3A_206] {strides = array<i32>} : memref<19x4x512xf32, #tpu.memory_space<vmem>>, vector<16xf32>,
        %get3A_208 = arith.constant 10 : i32
        %get3A_209 = arith.constant 0 : i32
        %get3A_210 = arith.index_cast %get3A_208 : i32 to index
        %get3A_211 = arith.index_cast %get3A_209 : i32 to index
        %get3A_212 = arith.index_cast %mul3A_136 : i32 to index
        %get3A_213 = tpu.vector_load %arg6[%get3A_210, %get3A_211, %get3A_212] {strides = array<i32>} : memref<19x4x512xf32, #tpu.memory_space<vmem>>, vector<16xf32>,
        %get3A_214 = arith.constant 11 : i32
        %get3A_215 = arith.constant 0 : i32
        %get3A_216 = arith.index_cast %get3A_214 : i32 to index
        %get3A_217 = arith.index_cast %get3A_215 : i32 to index
        %get3A_218 = arith.index_cast %mul3A_136 : i32 to index
        %get3A_219 = tpu.vector_load %arg6[%get3A_216, %get3A_217, %get3A_218] {strides = array<i32>} : memref<19x4x512xf32, #tpu.memory_space<vmem>>, vector<16xf32>,
        %get3A_220 = arith.constant 12 : i32
        %get3A_221 = arith.constant 0 : i32
        %get3A_222 = arith.index_cast %get3A_220 : i32 to index
        %get3A_223 = arith.index_cast %get3A_221 : i32 to index
        %get3A_224 = arith.index_cast %mul3A_136 : i32 to index
        %get3A_225 = tpu.vector_load %arg6[%get3A_222, %get3A_223, %get3A_224] {strides = array<i32>} : memref<19x4x512xf32, #tpu.memory_space<vmem>>, vector<16xf32>,
        %get3A_226 = arith.constant 13 : i32
        %get3A_227 = arith.constant 0 : i32
        %get3A_228 = arith.index_cast %get3A_226 : i32 to index
        %get3A_229 = arith.index_cast %get3A_227 : i32 to index
        %get3A_230 = arith.index_cast %mul3A_136 : i32 to index
        %get3A_231 = tpu.vector_load %arg6[%get3A_228, %get3A_229, %get3A_230] {strides = array<i32>} : memref<19x4x512xf32, #tpu.memory_space<vmem>>, vector<16xf32>,
        %get3A_232 = arith.constant 14 : i32
        %get3A_233 = arith.constant 0 : i32
        %get3A_234 = arith.index_cast %get3A_232 : i32 to index
        %get3A_235 = arith.index_cast %get3A_233 : i32 to index
        %get3A_236 = arith.index_cast %mul3A_136 : i32 to index
        %get3A_237 = tpu.vector_load %arg6[%get3A_234, %get3A_235, %get3A_236] {strides = array<i32>} : memref<19x4x512xf32, #tpu.memory_space<vmem>>, vector<16xf32>,
        %get3A_238 = arith.constant 15 : i32
        %get3A_239 = arith.constant 0 : i32
        %get3A_240 = arith.index_cast %get3A_238 : i32 to index
        %get3A_241 = arith.index_cast %get3A_239 : i32 to index
        %get3A_242 = arith.index_cast %mul3A_136 : i32 to index
        %get3A_243 = tpu.vector_load %arg6[%get3A_240, %get3A_241, %get3A_242] {strides = array<i32>} : memref<19x4x512xf32, #tpu.memory_space<vmem>>, vector<16xf32>,
        %get3A_244 = arith.constant 16 : i32
        %get3A_245 = arith.constant 0 : i32
        %get3A_246 = arith.index_cast %get3A_244 : i32 to index
        %get3A_247 = arith.index_cast %get3A_245 : i32 to index
        %get3A_248 = arith.index_cast %mul3A_136 : i32 to index
        %get3A_249 = tpu.vector_load %arg6[%get3A_246, %get3A_247, %get3A_248] {strides = array<i32>} : memref<19x4x512xf32, #tpu.memory_space<vmem>>, vector<16xf32>,
        %get3A_250 = arith.constant 17 : i32
        %get3A_251 = arith.constant 0 : i32
        %get3A_252 = arith.index_cast %get3A_250 : i32 to index
        %get3A_253 = arith.index_cast %get3A_251 : i32 to index
        %get3A_254 = arith.index_cast %mul3A_136 : i32 to index
        %get3A_255 = tpu.vector_load %arg6[%get3A_252, %get3A_253, %get3A_254] {strides = array<i32>} : memref<19x4x512xf32, #tpu.memory_space<vmem>>, vector<16xf32>,
        %get3A_256 = arith.constant 18 : i32
        %get3A_257 = arith.constant 0 : i32
        %get3A_258 = arith.index_cast %get3A_256 : i32 to index
        %get3A_259 = arith.index_cast %get3A_257 : i32 to index
        %get3A_260 = arith.index_cast %mul3A_136 : i32 to index
        %get3A_261 = tpu.vector_load %arg6[%get3A_258, %get3A_259, %get3A_260] {strides = array<i32>} : memref<19x4x512xf32, #tpu.memory_space<vmem>>, vector<16xf32>,
        %add3A_262 = arith.addf %get3A_153, %get3A_159 : vector<16xf32>
        %add3A_263 = arith.addf %get3A_165, %get3A_171 : vector<16xf32>
        %add3A_264 = arith.addf %get3A_177, %get3A_183 : vector<16xf32>
        %add3A_265 = arith.addf %get3A_189, %get3A_195 : vector<16xf32>
        %add3A_266 = arith.addf %get3A_201, %get3A_207 : vector<16xf32>
        %add3A_267 = arith.addf %get3A_213, %get3A_219 : vector<16xf32>
        %add3A_268 = arith.addf %get3A_225, %get3A_231 : vector<16xf32>
        %add3A_269 = arith.addf %get3A_237, %get3A_243 : vector<16xf32>
        %add3A_270 = arith.addf %get3A_249, %get3A_255 : vector<16xf32>
        %add3A_271 = arith.addf %add3A_262, %add3A_263 : vector<16xf32>
        %add3A_272 = arith.addf %add3A_264, %add3A_265 : vector<16xf32>
        %add3A_273 = arith.addf %add3A_266, %add3A_267 : vector<16xf32>
        %add3A_274 = arith.addf %add3A_268, %add3A_269 : vector<16xf32>
        %add3A_275 = arith.addf %add3A_270, %get3A_261 : vector<16xf32>
        %add3A_276 = arith.addf %add3A_271, %add3A_272 : vector<16xf32>
        %add3A_277 = arith.addf %add3A_273, %add3A_274 : vector<16xf32>
        %add3A_278 = arith.addf %add3A_276, %add3A_277 : vector<16xf32>
        %add3A_279 = arith.addf %add3A_278, %add3A_275 : vector<16xf32>
        %mul3A_280 = arith.constant 0.999989449 : f32
        %mul3A_281 = vector.broadcast %mul3A_280 : f32 to vector<16xf32>
        %mul3A_282 = arith.mulf %mul3A_281, %gather3A : vector<16xf32>
        %mul3A_283 = arith.constant 5.55555573E-7 : f32
        %mul3A_284 = vector.broadcast %mul3A_283 : f32 to vector<16xf32>
        %mul3A_285 = arith.mulf %mul3A_284, %add3A_279 : vector<16xf32>
        %add3A_286 = arith.constant 9.99999974E-6 : f32
        %add3A_287 = vector.broadcast %add3A_286 : f32 to vector<16xf32>
        %add3A_288 = arith.addf %mul3A_285, %add3A_287 : vector<16xf32>
        %add3A_289 = arith.addf %mul3A_282, %add3A_288 : vector<16xf32>
        %sub3A_290 = arith.constant 1.000000e+00 : f32
        %sub3A_291 = vector.broadcast %sub3A_290 : f32 to vector<16xf32>
        %sub3A_292 = arith.subf %sub3A_291, %add3A_289 : vector<16xf32>
        %mul3A_293 = arith.mulf %sub3A_292, %sub3A_292 : vector<16xf32>
        %bitcast3A = vector.bitcast %add3A_289 : vector<16xf32> to vector<16xi32>
        %shift_right_arithmetic3A = arith.constant 23 : i32
        %shift_right_arithmetic3A_294 = vector.broadcast %shift_right_arithmetic3A : i32 to vector<16xi32>
        %shift_right_arithmetic3A_295 = arith.shrsi %bitcast3A, %shift_right_arithmetic3A_294 : vector<16xi32>
        %sub3A_296 = arith.constant 127 : i32
        %sub3A_297 = vector.broadcast %sub3A_296 : i32 to vector<16xi32>
        %sub3A_298 = arith.subi %shift_right_arithmetic3A_295, %sub3A_297 : vector<16xi32>
        %and3A_299 = arith.constant 8388607 : i32
        %and3A_300 = vector.broadcast %and3A_299 : i32 to vector<16xi32>
        %and3A_301 = arith.andi %bitcast3A, %and3A_300 : vector<16xi32>
        %or3A = arith.constant 1065353216 : i32
        %or3A_302 = vector.broadcast %or3A : i32 to vector<16xi32>
        %or3A_303 = arith.ori %and3A_301, %or3A_302 : vector<16xi32>
        %bitcast3A_304 = vector.bitcast %or3A_303 : vector<16xi32> to vector<16xf32>
        %gt3A = arith.constant 1.41421354 : f32
        %gt3A_305 = vector.broadcast %gt3A : f32 to vector<16xf32>
        %gt3A_306 = arith.cmpf ogt, %bitcast3A_304, %gt3A_305 : vector<16xf32>
        %mul3A_307 = arith.constant 5.000000e-01 : f32
        %mul3A_308 = vector.broadcast %mul3A_307 : f32 to vector<16xf32>
        %mul3A_309 = arith.mulf %bitcast3A_304, %mul3A_308 : vector<16xf32>
        %select_n3A_310 = arith.select %gt3A_306, %mul3A_309, %bitcast3A_304 : vector<16xi1>, vector<16xf32>
        %add3A_311 = arith.constant 1 : i32
        %add3A_312 = vector.broadcast %add3A_311 : i32 to vector<16xi32>
        %add3A_313 = arith.addi %sub3A_298, %add3A_312 : vector<16xi32>
        %select_n3A_314 = arith.select %gt3A_306, %add3A_313, %sub3A_298 : vector<16xi1>, vector<16xi32>
        %sub3A_315 = arith.constant 1.000000e+00 : f32
        %sub3A_316 = vector.broadcast %sub3A_315 : f32 to vector<16xf32>
        %sub3A_317 = arith.subf %select_n3A_310, %sub3A_316 : vector<16xf32>
        %add3A_318 = arith.constant 1.000000e+00 : f32
        %add3A_319 = vector.broadcast %add3A_318 : f32 to vector<16xf32>
        %add3A_320 = arith.addf %select_n3A_310, %add3A_319 : vector<16xf32>
        %div3A_321 = arith.divf %sub3A_317, %add3A_320 : vector<16xf32>
        %mul3A_322 = arith.mulf %div3A_321, %div3A_321 : vector<16xf32>
        %mul3A_323 = arith.constant 0.285714298 : f32
        %mul3A_324 = vector.broadcast %mul3A_323 : f32 to vector<16xf32>
        %mul3A_325 = arith.mulf %mul3A_322, %mul3A_324 : vector<16xf32>
        %add3A_326 = arith.constant 4.000000e-01 : f32
        %add3A_327 = vector.broadcast %add3A_326 : f32 to vector<16xf32>
        %add3A_328 = arith.addf %add3A_327, %mul3A_325 : vector<16xf32>
        %mul3A_329 = arith.mulf %mul3A_322, %add3A_328 : vector<16xf32>
        %add3A_330 = arith.constant 0.666666686 : f32
        %add3A_331 = vector.broadcast %add3A_330 : f32 to vector<16xf32>
        %add3A_332 = arith.addf %add3A_331, %mul3A_329 : vector<16xf32>
        %mul3A_333 = arith.mulf %mul3A_322, %add3A_332 : vector<16xf32>
        %add3A_334 = arith.constant 2.000000e+00 : f32
        %add3A_335 = vector.broadcast %add3A_334 : f32 to vector<16xf32>
        %add3A_336 = arith.addf %add3A_335, %mul3A_333 : vector<16xf32>
        %convert_element_type3A_337 = arith.sitofp %select_n3A_314 : vector<16xi32> to vector<16xf32>
        %mul3A_338 = arith.constant 0.693147182 : f32
        %mul3A_339 = vector.broadcast %mul3A_338 : f32 to vector<16xf32>
        %mul3A_340 = arith.mulf %convert_element_type3A_337, %mul3A_339 : vector<16xf32>
        %mul3A_341 = arith.mulf %div3A_321, %add3A_336 : vector<16xf32>
        %add3A_342 = arith.addf %mul3A_340, %mul3A_341 : vector<16xf32>
        %mul3A_343 = arith.mulf %mul3A_293, %add3A_342 : vector<16xf32>
        %add3A_344 = arith.addf %scan3A_134, %mul3A_343 : vector<16xf32>
        %add3A_345 = arith.constant 16 : i32
        %add3A_346 = arith.addi %mul3A_136, %add3A_345 : i32
        %get3A_347 = arith.constant 0 : i32
        %get3A_348 = arith.index_cast %get3A_347 : i32 to index
        %get3A_349 = arith.index_cast %add3A_346 : i32 to index
        %get3A_350 = tpu.vector_load %arg8[%get3A_348, %get3A_349] {strides = array<i32>} : memref<4x512xi32, #tpu.memory_space<vmem>>, vector<16xi32>,
        %mul3A_351 = arith.constant 0 : i32
        %mul3A_352 = vector.broadcast %mul3A_351 : i32 to vector<16xi32>
        %mul3A_353 = arith.muli %iota3A, %mul3A_352 : vector<16xi32>
        %add3A_354 = arith.constant 0 : i32
        %add3A_355 = vector.broadcast %add3A_354 : i32 to vector<16xi32>
        %add3A_356 = arith.addi %mul3A_353, %add3A_355 : vector<16xi32>
        %add3A_357 = vector.broadcast %add3A_346 : i32 to vector<16xi32>
        %add3A_358 = arith.addi %iota3A, %add3A_357 : vector<16xi32>
        %gather3A_359 = tpu.vector_load_idx %arg6[%get3A_350, %add3A_356, %add3A_358] : memref<19x4x512xf32, #tpu.memory_space<vmem>>[vector<16xi32>, vector<16xi32>, vector<16xi32>], vector<16xf32>,
        %get3A_360 = arith.constant 0 : i32
        %get3A_361 = arith.constant 0 : i32
        %get3A_362 = arith.index_cast %get3A_360 : i32 to index
        %get3A_363 = arith.index_cast %get3A_361 : i32 to index
        %get3A_364 = arith.index_cast %add3A_346 : i32 to index
        %get3A_365 = tpu.vector_load %arg6[%get3A_362, %get3A_363, %get3A_364] {strides = array<i32>} : memref<19x4x512xf32, #tpu.memory_space<vmem>>, vector<16xf32>,
        %get3A_366 = arith.constant 1 : i32
        %get3A_367 = arith.constant 0 : i32
        %get3A_368 = arith.index_cast %get3A_366 : i32 to index
        %get3A_369 = arith.index_cast %get3A_367 : i32 to index
        %get3A_370 = arith.index_cast %add3A_346 : i32 to index
        %get3A_371 = tpu.vector_load %arg6[%get3A_368, %get3A_369, %get3A_370] {strides = array<i32>} : memref<19x4x512xf32, #tpu.memory_space<vmem>>, vector<16xf32>,
        %get3A_372 = arith.constant 2 : i32
        %get3A_373 = arith.constant 0 : i32
        %get3A_374 = arith.index_cast %get3A_372 : i32 to index
        %get3A_375 = arith.index_cast %get3A_373 : i32 to index
        %get3A_376 = arith.index_cast %add3A_346 : i32 to index
        %get3A_377 = tpu.vector_load %arg6[%get3A_374, %get3A_375, %get3A_376] {strides = array<i32>} : memref<19x4x512xf32, #tpu.memory_space<vmem>>, vector<16xf32>,
        %get3A_378 = arith.constant 3 : i32
        %get3A_379 = arith.constant 0 : i32
        %get3A_380 = arith.index_cast %get3A_378 : i32 to index
        %get3A_381 = arith.index_cast %get3A_379 : i32 to index
        %get3A_382 = arith.index_cast %add3A_346 : i32 to index
        %get3A_383 = tpu.vector_load %arg6[%get3A_380, %get3A_381, %get3A_382] {strides = array<i32>} : memref<19x4x512xf32, #tpu.memory_space<vmem>>, vector<16xf32>,
        %get3A_384 = arith.constant 4 : i32
        %get3A_385 = arith.constant 0 : i32
        %get3A_386 = arith.index_cast %get3A_384 : i32 to index
        %get3A_387 = arith.index_cast %get3A_385 : i32 to index
        %get3A_388 = arith.index_cast %add3A_346 : i32 to index
        %get3A_389 = tpu.vector_load %arg6[%get3A_386, %get3A_387, %get3A_388] {strides = array<i32>} : memref<19x4x512xf32, #tpu.memory_space<vmem>>, vector<16xf32>,
        %get3A_390 = arith.constant 5 : i32
        %get3A_391 = arith.constant 0 : i32
        %get3A_392 = arith.index_cast %get3A_390 : i32 to index
        %get3A_393 = arith.index_cast %get3A_391 : i32 to index
        %get3A_394 = arith.index_cast %add3A_346 : i32 to index
        %get3A_395 = tpu.vector_load %arg6[%get3A_392, %get3A_393, %get3A_394] {strides = array<i32>} : memref<19x4x512xf32, #tpu.memory_space<vmem>>, vector<16xf32>,
        %get3A_396 = arith.constant 6 : i32
        %get3A_397 = arith.constant 0 : i32
        %get3A_398 = arith.index_cast %get3A_396 : i32 to index
        %get3A_399 = arith.index_cast %get3A_397 : i32 to index
        %get3A_400 = arith.index_cast %add3A_346 : i32 to index
        %get3A_401 = tpu.vector_load %arg6[%get3A_398, %get3A_399, %get3A_400] {strides = array<i32>} : memref<19x4x512xf32, #tpu.memory_space<vmem>>, vector<16xf32>,
        %get3A_402 = arith.constant 7 : i32
        %get3A_403 = arith.constant 0 : i32
        %get3A_404 = arith.index_cast %get3A_402 : i32 to index
        %get3A_405 = arith.index_cast %get3A_403 : i32 to index
        %get3A_406 = arith.index_cast %add3A_346 : i32 to index
        %get3A_407 = tpu.vector_load %arg6[%get3A_404, %get3A_405, %get3A_406] {strides = array<i32>} : memref<19x4x512xf32, #tpu.memory_space<vmem>>, vector<16xf32>,
        %get3A_408 = arith.constant 8 : i32
        %get3A_409 = arith.constant 0 : i32
        %get3A_410 = arith.index_cast %get3A_408 : i32 to index
        %get3A_411 = arith.index_cast %get3A_409 : i32 to index
        %get3A_412 = arith.index_cast %add3A_346 : i32 to index
        %get3A_413 = tpu.vector_load %arg6[%get3A_410, %get3A_411, %get3A_412] {strides = array<i32>} : memref<19x4x512xf32, #tpu.memory_space<vmem>>, vector<16xf32>,
        %get3A_414 = arith.constant 9 : i32
        %get3A_415 = arith.constant 0 : i32
        %get3A_416 = arith.index_cast %get3A_414 : i32 to index
        %get3A_417 = arith.index_cast %get3A_415 : i32 to index
        %get3A_418 = arith.index_cast %add3A_346 : i32 to index
        %get3A_419 = tpu.vector_load %arg6[%get3A_416, %get3A_417, %get3A_418] {strides = array<i32>} : memref<19x4x512xf32, #tpu.memory_space<vmem>>, vector<16xf32>,
        %get3A_420 = arith.constant 10 : i32
        %get3A_421 = arith.constant 0 : i32
        %get3A_422 = arith.index_cast %get3A_420 : i32 to index
        %get3A_423 = arith.index_cast %get3A_421 : i32 to index
        %get3A_424 = arith.index_cast %add3A_346 : i32 to index
        %get3A_425 = tpu.vector_load %arg6[%get3A_422, %get3A_423, %get3A_424] {strides = array<i32>} : memref<19x4x512xf32, #tpu.memory_space<vmem>>, vector<16xf32>,
        %get3A_426 = arith.constant 11 : i32
        %get3A_427 = arith.constant 0 : i32
        %get3A_428 = arith.index_cast %get3A_426 : i32 to index
        %get3A_429 = arith.index_cast %get3A_427 : i32 to index
        %get3A_430 = arith.index_cast %add3A_346 : i32 to index
        %get3A_431 = tpu.vector_load %arg6[%get3A_428, %get3A_429, %get3A_430] {strides = array<i32>} : memref<19x4x512xf32, #tpu.memory_space<vmem>>, vector<16xf32>,
        %get3A_432 = arith.constant 12 : i32
        %get3A_433 = arith.constant 0 : i32
        %get3A_434 = arith.index_cast %get3A_432 : i32 to index
        %get3A_435 = arith.index_cast %get3A_433 : i32 to index
        %get3A_436 = arith.index_cast %add3A_346 : i32 to index
        %get3A_437 = tpu.vector_load %arg6[%get3A_434, %get3A_435, %get3A_436] {strides = array<i32>} : memref<19x4x512xf32, #tpu.memory_space<vmem>>, vector<16xf32>,
        %get3A_438 = arith.constant 13 : i32
        %get3A_439 = arith.constant 0 : i32
        %get3A_440 = arith.index_cast %get3A_438 : i32 to index
        %get3A_441 = arith.index_cast %get3A_439 : i32 to index
        %get3A_442 = arith.index_cast %add3A_346 : i32 to index
        %get3A_443 = tpu.vector_load %arg6[%get3A_440, %get3A_441, %get3A_442] {strides = array<i32>} : memref<19x4x512xf32, #tpu.memory_space<vmem>>, vector<16xf32>,
        %get3A_444 = arith.constant 14 : i32
        %get3A_445 = arith.constant 0 : i32
        %get3A_446 = arith.index_cast %get3A_444 : i32 to index
        %get3A_447 = arith.index_cast %get3A_445 : i32 to index
        %get3A_448 = arith.index_cast %add3A_346 : i32 to index
        %get3A_449 = tpu.vector_load %arg6[%get3A_446, %get3A_447, %get3A_448] {strides = array<i32>} : memref<19x4x512xf32, #tpu.memory_space<vmem>>, vector<16xf32>,
        %get3A_450 = arith.constant 15 : i32
        %get3A_451 = arith.constant 0 : i32
        %get3A_452 = arith.index_cast %get3A_450 : i32 to index
        %get3A_453 = arith.index_cast %get3A_451 : i32 to index
        %get3A_454 = arith.index_cast %add3A_346 : i32 to index
        %get3A_455 = tpu.vector_load %arg6[%get3A_452, %get3A_453, %get3A_454] {strides = array<i32>} : memref<19x4x512xf32, #tpu.memory_space<vmem>>, vector<16xf32>,
        %get3A_456 = arith.constant 16 : i32
        %get3A_457 = arith.constant 0 : i32
        %get3A_458 = arith.index_cast %get3A_456 : i32 to index
        %get3A_459 = arith.index_cast %get3A_457 : i32 to index
        %get3A_460 = arith.index_cast %add3A_346 : i32 to index
        %get3A_461 = tpu.vector_load %arg6[%get3A_458, %get3A_459, %get3A_460] {strides = array<i32>} : memref<19x4x512xf32, #tpu.memory_space<vmem>>, vector<16xf32>,
        %get3A_462 = arith.constant 17 : i32
        %get3A_463 = arith.constant 0 : i32
        %get3A_464 = arith.index_cast %get3A_462 : i32 to index
        %get3A_465 = arith.index_cast %get3A_463 : i32 to index
        %get3A_466 = arith.index_cast %add3A_346 : i32 to index
        %get3A_467 = tpu.vector_load %arg6[%get3A_464, %get3A_465, %get3A_466] {strides = array<i32>} : memref<19x4x512xf32, #tpu.memory_space<vmem>>, vector<16xf32>,
        %get3A_468 = arith.constant 18 : i32
        %get3A_469 = arith.constant 0 : i32
        %get3A_470 = arith.index_cast %get3A_468 : i32 to index
        %get3A_471 = arith.index_cast %get3A_469 : i32 to index
        %get3A_472 = arith.index_cast %add3A_346 : i32 to index
        %get3A_473 = tpu.vector_load %arg6[%get3A_470, %get3A_471, %get3A_472] {strides = array<i32>} : memref<19x4x512xf32, #tpu.memory_space<vmem>>, vector<16xf32>,
        %add3A_474 = arith.addf %get3A_365, %get3A_371 : vector<16xf32>
        %add3A_475 = arith.addf %get3A_377, %get3A_383 : vector<16xf32>
        %add3A_476 = arith.addf %get3A_389, %get3A_395 : vector<16xf32>
        %add3A_477 = arith.addf %get3A_401, %get3A_407 : vector<16xf32>
        %add3A_478 = arith.addf %get3A_413, %get3A_419 : vector<16xf32>
        %add3A_479 = arith.addf %get3A_425, %get3A_431 : vector<16xf32>
        %add3A_480 = arith.addf %get3A_437, %get3A_443 : vector<16xf32>
        %add3A_481 = arith.addf %get3A_449, %get3A_455 : vector<16xf32>
        %add3A_482 = arith.addf %get3A_461, %get3A_467 : vector<16xf32>
        %add3A_483 = arith.addf %add3A_474, %add3A_475 : vector<16xf32>
        %add3A_484 = arith.addf %add3A_476, %add3A_477 : vector<16xf32>
        %add3A_485 = arith.addf %add3A_478, %add3A_479 : vector<16xf32>
        %add3A_486 = arith.addf %add3A_480, %add3A_481 : vector<16xf32>
        %add3A_487 = arith.addf %add3A_482, %get3A_473 : vector<16xf32>
        %add3A_488 = arith.addf %add3A_483, %add3A_484 : vector<16xf32>
        %add3A_489 = arith.addf %add3A_485, %add3A_486 : vector<16xf32>
        %add3A_490 = arith.addf %add3A_488, %add3A_489 : vector<16xf32>
        %add3A_491 = arith.addf %add3A_490, %add3A_487 : vector<16xf32>
        %mul3A_492 = arith.constant 0.999989449 : f32
        %mul3A_493 = vector.broadcast %mul3A_492 : f32 to vector<16xf32>
        %mul3A_494 = arith.mulf %mul3A_493, %gather3A_359 : vector<16xf32>
        %mul3A_495 = arith.constant 5.55555573E-7 : f32
        %mul3A_496 = vector.broadcast %mul3A_495 : f32 to vector<16xf32>
        %mul3A_497 = arith.mulf %mul3A_496, %add3A_491 : vector<16xf32>
        %add3A_498 = arith.constant 9.99999974E-6 : f32
        %add3A_499 = vector.broadcast %add3A_498 : f32 to vector<16xf32>
        %add3A_500 = arith.addf %mul3A_497, %add3A_499 : vector<16xf32>
        %add3A_501 = arith.addf %mul3A_494, %add3A_500 : vector<16xf32>
        %sub3A_502 = arith.constant 1.000000e+00 : f32
        %sub3A_503 = vector.broadcast %sub3A_502 : f32 to vector<16xf32>
        %sub3A_504 = arith.subf %sub3A_503, %add3A_501 : vector<16xf32>
        %mul3A_505 = arith.mulf %sub3A_504, %sub3A_504 : vector<16xf32>
        %bitcast3A_506 = vector.bitcast %add3A_501 : vector<16xf32> to vector<16xi32>
        %shift_right_arithmetic3A_507 = arith.constant 23 : i32
        %shift_right_arithmetic3A_508 = vector.broadcast %shift_right_arithmetic3A_507 : i32 to vector<16xi32>
        %shift_right_arithmetic3A_509 = arith.shrsi %bitcast3A_506, %shift_right_arithmetic3A_508 : vector<16xi32>
        %sub3A_510 = arith.constant 127 : i32
        %sub3A_511 = vector.broadcast %sub3A_510 : i32 to vector<16xi32>
        %sub3A_512 = arith.subi %shift_right_arithmetic3A_509, %sub3A_511 : vector<16xi32>
        %and3A_513 = arith.constant 8388607 : i32
        %and3A_514 = vector.broadcast %and3A_513 : i32 to vector<16xi32>
        %and3A_515 = arith.andi %bitcast3A_506, %and3A_514 : vector<16xi32>
        %or3A_516 = arith.constant 1065353216 : i32
        %or3A_517 = vector.broadcast %or3A_516 : i32 to vector<16xi32>
        %or3A_518 = arith.ori %and3A_515, %or3A_517 : vector<16xi32>
        %bitcast3A_519 = vector.bitcast %or3A_518 : vector<16xi32> to vector<16xf32>
        %gt3A_520 = arith.constant 1.41421354 : f32
        %gt3A_521 = vector.broadcast %gt3A_520 : f32 to vector<16xf32>
        %gt3A_522 = arith.cmpf ogt, %bitcast3A_519, %gt3A_521 : vector<16xf32>
        %mul3A_523 = arith.constant 5.000000e-01 : f32
        %mul3A_524 = vector.broadcast %mul3A_523 : f32 to vector<16xf32>
        %mul3A_525 = arith.mulf %bitcast3A_519, %mul3A_524 : vector<16xf32>
        %select_n3A_526 = arith.select %gt3A_522, %mul3A_525, %bitcast3A_519 : vector<16xi1>, vector<16xf32>
        %add3A_527 = arith.constant 1 : i32
        %add3A_528 = vector.broadcast %add3A_527 : i32 to vector<16xi32>
        %add3A_529 = arith.addi %sub3A_512, %add3A_528 : vector<16xi32>
        %select_n3A_530 = arith.select %gt3A_522, %add3A_529, %sub3A_512 : vector<16xi1>, vector<16xi32>
        %sub3A_531 = arith.constant 1.000000e+00 : f32
        %sub3A_532 = vector.broadcast %sub3A_531 : f32 to vector<16xf32>
        %sub3A_533 = arith.subf %select_n3A_526, %sub3A_532 : vector<16xf32>
        %add3A_534 = arith.constant 1.000000e+00 : f32
        %add3A_535 = vector.broadcast %add3A_534 : f32 to vector<16xf32>
        %add3A_536 = arith.addf %select_n3A_526, %add3A_535 : vector<16xf32>
        %div3A_537 = arith.divf %sub3A_533, %add3A_536 : vector<16xf32>
        %mul3A_538 = arith.mulf %div3A_537, %div3A_537 : vector<16xf32>
        %mul3A_539 = arith.constant 0.285714298 : f32
        %mul3A_540 = vector.broadcast %mul3A_539 : f32 to vector<16xf32>
        %mul3A_541 = arith.mulf %mul3A_538, %mul3A_540 : vector<16xf32>
        %add3A_542 = arith.constant 4.000000e-01 : f32
        %add3A_543 = vector.broadcast %add3A_542 : f32 to vector<16xf32>
        %add3A_544 = arith.addf %add3A_543, %mul3A_541 : vector<16xf32>
        %mul3A_545 = arith.mulf %mul3A_538, %add3A_544 : vector<16xf32>
        %add3A_546 = arith.constant 0.666666686 : f32
        %add3A_547 = vector.broadcast %add3A_546 : f32 to vector<16xf32>
        %add3A_548 = arith.addf %add3A_547, %mul3A_545 : vector<16xf32>
        %mul3A_549 = arith.mulf %mul3A_538, %add3A_548 : vector<16xf32>
        %add3A_550 = arith.constant 2.000000e+00 : f32
        %add3A_551 = vector.broadcast %add3A_550 : f32 to vector<16xf32>
        %add3A_552 = arith.addf %add3A_551, %mul3A_549 : vector<16xf32>
        %convert_element_type3A_553 = arith.sitofp %select_n3A_530 : vector<16xi32> to vector<16xf32>
        %mul3A_554 = arith.constant 0.693147182 : f32
        %mul3A_555 = vector.broadcast %mul3A_554 : f32 to vector<16xf32>
        %mul3A_556 = arith.mulf %convert_element_type3A_553, %mul3A_555 : vector<16xf32>
        %mul3A_557 = arith.mulf %div3A_537, %add3A_552 : vector<16xf32>
        %add3A_558 = arith.addf %mul3A_556, %mul3A_557 : vector<16xf32>
        %mul3A_559 = arith.mulf %mul3A_505, %add3A_558 : vector<16xf32>
        %add3A_560 = arith.addf %add3A_344, %mul3A_559 : vector<16xf32>
        %get3A_561 = arith.constant 1 : i32
        %get3A_562 = arith.index_cast %get3A_561 : i32 to index
        %get3A_563 = arith.index_cast %mul3A_136 : i32 to index
        %get3A_564 = tpu.vector_load %arg8[%get3A_562, %get3A_563] {strides = array<i32>} : memref<4x512xi32, #tpu.memory_space<vmem>>, vector<16xi32>,
        %mul3A_565 = arith.constant 0 : i32
        %mul3A_566 = vector.broadcast %mul3A_565 : i32 to vector<16xi32>
        %mul3A_567 = arith.muli %iota3A, %mul3A_566 : vector<16xi32>
        %add3A_568 = arith.constant 1 : i32
        %add3A_569 = vector.broadcast %add3A_568 : i32 to vector<16xi32>
        %add3A_570 = arith.addi %mul3A_567, %add3A_569 : vector<16xi32>
        %add3A_571 = vector.broadcast %mul3A_136 : i32 to vector<16xi32>
        %add3A_572 = arith.addi %iota3A, %add3A_571 : vector<16xi32>
        %gather3A_573 = tpu.vector_load_idx %arg6[%get3A_564, %add3A_570, %add3A_572] : memref<19x4x512xf32, #tpu.memory_space<vmem>>[vector<16xi32>, vector<16xi32>, vector<16xi32>], vector<16xf32>,
        %get3A_574 = arith.constant 0 : i32
        %get3A_575 = arith.constant 1 : i32
        %get3A_576 = arith.index_cast %get3A_574 : i32 to index
        %get3A_577 = arith.index_cast %get3A_575 : i32 to index
        %get3A_578 = arith.index_cast %mul3A_136 : i32 to index
        %get3A_579 = tpu.vector_load %arg6[%get3A_576, %get3A_577, %get3A_578] {strides = array<i32>} : memref<19x4x512xf32, #tpu.memory_space<vmem>>, vector<16xf32>,
        %get3A_580 = arith.constant 1 : i32
        %get3A_581 = arith.constant 1 : i32
        %get3A_582 = arith.index_cast %get3A_580 : i32 to index
        %get3A_583 = arith.index_cast %get3A_581 : i32 to index
        %get3A_584 = arith.index_cast %mul3A_136 : i32 to index
        %get3A_585 = tpu.vector_load %arg6[%get3A_582, %get3A_583, %get3A_584] {strides = array<i32>} : memref<19x4x512xf32, #tpu.memory_space<vmem>>, vector<16xf32>,
        %get3A_586 = arith.constant 2 : i32
        %get3A_587 = arith.constant 1 : i32
        %get3A_588 = arith.index_cast %get3A_586 : i32 to index
        %get3A_589 = arith.index_cast %get3A_587 : i32 to index
        %get3A_590 = arith.index_cast %mul3A_136 : i32 to index
        %get3A_591 = tpu.vector_load %arg6[%get3A_588, %get3A_589, %get3A_590] {strides = array<i32>} : memref<19x4x512xf32, #tpu.memory_space<vmem>>, vector<16xf32>,
        %get3A_592 = arith.constant 3 : i32
        %get3A_593 = arith.constant 1 : i32
        %get3A_594 = arith.index_cast %get3A_592 : i32 to index
        %get3A_595 = arith.index_cast %get3A_593 : i32 to index
        %get3A_596 = arith.index_cast %mul3A_136 : i32 to index
        %get3A_597 = tpu.vector_load %arg6[%get3A_594, %get3A_595, %get3A_596] {strides = array<i32>} : memref<19x4x512xf32, #tpu.memory_space<vmem>>, vector<16xf32>,
        %get3A_598 = arith.constant 4 : i32
        %get3A_599 = arith.constant 1 : i32
        %get3A_600 = arith.index_cast %get3A_598 : i32 to index
        %get3A_601 = arith.index_cast %get3A_599 : i32 to index
        %get3A_602 = arith.index_cast %mul3A_136 : i32 to index
        %get3A_603 = tpu.vector_load %arg6[%get3A_600, %get3A_601, %get3A_602] {strides = array<i32>} : memref<19x4x512xf32, #tpu.memory_space<vmem>>, vector<16xf32>,
        %get3A_604 = arith.constant 5 : i32
        %get3A_605 = arith.constant 1 : i32
        %get3A_606 = arith.index_cast %get3A_604 : i32 to index
        %get3A_607 = arith.index_cast %get3A_605 : i32 to index
        %get3A_608 = arith.index_cast %mul3A_136 : i32 to index
        %get3A_609 = tpu.vector_load %arg6[%get3A_606, %get3A_607, %get3A_608] {strides = array<i32>} : memref<19x4x512xf32, #tpu.memory_space<vmem>>, vector<16xf32>,
        %get3A_610 = arith.constant 6 : i32
        %get3A_611 = arith.constant 1 : i32
        %get3A_612 = arith.index_cast %get3A_610 : i32 to index
        %get3A_613 = arith.index_cast %get3A_611 : i32 to index
        %get3A_614 = arith.index_cast %mul3A_136 : i32 to index
        %get3A_615 = tpu.vector_load %arg6[%get3A_612, %get3A_613, %get3A_614] {strides = array<i32>} : memref<19x4x512xf32, #tpu.memory_space<vmem>>, vector<16xf32>,
        %get3A_616 = arith.constant 7 : i32
        %get3A_617 = arith.constant 1 : i32
        %get3A_618 = arith.index_cast %get3A_616 : i32 to index
        %get3A_619 = arith.index_cast %get3A_617 : i32 to index
        %get3A_620 = arith.index_cast %mul3A_136 : i32 to index
        %get3A_621 = tpu.vector_load %arg6[%get3A_618, %get3A_619, %get3A_620] {strides = array<i32>} : memref<19x4x512xf32, #tpu.memory_space<vmem>>, vector<16xf32>,
        %get3A_622 = arith.constant 8 : i32
        %get3A_623 = arith.constant 1 : i32
        %get3A_624 = arith.index_cast %get3A_622 : i32 to index
        %get3A_625 = arith.index_cast %get3A_623 : i32 to index
        %get3A_626 = arith.index_cast %mul3A_136 : i32 to index
        %get3A_627 = tpu.vector_load %arg6[%get3A_624, %get3A_625, %get3A_626] {strides = array<i32>} : memref<19x4x512xf32, #tpu.memory_space<vmem>>, vector<16xf32>,
        %get3A_628 = arith.constant 9 : i32
        %get3A_629 = arith.constant 1 : i32
        %get3A_630 = arith.index_cast %get3A_628 : i32 to index
        %get3A_631 = arith.index_cast %get3A_629 : i32 to index
        %get3A_632 = arith.index_cast %mul3A_136 : i32 to index
        %get3A_633 = tpu.vector_load %arg6[%get3A_630, %get3A_631, %get3A_632] {strides = array<i32>} : memref<19x4x512xf32, #tpu.memory_space<vmem>>, vector<16xf32>,
        %get3A_634 = arith.constant 10 : i32
        %get3A_635 = arith.constant 1 : i32
        %get3A_636 = arith.index_cast %get3A_634 : i32 to index
        %get3A_637 = arith.index_cast %get3A_635 : i32 to index
        %get3A_638 = arith.index_cast %mul3A_136 : i32 to index
        %get3A_639 = tpu.vector_load %arg6[%get3A_636, %get3A_637, %get3A_638] {strides = array<i32>} : memref<19x4x512xf32, #tpu.memory_space<vmem>>, vector<16xf32>,
        %get3A_640 = arith.constant 11 : i32
        %get3A_641 = arith.constant 1 : i32
        %get3A_642 = arith.index_cast %get3A_640 : i32 to index
        %get3A_643 = arith.index_cast %get3A_641 : i32 to index
        %get3A_644 = arith.index_cast %mul3A_136 : i32 to index
        %get3A_645 = tpu.vector_load %arg6[%get3A_642, %get3A_643, %get3A_644] {strides = array<i32>} : memref<19x4x512xf32, #tpu.memory_space<vmem>>, vector<16xf32>,
        %get3A_646 = arith.constant 12 : i32
        %get3A_647 = arith.constant 1 : i32
        %get3A_648 = arith.index_cast %get3A_646 : i32 to index
        %get3A_649 = arith.index_cast %get3A_647 : i32 to index
        %get3A_650 = arith.index_cast %mul3A_136 : i32 to index
        %get3A_651 = tpu.vector_load %arg6[%get3A_648, %get3A_649, %get3A_650] {strides = array<i32>} : memref<19x4x512xf32, #tpu.memory_space<vmem>>, vector<16xf32>,
        %get3A_652 = arith.constant 13 : i32
        %get3A_653 = arith.constant 1 : i32
        %get3A_654 = arith.index_cast %get3A_652 : i32 to index
        %get3A_655 = arith.index_cast %get3A_653 : i32 to index
        %get3A_656 = arith.index_cast %mul3A_136 : i32 to index
        %get3A_657 = tpu.vector_load %arg6[%get3A_654, %get3A_655, %get3A_656] {strides = array<i32>} : memref<19x4x512xf32, #tpu.memory_space<vmem>>, vector<16xf32>,
        %get3A_658 = arith.constant 14 : i32
        %get3A_659 = arith.constant 1 : i32
        %get3A_660 = arith.index_cast %get3A_658 : i32 to index
        %get3A_661 = arith.index_cast %get3A_659 : i32 to index
        %get3A_662 = arith.index_cast %mul3A_136 : i32 to index
        %get3A_663 = tpu.vector_load %arg6[%get3A_660, %get3A_661, %get3A_662] {strides = array<i32>} : memref<19x4x512xf32, #tpu.memory_space<vmem>>, vector<16xf32>,
        %get3A_664 = arith.constant 15 : i32
        %get3A_665 = arith.constant 1 : i32
        %get3A_666 = arith.index_cast %get3A_664 : i32 to index
        %get3A_667 = arith.index_cast %get3A_665 : i32 to index
        %get3A_668 = arith.index_cast %mul3A_136 : i32 to index
        %get3A_669 = tpu.vector_load %arg6[%get3A_666, %get3A_667, %get3A_668] {strides = array<i32>} : memref<19x4x512xf32, #tpu.memory_space<vmem>>, vector<16xf32>,
        %get3A_670 = arith.constant 16 : i32
        %get3A_671 = arith.constant 1 : i32
        %get3A_672 = arith.index_cast %get3A_670 : i32 to index
        %get3A_673 = arith.index_cast %get3A_671 : i32 to index
        %get3A_674 = arith.index_cast %mul3A_136 : i32 to index
        %get3A_675 = tpu.vector_load %arg6[%get3A_672, %get3A_673, %get3A_674] {strides = array<i32>} : memref<19x4x512xf32, #tpu.memory_space<vmem>>, vector<16xf32>,
        %get3A_676 = arith.constant 17 : i32
        %get3A_677 = arith.constant 1 : i32
        %get3A_678 = arith.index_cast %get3A_676 : i32 to index
        %get3A_679 = arith.index_cast %get3A_677 : i32 to index
        %get3A_680 = arith.index_cast %mul3A_136 : i32 to index
        %get3A_681 = tpu.vector_load %arg6[%get3A_678, %get3A_679, %get3A_680] {strides = array<i32>} : memref<19x4x512xf32, #tpu.memory_space<vmem>>, vector<16xf32>,
        %get3A_682 = arith.constant 18 : i32
        %get3A_683 = arith.constant 1 : i32
        %get3A_684 = arith.index_cast %get3A_682 : i32 to index
        %get3A_685 = arith.index_cast %get3A_683 : i32 to index
        %get3A_686 = arith.index_cast %mul3A_136 : i32 to index
        %get3A_687 = tpu.vector_load %arg6[%get3A_684, %get3A_685, %get3A_686] {strides = array<i32>} : memref<19x4x512xf32, #tpu.memory_space<vmem>>, vector<16xf32>,
        %add3A_688 = arith.addf %get3A_579, %get3A_585 : vector<16xf32>
        %add3A_689 = arith.addf %get3A_591, %get3A_597 : vector<16xf32>
        %add3A_690 = arith.addf %get3A_603, %get3A_609 : vector<16xf32>
        %add3A_691 = arith.addf %get3A_615, %get3A_621 : vector<16xf32>
        %add3A_692 = arith.addf %get3A_627, %get3A_633 : vector<16xf32>
        %add3A_693 = arith.addf %get3A_639, %get3A_645 : vector<16xf32>
        %add3A_694 = arith.addf %get3A_651, %get3A_657 : vector<16xf32>
        %add3A_695 = arith.addf %get3A_663, %get3A_669 : vector<16xf32>
        %add3A_696 = arith.addf %get3A_675, %get3A_681 : vector<16xf32>
        %add3A_697 = arith.addf %add3A_688, %add3A_689 : vector<16xf32>
        %add3A_698 = arith.addf %add3A_690, %add3A_691 : vector<16xf32>
        %add3A_699 = arith.addf %add3A_692, %add3A_693 : vector<16xf32>
        %add3A_700 = arith.addf %add3A_694, %add3A_695 : vector<16xf32>
        %add3A_701 = arith.addf %add3A_696, %get3A_687 : vector<16xf32>
        %add3A_702 = arith.addf %add3A_697, %add3A_698 : vector<16xf32>
        %add3A_703 = arith.addf %add3A_699, %add3A_700 : vector<16xf32>
        %add3A_704 = arith.addf %add3A_702, %add3A_703 : vector<16xf32>
        %add3A_705 = arith.addf %add3A_704, %add3A_701 : vector<16xf32>
        %mul3A_706 = arith.constant 0.999989449 : f32
        %mul3A_707 = vector.broadcast %mul3A_706 : f32 to vector<16xf32>
        %mul3A_708 = arith.mulf %mul3A_707, %gather3A_573 : vector<16xf32>
        %mul3A_709 = arith.constant 5.55555573E-7 : f32
        %mul3A_710 = vector.broadcast %mul3A_709 : f32 to vector<16xf32>
        %mul3A_711 = arith.mulf %mul3A_710, %add3A_705 : vector<16xf32>
        %add3A_712 = arith.constant 9.99999974E-6 : f32
        %add3A_713 = vector.broadcast %add3A_712 : f32 to vector<16xf32>
        %add3A_714 = arith.addf %mul3A_711, %add3A_713 : vector<16xf32>
        %add3A_715 = arith.addf %mul3A_708, %add3A_714 : vector<16xf32>
        %sub3A_716 = arith.constant 1.000000e+00 : f32
        %sub3A_717 = vector.broadcast %sub3A_716 : f32 to vector<16xf32>
        %sub3A_718 = arith.subf %sub3A_717, %add3A_715 : vector<16xf32>
        %mul3A_719 = arith.mulf %sub3A_718, %sub3A_718 : vector<16xf32>
        %bitcast3A_720 = vector.bitcast %add3A_715 : vector<16xf32> to vector<16xi32>
        %shift_right_arithmetic3A_721 = arith.constant 23 : i32
        %shift_right_arithmetic3A_722 = vector.broadcast %shift_right_arithmetic3A_721 : i32 to vector<16xi32>
        %shift_right_arithmetic3A_723 = arith.shrsi %bitcast3A_720, %shift_right_arithmetic3A_722 : vector<16xi32>
        %sub3A_724 = arith.constant 127 : i32
        %sub3A_725 = vector.broadcast %sub3A_724 : i32 to vector<16xi32>
        %sub3A_726 = arith.subi %shift_right_arithmetic3A_723, %sub3A_725 : vector<16xi32>
        %and3A_727 = arith.constant 8388607 : i32
        %and3A_728 = vector.broadcast %and3A_727 : i32 to vector<16xi32>
        %and3A_729 = arith.andi %bitcast3A_720, %and3A_728 : vector<16xi32>
        %or3A_730 = arith.constant 1065353216 : i32
        %or3A_731 = vector.broadcast %or3A_730 : i32 to vector<16xi32>
        %or3A_732 = arith.ori %and3A_729, %or3A_731 : vector<16xi32>
        %bitcast3A_733 = vector.bitcast %or3A_732 : vector<16xi32> to vector<16xf32>
        %gt3A_734 = arith.constant 1.41421354 : f32
        %gt3A_735 = vector.broadcast %gt3A_734 : f32 to vector<16xf32>
        %gt3A_736 = arith.cmpf ogt, %bitcast3A_733, %gt3A_735 : vector<16xf32>
        %mul3A_737 = arith.constant 5.000000e-01 : f32
        %mul3A_738 = vector.broadcast %mul3A_737 : f32 to vector<16xf32>
        %mul3A_739 = arith.mulf %bitcast3A_733, %mul3A_738 : vector<16xf32>
        %select_n3A_740 = arith.select %gt3A_736, %mul3A_739, %bitcast3A_733 : vector<16xi1>, vector<16xf32>
        %add3A_741 = arith.constant 1 : i32
        %add3A_742 = vector.broadcast %add3A_741 : i32 to vector<16xi32>
        %add3A_743 = arith.addi %sub3A_726, %add3A_742 : vector<16xi32>
        %select_n3A_744 = arith.select %gt3A_736, %add3A_743, %sub3A_726 : vector<16xi1>, vector<16xi32>
        %sub3A_745 = arith.constant 1.000000e+00 : f32
        %sub3A_746 = vector.broadcast %sub3A_745 : f32 to vector<16xf32>
        %sub3A_747 = arith.subf %select_n3A_740, %sub3A_746 : vector<16xf32>
        %add3A_748 = arith.constant 1.000000e+00 : f32
        %add3A_749 = vector.broadcast %add3A_748 : f32 to vector<16xf32>
        %add3A_750 = arith.addf %select_n3A_740, %add3A_749 : vector<16xf32>
        %div3A_751 = arith.divf %sub3A_747, %add3A_750 : vector<16xf32>
        %mul3A_752 = arith.mulf %div3A_751, %div3A_751 : vector<16xf32>
        %mul3A_753 = arith.constant 0.285714298 : f32
        %mul3A_754 = vector.broadcast %mul3A_753 : f32 to vector<16xf32>
        %mul3A_755 = arith.mulf %mul3A_752, %mul3A_754 : vector<16xf32>
        %add3A_756 = arith.constant 4.000000e-01 : f32
        %add3A_757 = vector.broadcast %add3A_756 : f32 to vector<16xf32>
        %add3A_758 = arith.addf %add3A_757, %mul3A_755 : vector<16xf32>
        %mul3A_759 = arith.mulf %mul3A_752, %add3A_758 : vector<16xf32>
        %add3A_760 = arith.constant 0.666666686 : f32
        %add3A_761 = vector.broadcast %add3A_760 : f32 to vector<16xf32>
        %add3A_762 = arith.addf %add3A_761, %mul3A_759 : vector<16xf32>
        %mul3A_763 = arith.mulf %mul3A_752, %add3A_762 : vector<16xf32>
        %add3A_764 = arith.constant 2.000000e+00 : f32
        %add3A_765 = vector.broadcast %add3A_764 : f32 to vector<16xf32>
        %add3A_766 = arith.addf %add3A_765, %mul3A_763 : vector<16xf32>
        %convert_element_type3A_767 = arith.sitofp %select_n3A_744 : vector<16xi32> to vector<16xf32>
        %mul3A_768 = arith.constant 0.693147182 : f32
        %mul3A_769 = vector.broadcast %mul3A_768 : f32 to vector<16xf32>
        %mul3A_770 = arith.mulf %convert_element_type3A_767, %mul3A_769 : vector<16xf32>
        %mul3A_771 = arith.mulf %div3A_751, %add3A_766 : vector<16xf32>
        %add3A_772 = arith.addf %mul3A_770, %mul3A_771 : vector<16xf32>
        %mul3A_773 = arith.mulf %mul3A_719, %add3A_772 : vector<16xf32>
        %add3A_774 = arith.addf %add3A_560, %mul3A_773 : vector<16xf32>
        %add3A_775 = arith.constant 16 : i32
        %add3A_776 = arith.addi %mul3A_136, %add3A_775 : i32
        %get3A_777 = arith.constant 1 : i32
        %get3A_778 = arith.index_cast %get3A_777 : i32 to index
        %get3A_779 = arith.index_cast %add3A_776 : i32 to index
        %get3A_780 = tpu.vector_load %arg8[%get3A_778, %get3A_779] {strides = array<i32>} : memref<4x512xi32, #tpu.memory_space<vmem>>, vector<16xi32>,
        %mul3A_781 = arith.constant 0 : i32
        %mul3A_782 = vector.broadcast %mul3A_781 : i32 to vector<16xi32>
        %mul3A_783 = arith.muli %iota3A, %mul3A_782 : vector<16xi32>
        %add3A_784 = arith.constant 1 : i32
        %add3A_785 = vector.broadcast %add3A_784 : i32 to vector<16xi32>
        %add3A_786 = arith.addi %mul3A_783, %add3A_785 : vector<16xi32>
        %add3A_787 = vector.broadcast %add3A_776 : i32 to vector<16xi32>
        %add3A_788 = arith.addi %iota3A, %add3A_787 : vector<16xi32>
        %gather3A_789 = tpu.vector_load_idx %arg6[%get3A_780, %add3A_786, %add3A_788] : memref<19x4x512xf32, #tpu.memory_space<vmem>>[vector<16xi32>, vector<16xi32>, vector<16xi32>], vector<16xf32>,
        %get3A_790 = arith.constant 0 : i32
        %get3A_791 = arith.constant 1 : i32
        %get3A_792 = arith.index_cast %get3A_790 : i32 to index
        %get3A_793 = arith.index_cast %get3A_791 : i32 to index
        %get3A_794 = arith.index_cast %add3A_776 : i32 to index
        %get3A_795 = tpu.vector_load %arg6[%get3A_792, %get3A_793, %get3A_794] {strides = array<i32>} : memref<19x4x512xf32, #tpu.memory_space<vmem>>, vector<16xf32>,
        %get3A_796 = arith.constant 1 : i32
        %get3A_797 = arith.constant 1 : i32
        %get3A_798 = arith.index_cast %get3A_796 : i32 to index
        %get3A_799 = arith.index_cast %get3A_797 : i32 to index
        %get3A_800 = arith.index_cast %add3A_776 : i32 to index
        %get3A_801 = tpu.vector_load %arg6[%get3A_798, %get3A_799, %get3A_800] {strides = array<i32>} : memref<19x4x512xf32, #tpu.memory_space<vmem>>, vector<16xf32>,
        %get3A_802 = arith.constant 2 : i32
        %get3A_803 = arith.constant 1 : i32
        %get3A_804 = arith.index_cast %get3A_802 : i32 to index
        %get3A_805 = arith.index_cast %get3A_803 : i32 to index
        %get3A_806 = arith.index_cast %add3A_776 : i32 to index
        %get3A_807 = tpu.vector_load %arg6[%get3A_804, %get3A_805, %get3A_806] {strides = array<i32>} : memref<19x4x512xf32, #tpu.memory_space<vmem>>, vector<16xf32>,
        %get3A_808 = arith.constant 3 : i32
        %get3A_809 = arith.constant 1 : i32
        %get3A_810 = arith.index_cast %get3A_808 : i32 to index
        %get3A_811 = arith.index_cast %get3A_809 : i32 to index
        %get3A_812 = arith.index_cast %add3A_776 : i32 to index
        %get3A_813 = tpu.vector_load %arg6[%get3A_810, %get3A_811, %get3A_812] {strides = array<i32>} : memref<19x4x512xf32, #tpu.memory_space<vmem>>, vector<16xf32>,
        %get3A_814 = arith.constant 4 : i32
        %get3A_815 = arith.constant 1 : i32
        %get3A_816 = arith.index_cast %get3A_814 : i32 to index
        %get3A_817 = arith.index_cast %get3A_815 : i32 to index
        %get3A_818 = arith.index_cast %add3A_776 : i32 to index
        %get3A_819 = tpu.vector_load %arg6[%get3A_816, %get3A_817, %get3A_818] {strides = array<i32>} : memref<19x4x512xf32, #tpu.memory_space<vmem>>, vector<16xf32>,
        %get3A_820 = arith.constant 5 : i32
        %get3A_821 = arith.constant 1 : i32
        %get3A_822 = arith.index_cast %get3A_820 : i32 to index
        %get3A_823 = arith.index_cast %get3A_821 : i32 to index
        %get3A_824 = arith.index_cast %add3A_776 : i32 to index
        %get3A_825 = tpu.vector_load %arg6[%get3A_822, %get3A_823, %get3A_824] {strides = array<i32>} : memref<19x4x512xf32, #tpu.memory_space<vmem>>, vector<16xf32>,
        %get3A_826 = arith.constant 6 : i32
        %get3A_827 = arith.constant 1 : i32
        %get3A_828 = arith.index_cast %get3A_826 : i32 to index
        %get3A_829 = arith.index_cast %get3A_827 : i32 to index
        %get3A_830 = arith.index_cast %add3A_776 : i32 to index
        %get3A_831 = tpu.vector_load %arg6[%get3A_828, %get3A_829, %get3A_830] {strides = array<i32>} : memref<19x4x512xf32, #tpu.memory_space<vmem>>, vector<16xf32>,
        %get3A_832 = arith.constant 7 : i32
        %get3A_833 = arith.constant 1 : i32
        %get3A_834 = arith.index_cast %get3A_832 : i32 to index
        %get3A_835 = arith.index_cast %get3A_833 : i32 to index
        %get3A_836 = arith.index_cast %add3A_776 : i32 to index
        %get3A_837 = tpu.vector_load %arg6[%get3A_834, %get3A_835, %get3A_836] {strides = array<i32>} : memref<19x4x512xf32, #tpu.memory_space<vmem>>, vector<16xf32>,
        %get3A_838 = arith.constant 8 : i32
        %get3A_839 = arith.constant 1 : i32
        %get3A_840 = arith.index_cast %get3A_838 : i32 to index
        %get3A_841 = arith.index_cast %get3A_839 : i32 to index
        %get3A_842 = arith.index_cast %add3A_776 : i32 to index
        %get3A_843 = tpu.vector_load %arg6[%get3A_840, %get3A_841, %get3A_842] {strides = array<i32>} : memref<19x4x512xf32, #tpu.memory_space<vmem>>, vector<16xf32>,
        %get3A_844 = arith.constant 9 : i32
        %get3A_845 = arith.constant 1 : i32
        %get3A_846 = arith.index_cast %get3A_844 : i32 to index
        %get3A_847 = arith.index_cast %get3A_845 : i32 to index
        %get3A_848 = arith.index_cast %add3A_776 : i32 to index
        %get3A_849 = tpu.vector_load %arg6[%get3A_846, %get3A_847, %get3A_848] {strides = array<i32>} : memref<19x4x512xf32, #tpu.memory_space<vmem>>, vector<16xf32>,
        %get3A_850 = arith.constant 10 : i32
        %get3A_851 = arith.constant 1 : i32
        %get3A_852 = arith.index_cast %get3A_850 : i32 to index
        %get3A_853 = arith.index_cast %get3A_851 : i32 to index
        %get3A_854 = arith.index_cast %add3A_776 : i32 to index
        %get3A_855 = tpu.vector_load %arg6[%get3A_852, %get3A_853, %get3A_854] {strides = array<i32>} : memref<19x4x512xf32, #tpu.memory_space<vmem>>, vector<16xf32>,
        %get3A_856 = arith.constant 11 : i32
        %get3A_857 = arith.constant 1 : i32
        %get3A_858 = arith.index_cast %get3A_856 : i32 to index
        %get3A_859 = arith.index_cast %get3A_857 : i32 to index
        %get3A_860 = arith.index_cast %add3A_776 : i32 to index
        %get3A_861 = tpu.vector_load %arg6[%get3A_858, %get3A_859, %get3A_860] {strides = array<i32>} : memref<19x4x512xf32, #tpu.memory_space<vmem>>, vector<16xf32>,
        %get3A_862 = arith.constant 12 : i32
        %get3A_863 = arith.constant 1 : i32
        %get3A_864 = arith.index_cast %get3A_862 : i32 to index
        %get3A_865 = arith.index_cast %get3A_863 : i32 to index
        %get3A_866 = arith.index_cast %add3A_776 : i32 to index
        %get3A_867 = tpu.vector_load %arg6[%get3A_864, %get3A_865, %get3A_866] {strides = array<i32>} : memref<19x4x512xf32, #tpu.memory_space<vmem>>, vector<16xf32>,
        %get3A_868 = arith.constant 13 : i32
        %get3A_869 = arith.constant 1 : i32
        %get3A_870 = arith.index_cast %get3A_868 : i32 to index
        %get3A_871 = arith.index_cast %get3A_869 : i32 to index
        %get3A_872 = arith.index_cast %add3A_776 : i32 to index
        %get3A_873 = tpu.vector_load %arg6[%get3A_870, %get3A_871, %get3A_872] {strides = array<i32>} : memref<19x4x512xf32, #tpu.memory_space<vmem>>, vector<16xf32>,
        %get3A_874 = arith.constant 14 : i32
        %get3A_875 = arith.constant 1 : i32
        %get3A_876 = arith.index_cast %get3A_874 : i32 to index
        %get3A_877 = arith.index_cast %get3A_875 : i32 to index
        %get3A_878 = arith.index_cast %add3A_776 : i32 to index
        %get3A_879 = tpu.vector_load %arg6[%get3A_876, %get3A_877, %get3A_878] {strides = array<i32>} : memref<19x4x512xf32, #tpu.memory_space<vmem>>, vector<16xf32>,
        %get3A_880 = arith.constant 15 : i32
        %get3A_881 = arith.constant 1 : i32
        %get3A_882 = arith.index_cast %get3A_880 : i32 to index
        %get3A_883 = arith.index_cast %get3A_881 : i32 to index
        %get3A_884 = arith.index_cast %add3A_776 : i32 to index
        %get3A_885 = tpu.vector_load %arg6[%get3A_882, %get3A_883, %get3A_884] {strides = array<i32>} : memref<19x4x512xf32, #tpu.memory_space<vmem>>, vector<16xf32>,
        %get3A_886 = arith.constant 16 : i32
        %get3A_887 = arith.constant 1 : i32
        %get3A_888 = arith.index_cast %get3A_886 : i32 to index
        %get3A_889 = arith.index_cast %get3A_887 : i32 to index
        %get3A_890 = arith.index_cast %add3A_776 : i32 to index
        %get3A_891 = tpu.vector_load %arg6[%get3A_888, %get3A_889, %get3A_890] {strides = array<i32>} : memref<19x4x512xf32, #tpu.memory_space<vmem>>, vector<16xf32>,
        %get3A_892 = arith.constant 17 : i32
        %get3A_893 = arith.constant 1 : i32
        %get3A_894 = arith.index_cast %get3A_892 : i32 to index
        %get3A_895 = arith.index_cast %get3A_893 : i32 to index
        %get3A_896 = arith.index_cast %add3A_776 : i32 to index
        %get3A_897 = tpu.vector_load %arg6[%get3A_894, %get3A_895, %get3A_896] {strides = array<i32>} : memref<19x4x512xf32, #tpu.memory_space<vmem>>, vector<16xf32>,
        %get3A_898 = arith.constant 18 : i32
        %get3A_899 = arith.constant 1 : i32
        %get3A_900 = arith.index_cast %get3A_898 : i32 to index
        %get3A_901 = arith.index_cast %get3A_899 : i32 to index
        %get3A_902 = arith.index_cast %add3A_776 : i32 to index
        %get3A_903 = tpu.vector_load %arg6[%get3A_900, %get3A_901, %get3A_902] {strides = array<i32>} : memref<19x4x512xf32, #tpu.memory_space<vmem>>, vector<16xf32>,
        %add3A_904 = arith.addf %get3A_795, %get3A_801 : vector<16xf32>
        %add3A_905 = arith.addf %get3A_807, %get3A_813 : vector<16xf32>
        %add3A_906 = arith.addf %get3A_819, %get3A_825 : vector<16xf32>
        %add3A_907 = arith.addf %get3A_831, %get3A_837 : vector<16xf32>
        %add3A_908 = arith.addf %get3A_843, %get3A_849 : vector<16xf32>
        %add3A_909 = arith.addf %get3A_855, %get3A_861 : vector<16xf32>
        %add3A_910 = arith.addf %get3A_867, %get3A_873 : vector<16xf32>
        %add3A_911 = arith.addf %get3A_879, %get3A_885 : vector<16xf32>
        %add3A_912 = arith.addf %get3A_891, %get3A_897 : vector<16xf32>
        %add3A_913 = arith.addf %add3A_904, %add3A_905 : vector<16xf32>
        %add3A_914 = arith.addf %add3A_906, %add3A_907 : vector<16xf32>
        %add3A_915 = arith.addf %add3A_908, %add3A_909 : vector<16xf32>
        %add3A_916 = arith.addf %add3A_910, %add3A_911 : vector<16xf32>
        %add3A_917 = arith.addf %add3A_912, %get3A_903 : vector<16xf32>
        %add3A_918 = arith.addf %add3A_913, %add3A_914 : vector<16xf32>
        %add3A_919 = arith.addf %add3A_915, %add3A_916 : vector<16xf32>
        %add3A_920 = arith.addf %add3A_918, %add3A_919 : vector<16xf32>
        %add3A_921 = arith.addf %add3A_920, %add3A_917 : vector<16xf32>
        %mul3A_922 = arith.constant 0.999989449 : f32
        %mul3A_923 = vector.broadcast %mul3A_922 : f32 to vector<16xf32>
        %mul3A_924 = arith.mulf %mul3A_923, %gather3A_789 : vector<16xf32>
        %mul3A_925 = arith.constant 5.55555573E-7 : f32
        %mul3A_926 = vector.broadcast %mul3A_925 : f32 to vector<16xf32>
        %mul3A_927 = arith.mulf %mul3A_926, %add3A_921 : vector<16xf32>
        %add3A_928 = arith.constant 9.99999974E-6 : f32
        %add3A_929 = vector.broadcast %add3A_928 : f32 to vector<16xf32>
        %add3A_930 = arith.addf %mul3A_927, %add3A_929 : vector<16xf32>
        %add3A_931 = arith.addf %mul3A_924, %add3A_930 : vector<16xf32>
        %sub3A_932 = arith.constant 1.000000e+00 : f32
        %sub3A_933 = vector.broadcast %sub3A_932 : f32 to vector<16xf32>
        %sub3A_934 = arith.subf %sub3A_933, %add3A_931 : vector<16xf32>
        %mul3A_935 = arith.mulf %sub3A_934, %sub3A_934 : vector<16xf32>
        %bitcast3A_936 = vector.bitcast %add3A_931 : vector<16xf32> to vector<16xi32>
        %shift_right_arithmetic3A_937 = arith.constant 23 : i32
        %shift_right_arithmetic3A_938 = vector.broadcast %shift_right_arithmetic3A_937 : i32 to vector<16xi32>
        %shift_right_arithmetic3A_939 = arith.shrsi %bitcast3A_936, %shift_right_arithmetic3A_938 : vector<16xi32>
        %sub3A_940 = arith.constant 127 : i32
        %sub3A_941 = vector.broadcast %sub3A_940 : i32 to vector<16xi32>
        %sub3A_942 = arith.subi %shift_right_arithmetic3A_939, %sub3A_941 : vector<16xi32>
        %and3A_943 = arith.constant 8388607 : i32
        %and3A_944 = vector.broadcast %and3A_943 : i32 to vector<16xi32>
        %and3A_945 = arith.andi %bitcast3A_936, %and3A_944 : vector<16xi32>
        %or3A_946 = arith.constant 1065353216 : i32
        %or3A_947 = vector.broadcast %or3A_946 : i32 to vector<16xi32>
        %or3A_948 = arith.ori %and3A_945, %or3A_947 : vector<16xi32>
        %bitcast3A_949 = vector.bitcast %or3A_948 : vector<16xi32> to vector<16xf32>
        %gt3A_950 = arith.constant 1.41421354 : f32
        %gt3A_951 = vector.broadcast %gt3A_950 : f32 to vector<16xf32>
        %gt3A_952 = arith.cmpf ogt, %bitcast3A_949, %gt3A_951 : vector<16xf32>
        %mul3A_953 = arith.constant 5.000000e-01 : f32
        %mul3A_954 = vector.broadcast %mul3A_953 : f32 to vector<16xf32>
        %mul3A_955 = arith.mulf %bitcast3A_949, %mul3A_954 : vector<16xf32>
        %select_n3A_956 = arith.select %gt3A_952, %mul3A_955, %bitcast3A_949 : vector<16xi1>, vector<16xf32>
        %add3A_957 = arith.constant 1 : i32
        %add3A_958 = vector.broadcast %add3A_957 : i32 to vector<16xi32>
        %add3A_959 = arith.addi %sub3A_942, %add3A_958 : vector<16xi32>
        %select_n3A_960 = arith.select %gt3A_952, %add3A_959, %sub3A_942 : vector<16xi1>, vector<16xi32>
        %sub3A_961 = arith.constant 1.000000e+00 : f32
        %sub3A_962 = vector.broadcast %sub3A_961 : f32 to vector<16xf32>
        %sub3A_963 = arith.subf %select_n3A_956, %sub3A_962 : vector<16xf32>
        %add3A_964 = arith.constant 1.000000e+00 : f32
        %add3A_965 = vector.broadcast %add3A_964 : f32 to vector<16xf32>
        %add3A_966 = arith.addf %select_n3A_956, %add3A_965 : vector<16xf32>
        %div3A_967 = arith.divf %sub3A_963, %add3A_966 : vector<16xf32>
        %mul3A_968 = arith.mulf %div3A_967, %div3A_967 : vector<16xf32>
        %mul3A_969 = arith.constant 0.285714298 : f32
        %mul3A_970 = vector.broadcast %mul3A_969 : f32 to vector<16xf32>
        %mul3A_971 = arith.mulf %mul3A_968, %mul3A_970 : vector<16xf32>
        %add3A_972 = arith.constant 4.000000e-01 : f32
        %add3A_973 = vector.broadcast %add3A_972 : f32 to vector<16xf32>
        %add3A_974 = arith.addf %add3A_973, %mul3A_971 : vector<16xf32>
        %mul3A_975 = arith.mulf %mul3A_968, %add3A_974 : vector<16xf32>
        %add3A_976 = arith.constant 0.666666686 : f32
        %add3A_977 = vector.broadcast %add3A_976 : f32 to vector<16xf32>
        %add3A_978 = arith.addf %add3A_977, %mul3A_975 : vector<16xf32>
        %mul3A_979 = arith.mulf %mul3A_968, %add3A_978 : vector<16xf32>
        %add3A_980 = arith.constant 2.000000e+00 : f32
        %add3A_981 = vector.broadcast %add3A_980 : f32 to vector<16xf32>
        %add3A_982 = arith.addf %add3A_981, %mul3A_979 : vector<16xf32>
        %convert_element_type3A_983 = arith.sitofp %select_n3A_960 : vector<16xi32> to vector<16xf32>
        %mul3A_984 = arith.constant 0.693147182 : f32
        %mul3A_985 = vector.broadcast %mul3A_984 : f32 to vector<16xf32>
        %mul3A_986 = arith.mulf %convert_element_type3A_983, %mul3A_985 : vector<16xf32>
        %mul3A_987 = arith.mulf %div3A_967, %add3A_982 : vector<16xf32>
        %add3A_988 = arith.addf %mul3A_986, %mul3A_987 : vector<16xf32>
        %mul3A_989 = arith.mulf %mul3A_935, %add3A_988 : vector<16xf32>
        %add3A_990 = arith.addf %add3A_774, %mul3A_989 : vector<16xf32>
        %get3A_991 = arith.constant 2 : i32
        %get3A_992 = arith.index_cast %get3A_991 : i32 to index
        %get3A_993 = arith.index_cast %mul3A_136 : i32 to index
        %get3A_994 = tpu.vector_load %arg8[%get3A_992, %get3A_993] {strides = array<i32>} : memref<4x512xi32, #tpu.memory_space<vmem>>, vector<16xi32>,
        %mul3A_995 = arith.constant 0 : i32
        %mul3A_996 = vector.broadcast %mul3A_995 : i32 to vector<16xi32>
        %mul3A_997 = arith.muli %iota3A, %mul3A_996 : vector<16xi32>
        %add3A_998 = arith.constant 2 : i32
        %add3A_999 = vector.broadcast %add3A_998 : i32 to vector<16xi32>
        %add3A_1000 = arith.addi %mul3A_997, %add3A_999 : vector<16xi32>
        %add3A_1001 = vector.broadcast %mul3A_136 : i32 to vector<16xi32>
        %add3A_1002 = arith.addi %iota3A, %add3A_1001 : vector<16xi32>
        %gather3A_1003 = tpu.vector_load_idx %arg6[%get3A_994, %add3A_1000, %add3A_1002] : memref<19x4x512xf32, #tpu.memory_space<vmem>>[vector<16xi32>, vector<16xi32>, vector<16xi32>], vector<16xf32>,
        %get3A_1004 = arith.constant 0 : i32
        %get3A_1005 = arith.constant 2 : i32
        %get3A_1006 = arith.index_cast %get3A_1004 : i32 to index
        %get3A_1007 = arith.index_cast %get3A_1005 : i32 to index
        %get3A_1008 = arith.index_cast %mul3A_136 : i32 to index
        %get3A_1009 = tpu.vector_load %arg6[%get3A_1006, %get3A_1007, %get3A_1008] {strides = array<i32>} : memref<19x4x512xf32, #tpu.memory_space<vmem>>, vector<16xf32>,
        %get3A_1010 = arith.constant 1 : i32
        %get3A_1011 = arith.constant 2 : i32
        %get3A_1012 = arith.index_cast %get3A_1010 : i32 to index
        %get3A_1013 = arith.index_cast %get3A_1011 : i32 to index
        %get3A_1014 = arith.index_cast %mul3A_136 : i32 to index
        %get3A_1015 = tpu.vector_load %arg6[%get3A_1012, %get3A_1013, %get3A_1014] {strides = array<i32>} : memref<19x4x512xf32, #tpu.memory_space<vmem>>, vector<16xf32>,
        %get3A_1016 = arith.constant 2 : i32
        %get3A_1017 = arith.constant 2 : i32
        %get3A_1018 = arith.index_cast %get3A_1016 : i32 to index
        %get3A_1019 = arith.index_cast %get3A_1017 : i32 to index
        %get3A_1020 = arith.index_cast %mul3A_136 : i32 to index
        %get3A_1021 = tpu.vector_load %arg6[%get3A_1018, %get3A_1019, %get3A_1020] {strides = array<i32>} : memref<19x4x512xf32, #tpu.memory_space<vmem>>, vector<16xf32>,
        %get3A_1022 = arith.constant 3 : i32
        %get3A_1023 = arith.constant 2 : i32
        %get3A_1024 = arith.index_cast %get3A_1022 : i32 to index
        %get3A_1025 = arith.index_cast %get3A_1023 : i32 to index
        %get3A_1026 = arith.index_cast %mul3A_136 : i32 to index
        %get3A_1027 = tpu.vector_load %arg6[%get3A_1024, %get3A_1025, %get3A_1026] {strides = array<i32>} : memref<19x4x512xf32, #tpu.memory_space<vmem>>, vector<16xf32>,
        %get3A_1028 = arith.constant 4 : i32
        %get3A_1029 = arith.constant 2 : i32
        %get3A_1030 = arith.index_cast %get3A_1028 : i32 to index
        %get3A_1031 = arith.index_cast %get3A_1029 : i32 to index
        %get3A_1032 = arith.index_cast %mul3A_136 : i32 to index
        %get3A_1033 = tpu.vector_load %arg6[%get3A_1030, %get3A_1031, %get3A_1032] {strides = array<i32>} : memref<19x4x512xf32, #tpu.memory_space<vmem>>, vector<16xf32>,
        %get3A_1034 = arith.constant 5 : i32
        %get3A_1035 = arith.constant 2 : i32
        %get3A_1036 = arith.index_cast %get3A_1034 : i32 to index
        %get3A_1037 = arith.index_cast %get3A_1035 : i32 to index
        %get3A_1038 = arith.index_cast %mul3A_136 : i32 to index
        %get3A_1039 = tpu.vector_load %arg6[%get3A_1036, %get3A_1037, %get3A_1038] {strides = array<i32>} : memref<19x4x512xf32, #tpu.memory_space<vmem>>, vector<16xf32>,
        %get3A_1040 = arith.constant 6 : i32
        %get3A_1041 = arith.constant 2 : i32
        %get3A_1042 = arith.index_cast %get3A_1040 : i32 to index
        %get3A_1043 = arith.index_cast %get3A_1041 : i32 to index
        %get3A_1044 = arith.index_cast %mul3A_136 : i32 to index
        %get3A_1045 = tpu.vector_load %arg6[%get3A_1042, %get3A_1043, %get3A_1044] {strides = array<i32>} : memref<19x4x512xf32, #tpu.memory_space<vmem>>, vector<16xf32>,
        %get3A_1046 = arith.constant 7 : i32
        %get3A_1047 = arith.constant 2 : i32
        %get3A_1048 = arith.index_cast %get3A_1046 : i32 to index
        %get3A_1049 = arith.index_cast %get3A_1047 : i32 to index
        %get3A_1050 = arith.index_cast %mul3A_136 : i32 to index
        %get3A_1051 = tpu.vector_load %arg6[%get3A_1048, %get3A_1049, %get3A_1050] {strides = array<i32>} : memref<19x4x512xf32, #tpu.memory_space<vmem>>, vector<16xf32>,
        %get3A_1052 = arith.constant 8 : i32
        %get3A_1053 = arith.constant 2 : i32
        %get3A_1054 = arith.index_cast %get3A_1052 : i32 to index
        %get3A_1055 = arith.index_cast %get3A_1053 : i32 to index
        %get3A_1056 = arith.index_cast %mul3A_136 : i32 to index
        %get3A_1057 = tpu.vector_load %arg6[%get3A_1054, %get3A_1055, %get3A_1056] {strides = array<i32>} : memref<19x4x512xf32, #tpu.memory_space<vmem>>, vector<16xf32>,
        %get3A_1058 = arith.constant 9 : i32
        %get3A_1059 = arith.constant 2 : i32
        %get3A_1060 = arith.index_cast %get3A_1058 : i32 to index
        %get3A_1061 = arith.index_cast %get3A_1059 : i32 to index
        %get3A_1062 = arith.index_cast %mul3A_136 : i32 to index
        %get3A_1063 = tpu.vector_load %arg6[%get3A_1060, %get3A_1061, %get3A_1062] {strides = array<i32>} : memref<19x4x512xf32, #tpu.memory_space<vmem>>, vector<16xf32>,
        %get3A_1064 = arith.constant 10 : i32
        %get3A_1065 = arith.constant 2 : i32
        %get3A_1066 = arith.index_cast %get3A_1064 : i32 to index
        %get3A_1067 = arith.index_cast %get3A_1065 : i32 to index
        %get3A_1068 = arith.index_cast %mul3A_136 : i32 to index
        %get3A_1069 = tpu.vector_load %arg6[%get3A_1066, %get3A_1067, %get3A_1068] {strides = array<i32>} : memref<19x4x512xf32, #tpu.memory_space<vmem>>, vector<16xf32>,
        %get3A_1070 = arith.constant 11 : i32
        %get3A_1071 = arith.constant 2 : i32
        %get3A_1072 = arith.index_cast %get3A_1070 : i32 to index
        %get3A_1073 = arith.index_cast %get3A_1071 : i32 to index
        %get3A_1074 = arith.index_cast %mul3A_136 : i32 to index
        %get3A_1075 = tpu.vector_load %arg6[%get3A_1072, %get3A_1073, %get3A_1074] {strides = array<i32>} : memref<19x4x512xf32, #tpu.memory_space<vmem>>, vector<16xf32>,
        %get3A_1076 = arith.constant 12 : i32
        %get3A_1077 = arith.constant 2 : i32
        %get3A_1078 = arith.index_cast %get3A_1076 : i32 to index
        %get3A_1079 = arith.index_cast %get3A_1077 : i32 to index
        %get3A_1080 = arith.index_cast %mul3A_136 : i32 to index
        %get3A_1081 = tpu.vector_load %arg6[%get3A_1078, %get3A_1079, %get3A_1080] {strides = array<i32>} : memref<19x4x512xf32, #tpu.memory_space<vmem>>, vector<16xf32>,
        %get3A_1082 = arith.constant 13 : i32
        %get3A_1083 = arith.constant 2 : i32
        %get3A_1084 = arith.index_cast %get3A_1082 : i32 to index
        %get3A_1085 = arith.index_cast %get3A_1083 : i32 to index
        %get3A_1086 = arith.index_cast %mul3A_136 : i32 to index
        %get3A_1087 = tpu.vector_load %arg6[%get3A_1084, %get3A_1085, %get3A_1086] {strides = array<i32>} : memref<19x4x512xf32, #tpu.memory_space<vmem>>, vector<16xf32>,
        %get3A_1088 = arith.constant 14 : i32
        %get3A_1089 = arith.constant 2 : i32
        %get3A_1090 = arith.index_cast %get3A_1088 : i32 to index
        %get3A_1091 = arith.index_cast %get3A_1089 : i32 to index
        %get3A_1092 = arith.index_cast %mul3A_136 : i32 to index
        %get3A_1093 = tpu.vector_load %arg6[%get3A_1090, %get3A_1091, %get3A_1092] {strides = array<i32>} : memref<19x4x512xf32, #tpu.memory_space<vmem>>, vector<16xf32>,
        %get3A_1094 = arith.constant 15 : i32
        %get3A_1095 = arith.constant 2 : i32
        %get3A_1096 = arith.index_cast %get3A_1094 : i32 to index
        %get3A_1097 = arith.index_cast %get3A_1095 : i32 to index
        %get3A_1098 = arith.index_cast %mul3A_136 : i32 to index
        %get3A_1099 = tpu.vector_load %arg6[%get3A_1096, %get3A_1097, %get3A_1098] {strides = array<i32>} : memref<19x4x512xf32, #tpu.memory_space<vmem>>, vector<16xf32>,
        %get3A_1100 = arith.constant 16 : i32
        %get3A_1101 = arith.constant 2 : i32
        %get3A_1102 = arith.index_cast %get3A_1100 : i32 to index
        %get3A_1103 = arith.index_cast %get3A_1101 : i32 to index
        %get3A_1104 = arith.index_cast %mul3A_136 : i32 to index
        %get3A_1105 = tpu.vector_load %arg6[%get3A_1102, %get3A_1103, %get3A_1104] {strides = array<i32>} : memref<19x4x512xf32, #tpu.memory_space<vmem>>, vector<16xf32>,
        %get3A_1106 = arith.constant 17 : i32
        %get3A_1107 = arith.constant 2 : i32
        %get3A_1108 = arith.index_cast %get3A_1106 : i32 to index
        %get3A_1109 = arith.index_cast %get3A_1107 : i32 to index
        %get3A_1110 = arith.index_cast %mul3A_136 : i32 to index
        %get3A_1111 = tpu.vector_load %arg6[%get3A_1108, %get3A_1109, %get3A_1110] {strides = array<i32>} : memref<19x4x512xf32, #tpu.memory_space<vmem>>, vector<16xf32>,
        %get3A_1112 = arith.constant 18 : i32
        %get3A_1113 = arith.constant 2 : i32
        %get3A_1114 = arith.index_cast %get3A_1112 : i32 to index
        %get3A_1115 = arith.index_cast %get3A_1113 : i32 to index
        %get3A_1116 = arith.index_cast %mul3A_136 : i32 to index
        %get3A_1117 = tpu.vector_load %arg6[%get3A_1114, %get3A_1115, %get3A_1116] {strides = array<i32>} : memref<19x4x512xf32, #tpu.memory_space<vmem>>, vector<16xf32>,
        %add3A_1118 = arith.addf %get3A_1009, %get3A_1015 : vector<16xf32>
        %add3A_1119 = arith.addf %get3A_1021, %get3A_1027 : vector<16xf32>
        %add3A_1120 = arith.addf %get3A_1033, %get3A_1039 : vector<16xf32>
        %add3A_1121 = arith.addf %get3A_1045, %get3A_1051 : vector<16xf32>
        %add3A_1122 = arith.addf %get3A_1057, %get3A_1063 : vector<16xf32>
        %add3A_1123 = arith.addf %get3A_1069, %get3A_1075 : vector<16xf32>
        %add3A_1124 = arith.addf %get3A_1081, %get3A_1087 : vector<16xf32>
        %add3A_1125 = arith.addf %get3A_1093, %get3A_1099 : vector<16xf32>
        %add3A_1126 = arith.addf %get3A_1105, %get3A_1111 : vector<16xf32>
        %add3A_1127 = arith.addf %add3A_1118, %add3A_1119 : vector<16xf32>
        %add3A_1128 = arith.addf %add3A_1120, %add3A_1121 : vector<16xf32>
        %add3A_1129 = arith.addf %add3A_1122, %add3A_1123 : vector<16xf32>
        %add3A_1130 = arith.addf %add3A_1124, %add3A_1125 : vector<16xf32>
        %add3A_1131 = arith.addf %add3A_1126, %get3A_1117 : vector<16xf32>
        %add3A_1132 = arith.addf %add3A_1127, %add3A_1128 : vector<16xf32>
        %add3A_1133 = arith.addf %add3A_1129, %add3A_1130 : vector<16xf32>
        %add3A_1134 = arith.addf %add3A_1132, %add3A_1133 : vector<16xf32>
        %add3A_1135 = arith.addf %add3A_1134, %add3A_1131 : vector<16xf32>
        %mul3A_1136 = arith.constant 0.999989449 : f32
        %mul3A_1137 = vector.broadcast %mul3A_1136 : f32 to vector<16xf32>
        %mul3A_1138 = arith.mulf %mul3A_1137, %gather3A_1003 : vector<16xf32>
        %mul3A_1139 = arith.constant 5.55555573E-7 : f32
        %mul3A_1140 = vector.broadcast %mul3A_1139 : f32 to vector<16xf32>
        %mul3A_1141 = arith.mulf %mul3A_1140, %add3A_1135 : vector<16xf32>
        %add3A_1142 = arith.constant 9.99999974E-6 : f32
        %add3A_1143 = vector.broadcast %add3A_1142 : f32 to vector<16xf32>
        %add3A_1144 = arith.addf %mul3A_1141, %add3A_1143 : vector<16xf32>
        %add3A_1145 = arith.addf %mul3A_1138, %add3A_1144 : vector<16xf32>
        %sub3A_1146 = arith.constant 1.000000e+00 : f32
        %sub3A_1147 = vector.broadcast %sub3A_1146 : f32 to vector<16xf32>
        %sub3A_1148 = arith.subf %sub3A_1147, %add3A_1145 : vector<16xf32>
        %mul3A_1149 = arith.mulf %sub3A_1148, %sub3A_1148 : vector<16xf32>
        %bitcast3A_1150 = vector.bitcast %add3A_1145 : vector<16xf32> to vector<16xi32>
        %shift_right_arithmetic3A_1151 = arith.constant 23 : i32
        %shift_right_arithmetic3A_1152 = vector.broadcast %shift_right_arithmetic3A_1151 : i32 to vector<16xi32>
        %shift_right_arithmetic3A_1153 = arith.shrsi %bitcast3A_1150, %shift_right_arithmetic3A_1152 : vector<16xi32>
        %sub3A_1154 = arith.constant 127 : i32
        %sub3A_1155 = vector.broadcast %sub3A_1154 : i32 to vector<16xi32>
        %sub3A_1156 = arith.subi %shift_right_arithmetic3A_1153, %sub3A_1155 : vector<16xi32>
        %and3A_1157 = arith.constant 8388607 : i32
        %and3A_1158 = vector.broadcast %and3A_1157 : i32 to vector<16xi32>
        %and3A_1159 = arith.andi %bitcast3A_1150, %and3A_1158 : vector<16xi32>
        %or3A_1160 = arith.constant 1065353216 : i32
        %or3A_1161 = vector.broadcast %or3A_1160 : i32 to vector<16xi32>
        %or3A_1162 = arith.ori %and3A_1159, %or3A_1161 : vector<16xi32>
        %bitcast3A_1163 = vector.bitcast %or3A_1162 : vector<16xi32> to vector<16xf32>
        %gt3A_1164 = arith.constant 1.41421354 : f32
        %gt3A_1165 = vector.broadcast %gt3A_1164 : f32 to vector<16xf32>
        %gt3A_1166 = arith.cmpf ogt, %bitcast3A_1163, %gt3A_1165 : vector<16xf32>
        %mul3A_1167 = arith.constant 5.000000e-01 : f32
        %mul3A_1168 = vector.broadcast %mul3A_1167 : f32 to vector<16xf32>
        %mul3A_1169 = arith.mulf %bitcast3A_1163, %mul3A_1168 : vector<16xf32>
        %select_n3A_1170 = arith.select %gt3A_1166, %mul3A_1169, %bitcast3A_1163 : vector<16xi1>, vector<16xf32>
        %add3A_1171 = arith.constant 1 : i32
        %add3A_1172 = vector.broadcast %add3A_1171 : i32 to vector<16xi32>
        %add3A_1173 = arith.addi %sub3A_1156, %add3A_1172 : vector<16xi32>
        %select_n3A_1174 = arith.select %gt3A_1166, %add3A_1173, %sub3A_1156 : vector<16xi1>, vector<16xi32>
        %sub3A_1175 = arith.constant 1.000000e+00 : f32
        %sub3A_1176 = vector.broadcast %sub3A_1175 : f32 to vector<16xf32>
        %sub3A_1177 = arith.subf %select_n3A_1170, %sub3A_1176 : vector<16xf32>
        %add3A_1178 = arith.constant 1.000000e+00 : f32
        %add3A_1179 = vector.broadcast %add3A_1178 : f32 to vector<16xf32>
        %add3A_1180 = arith.addf %select_n3A_1170, %add3A_1179 : vector<16xf32>
        %div3A_1181 = arith.divf %sub3A_1177, %add3A_1180 : vector<16xf32>
        %mul3A_1182 = arith.mulf %div3A_1181, %div3A_1181 : vector<16xf32>
        %mul3A_1183 = arith.constant 0.285714298 : f32
        %mul3A_1184 = vector.broadcast %mul3A_1183 : f32 to vector<16xf32>
        %mul3A_1185 = arith.mulf %mul3A_1182, %mul3A_1184 : vector<16xf32>
        %add3A_1186 = arith.constant 4.000000e-01 : f32
        %add3A_1187 = vector.broadcast %add3A_1186 : f32 to vector<16xf32>
        %add3A_1188 = arith.addf %add3A_1187, %mul3A_1185 : vector<16xf32>
        %mul3A_1189 = arith.mulf %mul3A_1182, %add3A_1188 : vector<16xf32>
        %add3A_1190 = arith.constant 0.666666686 : f32
        %add3A_1191 = vector.broadcast %add3A_1190 : f32 to vector<16xf32>
        %add3A_1192 = arith.addf %add3A_1191, %mul3A_1189 : vector<16xf32>
        %mul3A_1193 = arith.mulf %mul3A_1182, %add3A_1192 : vector<16xf32>
        %add3A_1194 = arith.constant 2.000000e+00 : f32
        %add3A_1195 = vector.broadcast %add3A_1194 : f32 to vector<16xf32>
        %add3A_1196 = arith.addf %add3A_1195, %mul3A_1193 : vector<16xf32>
        %convert_element_type3A_1197 = arith.sitofp %select_n3A_1174 : vector<16xi32> to vector<16xf32>
        %mul3A_1198 = arith.constant 0.693147182 : f32
        %mul3A_1199 = vector.broadcast %mul3A_1198 : f32 to vector<16xf32>
        %mul3A_1200 = arith.mulf %convert_element_type3A_1197, %mul3A_1199 : vector<16xf32>
        %mul3A_1201 = arith.mulf %div3A_1181, %add3A_1196 : vector<16xf32>
        %add3A_1202 = arith.addf %mul3A_1200, %mul3A_1201 : vector<16xf32>
        %mul3A_1203 = arith.mulf %mul3A_1149, %add3A_1202 : vector<16xf32>
        %add3A_1204 = arith.addf %add3A_990, %mul3A_1203 : vector<16xf32>
        %add3A_1205 = arith.constant 16 : i32
        %add3A_1206 = arith.addi %mul3A_136, %add3A_1205 : i32
        %get3A_1207 = arith.constant 2 : i32
        %get3A_1208 = arith.index_cast %get3A_1207 : i32 to index
        %get3A_1209 = arith.index_cast %add3A_1206 : i32 to index
        %get3A_1210 = tpu.vector_load %arg8[%get3A_1208, %get3A_1209] {strides = array<i32>} : memref<4x512xi32, #tpu.memory_space<vmem>>, vector<16xi32>,
        %mul3A_1211 = arith.constant 0 : i32
        %mul3A_1212 = vector.broadcast %mul3A_1211 : i32 to vector<16xi32>
        %mul3A_1213 = arith.muli %iota3A, %mul3A_1212 : vector<16xi32>
        %add3A_1214 = arith.constant 2 : i32
        %add3A_1215 = vector.broadcast %add3A_1214 : i32 to vector<16xi32>
        %add3A_1216 = arith.addi %mul3A_1213, %add3A_1215 : vector<16xi32>
        %add3A_1217 = vector.broadcast %add3A_1206 : i32 to vector<16xi32>
        %add3A_1218 = arith.addi %iota3A, %add3A_1217 : vector<16xi32>
        %gather3A_1219 = tpu.vector_load_idx %arg6[%get3A_1210, %add3A_1216, %add3A_1218] : memref<19x4x512xf32, #tpu.memory_space<vmem>>[vector<16xi32>, vector<16xi32>, vector<16xi32>], vector<16xf32>,
        %get3A_1220 = arith.constant 0 : i32
        %get3A_1221 = arith.constant 2 : i32
        %get3A_1222 = arith.index_cast %get3A_1220 : i32 to index
        %get3A_1223 = arith.index_cast %get3A_1221 : i32 to index
        %get3A_1224 = arith.index_cast %add3A_1206 : i32 to index
        %get3A_1225 = tpu.vector_load %arg6[%get3A_1222, %get3A_1223, %get3A_1224] {strides = array<i32>} : memref<19x4x512xf32, #tpu.memory_space<vmem>>, vector<16xf32>,
        %get3A_1226 = arith.constant 1 : i32
        %get3A_1227 = arith.constant 2 : i32
        %get3A_1228 = arith.index_cast %get3A_1226 : i32 to index
        %get3A_1229 = arith.index_cast %get3A_1227 : i32 to index
        %get3A_1230 = arith.index_cast %add3A_1206 : i32 to index
        %get3A_1231 = tpu.vector_load %arg6[%get3A_1228, %get3A_1229, %get3A_1230] {strides = array<i32>} : memref<19x4x512xf32, #tpu.memory_space<vmem>>, vector<16xf32>,
        %get3A_1232 = arith.constant 2 : i32
        %get3A_1233 = arith.constant 2 : i32
        %get3A_1234 = arith.index_cast %get3A_1232 : i32 to index
        %get3A_1235 = arith.index_cast %get3A_1233 : i32 to index
        %get3A_1236 = arith.index_cast %add3A_1206 : i32 to index
        %get3A_1237 = tpu.vector_load %arg6[%get3A_1234, %get3A_1235, %get3A_1236] {strides = array<i32>} : memref<19x4x512xf32, #tpu.memory_space<vmem>>, vector<16xf32>,
        %get3A_1238 = arith.constant 3 : i32
        %get3A_1239 = arith.constant 2 : i32
        %get3A_1240 = arith.index_cast %get3A_1238 : i32 to index
        %get3A_1241 = arith.index_cast %get3A_1239 : i32 to index
        %get3A_1242 = arith.index_cast %add3A_1206 : i32 to index
        %get3A_1243 = tpu.vector_load %arg6[%get3A_1240, %get3A_1241, %get3A_1242] {strides = array<i32>} : memref<19x4x512xf32, #tpu.memory_space<vmem>>, vector<16xf32>,
        %get3A_1244 = arith.constant 4 : i32
        %get3A_1245 = arith.constant 2 : i32
        %get3A_1246 = arith.index_cast %get3A_1244 : i32 to index
        %get3A_1247 = arith.index_cast %get3A_1245 : i32 to index
        %get3A_1248 = arith.index_cast %add3A_1206 : i32 to index
        %get3A_1249 = tpu.vector_load %arg6[%get3A_1246, %get3A_1247, %get3A_1248] {strides = array<i32>} : memref<19x4x512xf32, #tpu.memory_space<vmem>>, vector<16xf32>,
        %get3A_1250 = arith.constant 5 : i32
        %get3A_1251 = arith.constant 2 : i32
        %get3A_1252 = arith.index_cast %get3A_1250 : i32 to index
        %get3A_1253 = arith.index_cast %get3A_1251 : i32 to index
        %get3A_1254 = arith.index_cast %add3A_1206 : i32 to index
        %get3A_1255 = tpu.vector_load %arg6[%get3A_1252, %get3A_1253, %get3A_1254] {strides = array<i32>} : memref<19x4x512xf32, #tpu.memory_space<vmem>>, vector<16xf32>,
        %get3A_1256 = arith.constant 6 : i32
        %get3A_1257 = arith.constant 2 : i32
        %get3A_1258 = arith.index_cast %get3A_1256 : i32 to index
        %get3A_1259 = arith.index_cast %get3A_1257 : i32 to index
        %get3A_1260 = arith.index_cast %add3A_1206 : i32 to index
        %get3A_1261 = tpu.vector_load %arg6[%get3A_1258, %get3A_1259, %get3A_1260] {strides = array<i32>} : memref<19x4x512xf32, #tpu.memory_space<vmem>>, vector<16xf32>,
        %get3A_1262 = arith.constant 7 : i32
        %get3A_1263 = arith.constant 2 : i32
        %get3A_1264 = arith.index_cast %get3A_1262 : i32 to index
        %get3A_1265 = arith.index_cast %get3A_1263 : i32 to index
        %get3A_1266 = arith.index_cast %add3A_1206 : i32 to index
        %get3A_1267 = tpu.vector_load %arg6[%get3A_1264, %get3A_1265, %get3A_1266] {strides = array<i32>} : memref<19x4x512xf32, #tpu.memory_space<vmem>>, vector<16xf32>,
        %get3A_1268 = arith.constant 8 : i32
        %get3A_1269 = arith.constant 2 : i32
        %get3A_1270 = arith.index_cast %get3A_1268 : i32 to index
        %get3A_1271 = arith.index_cast %get3A_1269 : i32 to index
        %get3A_1272 = arith.index_cast %add3A_1206 : i32 to index
        %get3A_1273 = tpu.vector_load %arg6[%get3A_1270, %get3A_1271, %get3A_1272] {strides = array<i32>} : memref<19x4x512xf32, #tpu.memory_space<vmem>>, vector<16xf32>,
        %get3A_1274 = arith.constant 9 : i32
        %get3A_1275 = arith.constant 2 : i32
        %get3A_1276 = arith.index_cast %get3A_1274 : i32 to index
        %get3A_1277 = arith.index_cast %get3A_1275 : i32 to index
        %get3A_1278 = arith.index_cast %add3A_1206 : i32 to index
        %get3A_1279 = tpu.vector_load %arg6[%get3A_1276, %get3A_1277, %get3A_1278] {strides = array<i32>} : memref<19x4x512xf32, #tpu.memory_space<vmem>>, vector<16xf32>,
        %get3A_1280 = arith.constant 10 : i32
        %get3A_1281 = arith.constant 2 : i32
        %get3A_1282 = arith.index_cast %get3A_1280 : i32 to index
        %get3A_1283 = arith.index_cast %get3A_1281 : i32 to index
        %get3A_1284 = arith.index_cast %add3A_1206 : i32 to index
        %get3A_1285 = tpu.vector_load %arg6[%get3A_1282, %get3A_1283, %get3A_1284] {strides = array<i32>} : memref<19x4x512xf32, #tpu.memory_space<vmem>>, vector<16xf32>,
        %get3A_1286 = arith.constant 11 : i32
        %get3A_1287 = arith.constant 2 : i32
        %get3A_1288 = arith.index_cast %get3A_1286 : i32 to index
        %get3A_1289 = arith.index_cast %get3A_1287 : i32 to index
        %get3A_1290 = arith.index_cast %add3A_1206 : i32 to index
        %get3A_1291 = tpu.vector_load %arg6[%get3A_1288, %get3A_1289, %get3A_1290] {strides = array<i32>} : memref<19x4x512xf32, #tpu.memory_space<vmem>>, vector<16xf32>,
        %get3A_1292 = arith.constant 12 : i32
        %get3A_1293 = arith.constant 2 : i32
        %get3A_1294 = arith.index_cast %get3A_1292 : i32 to index
        %get3A_1295 = arith.index_cast %get3A_1293 : i32 to index
        %get3A_1296 = arith.index_cast %add3A_1206 : i32 to index
        %get3A_1297 = tpu.vector_load %arg6[%get3A_1294, %get3A_1295, %get3A_1296] {strides = array<i32>} : memref<19x4x512xf32, #tpu.memory_space<vmem>>, vector<16xf32>,
        %get3A_1298 = arith.constant 13 : i32
        %get3A_1299 = arith.constant 2 : i32
        %get3A_1300 = arith.index_cast %get3A_1298 : i32 to index
        %get3A_1301 = arith.index_cast %get3A_1299 : i32 to index
        %get3A_1302 = arith.index_cast %add3A_1206 : i32 to index
        %get3A_1303 = tpu.vector_load %arg6[%get3A_1300, %get3A_1301, %get3A_1302] {strides = array<i32>} : memref<19x4x512xf32, #tpu.memory_space<vmem>>, vector<16xf32>,
        %get3A_1304 = arith.constant 14 : i32
        %get3A_1305 = arith.constant 2 : i32
        %get3A_1306 = arith.index_cast %get3A_1304 : i32 to index
        %get3A_1307 = arith.index_cast %get3A_1305 : i32 to index
        %get3A_1308 = arith.index_cast %add3A_1206 : i32 to index
        %get3A_1309 = tpu.vector_load %arg6[%get3A_1306, %get3A_1307, %get3A_1308] {strides = array<i32>} : memref<19x4x512xf32, #tpu.memory_space<vmem>>, vector<16xf32>,
        %get3A_1310 = arith.constant 15 : i32
        %get3A_1311 = arith.constant 2 : i32
        %get3A_1312 = arith.index_cast %get3A_1310 : i32 to index
        %get3A_1313 = arith.index_cast %get3A_1311 : i32 to index
        %get3A_1314 = arith.index_cast %add3A_1206 : i32 to index
        %get3A_1315 = tpu.vector_load %arg6[%get3A_1312, %get3A_1313, %get3A_1314] {strides = array<i32>} : memref<19x4x512xf32, #tpu.memory_space<vmem>>, vector<16xf32>,
        %get3A_1316 = arith.constant 16 : i32
        %get3A_1317 = arith.constant 2 : i32
        %get3A_1318 = arith.index_cast %get3A_1316 : i32 to index
        %get3A_1319 = arith.index_cast %get3A_1317 : i32 to index
        %get3A_1320 = arith.index_cast %add3A_1206 : i32 to index
        %get3A_1321 = tpu.vector_load %arg6[%get3A_1318, %get3A_1319, %get3A_1320] {strides = array<i32>} : memref<19x4x512xf32, #tpu.memory_space<vmem>>, vector<16xf32>,
        %get3A_1322 = arith.constant 17 : i32
        %get3A_1323 = arith.constant 2 : i32
        %get3A_1324 = arith.index_cast %get3A_1322 : i32 to index
        %get3A_1325 = arith.index_cast %get3A_1323 : i32 to index
        %get3A_1326 = arith.index_cast %add3A_1206 : i32 to index
        %get3A_1327 = tpu.vector_load %arg6[%get3A_1324, %get3A_1325, %get3A_1326] {strides = array<i32>} : memref<19x4x512xf32, #tpu.memory_space<vmem>>, vector<16xf32>,
        %get3A_1328 = arith.constant 18 : i32
        %get3A_1329 = arith.constant 2 : i32
        %get3A_1330 = arith.index_cast %get3A_1328 : i32 to index
        %get3A_1331 = arith.index_cast %get3A_1329 : i32 to index
        %get3A_1332 = arith.index_cast %add3A_1206 : i32 to index
        %get3A_1333 = tpu.vector_load %arg6[%get3A_1330, %get3A_1331, %get3A_1332] {strides = array<i32>} : memref<19x4x512xf32, #tpu.memory_space<vmem>>, vector<16xf32>,
        %add3A_1334 = arith.addf %get3A_1225, %get3A_1231 : vector<16xf32>
        %add3A_1335 = arith.addf %get3A_1237, %get3A_1243 : vector<16xf32>
        %add3A_1336 = arith.addf %get3A_1249, %get3A_1255 : vector<16xf32>
        %add3A_1337 = arith.addf %get3A_1261, %get3A_1267 : vector<16xf32>
        %add3A_1338 = arith.addf %get3A_1273, %get3A_1279 : vector<16xf32>
        %add3A_1339 = arith.addf %get3A_1285, %get3A_1291 : vector<16xf32>
        %add3A_1340 = arith.addf %get3A_1297, %get3A_1303 : vector<16xf32>
        %add3A_1341 = arith.addf %get3A_1309, %get3A_1315 : vector<16xf32>
        %add3A_1342 = arith.addf %get3A_1321, %get3A_1327 : vector<16xf32>
        %add3A_1343 = arith.addf %add3A_1334, %add3A_1335 : vector<16xf32>
        %add3A_1344 = arith.addf %add3A_1336, %add3A_1337 : vector<16xf32>
        %add3A_1345 = arith.addf %add3A_1338, %add3A_1339 : vector<16xf32>
        %add3A_1346 = arith.addf %add3A_1340, %add3A_1341 : vector<16xf32>
        %add3A_1347 = arith.addf %add3A_1342, %get3A_1333 : vector<16xf32>
        %add3A_1348 = arith.addf %add3A_1343, %add3A_1344 : vector<16xf32>
        %add3A_1349 = arith.addf %add3A_1345, %add3A_1346 : vector<16xf32>
        %add3A_1350 = arith.addf %add3A_1348, %add3A_1349 : vector<16xf32>
        %add3A_1351 = arith.addf %add3A_1350, %add3A_1347 : vector<16xf32>
        %mul3A_1352 = arith.constant 0.999989449 : f32
        %mul3A_1353 = vector.broadcast %mul3A_1352 : f32 to vector<16xf32>
        %mul3A_1354 = arith.mulf %mul3A_1353, %gather3A_1219 : vector<16xf32>
        %mul3A_1355 = arith.constant 5.55555573E-7 : f32
        %mul3A_1356 = vector.broadcast %mul3A_1355 : f32 to vector<16xf32>
        %mul3A_1357 = arith.mulf %mul3A_1356, %add3A_1351 : vector<16xf32>
        %add3A_1358 = arith.constant 9.99999974E-6 : f32
        %add3A_1359 = vector.broadcast %add3A_1358 : f32 to vector<16xf32>
        %add3A_1360 = arith.addf %mul3A_1357, %add3A_1359 : vector<16xf32>
        %add3A_1361 = arith.addf %mul3A_1354, %add3A_1360 : vector<16xf32>
        %sub3A_1362 = arith.constant 1.000000e+00 : f32
        %sub3A_1363 = vector.broadcast %sub3A_1362 : f32 to vector<16xf32>
        %sub3A_1364 = arith.subf %sub3A_1363, %add3A_1361 : vector<16xf32>
        %mul3A_1365 = arith.mulf %sub3A_1364, %sub3A_1364 : vector<16xf32>
        %bitcast3A_1366 = vector.bitcast %add3A_1361 : vector<16xf32> to vector<16xi32>
        %shift_right_arithmetic3A_1367 = arith.constant 23 : i32
        %shift_right_arithmetic3A_1368 = vector.broadcast %shift_right_arithmetic3A_1367 : i32 to vector<16xi32>
        %shift_right_arithmetic3A_1369 = arith.shrsi %bitcast3A_1366, %shift_right_arithmetic3A_1368 : vector<16xi32>
        %sub3A_1370 = arith.constant 127 : i32
        %sub3A_1371 = vector.broadcast %sub3A_1370 : i32 to vector<16xi32>
        %sub3A_1372 = arith.subi %shift_right_arithmetic3A_1369, %sub3A_1371 : vector<16xi32>
        %and3A_1373 = arith.constant 8388607 : i32
        %and3A_1374 = vector.broadcast %and3A_1373 : i32 to vector<16xi32>
        %and3A_1375 = arith.andi %bitcast3A_1366, %and3A_1374 : vector<16xi32>
        %or3A_1376 = arith.constant 1065353216 : i32
        %or3A_1377 = vector.broadcast %or3A_1376 : i32 to vector<16xi32>
        %or3A_1378 = arith.ori %and3A_1375, %or3A_1377 : vector<16xi32>
        %bitcast3A_1379 = vector.bitcast %or3A_1378 : vector<16xi32> to vector<16xf32>
        %gt3A_1380 = arith.constant 1.41421354 : f32
        %gt3A_1381 = vector.broadcast %gt3A_1380 : f32 to vector<16xf32>
        %gt3A_1382 = arith.cmpf ogt, %bitcast3A_1379, %gt3A_1381 : vector<16xf32>
        %mul3A_1383 = arith.constant 5.000000e-01 : f32
        %mul3A_1384 = vector.broadcast %mul3A_1383 : f32 to vector<16xf32>
        %mul3A_1385 = arith.mulf %bitcast3A_1379, %mul3A_1384 : vector<16xf32>
        %select_n3A_1386 = arith.select %gt3A_1382, %mul3A_1385, %bitcast3A_1379 : vector<16xi1>, vector<16xf32>
        %add3A_1387 = arith.constant 1 : i32
        %add3A_1388 = vector.broadcast %add3A_1387 : i32 to vector<16xi32>
        %add3A_1389 = arith.addi %sub3A_1372, %add3A_1388 : vector<16xi32>
        %select_n3A_1390 = arith.select %gt3A_1382, %add3A_1389, %sub3A_1372 : vector<16xi1>, vector<16xi32>
        %sub3A_1391 = arith.constant 1.000000e+00 : f32
        %sub3A_1392 = vector.broadcast %sub3A_1391 : f32 to vector<16xf32>
        %sub3A_1393 = arith.subf %select_n3A_1386, %sub3A_1392 : vector<16xf32>
        %add3A_1394 = arith.constant 1.000000e+00 : f32
        %add3A_1395 = vector.broadcast %add3A_1394 : f32 to vector<16xf32>
        %add3A_1396 = arith.addf %select_n3A_1386, %add3A_1395 : vector<16xf32>
        %div3A_1397 = arith.divf %sub3A_1393, %add3A_1396 : vector<16xf32>
        %mul3A_1398 = arith.mulf %div3A_1397, %div3A_1397 : vector<16xf32>
        %mul3A_1399 = arith.constant 0.285714298 : f32
        %mul3A_1400 = vector.broadcast %mul3A_1399 : f32 to vector<16xf32>
        %mul3A_1401 = arith.mulf %mul3A_1398, %mul3A_1400 : vector<16xf32>
        %add3A_1402 = arith.constant 4.000000e-01 : f32
        %add3A_1403 = vector.broadcast %add3A_1402 : f32 to vector<16xf32>
        %add3A_1404 = arith.addf %add3A_1403, %mul3A_1401 : vector<16xf32>
        %mul3A_1405 = arith.mulf %mul3A_1398, %add3A_1404 : vector<16xf32>
        %add3A_1406 = arith.constant 0.666666686 : f32
        %add3A_1407 = vector.broadcast %add3A_1406 : f32 to vector<16xf32>
        %add3A_1408 = arith.addf %add3A_1407, %mul3A_1405 : vector<16xf32>
        %mul3A_1409 = arith.mulf %mul3A_1398, %add3A_1408 : vector<16xf32>
        %add3A_1410 = arith.constant 2.000000e+00 : f32
        %add3A_1411 = vector.broadcast %add3A_1410 : f32 to vector<16xf32>
        %add3A_1412 = arith.addf %add3A_1411, %mul3A_1409 : vector<16xf32>
        %convert_element_type3A_1413 = arith.sitofp %select_n3A_1390 : vector<16xi32> to vector<16xf32>
        %mul3A_1414 = arith.constant 0.693147182 : f32
        %mul3A_1415 = vector.broadcast %mul3A_1414 : f32 to vector<16xf32>
        %mul3A_1416 = arith.mulf %convert_element_type3A_1413, %mul3A_1415 : vector<16xf32>
        %mul3A_1417 = arith.mulf %div3A_1397, %add3A_1412 : vector<16xf32>
        %add3A_1418 = arith.addf %mul3A_1416, %mul3A_1417 : vector<16xf32>
        %mul3A_1419 = arith.mulf %mul3A_1365, %add3A_1418 : vector<16xf32>
        %add3A_1420 = arith.addf %add3A_1204, %mul3A_1419 : vector<16xf32>
        %get3A_1421 = arith.constant 3 : i32
        %get3A_1422 = arith.index_cast %get3A_1421 : i32 to index
        %get3A_1423 = arith.index_cast %mul3A_136 : i32 to index
        %get3A_1424 = tpu.vector_load %arg8[%get3A_1422, %get3A_1423] {strides = array<i32>} : memref<4x512xi32, #tpu.memory_space<vmem>>, vector<16xi32>,
        %mul3A_1425 = arith.constant 0 : i32
        %mul3A_1426 = vector.broadcast %mul3A_1425 : i32 to vector<16xi32>
        %mul3A_1427 = arith.muli %iota3A, %mul3A_1426 : vector<16xi32>
        %add3A_1428 = arith.constant 3 : i32
        %add3A_1429 = vector.broadcast %add3A_1428 : i32 to vector<16xi32>
        %add3A_1430 = arith.addi %mul3A_1427, %add3A_1429 : vector<16xi32>
        %add3A_1431 = vector.broadcast %mul3A_136 : i32 to vector<16xi32>
        %add3A_1432 = arith.addi %iota3A, %add3A_1431 : vector<16xi32>
        %gather3A_1433 = tpu.vector_load_idx %arg6[%get3A_1424, %add3A_1430, %add3A_1432] : memref<19x4x512xf32, #tpu.memory_space<vmem>>[vector<16xi32>, vector<16xi32>, vector<16xi32>], vector<16xf32>,
        %get3A_1434 = arith.constant 0 : i32
        %get3A_1435 = arith.constant 3 : i32
        %get3A_1436 = arith.index_cast %get3A_1434 : i32 to index
        %get3A_1437 = arith.index_cast %get3A_1435 : i32 to index
        %get3A_1438 = arith.index_cast %mul3A_136 : i32 to index
        %get3A_1439 = tpu.vector_load %arg6[%get3A_1436, %get3A_1437, %get3A_1438] {strides = array<i32>} : memref<19x4x512xf32, #tpu.memory_space<vmem>>, vector<16xf32>,
        %get3A_1440 = arith.constant 1 : i32
        %get3A_1441 = arith.constant 3 : i32
        %get3A_1442 = arith.index_cast %get3A_1440 : i32 to index
        %get3A_1443 = arith.index_cast %get3A_1441 : i32 to index
        %get3A_1444 = arith.index_cast %mul3A_136 : i32 to index
        %get3A_1445 = tpu.vector_load %arg6[%get3A_1442, %get3A_1443, %get3A_1444] {strides = array<i32>} : memref<19x4x512xf32, #tpu.memory_space<vmem>>, vector<16xf32>,
        %get3A_1446 = arith.constant 2 : i32
        %get3A_1447 = arith.constant 3 : i32
        %get3A_1448 = arith.index_cast %get3A_1446 : i32 to index
        %get3A_1449 = arith.index_cast %get3A_1447 : i32 to index
        %get3A_1450 = arith.index_cast %mul3A_136 : i32 to index
        %get3A_1451 = tpu.vector_load %arg6[%get3A_1448, %get3A_1449, %get3A_1450] {strides = array<i32>} : memref<19x4x512xf32, #tpu.memory_space<vmem>>, vector<16xf32>,
        %get3A_1452 = arith.constant 3 : i32
        %get3A_1453 = arith.constant 3 : i32
        %get3A_1454 = arith.index_cast %get3A_1452 : i32 to index
        %get3A_1455 = arith.index_cast %get3A_1453 : i32 to index
        %get3A_1456 = arith.index_cast %mul3A_136 : i32 to index
        %get3A_1457 = tpu.vector_load %arg6[%get3A_1454, %get3A_1455, %get3A_1456] {strides = array<i32>} : memref<19x4x512xf32, #tpu.memory_space<vmem>>, vector<16xf32>,
        %get3A_1458 = arith.constant 4 : i32
        %get3A_1459 = arith.constant 3 : i32
        %get3A_1460 = arith.index_cast %get3A_1458 : i32 to index
        %get3A_1461 = arith.index_cast %get3A_1459 : i32 to index
        %get3A_1462 = arith.index_cast %mul3A_136 : i32 to index
        %get3A_1463 = tpu.vector_load %arg6[%get3A_1460, %get3A_1461, %get3A_1462] {strides = array<i32>} : memref<19x4x512xf32, #tpu.memory_space<vmem>>, vector<16xf32>,
        %get3A_1464 = arith.constant 5 : i32
        %get3A_1465 = arith.constant 3 : i32
        %get3A_1466 = arith.index_cast %get3A_1464 : i32 to index
        %get3A_1467 = arith.index_cast %get3A_1465 : i32 to index
        %get3A_1468 = arith.index_cast %mul3A_136 : i32 to index
        %get3A_1469 = tpu.vector_load %arg6[%get3A_1466, %get3A_1467, %get3A_1468] {strides = array<i32>} : memref<19x4x512xf32, #tpu.memory_space<vmem>>, vector<16xf32>,
        %get3A_1470 = arith.constant 6 : i32
        %get3A_1471 = arith.constant 3 : i32
        %get3A_1472 = arith.index_cast %get3A_1470 : i32 to index
        %get3A_1473 = arith.index_cast %get3A_1471 : i32 to index
        %get3A_1474 = arith.index_cast %mul3A_136 : i32 to index
        %get3A_1475 = tpu.vector_load %arg6[%get3A_1472, %get3A_1473, %get3A_1474] {strides = array<i32>} : memref<19x4x512xf32, #tpu.memory_space<vmem>>, vector<16xf32>,
        %get3A_1476 = arith.constant 7 : i32
        %get3A_1477 = arith.constant 3 : i32
        %get3A_1478 = arith.index_cast %get3A_1476 : i32 to index
        %get3A_1479 = arith.index_cast %get3A_1477 : i32 to index
        %get3A_1480 = arith.index_cast %mul3A_136 : i32 to index
        %get3A_1481 = tpu.vector_load %arg6[%get3A_1478, %get3A_1479, %get3A_1480] {strides = array<i32>} : memref<19x4x512xf32, #tpu.memory_space<vmem>>, vector<16xf32>,
        %get3A_1482 = arith.constant 8 : i32
        %get3A_1483 = arith.constant 3 : i32
        %get3A_1484 = arith.index_cast %get3A_1482 : i32 to index
        %get3A_1485 = arith.index_cast %get3A_1483 : i32 to index
        %get3A_1486 = arith.index_cast %mul3A_136 : i32 to index
        %get3A_1487 = tpu.vector_load %arg6[%get3A_1484, %get3A_1485, %get3A_1486] {strides = array<i32>} : memref<19x4x512xf32, #tpu.memory_space<vmem>>, vector<16xf32>,
        %get3A_1488 = arith.constant 9 : i32
        %get3A_1489 = arith.constant 3 : i32
        %get3A_1490 = arith.index_cast %get3A_1488 : i32 to index
        %get3A_1491 = arith.index_cast %get3A_1489 : i32 to index
        %get3A_1492 = arith.index_cast %mul3A_136 : i32 to index
        %get3A_1493 = tpu.vector_load %arg6[%get3A_1490, %get3A_1491, %get3A_1492] {strides = array<i32>} : memref<19x4x512xf32, #tpu.memory_space<vmem>>, vector<16xf32>,
        %get3A_1494 = arith.constant 10 : i32
        %get3A_1495 = arith.constant 3 : i32
        %get3A_1496 = arith.index_cast %get3A_1494 : i32 to index
        %get3A_1497 = arith.index_cast %get3A_1495 : i32 to index
        %get3A_1498 = arith.index_cast %mul3A_136 : i32 to index
        %get3A_1499 = tpu.vector_load %arg6[%get3A_1496, %get3A_1497, %get3A_1498] {strides = array<i32>} : memref<19x4x512xf32, #tpu.memory_space<vmem>>, vector<16xf32>,
        %get3A_1500 = arith.constant 11 : i32
        %get3A_1501 = arith.constant 3 : i32
        %get3A_1502 = arith.index_cast %get3A_1500 : i32 to index
        %get3A_1503 = arith.index_cast %get3A_1501 : i32 to index
        %get3A_1504 = arith.index_cast %mul3A_136 : i32 to index
        %get3A_1505 = tpu.vector_load %arg6[%get3A_1502, %get3A_1503, %get3A_1504] {strides = array<i32>} : memref<19x4x512xf32, #tpu.memory_space<vmem>>, vector<16xf32>,
        %get3A_1506 = arith.constant 12 : i32
        %get3A_1507 = arith.constant 3 : i32
        %get3A_1508 = arith.index_cast %get3A_1506 : i32 to index
        %get3A_1509 = arith.index_cast %get3A_1507 : i32 to index
        %get3A_1510 = arith.index_cast %mul3A_136 : i32 to index
        %get3A_1511 = tpu.vector_load %arg6[%get3A_1508, %get3A_1509, %get3A_1510] {strides = array<i32>} : memref<19x4x512xf32, #tpu.memory_space<vmem>>, vector<16xf32>,
        %get3A_1512 = arith.constant 13 : i32
        %get3A_1513 = arith.constant 3 : i32
        %get3A_1514 = arith.index_cast %get3A_1512 : i32 to index
        %get3A_1515 = arith.index_cast %get3A_1513 : i32 to index
        %get3A_1516 = arith.index_cast %mul3A_136 : i32 to index
        %get3A_1517 = tpu.vector_load %arg6[%get3A_1514, %get3A_1515, %get3A_1516] {strides = array<i32>} : memref<19x4x512xf32, #tpu.memory_space<vmem>>, vector<16xf32>,
        %get3A_1518 = arith.constant 14 : i32
        %get3A_1519 = arith.constant 3 : i32
        %get3A_1520 = arith.index_cast %get3A_1518 : i32 to index
        %get3A_1521 = arith.index_cast %get3A_1519 : i32 to index
        %get3A_1522 = arith.index_cast %mul3A_136 : i32 to index
        %get3A_1523 = tpu.vector_load %arg6[%get3A_1520, %get3A_1521, %get3A_1522] {strides = array<i32>} : memref<19x4x512xf32, #tpu.memory_space<vmem>>, vector<16xf32>,
        %get3A_1524 = arith.constant 15 : i32
        %get3A_1525 = arith.constant 3 : i32
        %get3A_1526 = arith.index_cast %get3A_1524 : i32 to index
        %get3A_1527 = arith.index_cast %get3A_1525 : i32 to index
        %get3A_1528 = arith.index_cast %mul3A_136 : i32 to index
        %get3A_1529 = tpu.vector_load %arg6[%get3A_1526, %get3A_1527, %get3A_1528] {strides = array<i32>} : memref<19x4x512xf32, #tpu.memory_space<vmem>>, vector<16xf32>,
        %get3A_1530 = arith.constant 16 : i32
        %get3A_1531 = arith.constant 3 : i32
        %get3A_1532 = arith.index_cast %get3A_1530 : i32 to index
        %get3A_1533 = arith.index_cast %get3A_1531 : i32 to index
        %get3A_1534 = arith.index_cast %mul3A_136 : i32 to index
        %get3A_1535 = tpu.vector_load %arg6[%get3A_1532, %get3A_1533, %get3A_1534] {strides = array<i32>} : memref<19x4x512xf32, #tpu.memory_space<vmem>>, vector<16xf32>,
        %get3A_1536 = arith.constant 17 : i32
        %get3A_1537 = arith.constant 3 : i32
        %get3A_1538 = arith.index_cast %get3A_1536 : i32 to index
        %get3A_1539 = arith.index_cast %get3A_1537 : i32 to index
        %get3A_1540 = arith.index_cast %mul3A_136 : i32 to index
        %get3A_1541 = tpu.vector_load %arg6[%get3A_1538, %get3A_1539, %get3A_1540] {strides = array<i32>} : memref<19x4x512xf32, #tpu.memory_space<vmem>>, vector<16xf32>,
        %get3A_1542 = arith.constant 18 : i32
        %get3A_1543 = arith.constant 3 : i32
        %get3A_1544 = arith.index_cast %get3A_1542 : i32 to index
        %get3A_1545 = arith.index_cast %get3A_1543 : i32 to index
        %get3A_1546 = arith.index_cast %mul3A_136 : i32 to index
        %get3A_1547 = tpu.vector_load %arg6[%get3A_1544, %get3A_1545, %get3A_1546] {strides = array<i32>} : memref<19x4x512xf32, #tpu.memory_space<vmem>>, vector<16xf32>,
        %add3A_1548 = arith.addf %get3A_1439, %get3A_1445 : vector<16xf32>
        %add3A_1549 = arith.addf %get3A_1451, %get3A_1457 : vector<16xf32>
        %add3A_1550 = arith.addf %get3A_1463, %get3A_1469 : vector<16xf32>
        %add3A_1551 = arith.addf %get3A_1475, %get3A_1481 : vector<16xf32>
        %add3A_1552 = arith.addf %get3A_1487, %get3A_1493 : vector<16xf32>
        %add3A_1553 = arith.addf %get3A_1499, %get3A_1505 : vector<16xf32>
        %add3A_1554 = arith.addf %get3A_1511, %get3A_1517 : vector<16xf32>
        %add3A_1555 = arith.addf %get3A_1523, %get3A_1529 : vector<16xf32>
        %add3A_1556 = arith.addf %get3A_1535, %get3A_1541 : vector<16xf32>
        %add3A_1557 = arith.addf %add3A_1548, %add3A_1549 : vector<16xf32>
        %add3A_1558 = arith.addf %add3A_1550, %add3A_1551 : vector<16xf32>
        %add3A_1559 = arith.addf %add3A_1552, %add3A_1553 : vector<16xf32>
        %add3A_1560 = arith.addf %add3A_1554, %add3A_1555 : vector<16xf32>
        %add3A_1561 = arith.addf %add3A_1556, %get3A_1547 : vector<16xf32>
        %add3A_1562 = arith.addf %add3A_1557, %add3A_1558 : vector<16xf32>
        %add3A_1563 = arith.addf %add3A_1559, %add3A_1560 : vector<16xf32>
        %add3A_1564 = arith.addf %add3A_1562, %add3A_1563 : vector<16xf32>
        %add3A_1565 = arith.addf %add3A_1564, %add3A_1561 : vector<16xf32>
        %mul3A_1566 = arith.constant 0.999989449 : f32
        %mul3A_1567 = vector.broadcast %mul3A_1566 : f32 to vector<16xf32>
        %mul3A_1568 = arith.mulf %mul3A_1567, %gather3A_1433 : vector<16xf32>
        %mul3A_1569 = arith.constant 5.55555573E-7 : f32
        %mul3A_1570 = vector.broadcast %mul3A_1569 : f32 to vector<16xf32>
        %mul3A_1571 = arith.mulf %mul3A_1570, %add3A_1565 : vector<16xf32>
        %add3A_1572 = arith.constant 9.99999974E-6 : f32
        %add3A_1573 = vector.broadcast %add3A_1572 : f32 to vector<16xf32>
        %add3A_1574 = arith.addf %mul3A_1571, %add3A_1573 : vector<16xf32>
        %add3A_1575 = arith.addf %mul3A_1568, %add3A_1574 : vector<16xf32>
        %sub3A_1576 = arith.constant 1.000000e+00 : f32
        %sub3A_1577 = vector.broadcast %sub3A_1576 : f32 to vector<16xf32>
        %sub3A_1578 = arith.subf %sub3A_1577, %add3A_1575 : vector<16xf32>
        %mul3A_1579 = arith.mulf %sub3A_1578, %sub3A_1578 : vector<16xf32>
        %bitcast3A_1580 = vector.bitcast %add3A_1575 : vector<16xf32> to vector<16xi32>
        %shift_right_arithmetic3A_1581 = arith.constant 23 : i32
        %shift_right_arithmetic3A_1582 = vector.broadcast %shift_right_arithmetic3A_1581 : i32 to vector<16xi32>
        %shift_right_arithmetic3A_1583 = arith.shrsi %bitcast3A_1580, %shift_right_arithmetic3A_1582 : vector<16xi32>
        %sub3A_1584 = arith.constant 127 : i32
        %sub3A_1585 = vector.broadcast %sub3A_1584 : i32 to vector<16xi32>
        %sub3A_1586 = arith.subi %shift_right_arithmetic3A_1583, %sub3A_1585 : vector<16xi32>
        %and3A_1587 = arith.constant 8388607 : i32
        %and3A_1588 = vector.broadcast %and3A_1587 : i32 to vector<16xi32>
        %and3A_1589 = arith.andi %bitcast3A_1580, %and3A_1588 : vector<16xi32>
        %or3A_1590 = arith.constant 1065353216 : i32
        %or3A_1591 = vector.broadcast %or3A_1590 : i32 to vector<16xi32>
        %or3A_1592 = arith.ori %and3A_1589, %or3A_1591 : vector<16xi32>
        %bitcast3A_1593 = vector.bitcast %or3A_1592 : vector<16xi32> to vector<16xf32>
        %gt3A_1594 = arith.constant 1.41421354 : f32
        %gt3A_1595 = vector.broadcast %gt3A_1594 : f32 to vector<16xf32>
        %gt3A_1596 = arith.cmpf ogt, %bitcast3A_1593, %gt3A_1595 : vector<16xf32>
        %mul3A_1597 = arith.constant 5.000000e-01 : f32
        %mul3A_1598 = vector.broadcast %mul3A_1597 : f32 to vector<16xf32>
        %mul3A_1599 = arith.mulf %bitcast3A_1593, %mul3A_1598 : vector<16xf32>
        %select_n3A_1600 = arith.select %gt3A_1596, %mul3A_1599, %bitcast3A_1593 : vector<16xi1>, vector<16xf32>
        %add3A_1601 = arith.constant 1 : i32
        %add3A_1602 = vector.broadcast %add3A_1601 : i32 to vector<16xi32>
        %add3A_1603 = arith.addi %sub3A_1586, %add3A_1602 : vector<16xi32>
        %select_n3A_1604 = arith.select %gt3A_1596, %add3A_1603, %sub3A_1586 : vector<16xi1>, vector<16xi32>
        %sub3A_1605 = arith.constant 1.000000e+00 : f32
        %sub3A_1606 = vector.broadcast %sub3A_1605 : f32 to vector<16xf32>
        %sub3A_1607 = arith.subf %select_n3A_1600, %sub3A_1606 : vector<16xf32>
        %add3A_1608 = arith.constant 1.000000e+00 : f32
        %add3A_1609 = vector.broadcast %add3A_1608 : f32 to vector<16xf32>
        %add3A_1610 = arith.addf %select_n3A_1600, %add3A_1609 : vector<16xf32>
        %div3A_1611 = arith.divf %sub3A_1607, %add3A_1610 : vector<16xf32>
        %mul3A_1612 = arith.mulf %div3A_1611, %div3A_1611 : vector<16xf32>
        %mul3A_1613 = arith.constant 0.285714298 : f32
        %mul3A_1614 = vector.broadcast %mul3A_1613 : f32 to vector<16xf32>
        %mul3A_1615 = arith.mulf %mul3A_1612, %mul3A_1614 : vector<16xf32>
        %add3A_1616 = arith.constant 4.000000e-01 : f32
        %add3A_1617 = vector.broadcast %add3A_1616 : f32 to vector<16xf32>
        %add3A_1618 = arith.addf %add3A_1617, %mul3A_1615 : vector<16xf32>
        %mul3A_1619 = arith.mulf %mul3A_1612, %add3A_1618 : vector<16xf32>
        %add3A_1620 = arith.constant 0.666666686 : f32
        %add3A_1621 = vector.broadcast %add3A_1620 : f32 to vector<16xf32>
        %add3A_1622 = arith.addf %add3A_1621, %mul3A_1619 : vector<16xf32>
        %mul3A_1623 = arith.mulf %mul3A_1612, %add3A_1622 : vector<16xf32>
        %add3A_1624 = arith.constant 2.000000e+00 : f32
        %add3A_1625 = vector.broadcast %add3A_1624 : f32 to vector<16xf32>
        %add3A_1626 = arith.addf %add3A_1625, %mul3A_1623 : vector<16xf32>
        %convert_element_type3A_1627 = arith.sitofp %select_n3A_1604 : vector<16xi32> to vector<16xf32>
        %mul3A_1628 = arith.constant 0.693147182 : f32
        %mul3A_1629 = vector.broadcast %mul3A_1628 : f32 to vector<16xf32>
        %mul3A_1630 = arith.mulf %convert_element_type3A_1627, %mul3A_1629 : vector<16xf32>
        %mul3A_1631 = arith.mulf %div3A_1611, %add3A_1626 : vector<16xf32>
        %add3A_1632 = arith.addf %mul3A_1630, %mul3A_1631 : vector<16xf32>
        %mul3A_1633 = arith.mulf %mul3A_1579, %add3A_1632 : vector<16xf32>
        %add3A_1634 = arith.addf %add3A_1420, %mul3A_1633 : vector<16xf32>
        %add3A_1635 = arith.constant 16 : i32
        %add3A_1636 = arith.addi %mul3A_136, %add3A_1635 : i32
        %get3A_1637 = arith.constant 3 : i32
        %get3A_1638 = arith.index_cast %get3A_1637 : i32 to index
        %get3A_1639 = arith.index_cast %add3A_1636 : i32 to index
        %get3A_1640 = tpu.vector_load %arg8[%get3A_1638, %get3A_1639] {strides = array<i32>} : memref<4x512xi32, #tpu.memory_space<vmem>>, vector<16xi32>,
        %mul3A_1641 = arith.constant 0 : i32
        %mul3A_1642 = vector.broadcast %mul3A_1641 : i32 to vector<16xi32>
        %mul3A_1643 = arith.muli %iota3A, %mul3A_1642 : vector<16xi32>
        %add3A_1644 = arith.constant 3 : i32
        %add3A_1645 = vector.broadcast %add3A_1644 : i32 to vector<16xi32>
        %add3A_1646 = arith.addi %mul3A_1643, %add3A_1645 : vector<16xi32>
        %add3A_1647 = vector.broadcast %add3A_1636 : i32 to vector<16xi32>
        %add3A_1648 = arith.addi %iota3A, %add3A_1647 : vector<16xi32>
        %gather3A_1649 = tpu.vector_load_idx %arg6[%get3A_1640, %add3A_1646, %add3A_1648] : memref<19x4x512xf32, #tpu.memory_space<vmem>>[vector<16xi32>, vector<16xi32>, vector<16xi32>], vector<16xf32>,
        %get3A_1650 = arith.constant 0 : i32
        %get3A_1651 = arith.constant 3 : i32
        %get3A_1652 = arith.index_cast %get3A_1650 : i32 to index
        %get3A_1653 = arith.index_cast %get3A_1651 : i32 to index
        %get3A_1654 = arith.index_cast %add3A_1636 : i32 to index
        %get3A_1655 = tpu.vector_load %arg6[%get3A_1652, %get3A_1653, %get3A_1654] {strides = array<i32>} : memref<19x4x512xf32, #tpu.memory_space<vmem>>, vector<16xf32>,
        %get3A_1656 = arith.constant 1 : i32
        %get3A_1657 = arith.constant 3 : i32
        %get3A_1658 = arith.index_cast %get3A_1656 : i32 to index
        %get3A_1659 = arith.index_cast %get3A_1657 : i32 to index
        %get3A_1660 = arith.index_cast %add3A_1636 : i32 to index
        %get3A_1661 = tpu.vector_load %arg6[%get3A_1658, %get3A_1659, %get3A_1660] {strides = array<i32>} : memref<19x4x512xf32, #tpu.memory_space<vmem>>, vector<16xf32>,
        %get3A_1662 = arith.constant 2 : i32
        %get3A_1663 = arith.constant 3 : i32
        %get3A_1664 = arith.index_cast %get3A_1662 : i32 to index
        %get3A_1665 = arith.index_cast %get3A_1663 : i32 to index
        %get3A_1666 = arith.index_cast %add3A_1636 : i32 to index
        %get3A_1667 = tpu.vector_load %arg6[%get3A_1664, %get3A_1665, %get3A_1666] {strides = array<i32>} : memref<19x4x512xf32, #tpu.memory_space<vmem>>, vector<16xf32>,
        %get3A_1668 = arith.constant 3 : i32
        %get3A_1669 = arith.constant 3 : i32
        %get3A_1670 = arith.index_cast %get3A_1668 : i32 to index
        %get3A_1671 = arith.index_cast %get3A_1669 : i32 to index
        %get3A_1672 = arith.index_cast %add3A_1636 : i32 to index
        %get3A_1673 = tpu.vector_load %arg6[%get3A_1670, %get3A_1671, %get3A_1672] {strides = array<i32>} : memref<19x4x512xf32, #tpu.memory_space<vmem>>, vector<16xf32>,
        %get3A_1674 = arith.constant 4 : i32
        %get3A_1675 = arith.constant 3 : i32
        %get3A_1676 = arith.index_cast %get3A_1674 : i32 to index
        %get3A_1677 = arith.index_cast %get3A_1675 : i32 to index
        %get3A_1678 = arith.index_cast %add3A_1636 : i32 to index
        %get3A_1679 = tpu.vector_load %arg6[%get3A_1676, %get3A_1677, %get3A_1678] {strides = array<i32>} : memref<19x4x512xf32, #tpu.memory_space<vmem>>, vector<16xf32>,
        %get3A_1680 = arith.constant 5 : i32
        %get3A_1681 = arith.constant 3 : i32
        %get3A_1682 = arith.index_cast %get3A_1680 : i32 to index
        %get3A_1683 = arith.index_cast %get3A_1681 : i32 to index
        %get3A_1684 = arith.index_cast %add3A_1636 : i32 to index
        %get3A_1685 = tpu.vector_load %arg6[%get3A_1682, %get3A_1683, %get3A_1684] {strides = array<i32>} : memref<19x4x512xf32, #tpu.memory_space<vmem>>, vector<16xf32>,
        %get3A_1686 = arith.constant 6 : i32
        %get3A_1687 = arith.constant 3 : i32
        %get3A_1688 = arith.index_cast %get3A_1686 : i32 to index
        %get3A_1689 = arith.index_cast %get3A_1687 : i32 to index
        %get3A_1690 = arith.index_cast %add3A_1636 : i32 to index
        %get3A_1691 = tpu.vector_load %arg6[%get3A_1688, %get3A_1689, %get3A_1690] {strides = array<i32>} : memref<19x4x512xf32, #tpu.memory_space<vmem>>, vector<16xf32>,
        %get3A_1692 = arith.constant 7 : i32
        %get3A_1693 = arith.constant 3 : i32
        %get3A_1694 = arith.index_cast %get3A_1692 : i32 to index
        %get3A_1695 = arith.index_cast %get3A_1693 : i32 to index
        %get3A_1696 = arith.index_cast %add3A_1636 : i32 to index
        %get3A_1697 = tpu.vector_load %arg6[%get3A_1694, %get3A_1695, %get3A_1696] {strides = array<i32>} : memref<19x4x512xf32, #tpu.memory_space<vmem>>, vector<16xf32>,
        %get3A_1698 = arith.constant 8 : i32
        %get3A_1699 = arith.constant 3 : i32
        %get3A_1700 = arith.index_cast %get3A_1698 : i32 to index
        %get3A_1701 = arith.index_cast %get3A_1699 : i32 to index
        %get3A_1702 = arith.index_cast %add3A_1636 : i32 to index
        %get3A_1703 = tpu.vector_load %arg6[%get3A_1700, %get3A_1701, %get3A_1702] {strides = array<i32>} : memref<19x4x512xf32, #tpu.memory_space<vmem>>, vector<16xf32>,
        %get3A_1704 = arith.constant 9 : i32
        %get3A_1705 = arith.constant 3 : i32
        %get3A_1706 = arith.index_cast %get3A_1704 : i32 to index
        %get3A_1707 = arith.index_cast %get3A_1705 : i32 to index
        %get3A_1708 = arith.index_cast %add3A_1636 : i32 to index
        %get3A_1709 = tpu.vector_load %arg6[%get3A_1706, %get3A_1707, %get3A_1708] {strides = array<i32>} : memref<19x4x512xf32, #tpu.memory_space<vmem>>, vector<16xf32>,
        %get3A_1710 = arith.constant 10 : i32
        %get3A_1711 = arith.constant 3 : i32
        %get3A_1712 = arith.index_cast %get3A_1710 : i32 to index
        %get3A_1713 = arith.index_cast %get3A_1711 : i32 to index
        %get3A_1714 = arith.index_cast %add3A_1636 : i32 to index
        %get3A_1715 = tpu.vector_load %arg6[%get3A_1712, %get3A_1713, %get3A_1714] {strides = array<i32>} : memref<19x4x512xf32, #tpu.memory_space<vmem>>, vector<16xf32>,
        %get3A_1716 = arith.constant 11 : i32
        %get3A_1717 = arith.constant 3 : i32
        %get3A_1718 = arith.index_cast %get3A_1716 : i32 to index
        %get3A_1719 = arith.index_cast %get3A_1717 : i32 to index
        %get3A_1720 = arith.index_cast %add3A_1636 : i32 to index
        %get3A_1721 = tpu.vector_load %arg6[%get3A_1718, %get3A_1719, %get3A_1720] {strides = array<i32>} : memref<19x4x512xf32, #tpu.memory_space<vmem>>, vector<16xf32>,
        %get3A_1722 = arith.constant 12 : i32
        %get3A_1723 = arith.constant 3 : i32
        %get3A_1724 = arith.index_cast %get3A_1722 : i32 to index
        %get3A_1725 = arith.index_cast %get3A_1723 : i32 to index
        %get3A_1726 = arith.index_cast %add3A_1636 : i32 to index
        %get3A_1727 = tpu.vector_load %arg6[%get3A_1724, %get3A_1725, %get3A_1726] {strides = array<i32>} : memref<19x4x512xf32, #tpu.memory_space<vmem>>, vector<16xf32>,
        %get3A_1728 = arith.constant 13 : i32
        %get3A_1729 = arith.constant 3 : i32
        %get3A_1730 = arith.index_cast %get3A_1728 : i32 to index
        %get3A_1731 = arith.index_cast %get3A_1729 : i32 to index
        %get3A_1732 = arith.index_cast %add3A_1636 : i32 to index
        %get3A_1733 = tpu.vector_load %arg6[%get3A_1730, %get3A_1731, %get3A_1732] {strides = array<i32>} : memref<19x4x512xf32, #tpu.memory_space<vmem>>, vector<16xf32>,
        %get3A_1734 = arith.constant 14 : i32
        %get3A_1735 = arith.constant 3 : i32
        %get3A_1736 = arith.index_cast %get3A_1734 : i32 to index
        %get3A_1737 = arith.index_cast %get3A_1735 : i32 to index
        %get3A_1738 = arith.index_cast %add3A_1636 : i32 to index
        %get3A_1739 = tpu.vector_load %arg6[%get3A_1736, %get3A_1737, %get3A_1738] {strides = array<i32>} : memref<19x4x512xf32, #tpu.memory_space<vmem>>, vector<16xf32>,
        %get3A_1740 = arith.constant 15 : i32
        %get3A_1741 = arith.constant 3 : i32
        %get3A_1742 = arith.index_cast %get3A_1740 : i32 to index
        %get3A_1743 = arith.index_cast %get3A_1741 : i32 to index
        %get3A_1744 = arith.index_cast %add3A_1636 : i32 to index
        %get3A_1745 = tpu.vector_load %arg6[%get3A_1742, %get3A_1743, %get3A_1744] {strides = array<i32>} : memref<19x4x512xf32, #tpu.memory_space<vmem>>, vector<16xf32>,
        %get3A_1746 = arith.constant 16 : i32
        %get3A_1747 = arith.constant 3 : i32
        %get3A_1748 = arith.index_cast %get3A_1746 : i32 to index
        %get3A_1749 = arith.index_cast %get3A_1747 : i32 to index
        %get3A_1750 = arith.index_cast %add3A_1636 : i32 to index
        %get3A_1751 = tpu.vector_load %arg6[%get3A_1748, %get3A_1749, %get3A_1750] {strides = array<i32>} : memref<19x4x512xf32, #tpu.memory_space<vmem>>, vector<16xf32>,
        %get3A_1752 = arith.constant 17 : i32
        %get3A_1753 = arith.constant 3 : i32
        %get3A_1754 = arith.index_cast %get3A_1752 : i32 to index
        %get3A_1755 = arith.index_cast %get3A_1753 : i32 to index
        %get3A_1756 = arith.index_cast %add3A_1636 : i32 to index
        %get3A_1757 = tpu.vector_load %arg6[%get3A_1754, %get3A_1755, %get3A_1756] {strides = array<i32>} : memref<19x4x512xf32, #tpu.memory_space<vmem>>, vector<16xf32>,
        %get3A_1758 = arith.constant 18 : i32
        %get3A_1759 = arith.constant 3 : i32
        %get3A_1760 = arith.index_cast %get3A_1758 : i32 to index
        %get3A_1761 = arith.index_cast %get3A_1759 : i32 to index
        %get3A_1762 = arith.index_cast %add3A_1636 : i32 to index
        %get3A_1763 = tpu.vector_load %arg6[%get3A_1760, %get3A_1761, %get3A_1762] {strides = array<i32>} : memref<19x4x512xf32, #tpu.memory_space<vmem>>, vector<16xf32>,
        %add3A_1764 = arith.addf %get3A_1655, %get3A_1661 : vector<16xf32>
        %add3A_1765 = arith.addf %get3A_1667, %get3A_1673 : vector<16xf32>
        %add3A_1766 = arith.addf %get3A_1679, %get3A_1685 : vector<16xf32>
        %add3A_1767 = arith.addf %get3A_1691, %get3A_1697 : vector<16xf32>
        %add3A_1768 = arith.addf %get3A_1703, %get3A_1709 : vector<16xf32>
        %add3A_1769 = arith.addf %get3A_1715, %get3A_1721 : vector<16xf32>
        %add3A_1770 = arith.addf %get3A_1727, %get3A_1733 : vector<16xf32>
        %add3A_1771 = arith.addf %get3A_1739, %get3A_1745 : vector<16xf32>
        %add3A_1772 = arith.addf %get3A_1751, %get3A_1757 : vector<16xf32>
        %add3A_1773 = arith.addf %add3A_1764, %add3A_1765 : vector<16xf32>
        %add3A_1774 = arith.addf %add3A_1766, %add3A_1767 : vector<16xf32>
        %add3A_1775 = arith.addf %add3A_1768, %add3A_1769 : vector<16xf32>
        %add3A_1776 = arith.addf %add3A_1770, %add3A_1771 : vector<16xf32>
        %add3A_1777 = arith.addf %add3A_1772, %get3A_1763 : vector<16xf32>
        %add3A_1778 = arith.addf %add3A_1773, %add3A_1774 : vector<16xf32>
        %add3A_1779 = arith.addf %add3A_1775, %add3A_1776 : vector<16xf32>
        %add3A_1780 = arith.addf %add3A_1778, %add3A_1779 : vector<16xf32>
        %add3A_1781 = arith.addf %add3A_1780, %add3A_1777 : vector<16xf32>
        %mul3A_1782 = arith.constant 0.999989449 : f32
        %mul3A_1783 = vector.broadcast %mul3A_1782 : f32 to vector<16xf32>
        %mul3A_1784 = arith.mulf %mul3A_1783, %gather3A_1649 : vector<16xf32>
        %mul3A_1785 = arith.constant 5.55555573E-7 : f32
        %mul3A_1786 = vector.broadcast %mul3A_1785 : f32 to vector<16xf32>
        %mul3A_1787 = arith.mulf %mul3A_1786, %add3A_1781 : vector<16xf32>
        %add3A_1788 = arith.constant 9.99999974E-6 : f32
        %add3A_1789 = vector.broadcast %add3A_1788 : f32 to vector<16xf32>
        %add3A_1790 = arith.addf %mul3A_1787, %add3A_1789 : vector<16xf32>
        %add3A_1791 = arith.addf %mul3A_1784, %add3A_1790 : vector<16xf32>
        %sub3A_1792 = arith.constant 1.000000e+00 : f32
        %sub3A_1793 = vector.broadcast %sub3A_1792 : f32 to vector<16xf32>
        %sub3A_1794 = arith.subf %sub3A_1793, %add3A_1791 : vector<16xf32>
        %mul3A_1795 = arith.mulf %sub3A_1794, %sub3A_1794 : vector<16xf32>
        %bitcast3A_1796 = vector.bitcast %add3A_1791 : vector<16xf32> to vector<16xi32>
        %shift_right_arithmetic3A_1797 = arith.constant 23 : i32
        %shift_right_arithmetic3A_1798 = vector.broadcast %shift_right_arithmetic3A_1797 : i32 to vector<16xi32>
        %shift_right_arithmetic3A_1799 = arith.shrsi %bitcast3A_1796, %shift_right_arithmetic3A_1798 : vector<16xi32>
        %sub3A_1800 = arith.constant 127 : i32
        %sub3A_1801 = vector.broadcast %sub3A_1800 : i32 to vector<16xi32>
        %sub3A_1802 = arith.subi %shift_right_arithmetic3A_1799, %sub3A_1801 : vector<16xi32>
        %and3A_1803 = arith.constant 8388607 : i32
        %and3A_1804 = vector.broadcast %and3A_1803 : i32 to vector<16xi32>
        %and3A_1805 = arith.andi %bitcast3A_1796, %and3A_1804 : vector<16xi32>
        %or3A_1806 = arith.constant 1065353216 : i32
        %or3A_1807 = vector.broadcast %or3A_1806 : i32 to vector<16xi32>
        %or3A_1808 = arith.ori %and3A_1805, %or3A_1807 : vector<16xi32>
        %bitcast3A_1809 = vector.bitcast %or3A_1808 : vector<16xi32> to vector<16xf32>
        %gt3A_1810 = arith.constant 1.41421354 : f32
        %gt3A_1811 = vector.broadcast %gt3A_1810 : f32 to vector<16xf32>
        %gt3A_1812 = arith.cmpf ogt, %bitcast3A_1809, %gt3A_1811 : vector<16xf32>
        %mul3A_1813 = arith.constant 5.000000e-01 : f32
        %mul3A_1814 = vector.broadcast %mul3A_1813 : f32 to vector<16xf32>
        %mul3A_1815 = arith.mulf %bitcast3A_1809, %mul3A_1814 : vector<16xf32>
        %select_n3A_1816 = arith.select %gt3A_1812, %mul3A_1815, %bitcast3A_1809 : vector<16xi1>, vector<16xf32>
        %add3A_1817 = arith.constant 1 : i32
        %add3A_1818 = vector.broadcast %add3A_1817 : i32 to vector<16xi32>
        %add3A_1819 = arith.addi %sub3A_1802, %add3A_1818 : vector<16xi32>
        %select_n3A_1820 = arith.select %gt3A_1812, %add3A_1819, %sub3A_1802 : vector<16xi1>, vector<16xi32>
        %sub3A_1821 = arith.constant 1.000000e+00 : f32
        %sub3A_1822 = vector.broadcast %sub3A_1821 : f32 to vector<16xf32>
        %sub3A_1823 = arith.subf %select_n3A_1816, %sub3A_1822 : vector<16xf32>
        %add3A_1824 = arith.constant 1.000000e+00 : f32
        %add3A_1825 = vector.broadcast %add3A_1824 : f32 to vector<16xf32>
        %add3A_1826 = arith.addf %select_n3A_1816, %add3A_1825 : vector<16xf32>
        %div3A_1827 = arith.divf %sub3A_1823, %add3A_1826 : vector<16xf32>
        %mul3A_1828 = arith.mulf %div3A_1827, %div3A_1827 : vector<16xf32>
        %mul3A_1829 = arith.constant 0.285714298 : f32
        %mul3A_1830 = vector.broadcast %mul3A_1829 : f32 to vector<16xf32>
        %mul3A_1831 = arith.mulf %mul3A_1828, %mul3A_1830 : vector<16xf32>
        %add3A_1832 = arith.constant 4.000000e-01 : f32
        %add3A_1833 = vector.broadcast %add3A_1832 : f32 to vector<16xf32>
        %add3A_1834 = arith.addf %add3A_1833, %mul3A_1831 : vector<16xf32>
        %mul3A_1835 = arith.mulf %mul3A_1828, %add3A_1834 : vector<16xf32>
        %add3A_1836 = arith.constant 0.666666686 : f32
        %add3A_1837 = vector.broadcast %add3A_1836 : f32 to vector<16xf32>
        %add3A_1838 = arith.addf %add3A_1837, %mul3A_1835 : vector<16xf32>
        %mul3A_1839 = arith.mulf %mul3A_1828, %add3A_1838 : vector<16xf32>
        %add3A_1840 = arith.constant 2.000000e+00 : f32
        %add3A_1841 = vector.broadcast %add3A_1840 : f32 to vector<16xf32>
        %add3A_1842 = arith.addf %add3A_1841, %mul3A_1839 : vector<16xf32>
        %convert_element_type3A_1843 = arith.sitofp %select_n3A_1820 : vector<16xi32> to vector<16xf32>
        %mul3A_1844 = arith.constant 0.693147182 : f32
        %mul3A_1845 = vector.broadcast %mul3A_1844 : f32 to vector<16xf32>
        %mul3A_1846 = arith.mulf %convert_element_type3A_1843, %mul3A_1845 : vector<16xf32>
        %mul3A_1847 = arith.mulf %div3A_1827, %add3A_1842 : vector<16xf32>
        %add3A_1848 = arith.addf %mul3A_1846, %mul3A_1847 : vector<16xf32>
        %mul3A_1849 = arith.mulf %mul3A_1795, %add3A_1848 : vector<16xf32>
        %add3A_1850 = arith.addf %add3A_1634, %mul3A_1849 : vector<16xf32>
        scf.yield %add3A_1850 : vector<16xf32>
      }
      %scan3A_132 = arith.constant 16 : i32
      scf.yield %scan3A_131 : vector<16xf32>
    }
    %scan3A_56 = arith.constant 16 : i32
    %swap3A = arith.constant 0 : index
    %swap3A_57 = tpu.vector_load %arg9[%swap3A] {strides = array<i32>} : memref<16xf32, #tpu.memory_space<vmem>>, vector<16xf32>,
    tpu.vector_store %arg9[%swap3A], %scan3A_55 {strides = array<i32>} : memref<16xf32, #tpu.memory_space<vmem>>, vector<16xf32>,
    "tpu.region"() ({
      %run_scoped3A = tpu.sem_alloc : memref<!tpu.dma_semaphore, #tpu.memory_space<semaphore_mem>>
      %dma_start3A_58 = arith.constant 0 : i32
      %dma_start3A_59 = tpu.memref_slice %arg4[%add3A, %dma_start3A_58] : memref<32x16xf32, #tpu.memory_space<hbm>> -> memref<1x16xf32, #tpu.memory_space<hbm>>
      %dma_start3A_60 = tpu.memref_squeeze %dma_start3A_59 : memref<1x16xf32, #tpu.memory_space<hbm>> -> memref<16xf32, #tpu.memory_space<hbm>>
      %dma_start3A_61 = arith.constant 0 : i32
      %dma_start3A_62 = tpu.memref_slice %arg4[%add3A, %dma_start3A_61] : memref<32x16xf32, #tpu.memory_space<hbm>> -> memref<1x16xf32, #tpu.memory_space<hbm>>
      %dma_start3A_63 = tpu.memref_squeeze %dma_start3A_62 : memref<1x16xf32, #tpu.memory_space<hbm>> -> memref<16xf32, #tpu.memory_space<hbm>>
      tpu.enqueue_dma source(%arg9 : memref<16xf32, #tpu.memory_space<vmem>>) target(%dma_start3A_63 : memref<16xf32, #tpu.memory_space<hbm>>) target_semaphore(%run_scoped3A : memref<!tpu.dma_semaphore, #tpu.memory_space<semaphore_mem>>)
      %dma_wait3A = arith.constant 0 : i32
      %dma_wait3A_64 = tpu.memref_slice %arg4[%add3A, %dma_wait3A] : memref<32x16xf32, #tpu.memory_space<hbm>> -> memref<1x16xf32, #tpu.memory_space<hbm>>
      %dma_wait3A_65 = tpu.memref_squeeze %dma_wait3A_64 : memref<1x16xf32, #tpu.memory_space<hbm>> -> memref<16xf32, #tpu.memory_space<hbm>>
      %dma_wait3A_66 = arith.constant 0 : i32
      %dma_wait3A_67 = tpu.memref_slice %arg4[%add3A, %dma_wait3A_66] : memref<32x16xf32, #tpu.memory_space<hbm>> -> memref<1x16xf32, #tpu.memory_space<hbm>>
      %dma_wait3A_68 = tpu.memref_squeeze %dma_wait3A_67 : memref<1x16xf32, #tpu.memory_space<hbm>> -> memref<16xf32, #tpu.memory_space<hbm>>
      tpu.wait_dma2 semaphore(%run_scoped3A : memref<!tpu.dma_semaphore, #tpu.memory_space<semaphore_mem>>) src(%arg9 : memref<16xf32, #tpu.memory_space<vmem>>) dst(%dma_wait3A_68 : memref<16xf32, #tpu.memory_space<hbm>>)
      tpu.yield
    }) : () -> ()
    return
  }
}

</mosaic_0001>

<sc_bundles>
// kernel: kernel.3.cloned.1.call-start
scs
__scs_entry_jumppad:
0x0: {  	(pc) =	sbr.rel $0x88, $3  }
0x1: {  	(tag) =	ssettag $0x0;
	lr =	simm.s32 $0x1  }
0x2: {  	[smem:$0x3F9F] =	sst lr;
	_ =	strace $0xD0000000  }
0x3: {  	_ = 	snop  }
0x4: {  	_ = 	snop  }
0x5: {  	_ = 	snop  }
0x6: {  	_ = 	snop  }
0x7: {  	_ = 	snop  }
__scs_overlays_trampoline_lowered:
0x8: {  	[smem:$0x3FAE] =	sst s0  }
0x9: {  	[smem:$0x3FAF] =	sst s1  }
0xa: {  	[smem:$0x3FB0] =	sst s2  }
0xb: {  	[smem:$0x3FB1] =	sst s3  }
0xc: {  	[smem:$0x3FB2] =	sst s4  }
0xd: {  	[smem:$0x3FB3] =	sst s5  }
0xe: {  	[smem:$0x3FB4] =	sst s6  }
0xf: {  	[smem:$0x3FB5] =	sst s7  }
0x10: {  	[smem:$0x3FB6] =	sst s8  }
0x11: {  	[smem:$0x3FB7] =	sst s9;
	s0 =	simm.s32 @!p0 $0x0  }
0x12: {  	s1 =	sld [smem:$0x3F9D];
	s0 =	simm.s32 @p0 $0x1  }
0x13: {  	[smem:$0x3FB8] =	sst s0;
	s0 =	simm.s32 @!p1 $0x0  }
0x14: {  	s2 =	sld [smem:$0x3F9C];
	s0 =	simm.s32 @p1 $0x1  }
0x15: {  	[smem:$0x3FB9] =	sst s0;
	s0 =	simm.s32 @!p2 $0x0  }
0x16: {  	s3 =	sld [smem:$0x3FDB];
	s0 =	simm.s32 @p2 $0x1  }
0x17: {  	s4 =	simm.s32 $0x1BF5;
	[smem:$0x3FBB] =	sst s0  }
0x18: {  	s0 =	sld [smem:$0x3F9E];
	_ =	swait.ge [sflag:s4], $0x0  }
0x19: {  	s7 =	sld [smem:$0x3F9F]  }
0x1a: {  	s8 =	sadd.s32 $0xFFFFE003, lr  }
0x1b: {  	s9 =	sadd.s32 $0xFFFFFEF7, lr;
	s5 =	simm.s32 $0xFFFFFFFF;
	p2 =	slt.u32 s8, $0xFFFFF086  }
0x1c: {  	p1 =	slt.u32 s9, $0xF7A;
	s5 =	simm.s32 @!p2 $0x0  }
0x1d: {  	s5 =	simm.s32 @p1 $0x1;
	p0 =	seq.s32 s7, s2  }
0x1e: {  	s7 =	smul.u32 @!p0 $0xF7A, s2;
	p2 =	seq.s32 @!p0 s5, $0x0  }
0x1f: {  	s9 =	smul.u32 $0xF7A, s1;
	s8 =	simm.s32 @!p0 $0x1BF5;
	p2 =	por !p2, p0  }
0x20: {  	[sflag:s8] =	ssyncset.s32 @!p0 $0xFFFFF086;
	s6 =	sadd.s32 @!p0 s3, s7;
	s7 =	simm.s32 @!p0 $0x108  }
0x21: {  	s3 =	sadd.s32 s3, s9;
	s6 =	sadd.s32 @!p0 $0x88, s6;
	s7 =	simm.s32 @p2 $0x1082  }
0x22: {  	[simem:s7], [sflag:s8] =	dma.local @!p0 [hbm:s6], $0xF7A  }
0x23: {  	s9 =	sor.u32 $0xD0000000, s2;
	s6 =	simm.s32 $0x108;
	_ =	swait.ge @!p0 [sflag:s8], $0x0  }
0x24: {  	s3 =	sadd.s32 $0x88, s3;
	s6 =	simm.s32 @!p1 $0x1082;
	[sflag:s4] =	ssyncset.s32 $0xFFFFF086  }
0x25: {  	[simem:s6], [sflag:s4] =	dma.local [hbm:s3], $0xF7A  }
0x26: {  	[smem:$0x3F9F] =	sst s1;
	(tag) =	ssettag s2;
	_ =	strace s9  }
0x27: {  	s1 =	sld [smem:$0x3FAF]  }
0x28: {  	s2 =	sld [smem:$0x3FB0]  }
0x29: {  	s4 =	sld [smem:$0x3FB2]  }
0x2a: {  	p0 =	seq.s32 s5, $0x0;
	s5 =	sld [smem:$0x3FB3]  }
0x2b: {  	s6 =	sld [smem:$0x3FB4]  }
0x2c: {  	s7 =	sld [smem:$0x3FB5]  }
0x2d: {  	s3 =	simm.s32 $0x108;
	s8 =	sld [smem:$0x3FB6]  }
0x2e: {  	s3 =	simm.s32 @!p0 $0x1082;
	s9 =	sld [smem:$0x3FB7]  }
0x2f: {  	lr =	sadd.s32 s0, s3;
	s0 =	sld [smem:$0x3FAE]  }
0x30: {  	s3 =	sld [smem:$0x3FB1]  }
0x31: {  	[smem:$0x3FBA] =	sst s10  }
0x32: {  	s10 =	sld [smem:$0x3FB8];
	_ =	sdelay $0x3  }
0x33: {  	p0 =	seq.s32 s10, $0x1;
	s10 =	sld [smem:$0x3FBA];
	_ =	sdelay $0x3  }
0x34: {  	[smem:$0x3FBA] =	sst s10  }
0x35: {  	s10 =	sld [smem:$0x3FB9];
	_ =	sdelay $0x3  }
0x36: {  	p1 =	seq.s32 s10, $0x1;
	s10 =	sld [smem:$0x3FBA];
	_ =	sdelay $0x3  }
0x37: {  	[smem:$0x3FBA] =	sst s10  }
0x38: {  	s10 =	sld [smem:$0x3FBB]  }
0x39: {  	_ = 	snop;
	(pc) =	sbr.ind lr, $3  }
0x3a: {  	_ = 	snop  }
0x3b: {  	_ = 	snop  }
0x3c: {  	p2 =	seq.s32 s10, $0x1;
	s10 =	sld [smem:$0x3FBA]  }
0x3d: {  	_ =	shalt  }
0x3e: {  	_ =	shalt  }
0x3f: {  	_ =	shalt  }
0x40: {  	_ =	shalt  }
0x41: {  	_ =	shalt  }
0x42: {  	_ =	shalt  }
0x43: {  	_ =	shalt  }
0x44: {  	_ =	shalt  }
0x45: {  	_ =	shalt  }
0x46: {  	_ =	shalt  }
0x47: {  	_ =	shalt  }
0x48: {  	_ =	shalt  }
0x49: {  	_ =	shalt  }
0x4a: {  	_ =	shalt  }
0x4b: {  	_ =	shalt  }
0x4c: {  	_ =	shalt  }
0x4d: {  	_ =	shalt  }
0x4e: {  	_ =	shalt  }
0x4f: {  	_ =	shalt  }
0x50: {  	_ =	shalt  }
0x51: {  	_ =	shalt  }
0x52: {  	_ =	shalt  }
0x53: {  	_ =	shalt  }
0x54: {  	_ =	shalt  }
0x55: {  	_ =	shalt  }
0x56: {  	_ =	shalt  }
0x57: {  	_ =	shalt  }
0x58: {  	_ =	shalt  }
0x59: {  	_ =	shalt  }
0x5a: {  	_ =	shalt  }
0x5b: {  	_ =	shalt  }
0x5c: {  	_ =	shalt  }
0x5d: {  	_ =	shalt  }
0x5e: {  	_ =	shalt  }
0x5f: {  	_ =	shalt  }
0x60: {  	_ =	shalt  }
0x61: {  	_ =	shalt  }
0x62: {  	_ =	shalt  }
0x63: {  	_ =	shalt  }
0x64: {  	_ =	shalt  }
0x65: {  	_ =	shalt  }
0x66: {  	_ =	shalt  }
0x67: {  	_ =	shalt  }
0x68: {  	_ =	shalt  }
0x69: {  	_ =	shalt  }
0x6a: {  	_ =	shalt  }
0x6b: {  	_ =	shalt  }
0x6c: {  	_ =	shalt  }
0x6d: {  	_ =	shalt  }
0x6e: {  	_ =	shalt  }
0x6f: {  	_ =	shalt  }
0x70: {  	_ =	shalt  }
0x71: {  	_ =	shalt  }
0x72: {  	_ =	shalt  }
0x73: {  	_ =	shalt  }
0x74: {  	_ =	shalt  }
0x75: {  	_ =	shalt  }
0x76: {  	_ =	shalt  }
0x77: {  	_ =	shalt  }
0x78: {  	_ =	shalt  }
0x79: {  	_ =	shalt  }
0x7a: {  	_ =	shalt  }
0x7b: {  	_ =	shalt  }
0x7c: {  	_ =	shalt  }
0x7d: {  	_ =	shalt  }
0x7e: {  	_ =	shalt  }
0x7f: {  	_ =	shalt  }
0x80: {  	_ =	shalt  }
0x81: {  	_ =	shalt  }
0x82: {  	_ =	shalt  }
0x83: {  	_ =	shalt  }
0x84: {  	_ =	shalt  }
0x85: {  	_ =	shalt  }
0x86: {  	_ =	shalt  }
0x87: {  	_ =	shalt  }
.Lfunc_end0:
.L_simem_size_0:
called_computation_lowered:
.L_overlay_start_0:
0x88: {  	s2 =	sld [smem:$0x3FD9]  }
0x89: {  	s3 =	sld [smem:$0x3FFE];
	_ =	sdelay $0x1  }
0x8a: {  	s1 =	srdreg.scid  }
0x8b: {  	s0 =	sand.u32 $0x1, s1  }
0x8c: {  	s17 =	sshll.u32 s0, $0xA;
	s2 =	sadd.s32 s3, s2  }
0x8d: {  	s2 =	sadd.s32 s2, s17  }
0x8e: {  	[smem:$0x3FC6] =	sst s2  }
0x8f: {  	_ = 	snop  }
0x90: {  	s2 =	sld [smem:$0x3FC9]  }
0x91: {  	s18 =	sld [smem:$0x3FC8];
	(tm) =	ssettm $0x1  }
0x92: {  	s4 =	sld [smem:$0x3FFB];
	_ =	sdelay $0x3  }
0x93: {  	_ =	strace s4  }
0x94: {  	s4 =	sld [smem:$0x3FFC];
	_ =	sdelay $0x3  }
0x95: {  	_ =	strace s4  }
0x96: {  	s4 =	sld [smem:$0x3FFD];
	_ =	sdelay $0x3  }
0x97: {  	_ =	strace s4  }
0x98: {  	_ =	strace $0x8FFFFFFF  }
0x99: {  	s19 =	sld [smem:$0x3FDB];
	_ =	sdelay $0x1  }
0x9a: {  	s5 =	simm.s32 $_scs_section_size  }
0x9b: {  	s6 =	simm.s32 $_size__tile_overlayer_lowered;
	s7 =	simm.s32 $_tile_overlayer_lowered  }
0x9c: {  	s22 =	simm.s32 $0x1BFF;
	s21 =	sshll.u32 s7, $0x1;
	s4 =	sadd.s32 s5, s19  }
0x9d: {  	s8 =	simm.s32 $0x0;
	s20 =	sshll.u32 s6, $0x1;
	s6 =	sadd.s32 s21, s4  }
0x9e: {  	[timem:s8], [sflag:s22] =	dma.local [hbm:s6], s20  }
0x9f: {  	_ =	swait.ge [sflag:s22], s20  }
0xa0: {  	s5 =	ssub.s32 $0x0, s20;
	[sflag:s22] =	ssyncset.done $0x0  }
0xa1: {  	[sflag:s22] =	ssyncadd.s32 s5;
	_ =	sdelay $0x1  }
0xa2: {  	s23 =	simm.s32 $0x1B8B  }
0xa3: {  	_ =	swait.ge [sflag:s23], $0x1  }
0xa4: {  	[sflag:s23] =	ssyncset.done $0x0  }
0xa5: {  	s25 =	simm.s32 $0x1B8E;
	s24 =	sld [smem:$0x3FFE];
	[sflag:s23] =	ssyncadd.s32 $0xFFFFFFFF  }
0xa6: {  	s26 =	simm.s32 $execute0_lowered;
	[smem:$0x3FD2] =	sst s25  }
0xa7: {  	s6 =	sshll.u32 s26, $0x1;
	_ =	strace $0x80000046;
	[dreg:$0x1] =	wrdreg $0xFFFFFFFF  }
0xa8: {  	s28 =	simm.s32 $_size_execute0_lowered;
	s4 =	sadd.s32 s4, s6;
	[dreg:$0x0] =	wrdreg $0x0  }
0xa9: {  	s6 =	sshll.u32 s28, $0x1;
	[dreg:$0x2] =	wrdreg s4  }
0xaa: {  	[dreg:$0x3] =	wrdreg s6  }
0xab: {  	[dreg:$0x4] =	wrdreg $0xC0  }
0xac: {  	_ =	task [dreg:s8], $0x5FFFF  }
0xad: {  	[dreg:$0x1] =	wrdreg $0xFFFFFFFF  }
0xae: {  	[dreg:$0x0] =	wrdreg $0x60  }
0xaf: {  	[dreg:$0x2] =	wrdreg s2  }
0xb0: {  	[dreg:$0x3] =	wrdreg s18  }
0xb1: {  	[dreg:$0x4] =	wrdreg s24  }
0xb2: {  	[dreg:$0x5] =	wrdreg $0x9  }
0xb3: {  	_ =	task.clear_ibuf [dreg:s8], $0x6FFFF;
	_ =	strace $0x90000046  }
0xb4: {  	s29 =	simm.s32 $0x9;
	_ =	strace $0x80000048  }
0xb5: {  	_ =	swait.ge [sflag:s29], $0x1  }
0xb6: {  	[sflag:s29] =	ssyncadd.s32 $0xFFFFFFFF  }
0xb7: {  	_ =	strace $0x90000048  }
0xb8: {  	_ =	sfence  }
0xb9: {  	s30 =	sld [smem:$0x0];
	_ =	sdelay $0x2  }
0xba: {  	s31 =	sshll.u32 s1, $0xD;
	s1 =	sshrl.u32 s1, $0x2  }
0xbb: {  	s3 =	sand.u32 $0x4000, s31;
	s1 =	sadd.s32 s1, s30  }
0xbc: {  	s0 =	sor.u32 s3, s0;
	s1 =	sshll.u32 s1, $0x11  }
0xbd: {  	s0 =	sor.u32 s1, s0  }
0xbe: {  	s0 =	sadd.s32 $0x8F2B, s0  }
0xbf: {  	[sflag:s0] =	ssyncadd.remote.s32 $0x1  }
0xc0: {  	_ =	sfence.sel $0xFFFF  }
0xc1: {  	[dreg:$0x0] =	wrdreg $0xFFFFFFFF;
	(pc) =	sbr.abs _section_cstart, $3  }
0xc2: {  	[dreg:$0x1] =	wrdreg $0xFFFFFFFF  }
0xc3: {  	_ =	task.clear_ibuf [dreg:s8], $0x2FFFF;
	_ =	strace $0x9FFFFFFF  }
0xc4: {  	(tm) =	ssettm $0x7FFFFFFF  }
0xc5: {  	_ =	shalt  }
tec
execute0_lowered:
.L_overlay_start_1:
0x0: {  	(tag) =	ssettag $0x1  }
0x1: {  	s7 =	rddreg [dreg:$0x0]  }
0x2: {  	s8 =	rddreg [dreg:$0x1]  }
0x3: {  	s0 =	rddreg [dreg:$0x2];
	s4 =	simm.s32 $0x0  }
0x4: {  	s1 =	srdreg.scid;
	s3 =	stileid.u32;
	s15 =	simm.s32 $0x200  }
0x5: {  	[smem:$0x7FF] =	sst s4;
	s1 =	sand.u32 $0x1, s1;
	s2 =	sshll.u32 s3, $0x1  }
0x6: {  	s3 =	sshrl.u32 s3, $0x1;
	s28 =	sadd.s32 $0x40, s7;
	s29 =	sadd.s32 $0x40, s8  }
0x7: {  	_ =	strace $0x80000047;
	s2 =	sor.u32 s1, s2;
	s1 =	ssub.s32 $0x2, s1  }
0x8: {  	s9 =	smul.u32 $0x4C0000, s3;
	s10 =	sshll.u32 s3, $0x12;
	[dreg:$0x9] =	wrdreg s28  }
0x9: {  	[dreg:$0xa] =	wrdreg s29;
	s5 =	sshll.u32 s2, $0x10;
	s6 =	sshrl.u32 s1, $0x1  }
0xa: {  	[dreg:$0x5] =	wrdreg s10;
	s25 =	sshll.u32 s2, $0x5;
	s2 =	sshll.u32 s2, $0x4  }
0xb: {  	s5 =	sand.u32 $0x30000, s5;
	s1 =	ssub.s32 s1, s6;
	[dreg:$0x4] =	wrdreg s9  }
0xc: {  	[dreg:$0x6] =	wrdreg s25;
	s30 =	sor.u32 $0x2, s25;
	s0 =	sadd.s32 s0, s2  }
0xd: {  	s24 =	sor.u32 s9, s5;
	s5 =	sor.u32 s10, s5;
	[dreg:$0xb] =	wrdreg s30  }
0xe: {  	[dreg:$0xc] =	wrdreg s0;
	s31 =	smax.u32 s1, $0x1;
	s3 =	sshrl.u32 s24, $0x3  }
0xf: {  	s5 =	sshrl.u32 s5, $0x3;
	[dreg:$0xd] =	wrdreg s31;
	s3 =	sadd.s32 s7, s3  }
0x10: {  	s16 =	simm.s32 $0x400;
	s26 =	sadd.s32 s8, s5;
	[dreg:$0x7] =	wrdreg s3  }
0x11: {  	s21 =	simm.s32 $0x9800;
	s2 =	simm.s32 $0x0;
	[dreg:$0x8] =	wrdreg s26  }
.LBB2_1:
0x12: {  	[dreg:$0xe] =	wrdreg s2  }
0x13: {  	s2 =	rddreg [dreg:$0x7]  }
0x14: {  	s0 =	simm.s32 $0x2000;
	s3 =	simm.s32 $0x0;
	s1 =	sadd.s32 $0x8000, s2  }
.LBB2_2:
0x15: {  	[tilespmem:s3], [sflag:$0x1] =	stream.strided.gather [hbm4b:s2+s15], $0x800, s16, s15, $0x38;
	[tilespmem:$0x14080] =	vst v63  }
0x16: {  	s3 =	smov.u32 s0;
	s2 =	smov.u32 s1;
	p0 =	sne.s32 s0, $0x24000  }
.Ltmp0:
0x17: {  	s0 =	sadd.s32 $0x2000, s0;
	(pc) =	sbr.rel @p0 .LBB2_2-.Ltmp0, $2  }
0x18: {  	_ =	sdelay $0x2  }
0x19: {  	s1 =	sadd.s32 $0x8000, s1;
	s3 =	sshra.s32 s3, $0x2  }
0x1a: {  	[tilespmem:s3], [sflag:$0x1] =	stream.strided.gather [hbm4b:s2+s15], $0x800, s16, s15, $0x38;
	[tilespmem:$0x14080] =	vst v63  }
0x1b: {  	s0 =	rddreg [dreg:$0x8];
	s1 =	simm.s32 $0x13000  }
0x1c: {  	[tilespmem:s1], [sflag:$0x1] =	stream.strided.gather [hbm4b:s0+s15], $0x800, s16, s15, $0x38;
	[tilespmem:$0x14080] =	vst v63  }
0x1d: {  	v0 =	vimm.f32 $0.0e+00;
	s0 =	simm.s32 $0x0  }
.LBB2_4:
0x1e: {  	s1 =	sshll.u32 s0, $0x1;
	s29 =	rddreg [dreg:$0x6]  }
0x1f: {  	[dreg:$0xf] =	wrdreg s0;
	s0 =	sadd.s32 s29, s1  }
0x20: {  	s0 =	sshll.u32 s0, $0xB  }
0x21: {  	s30 =	rddreg [dreg:$0x4];
	s0 =	sand.u32 $0x3F000, s0  }
0x22: {  	[dreg:$0x10] =	wrdreg s1;
	s1 =	sor.u32 s30, s0  }
0x23: {  	s2 =	rddreg [dreg:$0x9];
	s1 =	sshrl.u32 s1, $0x3  }
0x24: {  	[tilespmem:$0x1FFF0] =	vst v0;
	s31 =	simm.s32 $0x9800;
	s1 =	sadd.s32 s1, s2;
	s2 =	simm.s32 $0x2000  }
0x25: {  	[tilespmem:s31], [sflag:$0x2] =	stream.strided.gather [hbm4b:s1+s15], $0x800, s16, s15, $0x38;
	[tilespmem:$0x14080] =	vst v63  }
.LBB2_5:
0x26: {  	p0 =	sne.s32 s2, $0x24000  }
.Ltmp1:
0x27: {  	_ = 	snop;
	(pc) =	sbr.rel @p0 .LBB2_5-.Ltmp1, $4  }
0x28: {  	_ = 	snop  }
0x29: {  	s3 =	sshra.s32 s2, $0x2;
	s2 =	sadd.s32 $0x2000, s2  }
0x2a: {  	s1 =	sadd.s32 $0x8000, s1;
	s3 =	sadd.s32 $0x9800, s3  }
0x2b: {  	[tilespmem:s3], [sflag:$0x2] =	stream.strided.gather [hbm4b:s1+s15], $0x800, s16, s15, $0x38;
	[tilespmem:$0x14080] =	vst v63  }
0x2c: {  	s1 =	rddreg [dreg:$0x5]  }
0x2d: {  	s0 =	sor.u32 s1, s0  }
0x2e: {  	s3 =	rddreg [dreg:$0xa];
	s0 =	sshrl.u32 s0, $0x3  }
0x2f: {  	s5 =	simm.s32 $0x13800;
	s6 =	simm.s32 $0x1;
	s0 =	sadd.s32 s0, s3  }
0x30: {  	[tilespmem:s5], [sflag:$0x2] =	stream.strided.gather [hbm4b:s0+s15], $0x800, s16, s15, $0x38;
	[tilespmem:$0x14080] =	vst v63  }
0x31: {  	_ =	swait.ge [sflag:s6], $0x9800  }
0x32: {  	[sflag:s6] =	ssyncset.done $0x0  }
0x33: {  	s28 =	simm.s32 $0x0;
	[sflag:s6] =	ssyncadd.s32 $0xFFFF6800  }
0x34: {  	s9 =	sand.u32 $0x600, s28;
	s0 =	simm.s32 $0x10;
	_ =	swait.ge [sflag:s6], $0x800  }
0x35: {  	s22 =	sor.u32 $0x9180, s9;
	s3 =	sand.u32 $0x70, s0;
	[sflag:s6] =	ssyncset.done $0x0  }
0x36: {  	s7 =	sor.u32 $0x8180, s9;
	s2 =	sor.u32 s3, s22;
	[sflag:s6] =	ssyncadd.s32 $0xFFFFF800  }
0x37: {  	s5 =	sor.u32 $0x8980, s9;
	s6 =	sor.u32 s3, s7;
	v0 =	vld [tilespmem:s2+$0x0]  }
0x38: {  	s13 =	sand.u32 $0x60, s28;
	s8 =	sor.u32 s3, s5;
	v3 =	vld [tilespmem:s6+$0x0]  }
0x39: {  	s1 =	sor.u32 s13, s7;
	v4 =	vld [tilespmem:s8+$0x0]  }
0x3a: {  	s10 =	sor.u32 s13, s5;
	s5 =	sor.u32 $0x8900, s9;
	v5 =	vld [tilespmem:s1+$0x0]  }
0x3b: {  	s12 =	sor.u32 s3, s5;
	v8 =	vld [tilespmem:s10+$0x0]  }
0x3c: {  	s5 =	sor.u32 s13, s5;
	s2 =	sor.u32 $0x8100, s9;
	v7 =	vld [tilespmem:s12+$0x0]  }
0x3d: {  	s6 =	sor.u32 $0x980, s9;
	v28 =	vld [tilespmem:s5+$0x0];
	s11 =	sor.u32 s3, s2  }
0x3e: {  	s1 =	sor.u32 $0x1180, s9;
	s7 =	sor.u32 s3, s6;
	v6 =	vld [tilespmem:s11+$0x0]  }
0x3f: {  	s8 =	sor.u32 $0x1980, s9;
	s14 =	sor.u32 s3, s1;
	v10 =	vld [tilespmem:s7+$0x0]  }
0x40: {  	s10 =	sor.u32 $0x2180, s9;
	s17 =	sor.u32 s3, s8;
	v9 =	vld [tilespmem:s14+$0x0]  }
0x41: {  	s12 =	sor.u32 $0x3180, s9;
	s18 =	sor.u32 s3, s10;
	v11 =	vld [tilespmem:s17+$0x0]  }
0x42: {  	s20 =	sor.u32 s3, s12;
	v12 =	vld [tilespmem:s18+$0x0]  }
0x43: {  	s2 =	sor.u32 s13, s2;
	v13 =	vld [tilespmem:s20+$0x0]  }
0x44: {  	s1 =	sor.u32 s13, s1;
	v25 =	vld [tilespmem:s2+$0x0]  }
0x45: {  	s8 =	sor.u32 s13, s8;
	v26 =	vld [tilespmem:s1+$0x0]  }
0x46: {  	s10 =	sor.u32 s13, s10;
	v29 =	vld [tilespmem:s8+$0x0]  }
0x47: {  	s12 =	sor.u32 s13, s12;
	v27 =	vld [tilespmem:s10+$0x0]  }
0x48: {  	s29 =	sor.u32 $0x7980, s9;
	s7 =	sor.u32 s13, s6;
	v31 =	vld [tilespmem:s12+$0x0]  }
0x49: {  	s11 =	sor.u32 $0x2980, s9;
	s8 =	sor.u32 s13, s29;
	v24 =	vld [tilespmem:s7+$0x0]  }
0x4a: {  	s14 =	sor.u32 $0x3980, s9;
	s19 =	sor.u32 s3, s11;
	v43 =	vld [tilespmem:s8+$0x0]  }
0x4b: {  	s17 =	sor.u32 $0x4180, s9;
	s23 =	sor.u32 s3, s14;
	v14 =	vld [tilespmem:s19+$0x0]  }
0x4c: {  	s18 =	sor.u32 $0x4980, s9;
	s24 =	sor.u32 s3, s17;
	v15 =	vld [tilespmem:s23+$0x0]  }
0x4d: {  	s20 =	sor.u32 $0x5980, s9;
	s25 =	sor.u32 s3, s18;
	v16 =	vld [tilespmem:s24+$0x0]  }
0x4e: {  	s30 =	sor.u32 s3, s20;
	v18 =	vld [tilespmem:s25+$0x0]  }
0x4f: {  	s11 =	sor.u32 s13, s11;
	v19 =	vld [tilespmem:s30+$0x0]  }
0x50: {  	s14 =	sor.u32 s13, s14;
	v30 =	vld [tilespmem:s11+$0x0]  }
0x51: {  	s1 =	sor.u32 $0x1100, s9;
	s2 =	sor.u32 s13, s20;
	v33 =	vld [tilespmem:s14+$0x0]  }
0x52: {  	s19 =	sor.u32 $0x5180, s9;
	v38 =	vld [tilespmem:s2+$0x0];
	s14 =	sor.u32 s3, s1  }
0x53: {  	s23 =	sor.u32 $0x6180, s9;
	s26 =	sor.u32 s3, s19;
	v47 =	vld [tilespmem:s14+$0x0]  }
0x54: {  	s31 =	sor.u32 s3, s23;
	v17 =	vld [tilespmem:s26+$0x0]  }
0x55: {  	s24 =	sor.u32 $0x6980, s9;
	s5 =	sor.u32 s13, s23;
	v20 =	vld [tilespmem:s31+$0x0]  }
0x56: {  	s6 =	sor.u32 s13, s24;
	v37 =	vld [tilespmem:s5+$0x0];
	s5 =	sor.u32 $0x8880, s9  }
0x57: {  	v39 =	vld [tilespmem:s6+$0x0];
	s11 =	sor.u32 s3, s5  }
0x58: {  	s31 =	sor.u32 s3, s29;
	v45 =	vld [tilespmem:s11+$0x0];
	s11 =	sor.u32 $0x2900, s9  }
0x59: {  	s25 =	sor.u32 s3, s24;
	v23 =	vld [tilespmem:s31+$0x0];
	s31 =	sor.u32 s13, s19;
	s19 =	sor.u32 s3, s11  }
0x5a: {  	s26 =	sor.u32 $0x7180, s9;
	s6 =	sor.u32 $0x900, s9;
	v51 =	vld [tilespmem:s19+$0x0];
	s19 =	sor.u32 $0x5100, s9  }
0x5b: {  	v22 =	vld [tilespmem:s25+$0x0];
	s30 =	sor.u32 s3, s26;
	s7 =	sor.u32 s13, s26;
	s26 =	sor.u32 s3, s19  }
0x5c: {  	[tilespmem:$0x1FE80] =	vst v0;
	s12 =	sor.u32 s3, s6;
	v0 =	vld [tilespmem:s26+$0x0]  }
0x5d: {  	v46 =	vld [tilespmem:s12+$0x0];
	s12 =	sor.u32 $0x3100, s9  }
0x5e: {  	v21 =	vld [tilespmem:s30+$0x0];
	s20 =	sor.u32 s3, s12  }
0x5f: {  	s30 =	sor.u32 s13, s18;
	v53 =	vld [tilespmem:s20+$0x0];
	s20 =	sor.u32 $0x5900, s9  }
0x60: {  	s2 =	sor.u32 $0x8080, s9;
	v34 =	vld [tilespmem:s30+$0x0];
	s30 =	sor.u32 s3, s20  }
0x61: {  	s10 =	sor.u32 s3, s2;
	[tilespmem:$0x1FAA0] =	vst v0;
	v0 =	vld [tilespmem:s30+$0x0]  }
0x62: {  	s14 =	sor.u32 $0x3900, s9;
	s25 =	sor.u32 s13, s17;
	v42 =	vld [tilespmem:s10+$0x0]  }
0x63: {  	s23 =	sor.u32 s3, s14;
	v32 =	vld [tilespmem:s25+$0x0]  }
0x64: {  	v54 =	vld [tilespmem:s23+$0x0];
	s23 =	sor.u32 $0x6100, s9  }
0x65: {  	s8 =	sor.u32 $0x1900, s9;
	v35 =	vld [tilespmem:s31+$0x0];
	s31 =	sor.u32 s3, s23  }
0x66: {  	s10 =	sor.u32 $0x2100, s9;
	s17 =	sor.u32 s3, s8;
	[tilespmem:$0x1FAB0] =	vst v0;
	v0 =	vld [tilespmem:s31+$0x0]  }
0x67: {  	v48 =	vld [tilespmem:s17+$0x0];
	s17 =	sor.u32 $0x4100, s9;
	s18 =	sor.u32 s3, s10  }
0x68: {  	s24 =	sor.u32 s3, s17;
	v50 =	vld [tilespmem:s18+$0x0];
	s18 =	sor.u32 $0x4900, s9  }
0x69: {  	v55 =	vld [tilespmem:s24+$0x0];
	s24 =	sor.u32 $0x6900, s9;
	s25 =	sor.u32 s3, s18  }
0x6a: {  	v57 =	vld [tilespmem:s25+$0x0];
	s25 =	sor.u32 s3, s24  }
0x6b: {  	[tilespmem:$0x1FAC0] =	vst v0;
	v0 =	vld [tilespmem:s25+$0x0];
	_ =	sdelay $0x2  }
0x6c: {  	s26 =	sor.u32 $0x7100, s9  }
0x6d: {  	s30 =	sor.u32 s3, s26  }
0x6e: {  	[tilespmem:$0x1FAD0] =	vst v0;
	v0 =	vld [tilespmem:s30+$0x0];
	_ =	sdelay $0x2  }
0x6f: {  	s29 =	sor.u32 $0x7900, s9  }
0x70: {  	s31 =	sor.u32 s3, s29  }
0x71: {  	[tilespmem:$0x1FB00] =	vst v0;
	v0 =	vld [tilespmem:s31+$0x0];
	_ =	sdelay $0x3  }
0x72: {  	s2 =	sor.u32 s13, s2  }
0x73: {  	[tilespmem:$0x1FB10] =	vst v0;
	v0 =	vld [tilespmem:s2+$0x0];
	_ =	sdelay $0x3  }
0x74: {  	s5 =	sor.u32 s13, s5  }
0x75: {  	[tilespmem:$0x1FAE0] =	vst v0;
	v0 =	vld [tilespmem:s5+$0x0];
	_ =	sdelay $0x3  }
0x76: {  	v40 =	vld [tilespmem:s7+$0x0];
	s7 =	sor.u32 s13, s6  }
0x77: {  	[tilespmem:$0x1FAF0] =	vst v0;
	v0 =	vld [tilespmem:s7+$0x0];
	_ =	sdelay $0x3  }
0x78: {  	s1 =	sor.u32 s13, s1  }
0x79: {  	[tilespmem:$0x1FB20] =	vst v0;
	v0 =	vld [tilespmem:s1+$0x0];
	_ =	sdelay $0x3  }
0x7a: {  	s8 =	sor.u32 s13, s8  }
0x7b: {  	[tilespmem:$0x1FB30] =	vst v0;
	v0 =	vld [tilespmem:s8+$0x0];
	_ =	sdelay $0x3  }
0x7c: {  	s10 =	sor.u32 s13, s10  }
0x7d: {  	[tilespmem:$0x1FB40] =	vst v0;
	v0 =	vld [tilespmem:s10+$0x0];
	_ =	sdelay $0x3  }
0x7e: {  	s11 =	sor.u32 s13, s11  }
0x7f: {  	[tilespmem:$0x1FB50] =	vst v0;
	v0 =	vld [tilespmem:s11+$0x0];
	_ =	sdelay $0x3  }
0x80: {  	s12 =	sor.u32 s13, s12  }
0x81: {  	[tilespmem:$0x1FB60] =	vst v0;
	v0 =	vld [tilespmem:s12+$0x0];
	_ =	sdelay $0x3  }
0x82: {  	s14 =	sor.u32 s13, s14  }
0x83: {  	[tilespmem:$0x1FB70] =	vst v0;
	v0 =	vld [tilespmem:s14+$0x0];
	_ =	sdelay $0x3  }
0x84: {  	s17 =	sor.u32 s13, s17  }
0x85: {  	[tilespmem:$0x1FB80] =	vst v0;
	v0 =	vld [tilespmem:s17+$0x0];
	_ =	sdelay $0x3  }
0x86: {  	s18 =	sor.u32 s13, s18  }
0x87: {  	[tilespmem:$0x1FB90] =	vst v0;
	v0 =	vld [tilespmem:s18+$0x0];
	_ =	sdelay $0x3  }
0x88: {  	s25 =	sor.u32 s13, s19  }
0x89: {  	[tilespmem:$0x1FBA0] =	vst v0;
	v0 =	vld [tilespmem:s25+$0x0];
	_ =	sdelay $0x3  }
0x8a: {  	s30 =	sor.u32 s13, s20  }
0x8b: {  	[tilespmem:$0x1FBB0] =	vst v0;
	v0 =	vld [tilespmem:s30+$0x0];
	_ =	sdelay $0x3  }
0x8c: {  	s31 =	sor.u32 s13, s23  }
0x8d: {  	[tilespmem:$0x1FBC0] =	vst v0;
	v0 =	vld [tilespmem:s31+$0x0];
	_ =	sdelay $0x3  }
0x8e: {  	s5 =	sor.u32 s13, s24  }
0x8f: {  	[tilespmem:$0x1FBD0] =	vst v0;
	v0 =	vld [tilespmem:s5+$0x0];
	_ =	sdelay $0x3  }
0x90: {  	s6 =	sor.u32 s13, s26  }
0x91: {  	[tilespmem:$0x1FBE0] =	vst v0;
	v0 =	vld [tilespmem:s6+$0x0];
	_ =	sdelay $0x3  }
0x92: {  	s7 =	sor.u32 s13, s29  }
0x93: {  	[tilespmem:$0x1FBF0] =	vst v0;
	v0 =	vld [tilespmem:s7+$0x0];
	_ =	sdelay $0x2  }
0x94: {  	s1 =	sor.u32 $0x8000, s9  }
0x95: {  	s8 =	sor.u32 s3, s1  }
0x96: {  	[tilespmem:$0x1FC00] =	vst v0;
	v0 =	vld [tilespmem:s8+$0x0];
	_ =	sdelay $0x2  }
0x97: {  	s2 =	sor.u32 $0x8800, s9  }
0x98: {  	s10 =	sor.u32 s3, s2  }
0x99: {  	[tilespmem:$0x1FC10] =	vst v0;
	v0 =	vld [tilespmem:s10+$0x0];
	_ =	sdelay $0x2  }
0x9a: {  	s7 =	sor.u32 $0x880, s9  }
0x9b: {  	s11 =	sor.u32 s3, s7  }
0x9c: {  	[tilespmem:$0x1FC20] =	vst v0;
	v0 =	vld [tilespmem:s11+$0x0];
	_ =	sdelay $0x2  }
0x9d: {  	s6 =	sor.u32 $0x1080, s9  }
0x9e: {  	s12 =	sor.u32 s3, s6  }
0x9f: {  	[tilespmem:$0x1FC30] =	vst v0;
	v0 =	vld [tilespmem:s12+$0x0];
	_ =	sdelay $0x2  }
0xa0: {  	s5 =	sor.u32 $0x1880, s9  }
0xa1: {  	s14 =	sor.u32 s3, s5  }
0xa2: {  	[tilespmem:$0x1FC40] =	vst v0;
	v0 =	vld [tilespmem:s14+$0x0];
	_ =	sdelay $0x2  }
0xa3: {  	s8 =	sor.u32 $0x2080, s9  }
0xa4: {  	s17 =	sor.u32 s3, s8  }
0xa5: {  	[tilespmem:$0x1FC50] =	vst v0;
	v0 =	vld [tilespmem:s17+$0x0];
	_ =	sdelay $0x2  }
0xa6: {  	s10 =	sor.u32 $0x2880, s9  }
0xa7: {  	s18 =	sor.u32 s3, s10  }
0xa8: {  	[tilespmem:$0x1FC60] =	vst v0;
	v0 =	vld [tilespmem:s18+$0x0];
	_ =	sdelay $0x2  }
0xa9: {  	s11 =	sor.u32 $0x3080, s9  }
0xaa: {  	s19 =	sor.u32 s3, s11  }
0xab: {  	[tilespmem:$0x1FC70] =	vst v0;
	v0 =	vld [tilespmem:s19+$0x0];
	_ =	sdelay $0x2  }
0xac: {  	s12 =	sor.u32 $0x3880, s9  }
0xad: {  	s20 =	sor.u32 s3, s12  }
0xae: {  	[tilespmem:$0x1FC80] =	vst v0;
	v0 =	vld [tilespmem:s20+$0x0];
	_ =	sdelay $0x2  }
0xaf: {  	s14 =	sor.u32 $0x4080, s9  }
0xb0: {  	s23 =	sor.u32 s3, s14  }
0xb1: {  	[tilespmem:$0x1FC90] =	vst v0;
	v0 =	vld [tilespmem:s23+$0x0];
	_ =	sdelay $0x2  }
0xb2: {  	s17 =	sor.u32 $0x4880, s9  }
0xb3: {  	s24 =	sor.u32 s3, s17  }
0xb4: {  	[tilespmem:$0x1FCA0] =	vst v0;
	v0 =	vld [tilespmem:s24+$0x0];
	_ =	sdelay $0x2  }
0xb5: {  	s18 =	sor.u32 $0x5080, s9  }
0xb6: {  	s25 =	sor.u32 s3, s18  }
0xb7: {  	s31 =	sor.u32 s0, s28;
	[tilespmem:$0x1FCB0] =	vst v0;
	v0 =	vld [tilespmem:s25+$0x0]  }
0xb8: {  	s31 =	sor.u32 $0x180, s31  }
0xb9: {  	v1 =	vld [tilespmem:s31+$0x0]  }
0xba: {  	s19 =	sor.u32 $0x5880, s9  }
0xbb: {  	s26 =	sor.u32 s3, s19  }
0xbc: {  	[tilespmem:$0x1FCC0] =	vst v0;
	v0 =	vld [tilespmem:s26+$0x0];
	_ =	sdelay $0x1  }
0xbd: {  	v1 =	vadd.f32 v10, v1  }
0xbe: {  	s20 =	sor.u32 $0x6080, s9  }
0xbf: {  	[tilespmem:$0x1FEB0] =	vst v1;
	s30 =	sor.u32 s3, s20  }
0xc0: {  	v1 =	vadd.f32 v11, v9;
	[tilespmem:$0x1FCD0] =	vst v0;
	v0 =	vld [tilespmem:s30+$0x0];
	_ =	sdelay $0x1  }
0xc1: {  	[tilespmem:$0x1FEC0] =	vst v1;
	v1 =	vadd.f32 v14, v12  }
0xc2: {  	s23 =	sor.u32 $0x6880, s9  }
0xc3: {  	[tilespmem:$0x1FED0] =	vst v1;
	s29 =	sor.u32 s3, s23  }
0xc4: {  	v1 =	vadd.f32 v15, v13;
	[tilespmem:$0x1FCE0] =	vst v0;
	v0 =	vld [tilespmem:s29+$0x0];
	_ =	sdelay $0x1  }
0xc5: {  	[tilespmem:$0x1FEE0] =	vst v1;
	v1 =	vadd.f32 v18, v16  }
0xc6: {  	s24 =	sor.u32 $0x7080, s9  }
0xc7: {  	[tilespmem:$0x1FEF0] =	vst v1;
	s30 =	sor.u32 s3, s24  }
0xc8: {  	v1 =	vadd.f32 v19, v17;
	[tilespmem:$0x1FCF0] =	vst v0;
	v0 =	vld [tilespmem:s30+$0x0];
	_ =	sdelay $0x1  }
0xc9: {  	[tilespmem:$0x1FF00] =	vst v1;
	v1 =	vadd.f32 v22, v20;
	s12 =	sor.u32 s13, s12  }
0xca: {  	s6 =	sor.u32 s13, s6;
	v62 =	vld [tilespmem:s12+$0x0];
	s26 =	sor.u32 $0x7880, s9  }
0xcb: {  	v56 =	vld [tilespmem:s6+$0x0];
	[tilespmem:$0x1FF20] =	vst v1;
	s25 =	sor.u32 s3, s26  }
0xcc: {  	v1 =	vadd.f32 v28, v25;
	s14 =	sor.u32 s13, s14;
	s30 =	sor.u32 s9, s3;
	[tilespmem:$0x1FD20] =	vst v0;
	v0 =	vld [tilespmem:s25+$0x0];
	s25 =	sor.u32 s13, s7  }
0xcd: {  	v63 =	vld [tilespmem:s14+$0x0];
	s7 =	sor.u32 s13, s5;
	s5 =	sor.u32 s13, s19;
	s19 =	sor.u32 $0x1800, s9  }
0xce: {  	[tilespmem:$0x1FF10] =	vst v1;
	v2 =	vld [tilespmem:s30+$0x100];
	s14 =	sor.u32 s3, s19  }
0xcf: {  	v1 =	vadd.f32 v23, v21;
	[tilespmem:$0x1FDA0] =	vst v62;
	v62 =	vld [tilespmem:s14+$0x0];
	_ =	sdelay $0x1  }
0xd0: {  	[tilespmem:$0x1FF30] =	vst v1;
	v1 =	vld [tilespmem:$0x1FAA0]  }
0xd1: {  	v58 =	vld [tilespmem:s7+$0x0];
	s7 =	sor.u32 s13, s23  }
0xd2: {  	[tilespmem:$0x1FD50] =	vst v56;
	s29 =	sor.u32 s28, s28;
	v56 =	vld [tilespmem:s7+$0x0]  }
0xd3: {  	s29 =	sor.u32 $0x180, s29;
	[tilespmem:$0x1FE50] =	vst v62;
	v62 =	vadd.f32 v46, v2;
	v2 =	vld [tilespmem:$0x1FAB0]  }
0xd4: {  	[tilespmem:$0x1FD30] =	vst v0;
	v0 =	vld [tilespmem:s29+$0x0];
	_ =	sdelay $0x3  }
0xd5: {  	[tilespmem:$0x1FE00] =	vst v56;
	v56 =	vadd.f32 v54, v53;
	v54 =	vadd.f32 v2, v1;
	v1 =	vld [tilespmem:$0x1FAC0]  }
0xd6: {  	v0 =	vadd.f32 v24, v0;
	v2 =	vld [tilespmem:$0x1FAD0];
	_ =	sdelay $0x1  }
0xd7: {  	[tilespmem:$0x1FF40] =	vst v0;
	v0 =	vadd.f32 v29, v26  }
0xd8: {  	s10 =	sor.u32 s13, s10  }
0xd9: {  	v60 =	vld [tilespmem:s10+$0x0];
	[tilespmem:$0x1FF50] =	vst v0;
	v0 =	vadd.f32 v30, v27  }
0xda: {  	v57 =	vadd.f32 v57, v55;
	v55 =	vadd.f32 v2, v1;
	v1 =	vld [tilespmem:$0x1FAE0]  }
0xdb: {  	s8 =	sor.u32 s13, s8;
	[tilespmem:$0x1FF60] =	vst v0;
	v0 =	vadd.f32 v33, v31;
	v2 =	vld [tilespmem:$0x1FAF0]  }
0xdc: {  	v59 =	vld [tilespmem:s8+$0x0];
	s11 =	sor.u32 s13, s11  }
0xdd: {  	v61 =	vld [tilespmem:s11+$0x0];
	s17 =	sor.u32 s13, s17;
	s8 =	sor.u32 s13, s24;
	s24 =	sor.u32 $0x800, s9;
	[tilespmem:$0x1FF70] =	vst v0;
	v0 =	vadd.f32 v34, v32  }
0xde: {  	[tilespmem:$0x1FD80] =	vst v60;
	v41 =	vld [tilespmem:s17+$0x0];
	s11 =	sor.u32 s3, s24  }
0xdf: {  	v60 =	vld [tilespmem:s11+$0x0];
	[tilespmem:$0x1FF80] =	vst v0;
	v0 =	vadd.f32 v38, v35  }
0xe0: {  	v53 =	vadd.f32 v2, v1;
	v1 =	vld [tilespmem:$0x1FB00]  }
0xe1: {  	s2 =	sor.u32 s13, s2;
	[tilespmem:$0x1FF90] =	vst v0;
	v0 =	vadd.f32 v39, v37;
	v2 =	vld [tilespmem:$0x1FB10]  }
0xe2: {  	v49 =	vld [tilespmem:s2+$0x0];
	s2 =	sor.u32 $0x5000, s9  }
0xe3: {  	s14 =	sor.u32 s3, s2;
	[tilespmem:$0x1FFA0] =	vst v0;
	v0 =	vadd.f32 v43, v40  }
0xe4: {  	[tilespmem:$0x1FDC0] =	vst v41;
	v41 =	vld [tilespmem:s14+$0x0];
	s14 =	sor.u32 s13, s9  }
0xe5: {  	[tilespmem:$0x1FFB0] =	vst v0;
	v0 =	vld [tilespmem:s14+$0x100]  }
0xe6: {  	[tilespmem:$0x1FE30] =	vst v60;
	v60 =	vadd.f32 v51, v50;
	v51 =	vadd.f32 v2, v1;
	v2 =	vld [tilespmem:$0x1FB20];
	_ =	sdelay $0x2  }
0xe7: {  	s10 =	sor.u32 s13, s26  }
0xe8: {  	[tilespmem:$0x1FD70] =	vst v59;
	v59 =	vld [tilespmem:s10+$0x0]  }
0xe9: {  	v50 =	vadd.f32 v2, v0;
	v0 =	vld [tilespmem:$0x1FB30]  }
0xea: {  	v2 =	vld [tilespmem:$0x1FB40];
	_ =	sdelay $0x4  }
0xeb: {  	[tilespmem:$0x1FE20] =	vst v59;
	v59 =	vadd.f32 v48, v47;
	v48 =	vadd.f32 v2, v0;
	v0 =	vld [tilespmem:$0x1FB50]  }
0xec: {  	v2 =	vld [tilespmem:$0x1FB60];
	_ =	sdelay $0x4  }
0xed: {  	v47 =	vadd.f32 v2, v0;
	v0 =	vld [tilespmem:$0x1FB70]  }
0xee: {  	v2 =	vld [tilespmem:$0x1FB80];
	_ =	sdelay $0x1  }
0xef: {  	s23 =	sor.u32 $0x1000, s9  }
0xf0: {  	s12 =	sor.u32 s3, s23  }
0xf1: {  	[tilespmem:$0x1FD90] =	vst v61;
	v61 =	vld [tilespmem:s12+$0x0]  }
0xf2: {  	v46 =	vadd.f32 v2, v0;
	v0 =	vld [tilespmem:$0x1FB90]  }
0xf3: {  	v2 =	vld [tilespmem:$0x1FBA0];
	_ =	sdelay $0x4  }
0xf4: {  	[tilespmem:$0x1FE40] =	vst v61;
	v61 =	vadd.f32 v45, v42;
	v45 =	vadd.f32 v2, v0;
	v0 =	vld [tilespmem:$0x1FBB0]  }
0xf5: {  	v2 =	vld [tilespmem:$0x1FBC0];
	_ =	sdelay $0x4  }
0xf6: {  	v43 =	vadd.f32 v2, v0;
	v0 =	vld [tilespmem:$0x1FBD0]  }
0xf7: {  	v2 =	vld [tilespmem:$0x1FBE0];
	_ =	sdelay $0x4  }
0xf8: {  	v42 =	vadd.f32 v2, v0;
	v0 =	vld [tilespmem:$0x1FBF0]  }
0xf9: {  	v2 =	vld [tilespmem:$0x1FC00];
	_ =	sdelay $0x4  }
0xfa: {  	v38 =	vadd.f32 v2, v0;
	v0 =	vld [tilespmem:$0x1FC10]  }
0xfb: {  	v2 =	vld [tilespmem:$0x1FC20];
	_ =	sdelay $0x3  }
0xfc: {  	v1 =	vld [tilespmem:s30+$0x80]  }
0xfd: {  	v40 =	vadd.f32 v2, v0;
	v0 =	vld [tilespmem:$0x1FC30];
	_ =	sdelay $0x3  }
0xfe: {  	v2 =	vld [tilespmem:$0x1FC50]  }
0xff: {  	v39 =	vadd.f32 v0, v1;
	v1 =	vld [tilespmem:$0x1FC40];
	_ =	sdelay $0x4  }
0x100: {  	v35 =	vadd.f32 v2, v1;
	v1 =	vld [tilespmem:$0x1FC60]  }
0x101: {  	v2 =	vld [tilespmem:$0x1FC70];
	_ =	sdelay $0x4  }
0x102: {  	v37 =	vadd.f32 v2, v1;
	v1 =	vld [tilespmem:$0x1FC80]  }
0x103: {  	v2 =	vld [tilespmem:$0x1FC90];
	_ =	sdelay $0x4  }
0x104: {  	v31 =	vadd.f32 v2, v1;
	v1 =	vld [tilespmem:$0x1FCA0]  }
0x105: {  	v2 =	vld [tilespmem:$0x1FCB0];
	_ =	sdelay $0x4  }
0x106: {  	v32 =	vadd.f32 v2, v1;
	v1 =	vld [tilespmem:$0x1FCC0]  }
0x107: {  	v2 =	vld [tilespmem:$0x1FCD0];
	_ =	sdelay $0x2  }
0x108: {  	s1 =	sor.u32 s13, s1  }
0x109: {  	v36 =	vld [tilespmem:s1+$0x0]  }
0x10a: {  	v30 =	vadd.f32 v2, v1;
	v1 =	vld [tilespmem:$0x1FCE0]  }
0x10b: {  	v2 =	vld [tilespmem:$0x1FCF0];
	_ =	sdelay $0x3  }
0x10c: {  	[tilespmem:$0x1FD00] =	vst v36  }
0x10d: {  	[tilespmem:$0x1FD10] =	vst v49;
	v34 =	vadd.f32 v2, v1;
	v1 =	vld [tilespmem:$0x1FD00]  }
0x10e: {  	v2 =	vld [tilespmem:$0x1FD10];
	_ =	sdelay $0x3  }
0x10f: {  	v52 =	vld [tilespmem:s25+$0x0]  }
0x110: {  	v27 =	vadd.f32 v2, v1;
	v1 =	vld [tilespmem:$0x1FD20]  }
0x111: {  	v2 =	vld [tilespmem:$0x1FD30];
	_ =	sdelay $0x3  }
0x112: {  	[tilespmem:$0x1FD40] =	vst v52;
	v0 =	vld [tilespmem:s14+$0x80]  }
0x113: {  	v28 =	vadd.f32 v2, v1;
	v2 =	vld [tilespmem:$0x1FD40];
	_ =	sdelay $0x4  }
0x114: {  	[tilespmem:$0x1FD60] =	vst v58;
	v26 =	vadd.f32 v2, v0;
	v0 =	vld [tilespmem:$0x1FD50]  }
0x115: {  	v2 =	vld [tilespmem:$0x1FD60];
	_ =	sdelay $0x4  }
0x116: {  	v25 =	vadd.f32 v2, v0;
	v0 =	vld [tilespmem:$0x1FD70]  }
0x117: {  	v2 =	vld [tilespmem:$0x1FD80];
	_ =	sdelay $0x4  }
0x118: {  	v24 =	vadd.f32 v2, v0;
	v0 =	vld [tilespmem:$0x1FD90]  }
0x119: {  	v2 =	vld [tilespmem:$0x1FDA0];
	_ =	sdelay $0x2  }
0x11a: {  	s25 =	sor.u32 s13, s18;
	v49 =	vld [tilespmem:s5+$0x0]  }
0x11b: {  	[tilespmem:$0x1FDB0] =	vst v63;
	v44 =	vld [tilespmem:s25+$0x0]  }
0x11c: {  	v22 =	vadd.f32 v2, v0;
	v0 =	vld [tilespmem:$0x1FDB0]  }
0x11d: {  	v2 =	vld [tilespmem:$0x1FDC0]  }
0x11e: {  	s10 =	sor.u32 $0x3000, s9  }
0x11f: {  	s26 =	sor.u32 s3, s10;
	s10 =	sor.u32 s13, s10  }
0x120: {  	v5 =	vadd.f32 v8, v5;
	s6 =	sor.u32 s13, s20;
	v8 =	vld [tilespmem:s10+$0x0]  }
0x121: {  	v52 =	vld [tilespmem:s6+$0x0];
	[tilespmem:$0x1FDD0] =	vst v44  }
0x122: {  	[tilespmem:$0x1FDE0] =	vst v49;
	v21 =	vadd.f32 v2, v0;
	v0 =	vld [tilespmem:$0x1FDD0]  }
0x123: {  	s24 =	sor.u32 s13, s24;
	v2 =	vld [tilespmem:$0x1FDE0]  }
0x124: {  	v13 =	vld [tilespmem:s24+$0x0]  }
0x125: {  	v18 =	vld [tilespmem:$0x1FE20];
	s19 =	sor.u32 s13, s19  }
0x126: {  	v11 =	vld [tilespmem:s19+$0x0]  }
0x127: {  	s18 =	sor.u32 $0x2000, s9;
	v17 =	vld [tilespmem:$0x1FE00];
	[tilespmem:$0x1FDF0] =	vst v52  }
0x128: {  	v3 =	vadd.f32 v4, v3;
	s1 =	sor.u32 $0x3800, s9;
	s20 =	sor.u32 s3, s18;
	v20 =	vadd.f32 v2, v0;
	v0 =	vld [tilespmem:$0x1FDF0]  }
0x129: {  	s7 =	sor.u32 s3, s1;
	s1 =	sor.u32 s13, s1;
	v63 =	vld [tilespmem:s20+$0x0]  }
0x12a: {  	[tilespmem:$0x1FE90] =	vst v3;
	v3 =	vadd.f32 v7, v6;
	v7 =	vld [tilespmem:s1+$0x0]  }
0x12b: {  	v58 =	vld [tilespmem:s8+$0x0]  }
0x12c: {  	s11 =	sor.u32 $0x4800, s9;
	v1 =	vld [tilespmem:s30+$0x0]  }
0x12d: {  	s17 =	sor.u32 $0x2800, s9;
	s12 =	sor.u32 s3, s11;
	v19 =	vadd.f32 v17, v0;
	v17 =	vld [tilespmem:$0x1FE30]  }
0x12e: {  	s25 =	sor.u32 s3, s17;
	v44 =	vld [tilespmem:s12+$0x0]  }
0x12f: {  	[tilespmem:$0x1FE60] =	vst v63;
	v63 =	vld [tilespmem:s25+$0x0]  }
0x130: {  	v14 =	vld [tilespmem:$0x1FE50];
	[tilespmem:$0x1FE10] =	vst v58  }
0x131: {  	v0 =	vld [tilespmem:$0x1FE10]  }
0x132: {  	s5 =	sor.u32 $0x6800, s9;
	v17 =	vadd.f32 v17, v1;
	v1 =	vld [tilespmem:$0x1FE40]  }
0x133: {  	s12 =	sor.u32 $0x6000, s9;
	v58 =	vld [tilespmem:s26+$0x0];
	s26 =	sor.u32 s3, s5  }
0x134: {  	s25 =	sor.u32 s3, s12;
	v29 =	vld [tilespmem:s26+$0x0]  }
0x135: {  	v33 =	vld [tilespmem:s25+$0x0]  }
0x136: {  	s6 =	sor.u32 $0x4000, s9;
	v18 =	vadd.f32 v18, v0;
	v0 =	vld [tilespmem:s14+$0x0]  }
0x137: {  	s8 =	sor.u32 s3, s6;
	s6 =	sor.u32 s13, s6;
	v15 =	vadd.f32 v14, v1;
	v14 =	vld [tilespmem:$0x1FE60]  }
0x138: {  	v6 =	vld [tilespmem:s6+$0x0];
	s26 =	sor.u32 s13, s11  }
0x139: {  	[tilespmem:$0x1FE70] =	vst v5;
	s19 =	sor.u32 s13, s22;
	v5 =	vld [tilespmem:s26+$0x0]  }
0x13a: {  	s10 =	sor.u32 s13, s12;
	v29 =	vadd.f32 v29, v33;
	v33 =	vld [tilespmem:s19+$0x0]  }
0x13b: {  	v2 =	vld [tilespmem:s10+$0x0]  }
0x13c: {  	s11 =	sor.u32 s13, s5;
	v63 =	vadd.f32 v63, v14;
	v14 =	vadd.f32 v13, v0;
	v0 =	vld [tilespmem:$0x1FE70]  }
0x13d: {  	v1 =	vld [tilespmem:s11+$0x0];
	_ =	sdelay $0x2  }
0x13e: {  	s18 =	sor.u32 s13, s18  }
0x13f: {  	v10 =	vld [tilespmem:s18+$0x0];
	v7 =	vadd.f32 v7, v8;
	v0 =	vadd.f32 v33, v0  }
0x140: {  	v8 =	vadd.f32 v5, v6;
	v5 =	vadd.f32 v1, v2;
	v1 =	vld [tilespmem:$0x1FE90]  }
0x141: {  	[tilespmem:$0x1FFC0] =	vst v0;
	v0 =	vld [tilespmem:$0x1FE80]  }
0x142: {  	v49 =	vld [tilespmem:s8+$0x0]  }
0x143: {  	s17 =	sor.u32 s13, s17;
	v52 =	vld [tilespmem:s7+$0x0];
	s7 =	sor.u32 $0x5800, s9  }
0x144: {  	v9 =	vld [tilespmem:s17+$0x0];
	s8 =	sor.u32 $0x7000, s9;
	s20 =	sor.u32 s3, s7  }
0x145: {  	s18 =	sor.u32 $0x9100, s9;
	v36 =	vld [tilespmem:s20+$0x0];
	s20 =	sor.u32 $0x7800, s9;
	s25 =	sor.u32 s3, s8  }
0x146: {  	s17 =	sor.u32 s13, s20;
	v23 =	vld [tilespmem:s25+$0x0];
	s25 =	sor.u32 s3, s20;
	s20 =	sor.u32 s3, s18;
	v0 =	vadd.f32 v0, v1  }
0x147: {  	[tilespmem:$0x1FEA0] =	vst v3;
	v44 =	vadd.f32 v44, v49;
	v49 =	vld [tilespmem:s20+$0x0]  }
0x148: {  	[tilespmem:$0x1FFD0] =	vst v0;
	v0 =	vld [tilespmem:$0x1FEA0];
	_ =	sdelay $0x3  }
0x149: {  	s23 =	sor.u32 s13, s23  }
0x14a: {  	v12 =	vld [tilespmem:s23+$0x0];
	v0 =	vadd.f32 v49, v0  }
0x14b: {  	v1 =	vld [tilespmem:$0x1FEC0]  }
0x14c: {  	[tilespmem:$0x1FFE0] =	vst v0;
	v0 =	vld [tilespmem:$0x1FEB0];
	_ =	sdelay $0x3  }
0x14d: {  	v16 =	vld [tilespmem:s25+$0x0]  }
0x14e: {  	v11 =	vadd.f32 v11, v12;
	v12 =	vadd.f32 v1, v0;
	v0 =	vld [tilespmem:$0x1FED0]  }
0x14f: {  	v1 =	vld [tilespmem:$0x1FEE0];
	_ =	sdelay $0x1  }
0x150: {  	s6 =	sor.u32 s13, s2  }
0x151: {  	v4 =	vld [tilespmem:s6+$0x0];
	s7 =	sor.u32 s13, s7  }
0x152: {  	v3 =	vld [tilespmem:s7+$0x0]  }
0x153: {  	v16 =	vadd.f32 v16, v23;
	v23 =	vadd.f32 v1, v0;
	v0 =	vld [tilespmem:$0x1FEF0]  }
0x154: {  	v1 =	vld [tilespmem:$0x1FF00];
	_ =	sdelay $0x2  }
0x155: {  	s22 =	sor.u32 s13, s18  }
0x156: {  	v6 =	vadd.f32 v3, v4;
	v4 =	vld [tilespmem:s22+$0x0]  }
0x157: {  	v33 =	vadd.f32 v1, v0;
	v0 =	vld [tilespmem:$0x1FF10]  }
0x158: {  	s12 =	sor.u32 s13, s8  }
0x159: {  	v52 =	vadd.f32 v52, v58;
	v58 =	vld [tilespmem:s12+$0x0]  }
0x15a: {  	v36 =	vadd.f32 v36, v41;
	v41 =	vld [tilespmem:s17+$0x0]  }
0x15b: {  	v1 =	vld [tilespmem:$0x1FF30]  }
0x15c: {  	v4 =	vadd.f32 v4, v0;
	v0 =	vld [tilespmem:$0x1FF20];
	_ =	sdelay $0x2  }
0x15d: {  	v9 =	vadd.f32 v9, v10  }
0x15e: {  	v59 =	vadd.f32 v59, v62;
	v54 =	vadd.f32 v54, v57  }
0x15f: {  	v3 =	vadd.f32 v41, v58;
	v41 =	vadd.f32 v1, v0;
	v0 =	vld [tilespmem:$0x1FF40]  }
0x160: {  	v57 =	vadd.f32 v36, v44;
	v16 =	vadd.f32 v16, v29;
	v1 =	vld [tilespmem:$0x1FF50]  }
0x161: {  	v56 =	vadd.f32 v56, v60;
	v62 =	vld [tilespmem:s30+$0x13100];
	v7 =	vadd.f32 v7, v9  }
0x162: {  	s23 =	sor.u32 $0x9080, s9;
	v9 =	vld [tilespmem:s14+$0x13000];
	v6 =	vadd.f32 v6, v8;
	v16 =	vadd.f32 v16, v57  }
0x163: {  	s24 =	sor.u32 s3, s23;
	v10 =	vld [tilespmem:$0x1FFB0];
	v51 =	vadd.f32 v51, v55;
	v48 =	vadd.f32 v48, v50  }
0x164: {  	v46 =	vadd.f32 v46, v47;
	v43 =	vadd.f32 v43, v45;
	v13 =	vld [tilespmem:s24+$0x0]  }
0x165: {  	v38 =	vadd.f32 v38, v42;
	v58 =	vadd.f32 v1, v0;
	v0 =	vld [tilespmem:$0x1FF60]  }
0x166: {  	v35 =	vadd.f32 v35, v39;
	v31 =	vadd.f32 v31, v37;
	v1 =	vld [tilespmem:$0x1FF70]  }
0x167: {  	v9 =	vshll.u32 v9, $0xB;
	v45 =	vld [tilespmem:s30+$0x13000];
	v43 =	vadd.f32 v38, v43;
	v39 =	vadd.f32 v56, v59  }
0x168: {  	s25 =	sor.u32 $0x9000, s9;
	v44 =	vlaneseq.u32;
	v55 =	vld [tilespmem:s29+$0x13000];
	v31 =	vadd.f32 v31, v35;
	v30 =	vadd.f32 v30, v32  }
0x169: {  	s26 =	sor.u32 s3, s25;
	v32 =	vshll.u32 v62, $0xB;
	v62 =	vld [tilespmem:s14+$0x13080];
	v28 =	vadd.f32 v28, v34;
	v25 =	vadd.f32 v25, v26  }
0x16a: {  	v47 =	vmov s0;
	v22 =	vadd.f32 v22, v24;
	v13 =	vadd.f32 v13, v61;
	v61 =	vld [tilespmem:s26+$0x0]  }
0x16b: {  	v50 =	vshll.u32 v47, $0x2;
	v28 =	vadd.f32 v28, v30;
	v2 =	vadd.f32 v1, v0;
	v0 =	vld [tilespmem:$0x1FF80]  }
0x16c: {  	v34 =	vshll.u32 v45, $0xB;
	v22 =	vadd.f32 v22, v25;
	v20 =	vadd.f32 v20, v21;
	v1 =	vld [tilespmem:$0x1FF90]  }
0x16d: {  	v42 =	vld [tilespmem:s31+$0x13000];
	v45 =	vor.u32 s0, v44;
	v18 =	vadd.f32 v18, v19;
	v15 =	vadd.f32 v15, v17  }
0x16e: {  	s1 =	sor.u32 s13, s23;
	v37 =	vld [tilespmem:s30+$0x13080];
	v17 =	vand.u32 $0x600, v50;
	v11 =	vadd.f32 v11, v14;
	v3 =	vadd.f32 v3, v5  }
0x16f: {  	v21 =	vshll.u32 v55, $0xB;
	v18 =	vadd.f32 v18, v20;
	v32 =	vor.u32 v17, v32;
	v49 =	vld [tilespmem:s1+$0x0];
	s1 =	sor.u32 s13, s25  }
0x170: {  	v14 =	vshll.u32 v62, $0xB;
	v7 =	vadd.f32 v7, v11;
	v3 =	vadd.f32 v3, v6;
	v60 =	vld [tilespmem:s1+$0x0]  }
0x171: {  	v11 =	vor.u32 s28, v44;
	v40 =	vadd.f32 v61, v40;
	v1 =	vadd.f32 v1, v0;
	v0 =	vld [tilespmem:$0x1FFA0]  }
0x172: {  	v61 =	vshll.u32 v42, $0xB;
	v42 =	vadd.f32 v46, v48;
	v46 =	vand.u32 $0x7F, v45  }
0x173: {  	v3 =	vadd.f32 v3, v7;
	v29 =	vor.u32 v17, v61;
	v48 =	vor.u32 v46, v32  }
0x174: {  	v49 =	vadd.f32 v49, v53;
	v53 =	vadd.f32 v52, v63;
	v63 =	vshll.u32 v37, $0xB  }
0x175: {  	v47 =	vor.u32 v46, v29;
	v27 =	vadd.f32 v60, v27;
	v60 =	vld [tilespmem:s14+$0x13100];
	v36 =	vor.u32 v17, v63  }
0x176: {  	v17 =	vor.u32 v17, v34;
	v15 =	vadd.f32 v53, v15;
	v0 =	vadd.f32 v10, v0  }
0x177: {  	v6 =	vadd.f32 v43, v42;
	v37 =	vmov s28;
	v17 =	vor.u32 v46, v17  }
0x178: {  	v15 =	vadd.f32 v16, v15;
	v0 =	vadd.f32 v0, v1;
	v1 =	vshll.u32 v37, $0x2  }
0x179: {  	v5 =	vadd.f32 v23, v12;
	v8 =	vadd.f32 v41, v33;
	v1 =	vand.u32 $0x600, v1  }
0x17a: {  	v41 =	vshll.u32 v60, $0xB;
	v2 =	vadd.f32 v2, v58;
	v21 =	vor.u32 v1, v21  }
0x17b: {  	v55 =	vld [tilespmem:$0x1FFD0];
	v23 =	vor.u32 v1, v41;
	v14 =	vor.u32 v1, v14;
	v1 =	vor.u32 v1, v9  }
0x17c: {  	v0 =	vadd.f32 v0, v2;
	v2 =	vand.u32 $0x6F, v11;
	v11 =	vor.u32 $0x180, v47  }
0x17d: {  	v7 =	vld [tilespmem:$0x1FFC0];
	v50 =	vor.u32 v46, v36;
	v3 =	vadd.f32 v27, v3;
	v1 =	vor.u32 v2, v1  }
0x17e: {  	v53 =	vor.u32 $0x100, v48;
	v56 =	vadd.f32 v40, v15;
	v5 =	vadd.f32 v8, v5  }
0x17f: {  	v3 =	vmul.f32 $5.555555730e-07, v3;
	v4 =	vadd.f32 v4, v6;
	v58 =	vld [tilespmem:$0x1FFE0];
	v9 =	vadd.f32 v51, v54  }
0x180: {  	v6 =	vor.u32 $0x80, v50;
	v5 =	vadd.f32 v55, v5;
	v10 =	vld.idx.msk [tilespmem:v17+s4+$0x0], $0xffff;
	v51 =	vor.u32 v2, v21  }
0x181: {  	v52 =	vor.u32 v2, v23;
	v2 =	vor.u32 v2, v14;
	v8 =	vadd.f32 v9, v39;
	v11 =	vld.idx.msk [tilespmem:v11+s4+$0x0], $0xffff  }
0x182: {  	v9 =	vadd.f32 v18, v22;
	v0 =	vadd.f32 v7, v0;
	v7 =	vor.u32 $0x180, v51;
	v1 =	vld.idx.msk [tilespmem:v1+s4+$0x0], $0xffff  }
0x183: {  	v60 =	vld.idx.msk [tilespmem:v53+s4+$0x0], $0xffff;
	v57 =	vor.u32 $0x100, v52;
	v59 =	vor.u32 $0x80, v2;
	v2 =	vmul.f32 $5.555555730e-07, v56  }
0x184: {  	v3 =	vadd.f32 $9.999999740e-06, v3;
	v5 =	vmul.f32 $5.555555730e-07, v5;
	v8 =	vadd.f32 v58, v8  }
0x185: {  	v61 =	vadd.f32 v49, v9;
	v9 =	vmul.f32 $9.999894490e-01, v10;
	v2 =	vadd.f32 $9.999999740e-06, v2  }
0x186: {  	v6 =	vld.idx.msk [tilespmem:v6+s4+$0x0], $0xffff;
	v5 =	vadd.f32 $9.999999740e-06, v5;
	v54 =	vadd.f32 v28, v31;
	v8 =	vmul.f32 $5.555555730e-07, v8  }
0x187: {  	v2 =	vadd.f32 v2, v9;
	v7 =	vld.idx.msk [tilespmem:v7+s4+$0x0], $0xffff;
	v9 =	vmul.f32 $9.999894490e-01, v11;
	v1 =	vmul.f32 $9.999894490e-01, v1  }
0x188: {  	v13 =	vadd.f32 v13, v54;
	v10 =	vld.idx.msk [tilespmem:v57+s4+$0x0], $0xffff;
	v8 =	vadd.f32 $9.999999740e-06, v8;
	v11 =	vmul.f32 $9.999894490e-01, v60  }
0x189: {  	v0 =	vmul.f32 $5.555555730e-07, v0;
	v9 =	vadd.f32 v5, v9;
	v3 =	vadd.f32 v3, v1;
	v1 =	vld.idx.msk [tilespmem:v59+s4+$0x0], $0xffff  }
0x18a: {  	v5 =	vmul.f32 $5.555555730e-07, v4;
	v4 =	vadd.f32 v8, v11;
	v8 =	vmul.f32 $5.555555730e-07, v13  }
0x18b: {  	v6 =	vmul.f32 $9.999894490e-01, v6;
	v11 =	vmul.f32 $5.555555730e-07, v61  }
0x18c: {  	v0 =	vadd.f32 $9.999999740e-06, v0;
	v7 =	vmul.f32 $9.999894490e-01, v7;
	v8 =	vadd.f32 $9.999999740e-06, v8  }
0x18d: {  	v62 =	vmul.f32 $9.999894490e-01, v10;
	v5 =	vadd.f32 $9.999999740e-06, v5;
	v63 =	vadd.f32 $9.999999740e-06, v11  }
0x18e: {  	v11 =	vadd.f32 v0, v7;
	v10 =	vadd.f32 v8, v6;
	v1 =	vmul.f32 $9.999894490e-01, v1  }
0x18f: {  	v0 =	vshra.s32 v3, $0x17;
	v8 =	vadd.f32 v5, v62;
	v5 =	vsub.f32 $1.000000000e+00, v2  }
0x190: {  	s29 =	simm.s32 $0x20;
	v40 =	vld [tilespmem:$0x1FFF0];
	v6 =	vsub.f32 $1.000000000e+00, v3;
	v7 =	vadd.f32 v63, v1;
	v1 =	vshra.s32 v2, $0x17  }
.LBB2_7:
0x191: {  	v12 =	vand.u32 $0x7FFFFF, v3  }
0x192: {  	v13 =	vand.u32 $0x7FFFFF, v2;
	v32 =	vimm.s32 $0xFFFFFF81;
	v14 =	vsub.f32 $1.000000000e+00, v11  }
0x193: {  	v15 =	vsub.f32 $1.000000000e+00, v8;
	v16 =	vsub.f32 $1.000000000e+00, v4;
	v17 =	vshra.s32 v9, $0x17  }
0x194: {  	v18 =	vsub.f32 $1.000000000e+00, v10;
	v19 =	vshra.s32 v4, $0x17;
	v20 =	vshra.s32 v11, $0x17  }
0x195: {  	v21 =	vsub.f32 $1.000000000e+00, v7;
	v3 =	vshra.s32 v10, $0x17;
	v22 =	vshra.s32 v8, $0x17  }
0x196: {  	v2 =	vshra.s32 v7, $0x17;
	v11 =	vand.u32 $0x7FFFFF, v11;
	v23 =	vand.u32 $0x7FFFFF, v9  }
0x197: {  	s3 =	sadd.s32 $0x10, s29;
	s28 =	sadd.s32 $0x80, s28;
	v10 =	vand.u32 $0x7FFFFF, v10;
	v8 =	vand.u32 $0x7FFFFF, v8;
	v4 =	vand.u32 $0x7FFFFF, v4  }
0x198: {  	s0 =	sor.u32 s3, s28;
	v12 =	vor.u32 $0x3F800000, v12;
	v13 =	vor.u32 $0x3F800000, v13;
	v7 =	vand.u32 $0x7FFFFF, v7  }
0x199: {  	s1 =	sor.u32 s29, s28;
	v61 =	vmul.f32 v6, v6;
	v57 =	vmul.f32 v5, v5;
	s2 =	sor.u32 $0x180, s0;
	v5 =	vor.u32 $0x3F800000, v23  }
0x19a: {  	s1 =	sor.u32 $0x180, s1;
	v6 =	vor.u32 $0x3F800000, v8;
	v4 =	vor.u32 $0x3F800000, v4;
	v8 =	vor.u32 $0x3F800000, v11;
	v53 =	vld [tilespmem:s2+$0x0]  }
0x19b: {  	s0 =	sand.u32 $0x600, s28;
	v11 =	vmul.f32 $5.000000000e-01, v13;
	v7 =	vor.u32 $0x3F800000, v7;
	v10 =	vor.u32 $0x3F800000, v10;
	v47 =	vld [tilespmem:s1+$0x0]  }
0x19c: {  	s31 =	sand.u32 $0x70, s3;
	v23 =	vmul.f32 $5.000000000e-01, v12;
	vm4 =	vgt.f32 v13, $1.414213540e+00;
	vm6 =	vgt.f32 v12, $1.414213540e+00;
	v34 =	vld [tilespmem:s2+$0x13000];
	s13 =	sor.u32 $0x9180, s0  }
0x19d: {  	v24 =	vld [tilespmem:s1+$0x13000];
	v48 =	vmul.f32 v16, v16;
	s24 =	sor.u32 $0x8180, s0;
	v51 =	vsel vm4, $0xFFFFFF82, v32;
	v62 =	vmul.f32 v21, v21;
	s25 =	sor.u32 s31, s13  }
0x19e: {  	s5 =	sor.u32 $0x8980, s0;
	v60 =	vsel vm6, $0xFFFFFF82, v32;
	vm5 =	vgt.f32 v8, $1.414213540e+00;
	vm7 =	vgt.f32 v5, $1.414213540e+00;
	s6 =	sor.u32 s31, s24;
	v59 =	vld [tilespmem:s25+$0x0]  }
0x19f: {  	s30 =	sand.u32 $0x60, s29;
	vm3 =	vgt.f32 v4, $1.414213540e+00;
	v16 =	vmul.f32 $5.000000000e-01, v8;
	v63 =	vmul.f32 $5.000000000e-01, v5;
	s26 =	sor.u32 s31, s5;
	v55 =	vld [tilespmem:s6+$0x0]  }
0x1a0: {  	vm1 =	vgt.f32 v6, $1.414213540e+00;
	v21 =	vmul.f32 $5.000000000e-01, v6;
	vm0 =	vgt.f32 v7, $1.414213540e+00;
	s17 =	sor.u32 $0x980, s0;
	s1 =	sor.u32 s30, s24;
	v33 =	vld [tilespmem:s26+$0x0]  }
0x1a1: {  	vm2 =	vgt.f32 v10, $1.414213540e+00;
	v38 =	vmul.f32 $5.000000000e-01, v7;
	s2 =	sor.u32 $0x2980, s0;
	v27 =	vsel vm5, $0xFFFFFF82, v32;
	s10 =	sor.u32 s31, s17;
	v25 =	vld [tilespmem:s1+$0x0]  }
0x1a2: {  	v28 =	vsel vm7, $0xFFFFFF82, v32;
	v42 =	vsel vm2, $0xFFFFFF82, v32;
	v0 =	vadd.s32 v0, v60;
	s19 =	sor.u32 s31, s2;
	v46 =	vld [tilespmem:s10+$0x0]  }
0x1a3: {  	s24 =	sor.u32 $0x8100, s0;
	v1 =	vadd.s32 v1, v51;
	v11 =	vsel vm4, v11, v13;
	s6 =	sor.u32 s30, s5;
	v56 =	vadd.s32 v20, v27;
	v27 =	vld [tilespmem:s19+$0x0]  }
0x1a4: {  	s14 =	sor.u32 $0x8900, s0;
	v12 =	vsel vm6, v23, v12;
	s7 =	sor.u32 s31, s24;
	v49 =	vadd.s32 v17, v28;
	v51 =	vadd.f32 $1.000000000e+00, v11;
	v26 =	vld [tilespmem:s6+$0x0]  }
0x1a5: {  	s8 =	sor.u32 s31, s14;
	s1 =	sor.u32 $0x1180, s0;
	v60 =	vadd.f32 $1.000000000e+00, v12;
	v5 =	vsel vm7, v63, v5;
	v29 =	vld [tilespmem:s7+$0x0];
	[tilespmem:$0x1F8C0] =	vst v24;
	v24 =	vmul.f32 $5.000000000e-01, v4  }
0x1a6: {  	v8 =	vsel vm5, v16, v8;
	s11 =	sor.u32 s31, s1;
	v23 =	vadd.f32 $1.000000000e+00, v5;
	(erf) = vrcp.f32 v51;
	[tilespmem:$0x1F390] =	vst v33;
	v33 =	vld [tilespmem:s8+$0x0];
	s8 =	sor.u32 $0x2180, s0  }
0x1a7: {  	s5 =	sor.u32 $0x4180, s0;
	v50 =	vld [tilespmem:s11+$0x0];
	(erf) = vrcp.f32 v60;
	v28 =	vsel vm3, v24, v4;
	v4 =	vadd.f32 $1.000000000e+00, v8;
	s18 =	sor.u32 s31, s8  }
0x1a8: {  	v30 =	vsel vm1, $0xFFFFFF82, v32;
	v31 =	vsel vm3, $0xFFFFFF82, v32;
	s6 =	sor.u32 $0x4980, s0;
	s10 =	sor.u32 s31, s5;
	(erf) = vrcp.f32 v23;
	v63 =	vld [tilespmem:s18+$0x0]  }
0x1a9: {  	v54 =	vadd.s32 v19, v31;
	s11 =	sor.u32 s31, s6;
	[tilespmem:$0x1F370] =	vst v25;
	v25 =	vmul.f32 $5.000000000e-01, v10;
	s18 =	sor.u32 $0x3980, s0;
	(erf) = vrcp.f32 v4;
	v4 =	vld [tilespmem:s10+$0x0]  }
0x1aa: {  	s23 =	sor.u32 $0x1980, s0;
	v6 =	vsel vm1, v21, v6;
	v38 =	vsel vm0, v38, v7;
	v7 =	vld [tilespmem:s11+$0x0];
	v31 =	vadd.f32 $1.000000000e+00, v28;
	s7 =	sor.u32 s31, s18  }
0x1ab: {  	v44 =	vsel vm0, $0xFFFFFF82, v32;
	s12 =	sor.u32 s31, s23;
	v32 =	vld [tilespmem:s7+$0x0];
	s7 =	sor.u32 $0x5180, s0;
	[tilespmem:$0x1F3B0] =	vst v33;
	v33 =	vsel vm2, v25, v10;
	v10 =	vadd.f32 $1.000000000e+00, v6  }
0x1ac: {  	[tilespmem:$0x1F7C0] =	vst v59;
	v59 =	vld [tilespmem:s12+$0x0];
	(erf) = vrcp.f32 v31;
	s19 =	sor.u32 s31, s7  }
0x1ad: {  	s12 =	sor.u32 $0x3180, s0;
	(erf) = vrcp.f32 v10;
	v10 =	vld [tilespmem:s19+$0x0]  }
0x1ae: {  	v3 =	vadd.s32 v3, v42;
	s20 =	sor.u32 s31, s12;
	[tilespmem:$0x1F430] =	vst v4;
	v4 =	vadd.f32 $1.000000000e+00, v33;
	s19 =	sor.u32 $0x6980, s0  }
0x1af: {  	v22 =	vadd.s32 v22, v30;
	v3 =	vcvt.s32.f32 v3;
	[tilespmem:$0x1F3C0] =	vst v46;
	v30 =	vld [tilespmem:s20+$0x0];
	s25 =	sor.u32 s31, s19  }
0x1b0: {  	s14 =	sor.u32 s30, s14;
	s10 =	sor.u32 $0x5980, s0;
	[tilespmem:$0x1F440] =	vst v7;
	v7 =	vcvt.s32.f32 v1;
	v1 =	vadd.f32 $1.000000000e+00, v38;
	(erf) = vrcp.f32 v4;
	v42 =	vld [tilespmem:s25+$0x0]  }
0x1b1: {  	s11 =	sor.u32 $0x6180, s0;
	[tilespmem:$0x1F400] =	vst v27;
	s20 =	sor.u32 s31, s10;
	v4 =	vcvt.s32.f32 v54;
	v54 =	vadd.f32 $-1.000000000e+00, v5;
	v5 =	vmul.f32 $6.931471820e-01, v3;
	v3 =	vld [tilespmem:s14+$0x0]  }
0x1b2: {  	s26 =	sor.u32 s31, s11;
	[tilespmem:$0x1F450] =	vst v10;
	v10 =	vcvt.s32.f32 v0;
	v0 =	vld [tilespmem:s20+$0x0];
	s20 =	sor.u32 $0x7180, s0  }
0x1b3: {  	[tilespmem:$0x1F380] =	vst v26;
	(erf) = vrcp.f32 v1;
	v1 =	vld [tilespmem:s26+$0x0];
	s26 =	sor.u32 $0x7980, s0;
	s25 =	sor.u32 s31, s20  }
0x1b4: {  	v2 =	vadd.s32 v2, v44;
	[tilespmem:$0x1F3D0] =	vst v50;
	v50 =	vld [tilespmem:s25+$0x0];
	s25 =	sor.u32 s31, s26  }
0x1b5: {  	v51 =	vcvt.s32.f32 v2;
	[tilespmem:$0x1F3A0] =	vst v29;
	v2 =	vld [tilespmem:s25+$0x0]  }
0x1b6: {  	v43 =	vmul.f32 v14, v14;
	v52 =	vmul.f32 v15, v15;
	[tilespmem:$0x1F3E0] =	vst v59;
	s25 =	sor.u32 s30, s17  }
0x1b7: {  	v58 =	vmul.f32 v18, v18;
	v11 =	vadd.f32 $-1.000000000e+00, v11;
	v46 =	vcvt.s32.f32 v22;
	[tilespmem:$0x1F4A0] =	vst v3;
	v3 =	vld [tilespmem:s25+$0x0]  }
0x1b8: {  	v44 =	vadd.f32 $-1.000000000e+00, v12;
	v7 =	vmul.f32 $6.931471820e-01, v7;
	[tilespmem:$0x1F460] =	vst v0;
	v0 =	vcvt.s32.f32 v49;
	v49 =	vpop (erf)  }
0x1b9: {  	s24 =	sor.u32 s30, s24;
	[tilespmem:$0x1F470] =	vst v1;
	v1 =	vcvt.s32.f32 v56;
	v56 =	vpop (erf);
	v14 =	vmul.f32 v49, v11  }
0x1ba: {  	v59 =	vadd.f32 $-1.000000000e+00, v8;
	v8 =	vpop (erf);
	v17 =	vmul.f32 v56, v44;
	[tilespmem:$0x1F4C0] =	vst v2;
	v2 =	vmul.f32 $6.931471820e-01, v4;
	v4 =	vld [tilespmem:s24+$0x0]  }
0x1bb: {  	s1 =	sor.u32 s30, s1;
	v24 =	vadd.f32 $-1.000000000e+00, v28;
	[tilespmem:$0x1F3F0] =	vst v63;
	v12 =	vmul.f32 $6.931471820e-01, v10;
	v60 =	vpop (erf);
	v19 =	vmul.f32 v14, v14  }
0x1bc: {  	v63 =	vadd.f32 $-1.000000000e+00, v6;
	v6 =	vpop (erf);
	[tilespmem:$0x1F4D0] =	vst v3;
	v3 =	vmul.f32 v8, v54;
	v8 =	vld [tilespmem:s1+$0x0];
	v20 =	vmul.f32 v17, v17  }
0x1bd: {  	v27 =	vadd.f32 $-1.000000000e+00, v33;
	[tilespmem:$0x1F410] =	vst v30;
	s14 =	sor.u32 s30, s7;
	v10 =	vmul.f32 $6.931471820e-01, v51;
	v28 =	vpop (erf);
	v49 =	vmul.f32 $2.857142980e-01, v19  }
0x1be: {  	v29 =	vadd.f32 $-1.000000000e+00, v38;
	[tilespmem:$0x1F480] =	vst v42;
	v51 =	vld [tilespmem:s14+$0x0];
	s17 =	sor.u32 s30, s23;
	s23 =	sor.u32 s30, s8;
	s8 =	sor.u32 s30, s5;
	v30 =	vpop (erf);
	v13 =	vmul.f32 v28, v63;
	v44 =	vmul.f32 $2.857142980e-01, v20  }
0x1bf: {  	v42 =	vld [tilespmem:s8+$0x0];
	v15 =	vmul.f32 v30, v27;
	v11 =	vpop (erf);
	[tilespmem:$0x1F490] =	vst v4;
	v4 =	vmul.f32 $6.931471820e-01, v46  }
0x1c0: {  	[tilespmem:$0x1F420] =	vst v32;
	v31 =	vld [tilespmem:s17+$0x0];
	s24 =	sor.u32 s30, s2;
	v26 =	vadd.f32 $4.000000060e-01, v49;
	v18 =	vmul.f32 v11, v29;
	v23 =	vmul.f32 v13, v13  }
0x1c1: {  	v11 =	vld [tilespmem:s24+$0x0];
	[tilespmem:$0x1F4E0] =	vst v8;
	v8 =	vmul.f32 v6, v24;
	v6 =	vmul.f32 v60, v59  }
0x1c2: {  	v32 =	vld [tilespmem:s23+$0x0];
	[tilespmem:$0x1F4B0] =	vst v50;
	s2 =	sor.u32 s30, s18;
	v22 =	vmul.f32 v15, v15;
	v26 =	vmul.f32 v26, v19  }
0x1c3: {  	s19 =	sor.u32 s30, s19;
	[tilespmem:$0x1F560] =	vst v51;
	v38 =	vld [tilespmem:s2+$0x0];
	v24 =	vadd.f32 $4.000000060e-01, v44;
	v25 =	vmul.f32 v18, v18;
	v63 =	vmul.f32 $2.857142980e-01, v23  }
0x1c4: {  	s23 =	sor.u32 s30, s26;
	[tilespmem:$0x1F540] =	vst v42;
	v42 =	vld [tilespmem:s19+$0x0];
	v21 =	vmul.f32 v8, v8;
	v16 =	vmul.f32 v6, v6  }
0x1c5: {  	s17 =	sor.u32 s30, s10;
	[tilespmem:$0x1F4F0] =	vst v31;
	v49 =	vld [tilespmem:s23+$0x0];
	v24 =	vmul.f32 v24, v20;
	v44 =	vmul.f32 $2.857142980e-01, v22;
	v51 =	vadd.f32 $6.666666860e-01, v26  }
0x1c6: {  	v59 =	vld [tilespmem:s17+$0x0];
	v60 =	vmul.f32 $2.857142980e-01, v25;
	v31 =	vadd.f32 $4.000000060e-01, v63;
	[tilespmem:$0x1F510] =	vst v11;
	v11 =	vmul.f32 v3, v3  }
0x1c7: {  	[tilespmem:$0x1F500] =	vst v32;
	v54 =	vmul.f32 $2.857142980e-01, v21;
	v56 =	vmul.f32 $2.857142980e-01, v16;
	v24 =	vadd.f32 $6.666666860e-01, v24  }
0x1c8: {  	s18 =	sor.u32 s30, s11;
	[tilespmem:$0x1F530] =	vst v38;
	v32 =	vadd.f32 $4.000000060e-01, v44;
	v19 =	vmul.f32 v51, v19;
	v30 =	vadd.f32 $4.000000060e-01, v60  }
0x1c9: {  	v38 =	vld [tilespmem:s18+$0x0];
	[tilespmem:$0x1F590] =	vst v42;
	v42 =	vmul.f32 v31, v23;
	v50 =	vmul.f32 $2.857142980e-01, v11;
	v28 =	vadd.f32 $4.000000060e-01, v54  }
0x1ca: {  	s25 =	sor.u32 s30, s12;
	s2 =	sor.u32 $0x8880, s0;
	[tilespmem:$0x1F5B0] =	vst v49;
	v29 =	vadd.f32 $4.000000060e-01, v56;
	v20 =	vmul.f32 v24, v20;
	v54 =	vmul.f32 v30, v25  }
0x1cb: {  	s8 =	sor.u32 $0x900, s0;
	v33 =	vld [tilespmem:s25+$0x0];
	s25 =	sor.u32 s31, s2;
	[tilespmem:$0x1F570] =	vst v59;
	v59 =	vmul.f32 v32, v22;
	v19 =	vadd.f32 $2.000000000e+00, v19;
	v49 =	vadd.f32 $6.666666860e-01, v42  }
0x1cc: {  	s26 =	sor.u32 s31, s8;
	s1 =	sor.u32 $0x8080, s0;
	v56 =	vld [tilespmem:s25+$0x0];
	v29 =	vmul.f32 v29, v16;
	v20 =	vadd.f32 $2.000000000e+00, v20;
	v63 =	vadd.f32 $6.666666860e-01, v54  }
0x1cd: {  	s24 =	sor.u32 s31, s1;
	v60 =	vld [tilespmem:s26+$0x0];
	v27 =	vadd.f32 $4.000000060e-01, v50;
	v28 =	vmul.f32 v28, v21;
	v14 =	vmul.f32 v19, v14  }
0x1ce: {  	[tilespmem:$0x1F580] =	vst v38;
	v50 =	vld [tilespmem:s24+$0x0];
	v38 =	vadd.f32 $6.666666860e-01, v59;
	v17 =	vmul.f32 v20, v17;
	v44 =	vmul.f32 v63, v25  }
0x1cf: {  	v27 =	vmul.f32 v27, v11;
	v59 =	vadd.f32 $6.666666860e-01, v28;
	v7 =	vadd.f32 v14, v7  }
0x1d0: {  	v22 =	vmul.f32 v38, v22;
	v12 =	vadd.f32 v17, v12;
	v51 =	vadd.f32 $2.000000000e+00, v44  }
0x1d1: {  	[tilespmem:$0x1F5D0] =	vst v56;
	v56 =	vmul.f32 v49, v23;
	v27 =	vadd.f32 $6.666666860e-01, v27;
	v63 =	vmul.f32 v59, v21  }
0x1d2: {  	[tilespmem:$0x1F5E0] =	vst v60;
	v54 =	vadd.f32 $2.000000000e+00, v22;
	v12 =	vmul.f32 v12, v61;
	v60 =	vmul.f32 v51, v18  }
0x1d3: {  	v7 =	vmul.f32 v7, v57;
	[tilespmem:$0x1F5C0] =	vst v50;
	v50 =	vadd.f32 $6.666666860e-01, v29;
	v61 =	vadd.f32 $2.000000000e+00, v56  }
0x1d4: {  	v15 =	vmul.f32 v54, v15;
	v12 =	vadd.f32 v12, v40;
	v10 =	vadd.f32 v60, v10  }
0x1d5: {  	v22 =	vadd.f32 $2.000000000e+00, v63;
	v16 =	vmul.f32 v50, v16;
	v13 =	vmul.f32 v61, v13  }
0x1d6: {  	v5 =	vadd.f32 v15, v5;
	v7 =	vadd.f32 v7, v12;
	v10 =	vmul.f32 v10, v62  }
0x1d7: {  	v11 =	vmul.f32 v27, v11;
	v8 =	vmul.f32 v22, v8;
	v23 =	vadd.f32 $2.000000000e+00, v16  }
0x1d8: {  	v5 =	vmul.f32 v5, v58;
	v4 =	vadd.f32 v13, v4;
	v7 =	vadd.f32 v10, v7  }
0x1d9: {  	v1 =	vmul.f32 $6.931471820e-01, v1;
	v2 =	vadd.f32 v8, v2;
	v6 =	vmul.f32 v23, v6  }
0x1da: {  	v4 =	vmul.f32 v4, v52;
	v10 =	vadd.f32 $2.000000000e+00, v11;
	v5 =	vadd.f32 v5, v7  }
0x1db: {  	s12 =	sor.u32 s30, s6;
	v0 =	vmul.f32 $6.931471820e-01, v0;
	v2 =	vmul.f32 v2, v48;
	v1 =	vadd.f32 v6, v1  }
0x1dc: {  	v46 =	vld [tilespmem:s12+$0x0];
	v7 =	vsub.f32 $1.000000000e+00, v9;
	v3 =	vmul.f32 v10, v3;
	v4 =	vadd.f32 v4, v5  }
0x1dd: {  	v1 =	vmul.f32 v1, v43  }
0x1de: {  	s12 =	sor.u32 $0x1100, s0;
	v5 =	vmul.f32 v7, v7;
	v0 =	vadd.f32 v3, v0;
	v2 =	vadd.f32 v2, v4  }
0x1df: {  	s7 =	sor.u32 s31, s12  }
0x1e0: {  	s20 =	sor.u32 s30, s20;
	s6 =	sor.u32 $0x2900, s0;
	[tilespmem:$0x1F520] =	vst v33;
	v33 =	vld [tilespmem:s7+$0x0];
	v0 =	vmul.f32 v0, v5;
	v1 =	vadd.f32 v1, v2  }
0x1e1: {  	s5 =	sor.u32 $0x1900, s0;
	s17 =	sor.u32 s31, s6;
	[tilespmem:$0x1F550] =	vst v46;
	v46 =	vld [tilespmem:s20+$0x0]  }
0x1e2: {  	s10 =	sor.u32 s31, s5;
	v26 =	vld [tilespmem:s17+$0x0];
	s17 =	sor.u32 $0x4900, s0;
	v0 =	vadd.f32 v0, v1  }
0x1e3: {  	s23 =	sor.u32 s31, s17;
	s17 =	sor.u32 s30, s17;
	v31 =	vld [tilespmem:s10+$0x0];
	s10 =	sor.u32 $0x3900, s0  }
0x1e4: {  	s14 =	sor.u32 $0x2100, s0;
	s19 =	sor.u32 s31, s10;
	[tilespmem:$0x1FFF0] =	vst v0;
	v0 =	vld [tilespmem:s17+$0x0]  }
0x1e5: {  	s11 =	sor.u32 s31, s14;
	s7 =	sor.u32 $0x3100, s0;
	v24 =	vld [tilespmem:s19+$0x0]  }
0x1e6: {  	s18 =	sor.u32 s31, s7;
	[tilespmem:$0x1F5A0] =	vst v46;
	v46 =	vld [tilespmem:s11+$0x0]  }
0x1e7: {  	v29 =	vld [tilespmem:s18+$0x0];
	s18 =	sor.u32 $0x5100, s0  }
0x1e8: {  	s11 =	sor.u32 $0x4100, s0;
	v20 =	vld [tilespmem:s23+$0x0];
	s24 =	sor.u32 s31, s18;
	s18 =	sor.u32 s30, s18  }
0x1e9: {  	s19 =	sor.u32 $0x5900, s0;
	s20 =	sor.u32 s31, s11;
	[tilespmem:$0x1F630] =	vst v0;
	v0 =	vld [tilespmem:s18+$0x0]  }
0x1ea: {  	s25 =	sor.u32 s31, s19;
	s23 =	sor.u32 $0x6900, s0;
	v28 =	vld [tilespmem:s20+$0x0]  }
0x1eb: {  	v25 =	vld [tilespmem:s25+$0x0];
	s25 =	sor.u32 s31, s23  }
0x1ec: {  	v27 =	vld [tilespmem:s25+$0x0]  }
0x1ed: {  	s19 =	sor.u32 s30, s19;
	s20 =	sor.u32 $0x6100, s0;
	v30 =	vld [tilespmem:s24+$0x0]  }
0x1ee: {  	s26 =	sor.u32 s31, s20;
	s24 =	sor.u32 $0x7100, s0;
	[tilespmem:$0x1F640] =	vst v0;
	v0 =	vld [tilespmem:s19+$0x0]  }
0x1ef: {  	v61 =	vld [tilespmem:s26+$0x0];
	s26 =	sor.u32 $0x7900, s0;
	s25 =	sor.u32 s31, s24  }
0x1f0: {  	v58 =	vld [tilespmem:s25+$0x0];
	s25 =	sor.u32 s31, s26  }
0x1f1: {  	v11 =	vld [tilespmem:s25+$0x0];
	s25 =	sor.u32 s30, s12  }
0x1f2: {  	v7 =	vld [tilespmem:s25+$0x0];
	s25 =	sor.u32 s30, s20  }
0x1f3: {  	[tilespmem:$0x1F650] =	vst v0;
	v0 =	vld [tilespmem:s25+$0x0];
	_ =	sdelay $0x1  }
0x1f4: {  	s2 =	sor.u32 s30, s2  }
0x1f5: {  	v9 =	vld [tilespmem:s2+$0x0];
	s2 =	sor.u32 s30, s5  }
0x1f6: {  	v4 =	vld [tilespmem:s2+$0x0];
	s2 =	sor.u32 s30, s23  }
0x1f7: {  	[tilespmem:$0x1F660] =	vst v0;
	v0 =	vld [tilespmem:s2+$0x0];
	_ =	sdelay $0x2  }
0x1f8: {  	s5 =	sor.u32 s30, s14  }
0x1f9: {  	v3 =	vld [tilespmem:s5+$0x0];
	s5 =	sor.u32 s30, s24  }
0x1fa: {  	[tilespmem:$0x1F670] =	vst v0;
	v0 =	vld [tilespmem:s5+$0x0];
	_ =	sdelay $0x2  }
0x1fb: {  	s6 =	sor.u32 s30, s6  }
0x1fc: {  	v2 =	vld [tilespmem:s6+$0x0];
	s6 =	sor.u32 s30, s26  }
0x1fd: {  	[tilespmem:$0x1F680] =	vst v0;
	v0 =	vld [tilespmem:s6+$0x0];
	_ =	sdelay $0x1  }
0x1fe: {  	s1 =	sor.u32 s30, s1  }
0x1ff: {  	s8 =	sor.u32 s30, s8;
	v8 =	vld [tilespmem:s1+$0x0];
	s1 =	sor.u32 $0x8000, s0  }
0x200: {  	v6 =	vld [tilespmem:s8+$0x0];
	s8 =	sor.u32 s30, s7;
	s7 =	sor.u32 s31, s1  }
0x201: {  	[tilespmem:$0x1F690] =	vst v0;
	v0 =	vld [tilespmem:s7+$0x0];
	_ =	sdelay $0x2  }
0x202: {  	s2 =	sor.u32 $0x8800, s0  }
0x203: {  	v5 =	vld [tilespmem:s8+$0x0];
	s8 =	sor.u32 s31, s2  }
0x204: {  	[tilespmem:$0x1F6A0] =	vst v0;
	v0 =	vld [tilespmem:s8+$0x0];
	_ =	sdelay $0x2  }
0x205: {  	s5 =	sor.u32 $0x880, s0  }
0x206: {  	s12 =	sor.u32 s30, s10;
	s10 =	sor.u32 s31, s5  }
0x207: {  	[tilespmem:$0x1F6B0] =	vst v0;
	v0 =	vld [tilespmem:s10+$0x0];
	_ =	sdelay $0x2  }
0x208: {  	s6 =	sor.u32 $0x1080, s0  }
0x209: {  	s14 =	sor.u32 s30, s11;
	s11 =	sor.u32 s31, s6  }
0x20a: {  	[tilespmem:$0x1F6C0] =	vst v0;
	v0 =	vld [tilespmem:s11+$0x0];
	_ =	sdelay $0x2  }
0x20b: {  	s7 =	sor.u32 $0x1880, s0  }
0x20c: {  	v52 =	vld [tilespmem:s12+$0x0];
	s12 =	sor.u32 s31, s7  }
0x20d: {  	[tilespmem:$0x1F6D0] =	vst v0;
	v0 =	vld [tilespmem:s12+$0x0];
	_ =	sdelay $0x2  }
0x20e: {  	s8 =	sor.u32 $0x2080, s0  }
0x20f: {  	v43 =	vld [tilespmem:s14+$0x0];
	s14 =	sor.u32 s31, s8  }
0x210: {  	[tilespmem:$0x1F6E0] =	vst v0;
	v0 =	vld [tilespmem:s14+$0x0];
	_ =	sdelay $0x2  }
0x211: {  	s10 =	sor.u32 $0x2880, s0  }
0x212: {  	s17 =	sor.u32 s31, s10  }
0x213: {  	[tilespmem:$0x1F6F0] =	vst v0;
	v0 =	vld [tilespmem:s17+$0x0];
	_ =	sdelay $0x2  }
0x214: {  	s11 =	sor.u32 $0x3080, s0  }
0x215: {  	s18 =	sor.u32 s31, s11  }
0x216: {  	[tilespmem:$0x1F700] =	vst v0;
	v0 =	vld [tilespmem:s18+$0x0];
	_ =	sdelay $0x2  }
0x217: {  	s12 =	sor.u32 $0x3880, s0  }
0x218: {  	s19 =	sor.u32 s31, s12  }
0x219: {  	[tilespmem:$0x1F710] =	vst v0;
	v0 =	vld [tilespmem:s19+$0x0];
	_ =	sdelay $0x2  }
0x21a: {  	s14 =	sor.u32 $0x4080, s0  }
0x21b: {  	s20 =	sor.u32 s31, s14  }
0x21c: {  	[tilespmem:$0x1F720] =	vst v0;
	v0 =	vld [tilespmem:s20+$0x0];
	_ =	sdelay $0x2  }
0x21d: {  	s19 =	sor.u32 $0x5080, s0  }
0x21e: {  	s24 =	sor.u32 s31, s19  }
0x21f: {  	[tilespmem:$0x1F730] =	vst v0;
	v0 =	vld [tilespmem:s24+$0x0]  }
0x220: {  	s18 =	sor.u32 $0x4880, s0  }
0x221: {  	s23 =	sor.u32 s31, s18  }
0x222: {  	v62 =	vld [tilespmem:s23+$0x0];
	s23 =	sor.u32 $0x6080, s0  }
0x223: {  	s26 =	sor.u32 s31, s23  }
0x224: {  	[tilespmem:$0x1F740] =	vst v0;
	v0 =	vld [tilespmem:s26+$0x0]  }
0x225: {  	s20 =	sor.u32 $0x5880, s0  }
0x226: {  	s25 =	sor.u32 s31, s20;
	s24 =	sor.u32 $0x6880, s0  }
0x227: {  	v60 =	vld [tilespmem:s25+$0x0];
	s25 =	sor.u32 $0x7080, s0;
	s17 =	sor.u32 s31, s24  }
0x228: {  	v54 =	vld [tilespmem:s17+$0x0];
	s17 =	sor.u32 s31, s25  }
0x229: {  	[tilespmem:$0x1F750] =	vst v0;
	v0 =	vld [tilespmem:s17+$0x0];
	_ =	sdelay $0x2  }
0x22a: {  	s26 =	sor.u32 $0x7880, s0  }
0x22b: {  	s17 =	sor.u32 s31, s26  }
0x22c: {  	[tilespmem:$0x1F760] =	vst v0;
	v0 =	vld [tilespmem:s17+$0x0];
	_ =	sdelay $0x3  }
0x22d: {  	s6 =	sor.u32 s30, s6  }
0x22e: {  	[tilespmem:$0x1F770] =	vst v0;
	v0 =	vld [tilespmem:s6+$0x0];
	_ =	sdelay $0x3  }
0x22f: {  	s8 =	sor.u32 s30, s8  }
0x230: {  	[tilespmem:$0x1F780] =	vst v0;
	v0 =	vld [tilespmem:s8+$0x0];
	_ =	sdelay $0x3  }
0x231: {  	s10 =	sor.u32 s30, s10  }
0x232: {  	[tilespmem:$0x1F790] =	vst v0;
	v0 =	vld [tilespmem:s10+$0x0];
	_ =	sdelay $0x3  }
0x233: {  	v1 =	vld [tilespmem:$0x1F380]  }
0x234: {  	[tilespmem:$0x1F7A0] =	vst v0;
	v0 =	vld [tilespmem:$0x1F370];
	_ =	sdelay $0x4  }
0x235: {  	v0 =	vadd.f32 v1, v0;
	_ =	sdelay $0x1  }
0x236: {  	[tilespmem:$0x1F7B0] =	vst v0;
	v0 =	vld [tilespmem:$0x1F390];
	_ =	sdelay $0x4  }
0x237: {  	v0 =	vadd.f32 v0, v55  }
0x238: {  	v1 =	vld [tilespmem:$0x1F3B0]  }
0x239: {  	[tilespmem:$0x1F7D0] =	vst v0;
	v0 =	vld [tilespmem:$0x1F3A0];
	_ =	sdelay $0x4  }
0x23a: {  	v0 =	vadd.f32 v1, v0;
	_ =	sdelay $0x1  }
0x23b: {  	[tilespmem:$0x1F7E0] =	vst v0;
	v0 =	vld [tilespmem:$0x1F3C0];
	_ =	sdelay $0x4  }
0x23c: {  	v0 =	vadd.f32 v0, v53  }
0x23d: {  	v1 =	vld [tilespmem:$0x1F3E0]  }
0x23e: {  	[tilespmem:$0x1F7F0] =	vst v0;
	v0 =	vld [tilespmem:$0x1F3D0];
	_ =	sdelay $0x4  }
0x23f: {  	v0 =	vadd.f32 v1, v0  }
0x240: {  	v1 =	vld [tilespmem:$0x1F400]  }
0x241: {  	[tilespmem:$0x1F800] =	vst v0;
	v0 =	vld [tilespmem:$0x1F3F0];
	_ =	sdelay $0x4  }
0x242: {  	v0 =	vadd.f32 v1, v0  }
0x243: {  	v1 =	vld [tilespmem:$0x1F420]  }
0x244: {  	[tilespmem:$0x1F810] =	vst v0;
	v0 =	vld [tilespmem:$0x1F410];
	_ =	sdelay $0x4  }
0x245: {  	v0 =	vadd.f32 v1, v0  }
0x246: {  	v1 =	vld [tilespmem:$0x1F440]  }
0x247: {  	[tilespmem:$0x1F820] =	vst v0;
	v0 =	vld [tilespmem:$0x1F430];
	_ =	sdelay $0x4  }
0x248: {  	v0 =	vadd.f32 v1, v0  }
0x249: {  	v1 =	vld [tilespmem:$0x1F460]  }
0x24a: {  	[tilespmem:$0x1F830] =	vst v0;
	v0 =	vld [tilespmem:$0x1F450];
	_ =	sdelay $0x4  }
0x24b: {  	v0 =	vadd.f32 v1, v0  }
0x24c: {  	v1 =	vld [tilespmem:$0x1F480]  }
0x24d: {  	[tilespmem:$0x1F840] =	vst v0;
	v0 =	vld [tilespmem:$0x1F470];
	_ =	sdelay $0x4  }
0x24e: {  	v0 =	vadd.f32 v1, v0  }
0x24f: {  	v1 =	vld [tilespmem:$0x1F4A0]  }
0x250: {  	[tilespmem:$0x1F860] =	vst v0;
	v0 =	vld [tilespmem:$0x1F490];
	_ =	sdelay $0x4  }
0x251: {  	v0 =	vadd.f32 v1, v0  }
0x252: {  	v1 =	vld [tilespmem:$0x1F4C0]  }
0x253: {  	[tilespmem:$0x1F850] =	vst v0;
	v0 =	vld [tilespmem:$0x1F4B0];
	_ =	sdelay $0x4  }
0x254: {  	v0 =	vadd.f32 v1, v0;
	_ =	sdelay $0x1  }
0x255: {  	[tilespmem:$0x1F870] =	vst v0;
	v0 =	vld [tilespmem:$0x1F4D0];
	_ =	sdelay $0x4  }
0x256: {  	v0 =	vadd.f32 v0, v47  }
0x257: {  	v1 =	vld [tilespmem:$0x1F4F0]  }
0x258: {  	[tilespmem:$0x1F880] =	vst v0;
	v0 =	vld [tilespmem:$0x1F4E0];
	_ =	sdelay $0x4  }
0x259: {  	v0 =	vadd.f32 v1, v0  }
0x25a: {  	v1 =	vld [tilespmem:$0x1F510]  }
0x25b: {  	[tilespmem:$0x1F890] =	vst v0;
	v0 =	vld [tilespmem:$0x1F500];
	_ =	sdelay $0x4  }
0x25c: {  	v0 =	vadd.f32 v1, v0  }
0x25d: {  	v1 =	vld [tilespmem:$0x1F530]  }
0x25e: {  	[tilespmem:$0x1F8A0] =	vst v0;
	v0 =	vld [tilespmem:$0x1F520];
	_ =	sdelay $0x4  }
0x25f: {  	v0 =	vadd.f32 v1, v0  }
0x260: {  	v1 =	vld [tilespmem:$0x1F550]  }
0x261: {  	[tilespmem:$0x1F8B0] =	vst v0;
	v0 =	vld [tilespmem:$0x1F540];
	_ =	sdelay $0x4  }
0x262: {  	v0 =	vadd.f32 v1, v0  }
0x263: {  	v1 =	vld [tilespmem:$0x1F570]  }
0x264: {  	[tilespmem:$0x1F8D0] =	vst v0;
	v0 =	vld [tilespmem:$0x1F560];
	_ =	sdelay $0x4  }
0x265: {  	v0 =	vadd.f32 v1, v0  }
0x266: {  	v1 =	vld [tilespmem:$0x1F590]  }
0x267: {  	[tilespmem:$0x1F8E0] =	vst v0;
	v0 =	vld [tilespmem:$0x1F580];
	_ =	sdelay $0x4  }
0x268: {  	v0 =	vadd.f32 v1, v0  }
0x269: {  	v1 =	vld [tilespmem:$0x1F5B0]  }
0x26a: {  	[tilespmem:$0x1F8F0] =	vst v0;
	v0 =	vld [tilespmem:$0x1F5A0];
	_ =	sdelay $0x4  }
0x26b: {  	v0 =	vadd.f32 v1, v0  }
0x26c: {  	v1 =	vld [tilespmem:$0x1F5D0]  }
0x26d: {  	[tilespmem:$0x1F900] =	vst v0;
	v0 =	vld [tilespmem:$0x1F5C0];
	_ =	sdelay $0x4  }
0x26e: {  	s22 =	sor.u32 s0, s31;
	v0 =	vadd.f32 v1, v0  }
0x26f: {  	v45 =	vld [tilespmem:s22+$0x100]  }
0x270: {  	[tilespmem:$0x1F910] =	vst v0;
	v0 =	vld [tilespmem:$0x1F5E0];
	_ =	sdelay $0x4  }
0x271: {  	v0 =	vadd.f32 v0, v45  }
0x272: {  	[tilespmem:$0x1F5F0] =	vst v33  }
0x273: {  	[tilespmem:$0x1F920] =	vst v0;
	v0 =	vld [tilespmem:$0x1F5F0];
	_ =	sdelay $0x4  }
0x274: {  	v0 =	vadd.f32 v31, v0  }
0x275: {  	[tilespmem:$0x1F600] =	vst v46  }
0x276: {  	[tilespmem:$0x1F930] =	vst v0;
	v0 =	vld [tilespmem:$0x1F600];
	_ =	sdelay $0x4  }
0x277: {  	v0 =	vadd.f32 v26, v0;
	_ =	sdelay $0x1  }
0x278: {  	[tilespmem:$0x1F940] =	vst v0;
	v0 =	vadd.f32 v20, v28;
	_ =	sdelay $0x1  }
0x279: {  	[tilespmem:$0x1F950] =	vst v0;
	v0 =	vadd.f32 v25, v30  }
0x27a: {  	[tilespmem:$0x1F610] =	vst v27  }
0x27b: {  	[tilespmem:$0x1F960] =	vst v0;
	v0 =	vld [tilespmem:$0x1F610];
	_ =	sdelay $0x4  }
0x27c: {  	v0 =	vadd.f32 v0, v61;
	_ =	sdelay $0x1  }
0x27d: {  	[tilespmem:$0x1F980] =	vst v0;
	v0 =	vadd.f32 v9, v8  }
0x27e: {  	[tilespmem:$0x1F620] =	vst v11  }
0x27f: {  	[tilespmem:$0x1F970] =	vst v0;
	v0 =	vld [tilespmem:$0x1F620]  }
0x280: {  	s9 =	sor.u32 s30, s0  }
0x281: {  	v41 =	vld [tilespmem:s9+$0x100];
	_ =	sdelay $0x2  }
0x282: {  	v0 =	vadd.f32 v0, v58;
	_ =	sdelay $0x1  }
0x283: {  	[tilespmem:$0x1F990] =	vst v0;
	v0 =	vadd.f32 v6, v41;
	_ =	sdelay $0x1  }
0x284: {  	[tilespmem:$0x1F9A0] =	vst v0;
	v0 =	vadd.f32 v4, v7;
	_ =	sdelay $0x1  }
0x285: {  	[tilespmem:$0x1F9B0] =	vst v0;
	v0 =	vadd.f32 v2, v3;
	_ =	sdelay $0x1  }
0x286: {  	[tilespmem:$0x1F9C0] =	vst v0;
	v0 =	vadd.f32 v52, v5;
	_ =	sdelay $0x1  }
0x287: {  	[tilespmem:$0x1F9D0] =	vst v0;
	v0 =	vld [tilespmem:$0x1F630];
	_ =	sdelay $0x4  }
0x288: {  	v0 =	vadd.f32 v0, v43  }
0x289: {  	v1 =	vld [tilespmem:$0x1F650]  }
0x28a: {  	[tilespmem:$0x1F9E0] =	vst v0;
	v0 =	vld [tilespmem:$0x1F640];
	_ =	sdelay $0x4  }
0x28b: {  	v0 =	vadd.f32 v1, v0  }
0x28c: {  	v1 =	vld [tilespmem:$0x1F670]  }
0x28d: {  	[tilespmem:$0x1F9F0] =	vst v0;
	v0 =	vld [tilespmem:$0x1F660];
	_ =	sdelay $0x4  }
0x28e: {  	v0 =	vadd.f32 v1, v0  }
0x28f: {  	v1 =	vld [tilespmem:$0x1F690]  }
0x290: {  	[tilespmem:$0x1FA00] =	vst v0;
	v0 =	vld [tilespmem:$0x1F680];
	_ =	sdelay $0x4  }
0x291: {  	v0 =	vadd.f32 v1, v0  }
0x292: {  	v1 =	vld [tilespmem:$0x1F6B0]  }
0x293: {  	[tilespmem:$0x1FA10] =	vst v0;
	v0 =	vld [tilespmem:$0x1F6A0];
	_ =	sdelay $0x4  }
0x294: {  	v0 =	vadd.f32 v1, v0  }
0x295: {  	v39 =	vld [tilespmem:s22+$0x80]  }
0x296: {  	[tilespmem:$0x1FA20] =	vst v0;
	v0 =	vld [tilespmem:$0x1F6C0];
	_ =	sdelay $0x1  }
0x297: {  	v37 =	vld [tilespmem:s9+$0x80]  }
0x298: {  	v36 =	vld [tilespmem:s22+$0x0];
	s1 =	sor.u32 s30, s1  }
0x299: {  	v49 =	vld [tilespmem:s1+$0x0];
	s2 =	sor.u32 s30, s2  }
0x29a: {  	v42 =	vld [tilespmem:s2+$0x0];
	v0 =	vadd.f32 v0, v39  }
0x29b: {  	v1 =	vld [tilespmem:$0x1F6E0]  }
0x29c: {  	s5 =	sor.u32 s30, s5;
	[tilespmem:$0x1FA30] =	vst v0;
	v0 =	vld [tilespmem:$0x1F6D0]  }
0x29d: {  	v48 =	vld [tilespmem:s5+$0x0];
	s5 =	sor.u32 $0x800, s0;
	s7 =	sor.u32 s30, s7  }
0x29e: {  	v40 =	vld [tilespmem:s7+$0x0];
	s7 =	sor.u32 s31, s5  }
0x29f: {  	v32 =	vld [tilespmem:s7+$0x0];
	s11 =	sor.u32 s30, s11  }
0x2a0: {  	v63 =	vld [tilespmem:s11+$0x0]  }
0x2a1: {  	v61 =	vadd.f32 v1, v0;
	v0 =	vld [tilespmem:$0x1F6F0]  }
0x2a2: {  	s7 =	sor.u32 $0x2800, s0;
	s12 =	sor.u32 s30, s12;
	v1 =	vld [tilespmem:$0x1F700]  }
0x2a3: {  	v57 =	vld [tilespmem:s12+$0x0];
	s12 =	sor.u32 s31, s7  }
0x2a4: {  	v21 =	vld [tilespmem:s12+$0x0];
	s18 =	sor.u32 s30, s18  }
0x2a5: {  	v56 =	vld [tilespmem:s18+$0x0];
	s23 =	sor.u32 s30, s23  }
0x2a6: {  	v50 =	vld [tilespmem:s23+$0x0];
	s19 =	sor.u32 s30, s19  }
0x2a7: {  	v51 =	vld [tilespmem:s19+$0x0];
	v0 =	vadd.f32 v1, v0  }
0x2a8: {  	s12 =	sor.u32 $0x4800, s0;
	v1 =	vld [tilespmem:$0x1F720]  }
0x2a9: {  	s19 =	sor.u32 s31, s12;
	[tilespmem:$0x1FA40] =	vst v0;
	v0 =	vld [tilespmem:$0x1F710]  }
0x2aa: {  	v16 =	vld [tilespmem:s19+$0x0];
	s20 =	sor.u32 s30, s20  }
0x2ab: {  	v46 =	vld [tilespmem:s20+$0x0];
	s2 =	sor.u32 s30, s25  }
0x2ac: {  	v38 =	vld [tilespmem:s2+$0x0];
	s6 =	sor.u32 s30, s26  }
0x2ad: {  	s24 =	sor.u32 s30, s24;
	v33 =	vld [tilespmem:s6+$0x0];
	s6 =	sor.u32 $0x2000, s0  }
0x2ae: {  	v44 =	vld [tilespmem:s24+$0x0];
	s11 =	sor.u32 s31, s6;
	v0 =	vadd.f32 v1, v0  }
0x2af: {  	v22 =	vld [tilespmem:s11+$0x0]  }
0x2b0: {  	s17 =	sor.u32 s30, s14;
	s11 =	sor.u32 $0x4000, s0;
	[tilespmem:$0x1FA50] =	vst v0;
	v0 =	vld [tilespmem:$0x1F730]  }
0x2b1: {  	s1 =	sor.u32 $0x1000, s0;
	v59 =	vld [tilespmem:s17+$0x0];
	s18 =	sor.u32 s31, s11  }
0x2b2: {  	s8 =	sor.u32 s31, s1;
	v17 =	vld [tilespmem:s18+$0x0];
	s18 =	sor.u32 $0x6000, s0  }
0x2b3: {  	v27 =	vld [tilespmem:s8+$0x0];
	s8 =	sor.u32 $0x3000, s0;
	s24 =	sor.u32 s31, s18  }
0x2b4: {  	s2 =	sor.u32 $0x1800, s0;
	s14 =	sor.u32 s31, s8;
	v13 =	vld [tilespmem:s24+$0x0]  }
0x2b5: {  	v19 =	vld [tilespmem:s14+$0x0];
	s10 =	sor.u32 s31, s2;
	v0 =	vadd.f32 v62, v0  }
0x2b6: {  	s14 =	sor.u32 $0x5000, s0;
	v23 =	vld [tilespmem:s10+$0x0]  }
0x2b7: {  	s20 =	sor.u32 s31, s14;
	s10 =	sor.u32 $0x3800, s0;
	[tilespmem:$0x1FA60] =	vst v0;
	v0 =	vld [tilespmem:$0x1F740]  }
0x2b8: {  	v15 =	vld [tilespmem:s20+$0x0];
	s20 =	sor.u32 $0x7000, s0;
	s17 =	sor.u32 s31, s10  }
0x2b9: {  	s26 =	sor.u32 s31, s20;
	v18 =	vld [tilespmem:s17+$0x0];
	s17 =	sor.u32 $0x5800, s0  }
0x2ba: {  	v11 =	vld [tilespmem:s26+$0x0];
	s23 =	sor.u32 s31, s17  }
0x2bb: {  	s19 =	sor.u32 $0x6800, s0;
	v14 =	vld [tilespmem:s23+$0x0]  }
0x2bc: {  	s25 =	sor.u32 s31, s19;
	s23 =	sor.u32 $0x7800, s0;
	v60 =	vadd.f32 v60, v0;
	v0 =	vld [tilespmem:$0x1F750]  }
0x2bd: {  	v31 =	vld [tilespmem:s25+$0x0];
	s25 =	sor.u32 s31, s23  }
0x2be: {  	s5 =	sor.u32 s30, s5;
	v10 =	vld [tilespmem:s25+$0x0]  }
0x2bf: {  	v9 =	vld [tilespmem:s5+$0x0]  }
0x2c0: {  	s5 =	sor.u32 s30, s7;
	v1 =	vld [tilespmem:$0x1F770]  }
0x2c1: {  	v57 =	vadd.f32 v57, v63;
	s7 =	sor.u32 s30, s10;
	s10 =	sor.u32 s30, s12;
	s12 =	sor.u32 s30, s17;
	v58 =	vadd.f32 v54, v0;
	v0 =	vld [tilespmem:$0x1F760]  }
0x2c2: {  	v47 =	vadd.f32 v46, v51;
	v46 =	vadd.f32 v44, v50;
	s17 =	sor.u32 s30, s19;
	s19 =	sor.u32 s30, s23;
	s23 =	sor.u32 s30, s13;
	v63 =	vld [tilespmem:s12+$0x0]  }
0x2c3: {  	s26 =	sor.u32 s30, s2;
	s2 =	sor.u32 s30, s6;
	s6 =	sor.u32 s30, s8;
	v44 =	vadd.f32 v32, v36;
	v36 =	vadd.f32 v10, v11;
	v11 =	vld [tilespmem:s23+$0x0]  }
0x2c4: {  	s8 =	sor.u32 s30, s11;
	v4 =	vld [tilespmem:s6+$0x0]  }
0x2c5: {  	v2 =	vld [tilespmem:s8+$0x0]  }
0x2c6: {  	v55 =	vadd.f32 v1, v0;
	v0 =	vld [tilespmem:$0x1F780]  }
0x2c7: {  	v1 =	vld [tilespmem:s10+$0x0]  }
0x2c8: {  	v3 =	vld [tilespmem:s7+$0x0]  }
0x2c9: {  	v62 =	vld [tilespmem:$0x1F7A0]  }
0x2ca: {  	s11 =	sor.u32 s30, s14;
	v54 =	vadd.f32 v42, v49;
	v49 =	vld [tilespmem:$0x1F790]  }
0x2cb: {  	v53 =	vadd.f32 v48, v37;
	v52 =	vadd.f32 v40, v0;
	v0 =	vld [tilespmem:s11+$0x0]  }
0x2cc: {  	v37 =	vadd.f32 v31, v13;
	v31 =	vadd.f32 v1, v2;
	v2 =	vld [tilespmem:$0x1F7B0];
	_ =	sdelay $0x2  }
0x2cd: {  	s14 =	sor.u32 s30, s18;
	s18 =	sor.u32 s30, s20;
	s20 =	sor.u32 $0x9100, s0  }
0x2ce: {  	s24 =	sor.u32 s31, s20;
	v30 =	vadd.f32 v3, v4;
	v3 =	vld [tilespmem:$0x1F7D0];
	v48 =	vadd.f32 v62, v49  }
0x2cf: {  	v62 =	vld [tilespmem:s24+$0x0];
	v50 =	vadd.f32 v63, v0;
	v0 =	vmov s3;
	v2 =	vadd.f32 v11, v2  }
0x2d0: {  	v11 =	vshll.u32 v0, $0x2;
	v0 =	vld [tilespmem:$0x1F7E0]  }
0x2d1: {  	[tilespmem:$0x1FA70] =	vst v2;
	v2 =	vld [tilespmem:$0x1F7C0];
	_ =	sdelay $0x3  }
0x2d2: {  	v26 =	vld [tilespmem:s19+$0x0];
	v0 =	vadd.f32 v62, v0  }
0x2d3: {  	v43 =	vadd.f32 v23, v27;
	v27 =	vld [tilespmem:s18+$0x0];
	v2 =	vadd.f32 v2, v3  }
0x2d4: {  	[tilespmem:$0x1FA90] =	vst v0;
	v0 =	vld [tilespmem:$0x1F7F0]  }
0x2d5: {  	[tilespmem:$0x1FA80] =	vst v2;
	v2 =	vld [tilespmem:$0x1F800];
	_ =	sdelay $0x1  }
0x2d6: {  	s1 =	sor.u32 s30, s1  }
0x2d7: {  	v8 =	vld [tilespmem:s1+$0x0]  }
0x2d8: {  	v6 =	vld [tilespmem:s26+$0x0]  }
0x2d9: {  	v28 =	vadd.f32 v26, v27;
	v26 =	vadd.f32 v2, v0;
	v0 =	vld [tilespmem:$0x1F810]  }
0x2da: {  	v2 =	vld [tilespmem:$0x1F820];
	_ =	sdelay $0x2  }
0x2db: {  	v29 =	vadd.f32 v24, v29;
	v24 =	vlaneseq.u32  }
0x2dc: {  	v45 =	vadd.f32 v33, v38;
	v25 =	vor.u32 s29, v24  }
0x2dd: {  	v33 =	vadd.f32 v6, v8;
	v8 =	vor.u32 s3, v24;
	v24 =	vadd.f32 v2, v0;
	v0 =	vld [tilespmem:$0x1F830]  }
0x2de: {  	v2 =	vld [tilespmem:$0x1F840];
	_ =	sdelay $0x2  }
0x2df: {  	s1 =	sor.u32 s30, s20  }
0x2e0: {  	v1 =	vld [tilespmem:s1+$0x0]  }
0x2e1: {  	v39 =	vadd.f32 v14, v15;
	v14 =	vand.u32 $0x6F, v25;
	v25 =	vadd.f32 v2, v0;
	v0 =	vld [tilespmem:$0x1F850];
	_ =	sdelay $0x4  }
0x2e2: {  	v49 =	vadd.f32 v1, v0;
	v0 =	vld [tilespmem:$0x1F860]  }
0x2e3: {  	v1 =	vld [tilespmem:$0x1F870];
	_ =	sdelay $0x4  }
0x2e4: {  	v23 =	vadd.f32 v1, v0;
	v0 =	vld [tilespmem:$0x1F880]  }
0x2e5: {  	v1 =	vld [tilespmem:$0x1F890];
	_ =	sdelay $0x4  }
0x2e6: {  	v42 =	vadd.f32 v21, v22;
	v22 =	vadd.f32 v1, v0;
	v0 =	vld [tilespmem:$0x1F8A0]  }
0x2e7: {  	v1 =	vld [tilespmem:$0x1F8B0];
	_ =	sdelay $0x4  }
0x2e8: {  	v21 =	vadd.f32 v1, v0;
	v0 =	vld [tilespmem:$0x1F8C0];
	_ =	sdelay $0x3  }
0x2e9: {  	v1 =	vld [tilespmem:$0x1F8E0]  }
0x2ea: {  	v6 =	vshll.u32 v0, $0xB;
	v0 =	vld [tilespmem:$0x1F8D0];
	_ =	sdelay $0x4  }
0x2eb: {  	v20 =	vadd.f32 v1, v0;
	v0 =	vld [tilespmem:$0x1F8F0]  }
0x2ec: {  	v1 =	vld [tilespmem:$0x1F900];
	_ =	sdelay $0x1  }
0x2ed: {  	s25 =	sor.u32 $0x9080, s0  }
0x2ee: {  	v35 =	vld [tilespmem:s9+$0x0];
	s26 =	sor.u32 s31, s25  }
0x2ef: {  	v12 =	vld [tilespmem:s26+$0x0]  }
0x2f0: {  	v41 =	vadd.f32 v18, v19;
	v19 =	vadd.f32 v1, v0;
	v0 =	vld [tilespmem:$0x1F910];
	_ =	sdelay $0x3  }
0x2f1: {  	v56 =	vadd.f32 v56, v59;
	v59 =	vmov s29;
	v35 =	vadd.f32 v9, v35;
	v9 =	vld [tilespmem:$0x1F930]  }
0x2f2: {  	v40 =	vadd.f32 v16, v17;
	v17 =	vshll.u32 v59, $0x2;
	v59 =	vadd.f32 v12, v0;
	v0 =	vld [tilespmem:$0x1F920];
	_ =	sdelay $0x4  }
0x2f3: {  	v18 =	vadd.f32 v9, v0;
	v0 =	vld [tilespmem:$0x1F940];
	_ =	sdelay $0x3  }
0x2f4: {  	v9 =	vld [tilespmem:$0x1F960]  }
0x2f5: {  	v16 =	vadd.f32 v29, v0;
	v0 =	vld [tilespmem:$0x1F950];
	_ =	sdelay $0x1  }
0x2f6: {  	v7 =	vld [tilespmem:s2+$0x0]  }
0x2f7: {  	v5 =	vld [tilespmem:s5+$0x0];
	s1 =	sor.u32 s30, s25  }
0x2f8: {  	v2 =	vld [tilespmem:s1+$0x0]  }
0x2f9: {  	v15 =	vadd.f32 v9, v0;
	v9 =	vld [tilespmem:$0x1F970];
	_ =	sdelay $0x4  }
0x2fa: {  	v32 =	vadd.f32 v5, v7;
	v5 =	vshll.u32 v34, $0xB;
	v34 =	vadd.f32 v2, v9;
	v2 =	vld [tilespmem:$0x1F980]  }
0x2fb: {  	v9 =	vld [tilespmem:$0x1F990];
	_ =	sdelay $0x4  }
0x2fc: {  	v13 =	vadd.f32 v9, v2;
	v2 =	vld [tilespmem:$0x1F9A0]  }
0x2fd: {  	v9 =	vld [tilespmem:$0x1F9B0];
	_ =	sdelay $0x4  }
0x2fe: {  	v12 =	vadd.f32 v9, v2;
	v2 =	vld [tilespmem:$0x1F9C0]  }
0x2ff: {  	v9 =	vld [tilespmem:$0x1F9D0];
	_ =	sdelay $0x2  }
0x300: {  	v51 =	vld [tilespmem:s14+$0x0]  }
0x301: {  	v38 =	vld [tilespmem:s17+$0x0]  }
0x302: {  	v10 =	vadd.f32 v9, v2;
	v2 =	vld [tilespmem:$0x1F9E0]  }
0x303: {  	v9 =	vld [tilespmem:$0x1F9F0];
	_ =	sdelay $0x2  }
0x304: {  	v38 =	vadd.f32 v38, v51;
	v51 =	vld [tilespmem:s22+$0x13080]  }
0x305: {  	v62 =	vld [tilespmem:$0x1FA10]  }
0x306: {  	v9 =	vadd.f32 v9, v2;
	v2 =	vld [tilespmem:$0x1FA00]  }
0x307: {  	v47 =	vadd.f32 v47, v56;
	v45 =	vadd.f32 v45, v46;
	v4 =	vld [tilespmem:s22+$0x13000]  }
0x308: {  	s0 =	sor.u32 $0x9000, s0;
	v7 =	vld [tilespmem:s22+$0x13100]  }
0x309: {  	v47 =	vadd.f32 v45, v47;
	s31 =	sor.u32 s31, s0;
	v27 =	vld [tilespmem:s9+$0x13100]  }
0x30a: {  	v36 =	vadd.f32 v36, v37;
	v51 =	vshll.u32 v51, $0xB;
	v8 =	vand.u32 $0x7F, v8;
	v1 =	vld [tilespmem:s31+$0x0]  }
0x30b: {  	v33 =	vadd.f32 v33, v35;
	v11 =	vand.u32 $0x600, v11;
	v2 =	vadd.f32 v62, v2;
	v62 =	vld [tilespmem:$0x1FA20]  }
0x30c: {  	v30 =	vadd.f32 v30, v32;
	v4 =	vshll.u32 v4, $0xB;
	v5 =	vor.u32 v11, v5  }
0x30d: {  	v43 =	vadd.f32 v43, v44;
	v7 =	vshll.u32 v7, $0xB;
	v5 =	vor.u32 v8, v5  }
0x30e: {  	v35 =	vadd.f32 v28, v38;
	v41 =	vadd.f32 v41, v42;
	v5 =	vor.u32 $0x180, v5  }
0x30f: {  	v27 =	vshll.u32 v27, $0xB;
	v48 =	vadd.f32 v57, v48;
	v52 =	vadd.f32 v52, v53;
	v63 =	vld [tilespmem:s9+$0x13080]  }
0x310: {  	v17 =	vand.u32 $0x600, v17;
	v39 =	vadd.f32 v39, v40;
	v29 =	vadd.f32 v1, v62;
	v1 =	vld [tilespmem:$0x1FA30]  }
0x311: {  	v58 =	vadd.f32 v55, v58;
	v27 =	vor.u32 v17, v27;
	v46 =	vadd.f32 v48, v52  }
0x312: {  	v38 =	vor.u32 v14, v27;
	v48 =	vadd.f32 v36, v39;
	v7 =	vor.u32 v11, v7;
	v3 =	vld [tilespmem:s9+$0x13000]  }
0x313: {  	v53 =	vadd.f32 v47, v46;
	v4 =	vor.u32 v11, v4;
	v7 =	vor.u32 v8, v7;
	v5 =	vld.idx.msk [tilespmem:v5+s4+$0x0], $0xffff  }
0x314: {  	v4 =	vor.u32 v8, v4;
	v63 =	vshll.u32 v63, $0xB;
	v24 =	vadd.f32 v24, v26;
	v62 =	vld [tilespmem:$0x1FA50]  }
0x315: {  	v63 =	vor.u32 v17, v63;
	v23 =	vadd.f32 v23, v25;
	v1 =	vadd.f32 v61, v1;
	v61 =	vld [tilespmem:$0x1FA40]  }
0x316: {  	s0 =	sor.u32 s30, s0;
	v44 =	vor.u32 v14, v63;
	v56 =	vld [tilespmem:$0x1FA80];
	v10 =	vadd.f32 v10, v12;
	v2 =	vadd.f32 v2, v9  }
0x317: {  	v7 =	vor.u32 $0x100, v7;
	v57 =	vor.u32 $0x80, v44;
	v3 =	vshll.u32 v3, $0xB;
	v0 =	vld [tilespmem:s0+$0x0]  }
0x318: {  	v3 =	vor.u32 v17, v3;
	v52 =	vadd.f32 v23, v24;
	v2 =	vadd.f32 v2, v10  }
0x319: {  	v3 =	vor.u32 v14, v3;
	v21 =	vadd.f32 v21, v22;
	v19 =	vadd.f32 v19, v20  }
0x31a: {  	v5 =	vmul.f32 $9.999894490e-01, v5;
	v2 =	vadd.f32 v49, v2;
	v61 =	vadd.f32 v62, v61;
	v62 =	vld [tilespmem:$0x1FA60]  }
0x31b: {  	v6 =	vor.u32 v17, v6;
	v16 =	vadd.f32 v16, v18;
	v13 =	vadd.f32 v13, v15  }
0x31c: {  	v0 =	vadd.f32 v0, v54;
	v15 =	vadd.f32 v56, v52;
	v2 =	vmul.f32 $5.555555730e-07, v2  }
0x31d: {  	v55 =	vld [tilespmem:$0x1FA70];
	v6 =	vor.u32 v14, v6;
	v10 =	vadd.f32 v13, v16;
	v13 =	vadd.f32 v34, v53  }
0x31e: {  	v6 =	vor.u32 $0x180, v6;
	v63 =	vadd.f32 $9.999999740e-06, v2;
	v1 =	vadd.f32 v61, v1  }
0x31f: {  	v3 =	vld.idx.msk [tilespmem:v3+s4+$0x0], $0xffff;
	v60 =	vadd.f32 v60, v62;
	v62 =	vor.u32 v11, v51;
	v11 =	vadd.f32 v50, v31  }
0x320: {  	v54 =	vor.u32 $0x100, v38;
	v50 =	vadd.f32 v30, v33;
	v51 =	vadd.f32 v19, v21  }
0x321: {  	v9 =	vor.u32 v8, v62;
	v8 =	vadd.f32 v41, v43;
	v42 =	vadd.f32 v58, v60;
	v58 =	vld [tilespmem:$0x1FA90]  }
0x322: {  	v15 =	vmul.f32 $5.555555730e-07, v15;
	v11 =	vadd.f32 v35, v11;
	v14 =	vadd.f32 v55, v51  }
0x323: {  	v4 =	vld.idx.msk [tilespmem:v4+s4+$0x0], $0xffff;
	v9 =	vor.u32 $0x80, v9;
	v8 =	vadd.f32 v48, v8;
	v1 =	vadd.f32 v42, v1  }
0x324: {  	v7 =	vld.idx.msk [tilespmem:v7+s4+$0x0], $0xffff;
	v3 =	vmul.f32 $9.999894490e-01, v3;
	v61 =	vadd.f32 $9.999999740e-06, v15;
	v11 =	vadd.f32 v11, v50  }
0x325: {  	v6 =	vld.idx.msk [tilespmem:v6+s4+$0x0], $0xffff;
	v14 =	vmul.f32 $5.555555730e-07, v14;
	v8 =	vadd.f32 v29, v8;
	v1 =	vadd.f32 v59, v1  }
0x326: {  	v0 =	vadd.f32 v0, v11;
	v11 =	vld.idx.msk [tilespmem:v54+s4+$0x0], $0xffff;
	v59 =	vmul.f32 $5.555555730e-07, v13;
	v10 =	vadd.f32 v58, v10  }
0x327: {  	v62 =	vld.idx.msk [tilespmem:v57+s4+$0x0], $0xffff;
	v60 =	vadd.f32 $9.999999740e-06, v14;
	v8 =	vmul.f32 $5.555555730e-07, v8;
	v1 =	vmul.f32 $5.555555730e-07, v1  }
0x328: {  	v9 =	vld.idx.msk [tilespmem:v9+s4+$0x0], $0xffff;
	v0 =	vmul.f32 $5.555555730e-07, v0;
	v12 =	vadd.f32 $9.999999740e-06, v59;
	v10 =	vmul.f32 $5.555555730e-07, v10  }
0x329: {  	v2 =	vmul.f32 $9.999894490e-01, v4;
	v4 =	vadd.f32 $9.999999740e-06, v8;
	v1 =	vadd.f32 $9.999999740e-06, v1  }
0x32a: {  	v6 =	vmul.f32 $9.999894490e-01, v6;
	v0 =	vadd.f32 $9.999999740e-06, v0;
	v10 =	vadd.f32 $9.999999740e-06, v10  }
0x32b: {  	p0 =	sne.s32 s29, $0x1E0;
	v2 =	vadd.f32 v4, v2;
	v8 =	vmul.f32 $9.999894490e-01, v11;
	v4 =	vmul.f32 $9.999894490e-01, v7  }
.Ltmp2:
0x32c: {  	v7 =	vmul.f32 $9.999894490e-01, v62;
	v11 =	vadd.f32 v60, v6;
	v3 =	vadd.f32 v0, v3;
	(pc) =	sbr.rel @p0 .LBB2_7-.Ltmp2, $4  }
0x32d: {  	v0 =	vmul.f32 $9.999894490e-01, v9;
	v9 =	vadd.f32 v61, v5;
	v4 =	vadd.f32 v10, v4  }
0x32e: {  	v8 =	vadd.f32 v63, v8;
	v5 =	vsub.f32 $1.000000000e+00, v2  }
0x32f: {  	v7 =	vadd.f32 v12, v7;
	v10 =	vadd.f32 v1, v0  }
0x330: {  	s29 =	sadd.s32 $0x20, s29;
	v40 =	vld [tilespmem:$0x1FFF0];
	v6 =	vsub.f32 $1.000000000e+00, v3;
	v0 =	vshra.s32 v3, $0x17;
	v1 =	vshra.s32 v2, $0x17  }
0x331: {  	v3 =	vand.u32 $0x7FFFFF, v3  }
0x332: {  	v2 =	vand.u32 $0x7FFFFF, v2;
	v12 =	vsub.f32 $1.000000000e+00, v11;
	v13 =	vsub.f32 $1.000000000e+00, v8  }
0x333: {  	v14 =	vsub.f32 $1.000000000e+00, v4;
	v15 =	vshra.s32 v9, $0x17;
	v16 =	vsub.f32 $1.000000000e+00, v10  }
0x334: {  	v17 =	vshra.s32 v4, $0x17;
	v18 =	vshra.s32 v11, $0x17;
	v19 =	vsub.f32 $1.000000000e+00, v7  }
0x335: {  	v20 =	vshra.s32 v10, $0x17;
	v21 =	vshra.s32 v8, $0x17;
	v22 =	vshra.s32 v7, $0x17  }
0x336: {  	v45 =	vand.u32 $0x7FFFFF, v11;
	v23 =	vand.u32 $0x7FFFFF, v9;
	v46 =	vand.u32 $0x7FFFFF, v10  }
0x337: {  	v47 =	vand.u32 $0x7FFFFF, v8;
	v48 =	vand.u32 $0x7FFFFF, v4;
	v5 =	vmul.f32 v5, v5  }
0x338: {  	v39 =	vimm.s32 $0xFFFFFF81;
	v24 =	vor.u32 $0x3F800000, v3;
	v25 =	vor.u32 $0x3F800000, v2  }
0x339: {  	v2 =	vand.u32 $0x7FFFFF, v7;
	v7 =	vmul.f32 v6, v6;
	v23 =	vor.u32 $0x3F800000, v23  }
0x33a: {  	v26 =	vor.u32 $0x3F800000, v47;
	v27 =	vor.u32 $0x3F800000, v48;
	v11 =	vor.u32 $0x3F800000, v45  }
0x33b: {  	v10 =	vor.u32 $0x3F800000, v46;
	v28 =	vmul.f32 $5.000000000e-01, v25;
	v29 =	vor.u32 $0x3F800000, v2  }
0x33c: {  	v30 =	vmul.f32 $5.000000000e-01, v24;
	vm1 =	vgt.f32 v25, $1.414213540e+00;
	v2 =	vmul.f32 v12, v12  }
0x33d: {  	vm2 =	vgt.f32 v24, $1.414213540e+00;
	v4 =	vmul.f32 v13, v13;
	v3 =	vmul.f32 v14, v14  }
0x33e: {  	v8 =	vmul.f32 v19, v19;
	v6 =	vmul.f32 v16, v16;
	vm3 =	vgt.f32 v11, $1.414213540e+00  }
0x33f: {  	vm4 =	vgt.f32 v23, $1.414213540e+00;
	vm5 =	vgt.f32 v27, $1.414213540e+00;
	v51 =	vmul.f32 $5.000000000e-01, v11  }
0x340: {  	v52 =	vmul.f32 $5.000000000e-01, v23;
	vm6 =	vgt.f32 v26, $1.414213540e+00;
	v53 =	vmul.f32 $5.000000000e-01, v26  }
0x341: {  	v31 =	vmul.f32 $5.000000000e-01, v27;
	vm7 =	vgt.f32 v10, $1.414213540e+00;
	v32 =	vmul.f32 $5.000000000e-01, v10  }
0x342: {  	v49 =	vsel vm1, $0xFFFFFF82, v39;
	v50 =	vsel vm2, $0xFFFFFF82, v39;
	vm0 =	vgt.f32 v29, $1.414213540e+00  }
0x343: {  	v33 =	vmul.f32 $5.000000000e-01, v29;
	v34 =	vsel vm3, $0xFFFFFF82, v39;
	v35 =	vsel vm4, $0xFFFFFF82, v39  }
0x344: {  	v36 =	vsel vm7, $0xFFFFFF82, v39;
	v37 =	vsel vm6, $0xFFFFFF82, v39;
	v38 =	vsel vm5, $0xFFFFFF82, v39  }
0x345: {  	v0 =	vadd.s32 v0, v50;
	v1 =	vadd.s32 v1, v49;
	v54 =	vsel vm0, $0xFFFFFF82, v39  }
0x346: {  	v55 =	vsel vm2, v30, v24;
	v56 =	vsel vm1, v28, v25;
	v15 =	vadd.s32 v15, v35  }
0x347: {  	v17 =	vadd.s32 v17, v38;
	v18 =	vadd.s32 v18, v34;
	v21 =	vadd.s32 v21, v37  }
0x348: {  	v16 =	vsel vm4, v52, v23;
	v11 =	vsel vm3, v51, v11;
	v59 =	vsel vm5, v31, v27  }
0x349: {  	v19 =	vsel vm6, v53, v26;
	v10 =	vsel vm7, v32, v10;
	v25 =	vadd.f32 $1.000000000e+00, v56  }
0x34a: {  	v32 =	vadd.s32 v20, v36;
	v57 =	vadd.f32 $1.000000000e+00, v55;
	v58 =	vadd.f32 $1.000000000e+00, v16  }
0x34b: {  	v60 =	vadd.f32 $1.000000000e+00, v11;
	v1 =	vcvt.s32.f32 v1;
	(erf) = vrcp.f32 v25  }
0x34c: {  	v61 =	vadd.f32 $1.000000000e+00, v59;
	v0 =	vcvt.s32.f32 v0;
	(erf) = vrcp.f32 v57  }
0x34d: {  	v62 =	vadd.f32 $1.000000000e+00, v19;
	v15 =	vcvt.s32.f32 v15;
	(erf) = vrcp.f32 v58  }
0x34e: {  	v63 =	vsel vm0, v33, v29;
	v17 =	vcvt.s32.f32 v17;
	(erf) = vrcp.f32 v60  }
0x34f: {  	v30 =	vadd.f32 $1.000000000e+00, v10;
	v18 =	vcvt.s32.f32 v18;
	(erf) = vrcp.f32 v61  }
0x350: {  	v12 =	vadd.s32 v22, v54;
	v14 =	vcvt.s32.f32 v32;
	(erf) = vrcp.f32 v62  }
0x351: {  	v21 =	vcvt.s32.f32 v21;
	v31 =	vadd.f32 $1.000000000e+00, v63;
	v12 =	vcvt.s32.f32 v12  }
0x352: {  	v1 =	vmul.f32 $6.931471820e-01, v1;
	(erf) = vrcp.f32 v30  }
0x353: {  	v33 =	vadd.f32 $-1.000000000e+00, v56;
	v0 =	vmul.f32 $6.931471820e-01, v0;
	(erf) = vrcp.f32 v31  }
0x354: {  	v13 =	vadd.f32 $-1.000000000e+00, v55;
	v17 =	vmul.f32 $6.931471820e-01, v17;
	v14 =	vmul.f32 $6.931471820e-01, v14;
	v34 =	vpop (erf)  }
0x355: {  	v16 =	vadd.f32 $-1.000000000e+00, v16;
	v21 =	vmul.f32 $6.931471820e-01, v21;
	v35 =	vpop (erf);
	v20 =	vmul.f32 v34, v33  }
0x356: {  	v11 =	vadd.f32 $-1.000000000e+00, v11;
	v12 =	vmul.f32 $6.931471820e-01, v12;
	v36 =	vpop (erf);
	v13 =	vmul.f32 v35, v13  }
0x357: {  	v23 =	vadd.f32 $-1.000000000e+00, v59;
	v37 =	vpop (erf);
	v16 =	vmul.f32 v36, v16;
	v43 =	vmul.f32 v20, v20  }
0x358: {  	v19 =	vadd.f32 $-1.000000000e+00, v19;
	v38 =	vpop (erf);
	v11 =	vmul.f32 v37, v11;
	v44 =	vmul.f32 v13, v13  }
0x359: {  	v39 =	vpop (erf);
	v22 =	vmul.f32 v38, v23;
	v26 =	vmul.f32 v16, v16  }
0x35a: {  	v10 =	vadd.f32 $-1.000000000e+00, v10;
	v49 =	vmul.f32 $2.857142980e-01, v43;
	v19 =	vmul.f32 v39, v19  }
0x35b: {  	v25 =	vadd.f32 $-1.000000000e+00, v63;
	v41 =	vpop (erf);
	v28 =	vmul.f32 v11, v11;
	v47 =	vmul.f32 $2.857142980e-01, v44  }
0x35c: {  	v10 =	vmul.f32 v41, v10;
	v42 =	vpop (erf);
	v27 =	vmul.f32 v22, v22  }
0x35d: {  	v50 =	vmul.f32 $2.857142980e-01, v26;
	v23 =	vmul.f32 v42, v25  }
0x35e: {  	v33 =	vadd.f32 $4.000000060e-01, v49;
	v46 =	vmul.f32 v19, v19;
	v52 =	vmul.f32 $2.857142980e-01, v28  }
0x35f: {  	v31 =	vadd.f32 $4.000000060e-01, v47;
	v45 =	vmul.f32 v10, v10;
	v48 =	vmul.f32 v23, v23  }
0x360: {  	v51 =	vmul.f32 $2.857142980e-01, v27;
	v33 =	vmul.f32 v33, v43  }
0x361: {  	v34 =	vadd.f32 $4.000000060e-01, v50;
	v31 =	vmul.f32 v31, v44;
	v53 =	vmul.f32 $2.857142980e-01, v48  }
0x362: {  	v54 =	vmul.f32 $2.857142980e-01, v46;
	v36 =	vadd.f32 $4.000000060e-01, v52;
	v35 =	vadd.f32 $4.000000060e-01, v51  }
0x363: {  	v55 =	vmul.f32 $2.857142980e-01, v45;
	v31 =	vadd.f32 $6.666666860e-01, v31;
	v37 =	vadd.f32 $4.000000060e-01, v53  }
0x364: {  	v34 =	vmul.f32 v34, v26;
	v56 =	vadd.f32 $6.666666860e-01, v33;
	v36 =	vmul.f32 v36, v28  }
0x365: {  	v39 =	vadd.f32 $4.000000060e-01, v55;
	v25 =	vmul.f32 v31, v44;
	v57 =	vmul.f32 v37, v48  }
0x366: {  	v38 =	vadd.f32 $4.000000060e-01, v54;
	v35 =	vmul.f32 v35, v27;
	v24 =	vmul.f32 v56, v43  }
0x367: {  	v58 =	vmul.f32 v39, v45;
	v25 =	vadd.f32 $2.000000000e+00, v25;
	v59 =	vadd.f32 $6.666666860e-01, v57  }
0x368: {  	v34 =	vadd.f32 $6.666666860e-01, v34;
	v61 =	vmul.f32 v38, v46;
	v24 =	vadd.f32 $2.000000000e+00, v24  }
0x369: {  	v60 =	vadd.f32 $6.666666860e-01, v58;
	v13 =	vmul.f32 v25, v13;
	v62 =	vmul.f32 v59, v48  }
0x36a: {  	v43 =	vadd.f32 $6.666666860e-01, v35;
	v63 =	vadd.f32 $6.666666860e-01, v61;
	v38 =	vmul.f32 v24, v20  }
0x36b: {  	v29 =	vmul.f32 v60, v45;
	v0 =	vadd.f32 v13, v0;
	v39 =	vadd.f32 $2.000000000e+00, v62  }
0x36c: {  	v37 =	vadd.f32 $6.666666860e-01, v36;
	v42 =	vmul.f32 v63, v46;
	v1 =	vadd.f32 v38, v1  }
0x36d: {  	v41 =	vadd.f32 $2.000000000e+00, v29;
	v0 =	vmul.f32 v0, v7;
	v44 =	vmul.f32 v39, v23  }
0x36e: {  	v46 =	vmul.f32 v43, v27;
	v45 =	vadd.f32 $2.000000000e+00, v42;
	v1 =	vmul.f32 v1, v5  }
0x36f: {  	v10 =	vmul.f32 v41, v10;
	v0 =	vadd.f32 v0, v40;
	v47 =	vadd.f32 v44, v12  }
0x370: {  	v50 =	vmul.f32 v37, v28;
	v49 =	vadd.f32 $2.000000000e+00, v46;
	v48 =	vmul.f32 v45, v19  }
0x371: {  	v51 =	vadd.f32 v10, v14;
	v0 =	vadd.f32 v1, v0;
	v1 =	vmul.f32 v47, v8  }
0x372: {  	v54 =	vmul.f32 v34, v26;
	v53 =	vadd.f32 $2.000000000e+00, v50;
	v52 =	vmul.f32 v49, v22  }
0x373: {  	v55 =	vadd.f32 v48, v21;
	v0 =	vadd.f32 v1, v0;
	v1 =	vmul.f32 v51, v6  }
0x374: {  	v56 =	vmul.f32 $6.931471820e-01, v18;
	v58 =	vadd.f32 $2.000000000e+00, v54;
	v57 =	vmul.f32 v53, v11  }
0x375: {  	v59 =	vadd.f32 v52, v17;
	v0 =	vadd.f32 v1, v0;
	v1 =	vmul.f32 v55, v4  }
0x376: {  	v61 =	vmul.f32 $6.931471820e-01, v15;
	v60 =	vsub.f32 $1.000000000e+00, v9;
	v62 =	vmul.f32 v58, v16  }
0x377: {  	s0 =	rddreg [dreg:$0xf];
	v0 =	vadd.f32 v1, v0;
	v1 =	vmul.f32 v59, v3;
	v3 =	vadd.f32 v57, v56  }
0x378: {  	p0 =	seq.s32 s0, $0xF;
	v63 =	vmul.f32 v60, v60  }
.Ltmp3:
0x379: {  	v0 =	vadd.f32 v1, v0;
	v1 =	vmul.f32 v3, v2;
	v2 =	vadd.f32 v62, v61;
	(pc) =	sbr.rel @p0 .LBB2_12-.Ltmp3, $3  }
0x37a: {  	_ = 	snop  }
0x37b: {  	v0 =	vadd.f32 v1, v0;
	v1 =	vmul.f32 v2, v63;
	_ =	sdelay $0x1  }
0x37c: {  	v0 =	vadd.f32 v1, v0  }
0x37d: {  	s0 =	rddreg [dreg:$0xb]  }
0x37e: {  	s1 =	rddreg [dreg:$0x10]  }
0x37f: {  	s1 =	sadd.s32 s1, s0  }
0x380: {  	s0 =	sshrl.u32 s1, $0x7  }
0x381: {  	s1 =	sshll.u32 s1, $0xB;
	s2 =	smul.u32 $0x4C0000, s0  }
0x382: {  	s1 =	sand.u32 $0x3F000, s1  }
0x383: {  	s2 =	sor.u32 s1, s2  }
0x384: {  	s3 =	rddreg [dreg:$0x0];
	s2 =	sshrl.u32 s2, $0x3  }
0x385: {  	s2 =	sadd.s32 s3, s2  }
0x386: {  	s6 =	simm.s32 $0x0;
	s3 =	simm.s32 $0x2000;
	s5 =	sadd.s32 $0x8000, s2  }
.LBB2_10:
0x387: {  	[tilespmem:s6], [sflag:$0x1] =	stream.strided.gather [hbm4b:s2+s15], $0x800, s16, s15, $0x38;
	[tilespmem:$0x14080] =	vst v63  }
0x388: {  	s6 =	smov.u32 s3;
	s2 =	smov.u32 s5;
	p0 =	sne.s32 s3, $0x24000  }
.Ltmp4:
0x389: {  	s3 =	sadd.s32 $0x2000, s3;
	(pc) =	sbr.rel @p0 .LBB2_10-.Ltmp4, $2  }
0x38a: {  	_ =	sdelay $0x2  }
0x38b: {  	s5 =	sadd.s32 $0x8000, s5;
	s6 =	sshra.s32 s6, $0x2  }
0x38c: {  	[tilespmem:s6], [sflag:$0x1] =	stream.strided.gather [hbm4b:s2+s15], $0x800, s16, s15, $0x38;
	[tilespmem:$0x14080] =	vst v63  }
0x38d: {  	s0 =	sshll.u32 s0, $0x12  }
0x38e: {  	s0 =	sor.u32 s1, s0  }
0x38f: {  	s30 =	rddreg [dreg:$0x1];
	s0 =	sshrl.u32 s0, $0x3  }
0x390: {  	s31 =	simm.s32 $0x13000;
	s0 =	sadd.s32 s30, s0  }
0x391: {  	[tilespmem:s31], [sflag:$0x1] =	stream.strided.gather [hbm4b:s0+s15], $0x800, s16, s15, $0x38;
	[tilespmem:$0x14080] =	vst v63  }
.LBB2_12:
0x392: {  	s1 =	simm.s32 $0x2  }
0x393: {  	_ =	swait.ge [sflag:s1], $0x9800  }
0x394: {  	[sflag:s1] =	ssyncset.done $0x0  }
0x395: {  	s26 =	simm.s32 $0x0;
	[sflag:s1] =	ssyncadd.s32 $0xFFFF6800  }
0x396: {  	s0 =	simm.s32 $0x10;
	s9 =	sand.u32 $0x600, s26;
	_ =	swait.ge [sflag:s1], $0x800  }
0x397: {  	s3 =	sand.u32 $0x70, s0;
	s22 =	sor.u32 $0x12980, s9;
	[sflag:s1] =	ssyncset.done $0x0  }
0x398: {  	s7 =	sor.u32 $0x11980, s9;
	s2 =	sor.u32 s3, s22;
	[sflag:s1] =	ssyncadd.s32 $0xFFFFF800  }
0x399: {  	s5 =	sor.u32 $0x12180, s9;
	s6 =	sor.u32 s3, s7;
	v1 =	vld [tilespmem:s2+$0x0]  }
0x39a: {  	s13 =	sand.u32 $0x60, s26;
	s8 =	sor.u32 s3, s5;
	v3 =	vld [tilespmem:s6+$0x0]  }
0x39b: {  	s1 =	sor.u32 s13, s7;
	v4 =	vld [tilespmem:s8+$0x0]  }
0x39c: {  	s10 =	sor.u32 s13, s5;
	s5 =	sor.u32 $0x12100, s9;
	v5 =	vld [tilespmem:s1+$0x0]  }
0x39d: {  	s12 =	sor.u32 s3, s5;
	v8 =	vld [tilespmem:s10+$0x0]  }
0x39e: {  	s5 =	sor.u32 s13, s5;
	s2 =	sor.u32 $0x11900, s9;
	v7 =	vld [tilespmem:s12+$0x0]  }
0x39f: {  	s6 =	sor.u32 $0xA180, s9;
	v28 =	vld [tilespmem:s5+$0x0];
	s11 =	sor.u32 s3, s2  }
0x3a0: {  	s1 =	sor.u32 $0xA980, s9;
	s7 =	sor.u32 s3, s6;
	v6 =	vld [tilespmem:s11+$0x0]  }
0x3a1: {  	s8 =	sor.u32 $0xB180, s9;
	s14 =	sor.u32 s3, s1;
	v10 =	vld [tilespmem:s7+$0x0]  }
0x3a2: {  	s10 =	sor.u32 $0xB980, s9;
	s17 =	sor.u32 s3, s8;
	v9 =	vld [tilespmem:s14+$0x0]  }
0x3a3: {  	s12 =	sor.u32 $0xC980, s9;
	s18 =	sor.u32 s3, s10;
	v11 =	vld [tilespmem:s17+$0x0]  }
0x3a4: {  	s20 =	sor.u32 s3, s12;
	v12 =	vld [tilespmem:s18+$0x0]  }
0x3a5: {  	s2 =	sor.u32 s13, s2;
	v13 =	vld [tilespmem:s20+$0x0]  }
0x3a6: {  	s1 =	sor.u32 s13, s1;
	v25 =	vld [tilespmem:s2+$0x0]  }
0x3a7: {  	s8 =	sor.u32 s13, s8;
	v26 =	vld [tilespmem:s1+$0x0]  }
0x3a8: {  	s10 =	sor.u32 s13, s10;
	v29 =	vld [tilespmem:s8+$0x0]  }
0x3a9: {  	s12 =	sor.u32 s13, s12;
	s11 =	sor.u32 $0xC180, s9;
	v27 =	vld [tilespmem:s10+$0x0]  }
0x3aa: {  	s14 =	sor.u32 $0xD180, s9;
	v31 =	vld [tilespmem:s12+$0x0];
	s19 =	sor.u32 s3, s11  }
0x3ab: {  	s17 =	sor.u32 $0xD980, s9;
	s23 =	sor.u32 s3, s14;
	v14 =	vld [tilespmem:s19+$0x0]  }
0x3ac: {  	s18 =	sor.u32 $0xE180, s9;
	s24 =	sor.u32 s3, s17;
	v15 =	vld [tilespmem:s23+$0x0]  }
0x3ad: {  	s20 =	sor.u32 $0xF180, s9;
	s25 =	sor.u32 s3, s18;
	v16 =	vld [tilespmem:s24+$0x0]  }
0x3ae: {  	s30 =	sor.u32 s3, s20;
	v18 =	vld [tilespmem:s25+$0x0]  }
0x3af: {  	s11 =	sor.u32 s13, s11;
	v19 =	vld [tilespmem:s30+$0x0]  }
0x3b0: {  	s14 =	sor.u32 s13, s14;
	s19 =	sor.u32 $0xE980, s9;
	v30 =	vld [tilespmem:s11+$0x0]  }
0x3b1: {  	s23 =	sor.u32 $0xF980, s9;
	v33 =	vld [tilespmem:s14+$0x0];
	s29 =	sor.u32 s3, s19  }
0x3b2: {  	s31 =	sor.u32 s3, s23;
	v17 =	vld [tilespmem:s29+$0x0]  }
0x3b3: {  	s24 =	sor.u32 $0x10180, s9;
	s5 =	sor.u32 s13, s23;
	v20 =	vld [tilespmem:s31+$0x0]  }
0x3b4: {  	s7 =	sor.u32 s13, s6;
	s6 =	sor.u32 s13, s24;
	v37 =	vld [tilespmem:s5+$0x0]  }
0x3b5: {  	s29 =	sor.u32 s3, s24;
	v39 =	vld [tilespmem:s6+$0x0];
	s5 =	sor.u32 $0x12080, s9  }
0x3b6: {  	s28 =	sor.u32 $0x11180, s9;
	v22 =	vld [tilespmem:s29+$0x0];
	s11 =	sor.u32 s3, s5  }
0x3b7: {  	s31 =	sor.u32 s3, s28;
	v45 =	vld [tilespmem:s11+$0x0];
	s11 =	sor.u32 $0xC100, s9  }
0x3b8: {  	v23 =	vld [tilespmem:s31+$0x0];
	s31 =	sor.u32 s13, s19;
	s19 =	sor.u32 s3, s11  }
0x3b9: {  	s29 =	sor.u32 s13, s17;
	v51 =	vld [tilespmem:s19+$0x0];
	s19 =	sor.u32 $0xE900, s9  }
0x3ba: {  	s6 =	sor.u32 $0xA100, s9;
	v32 =	vld [tilespmem:s29+$0x0];
	s29 =	sor.u32 s3, s19  }
0x3bb: {  	s25 =	sor.u32 $0x10980, s9;
	[tilespmem:$0x1F200] =	vst v1;
	s12 =	sor.u32 s3, s6;
	v1 =	vld [tilespmem:s29+$0x0]  }
0x3bc: {  	s30 =	sor.u32 s3, s25;
	v46 =	vld [tilespmem:s12+$0x0];
	s12 =	sor.u32 $0xC900, s9  }
0x3bd: {  	s2 =	sor.u32 s13, s20;
	v21 =	vld [tilespmem:s30+$0x0];
	s20 =	sor.u32 s3, s12  }
0x3be: {  	s30 =	sor.u32 s13, s18;
	v53 =	vld [tilespmem:s20+$0x0];
	s20 =	sor.u32 $0xF100, s9  }
0x3bf: {  	s1 =	sor.u32 $0xA900, s9;
	v34 =	vld [tilespmem:s30+$0x0];
	s30 =	sor.u32 s3, s20  }
0x3c0: {  	s14 =	sor.u32 s3, s1;
	[tilespmem:$0x1EE20] =	vst v1;
	v1 =	vld [tilespmem:s30+$0x0]  }
0x3c1: {  	s8 =	sor.u32 s13, s28;
	v47 =	vld [tilespmem:s14+$0x0];
	s14 =	sor.u32 $0xD100, s9  }
0x3c2: {  	v43 =	vld [tilespmem:s8+$0x0];
	s23 =	sor.u32 s3, s14  }
0x3c3: {  	v54 =	vld [tilespmem:s23+$0x0];
	s23 =	sor.u32 $0xF900, s9  }
0x3c4: {  	s8 =	sor.u32 $0xB100, s9;
	v35 =	vld [tilespmem:s31+$0x0];
	s31 =	sor.u32 s3, s23  }
0x3c5: {  	s17 =	sor.u32 s3, s8;
	[tilespmem:$0x1EE30] =	vst v1;
	v1 =	vld [tilespmem:s31+$0x0]  }
0x3c6: {  	v48 =	vld [tilespmem:s17+$0x0];
	s17 =	sor.u32 $0xD900, s9  }
0x3c7: {  	v38 =	vld [tilespmem:s2+$0x0];
	s2 =	sor.u32 $0x11880, s9;
	s24 =	sor.u32 s3, s17  }
0x3c8: {  	s10 =	sor.u32 s3, s2;
	v55 =	vld [tilespmem:s24+$0x0];
	s24 =	sor.u32 $0x10100, s9  }
0x3c9: {  	v42 =	vld [tilespmem:s10+$0x0];
	s10 =	sor.u32 $0xB900, s9;
	s29 =	sor.u32 s3, s24  }
0x3ca: {  	s18 =	sor.u32 s3, s10;
	[tilespmem:$0x1EE40] =	vst v1;
	v1 =	vld [tilespmem:s29+$0x0]  }
0x3cb: {  	v50 =	vld [tilespmem:s18+$0x0];
	s18 =	sor.u32 $0xE100, s9  }
0x3cc: {  	v24 =	vld [tilespmem:s7+$0x0];
	s7 =	sor.u32 s13, s25;
	s25 =	sor.u32 s3, s18  }
0x3cd: {  	v57 =	vld [tilespmem:s25+$0x0];
	s25 =	sor.u32 $0x10900, s9  }
0x3ce: {  	s30 =	sor.u32 s3, s25  }
0x3cf: {  	[tilespmem:$0x1EE50] =	vst v1;
	v1 =	vld [tilespmem:s30+$0x0];
	_ =	sdelay $0x2  }
0x3d0: {  	s28 =	sor.u32 $0x11100, s9  }
0x3d1: {  	s31 =	sor.u32 s3, s28  }
0x3d2: {  	[tilespmem:$0x1EE80] =	vst v1;
	v1 =	vld [tilespmem:s31+$0x0];
	_ =	sdelay $0x3  }
0x3d3: {  	s2 =	sor.u32 s13, s2  }
0x3d4: {  	[tilespmem:$0x1EE90] =	vst v1;
	v1 =	vld [tilespmem:s2+$0x0];
	_ =	sdelay $0x3  }
0x3d5: {  	s5 =	sor.u32 s13, s5  }
0x3d6: {  	[tilespmem:$0x1EE60] =	vst v1;
	v1 =	vld [tilespmem:s5+$0x0];
	_ =	sdelay $0x3  }
0x3d7: {  	v40 =	vld [tilespmem:s7+$0x0];
	s7 =	sor.u32 s13, s6  }
0x3d8: {  	[tilespmem:$0x1EE70] =	vst v1;
	v1 =	vld [tilespmem:s7+$0x0];
	_ =	sdelay $0x3  }
0x3d9: {  	s1 =	sor.u32 s13, s1  }
0x3da: {  	[tilespmem:$0x1EEA0] =	vst v1;
	v1 =	vld [tilespmem:s1+$0x0];
	_ =	sdelay $0x3  }
0x3db: {  	s8 =	sor.u32 s13, s8  }
0x3dc: {  	[tilespmem:$0x1EEB0] =	vst v1;
	v1 =	vld [tilespmem:s8+$0x0];
	_ =	sdelay $0x3  }
0x3dd: {  	s10 =	sor.u32 s13, s10  }
0x3de: {  	[tilespmem:$0x1EEC0] =	vst v1;
	v1 =	vld [tilespmem:s10+$0x0];
	_ =	sdelay $0x3  }
0x3df: {  	s11 =	sor.u32 s13, s11  }
0x3e0: {  	[tilespmem:$0x1EED0] =	vst v1;
	v1 =	vld [tilespmem:s11+$0x0];
	_ =	sdelay $0x3  }
0x3e1: {  	s12 =	sor.u32 s13, s12  }
0x3e2: {  	[tilespmem:$0x1EEE0] =	vst v1;
	v1 =	vld [tilespmem:s12+$0x0];
	_ =	sdelay $0x3  }
0x3e3: {  	s14 =	sor.u32 s13, s14  }
0x3e4: {  	[tilespmem:$0x1EEF0] =	vst v1;
	v1 =	vld [tilespmem:s14+$0x0];
	_ =	sdelay $0x3  }
0x3e5: {  	s17 =	sor.u32 s13, s17  }
0x3e6: {  	[tilespmem:$0x1EF00] =	vst v1;
	v1 =	vld [tilespmem:s17+$0x0];
	_ =	sdelay $0x3  }
0x3e7: {  	s18 =	sor.u32 s13, s18  }
0x3e8: {  	[tilespmem:$0x1EF10] =	vst v1;
	v1 =	vld [tilespmem:s18+$0x0];
	_ =	sdelay $0x3  }
0x3e9: {  	s19 =	sor.u32 s13, s19  }
0x3ea: {  	[tilespmem:$0x1EF20] =	vst v1;
	v1 =	vld [tilespmem:s19+$0x0];
	_ =	sdelay $0x3  }
0x3eb: {  	s20 =	sor.u32 s13, s20  }
0x3ec: {  	[tilespmem:$0x1EF30] =	vst v1;
	v1 =	vld [tilespmem:s20+$0x0];
	_ =	sdelay $0x3  }
0x3ed: {  	s23 =	sor.u32 s13, s23  }
0x3ee: {  	[tilespmem:$0x1EF40] =	vst v1;
	v1 =	vld [tilespmem:s23+$0x0];
	_ =	sdelay $0x3  }
0x3ef: {  	s24 =	sor.u32 s13, s24  }
0x3f0: {  	[tilespmem:$0x1EF50] =	vst v1;
	v1 =	vld [tilespmem:s24+$0x0];
	_ =	sdelay $0x3  }
0x3f1: {  	s29 =	sor.u32 s13, s25  }
0x3f2: {  	[tilespmem:$0x1EF60] =	vst v1;
	v1 =	vld [tilespmem:s29+$0x0];
	_ =	sdelay $0x3  }
0x3f3: {  	s30 =	sor.u32 s13, s28  }
0x3f4: {  	[tilespmem:$0x1EF70] =	vst v1;
	v1 =	vld [tilespmem:s30+$0x0];
	_ =	sdelay $0x2  }
0x3f5: {  	s1 =	sor.u32 $0x11800, s9  }
0x3f6: {  	s31 =	sor.u32 s3, s1  }
0x3f7: {  	[tilespmem:$0x1EF80] =	vst v1;
	v1 =	vld [tilespmem:s31+$0x0];
	_ =	sdelay $0x2  }
0x3f8: {  	s2 =	sor.u32 $0x12000, s9  }
0x3f9: {  	s8 =	sor.u32 s3, s2  }
0x3fa: {  	[tilespmem:$0x1EF90] =	vst v1;
	v1 =	vld [tilespmem:s8+$0x0];
	_ =	sdelay $0x2  }
0x3fb: {  	s7 =	sor.u32 $0xA080, s9  }
0x3fc: {  	s10 =	sor.u32 s3, s7  }
0x3fd: {  	[tilespmem:$0x1EFA0] =	vst v1;
	v1 =	vld [tilespmem:s10+$0x0];
	_ =	sdelay $0x2  }
0x3fe: {  	s6 =	sor.u32 $0xA880, s9  }
0x3ff: {  	s11 =	sor.u32 s3, s6  }
0x400: {  	[tilespmem:$0x1EFB0] =	vst v1;
	v1 =	vld [tilespmem:s11+$0x0];
	_ =	sdelay $0x2  }
0x401: {  	s5 =	sor.u32 $0xB080, s9  }
0x402: {  	s12 =	sor.u32 s3, s5  }
0x403: {  	[tilespmem:$0x1EFC0] =	vst v1;
	v1 =	vld [tilespmem:s12+$0x0];
	_ =	sdelay $0x2  }
0x404: {  	s8 =	sor.u32 $0xB880, s9  }
0x405: {  	s14 =	sor.u32 s3, s8  }
0x406: {  	[tilespmem:$0x1EFD0] =	vst v1;
	v1 =	vld [tilespmem:s14+$0x0];
	_ =	sdelay $0x2  }
0x407: {  	s10 =	sor.u32 $0xC080, s9  }
0x408: {  	s17 =	sor.u32 s3, s10  }
0x409: {  	[tilespmem:$0x1EFE0] =	vst v1;
	v1 =	vld [tilespmem:s17+$0x0];
	_ =	sdelay $0x2  }
0x40a: {  	s11 =	sor.u32 $0xC880, s9  }
0x40b: {  	s18 =	sor.u32 s3, s11  }
0x40c: {  	[tilespmem:$0x1EFF0] =	vst v1;
	v1 =	vld [tilespmem:s18+$0x0];
	_ =	sdelay $0x2  }
0x40d: {  	s12 =	sor.u32 $0xD080, s9  }
0x40e: {  	s19 =	sor.u32 s3, s12  }
0x40f: {  	[tilespmem:$0x1F000] =	vst v1;
	v1 =	vld [tilespmem:s19+$0x0];
	_ =	sdelay $0x2  }
0x410: {  	s14 =	sor.u32 $0xD880, s9  }
0x411: {  	s20 =	sor.u32 s3, s14  }
0x412: {  	[tilespmem:$0x1F010] =	vst v1;
	v1 =	vld [tilespmem:s20+$0x0];
	_ =	sdelay $0x2  }
0x413: {  	s17 =	sor.u32 $0xE080, s9  }
0x414: {  	s23 =	sor.u32 s3, s17  }
0x415: {  	[tilespmem:$0x1F020] =	vst v1;
	v1 =	vld [tilespmem:s23+$0x0];
	_ =	sdelay $0x2  }
0x416: {  	s18 =	sor.u32 $0xE880, s9  }
0x417: {  	s24 =	sor.u32 s3, s18  }
0x418: {  	[tilespmem:$0x1F030] =	vst v1;
	v1 =	vld [tilespmem:s24+$0x0];
	_ =	sdelay $0x2  }
0x419: {  	s19 =	sor.u32 $0xF080, s9  }
0x41a: {  	s25 =	sor.u32 s3, s19  }
0x41b: {  	[tilespmem:$0x1F040] =	vst v1;
	v1 =	vld [tilespmem:s25+$0x0];
	_ =	sdelay $0x2  }
0x41c: {  	s20 =	sor.u32 $0xF880, s9  }
0x41d: {  	s29 =	sor.u32 s3, s20  }
0x41e: {  	[tilespmem:$0x1F050] =	vst v1;
	v1 =	vld [tilespmem:s29+$0x0];
	_ =	sdelay $0x2  }
0x41f: {  	s23 =	sor.u32 $0x10080, s9  }
0x420: {  	s28 =	sor.u32 s3, s23  }
0x421: {  	[tilespmem:$0x1F060] =	vst v1;
	v1 =	vld [tilespmem:s28+$0x0];
	_ =	sdelay $0x2  }
0x422: {  	s24 =	sor.u32 $0x10880, s9  }
0x423: {  	s29 =	sor.u32 s3, s24  }
0x424: {  	[tilespmem:$0x1F070] =	vst v1;
	v1 =	vld [tilespmem:s29+$0x0];
	_ =	sdelay $0x2  }
0x425: {  	s30 =	sor.u32 s0, s26  }
0x426: {  	s30 =	sor.u32 $0x180, s30  }
0x427: {  	[tilespmem:$0x1F0A0] =	vst v1;
	v1 =	vld [tilespmem:s30+$0x9800];
	_ =	sdelay $0x4  }
0x428: {  	v1 =	vadd.f32 v10, v1  }
0x429: {  	s7 =	sor.u32 s13, s7  }
0x42a: {  	v52 =	vld [tilespmem:s7+$0x0];
	s7 =	sor.u32 s13, s8;
	[tilespmem:$0x1F230] =	vst v1;
	v1 =	vadd.f32 v11, v9  }
0x42b: {  	s8 =	sor.u32 s13, s10;
	s10 =	sor.u32 s13, s11;
	s11 =	sor.u32 s13, s12  }
0x42c: {  	v62 =	vld [tilespmem:s11+$0x0];
	s25 =	sor.u32 $0x11080, s9;
	[tilespmem:$0x1F240] =	vst v1;
	v1 =	vadd.f32 v14, v12  }
0x42d: {  	s31 =	sor.u32 s3, s25  }
0x42e: {  	v2 =	vld [tilespmem:s31+$0x0];
	[tilespmem:$0x1F250] =	vst v1;
	v1 =	vadd.f32 v15, v13  }
0x42f: {  	[tilespmem:$0x1F0C0] =	vst v52;
	s12 =	sor.u32 s13, s14;
	s14 =	sor.u32 s13, s17  }
0x430: {  	v59 =	vld [tilespmem:s7+$0x0];
	s17 =	sor.u32 s13, s18;
	s18 =	sor.u32 s13, s19;
	s19 =	sor.u32 s13, s20;
	[tilespmem:$0x1F260] =	vst v1;
	v1 =	vadd.f32 v18, v16  }
0x431: {  	[tilespmem:$0x1F120] =	vst v62;
	v52 =	vld [tilespmem:s19+$0x0];
	s19 =	sor.u32 $0xB000, s9;
	s31 =	sor.u32 s13, s6  }
0x432: {  	s7 =	sor.u32 s3, s19;
	v56 =	vld [tilespmem:s31+$0x0];
	[tilespmem:$0x1F270] =	vst v1;
	v1 =	vadd.f32 v19, v17  }
0x433: {  	v62 =	vld [tilespmem:s7+$0x0];
	[tilespmem:$0x1F0B0] =	vst v2;
	s29 =	sor.u32 s9, s3  }
0x434: {  	v2 =	vld [tilespmem:s29+$0x9900];
	[tilespmem:$0x1F280] =	vst v1;
	v1 =	vadd.f32 v22, v20;
	_ =	sdelay $0x1  }
0x435: {  	[tilespmem:$0x1F2A0] =	vst v1;
	v1 =	vadd.f32 v28, v25  }
0x436: {  	s20 =	sor.u32 s13, s23;
	[tilespmem:$0x1F0D0] =	vst v56  }
0x437: {  	v56 =	vld [tilespmem:s20+$0x0];
	[tilespmem:$0x1F290] =	vst v1;
	v1 =	vadd.f32 v23, v21  }
0x438: {  	[tilespmem:$0x1F1D0] =	vst v62;
	s28 =	sor.u32 s26, s26;
	v62 =	vadd.f32 v46, v2;
	v2 =	vld [tilespmem:$0x1EE30]  }
0x439: {  	s28 =	sor.u32 $0x180, s28;
	[tilespmem:$0x1F2B0] =	vst v1;
	v1 =	vld [tilespmem:$0x1EE20]  }
0x43a: {  	[tilespmem:$0x1EE10] =	vst v0;
	v0 =	vld [tilespmem:s28+$0x9800];
	_ =	sdelay $0x3  }
0x43b: {  	[tilespmem:$0x1F180] =	vst v56;
	v56 =	vadd.f32 v54, v53;
	v54 =	vadd.f32 v2, v1;
	v1 =	vld [tilespmem:$0x1EE40]  }
0x43c: {  	v0 =	vadd.f32 v24, v0;
	v2 =	vld [tilespmem:$0x1EE50];
	_ =	sdelay $0x1  }
0x43d: {  	[tilespmem:$0x1F2C0] =	vst v0;
	v0 =	vadd.f32 v29, v26;
	_ =	sdelay $0x1  }
0x43e: {  	v60 =	vld [tilespmem:s8+$0x0];
	[tilespmem:$0x1F2D0] =	vst v0;
	v0 =	vadd.f32 v30, v27  }
0x43f: {  	v57 =	vadd.f32 v57, v55;
	v55 =	vadd.f32 v2, v1;
	v1 =	vld [tilespmem:$0x1EE60]  }
0x440: {  	[tilespmem:$0x1F2E0] =	vst v0;
	v0 =	vadd.f32 v33, v31;
	v2 =	vld [tilespmem:$0x1EE70];
	_ =	sdelay $0x1  }
0x441: {  	s1 =	sor.u32 s13, s1;
	s23 =	sor.u32 s13, s24;
	s24 =	sor.u32 $0xA000, s9;
	[tilespmem:$0x1F2F0] =	vst v0;
	v0 =	vadd.f32 v34, v32  }
0x442: {  	v36 =	vld [tilespmem:s1+$0x0];
	[tilespmem:$0x1F100] =	vst v60;
	s6 =	sor.u32 s13, s5;
	s5 =	sor.u32 s3, s24  }
0x443: {  	v60 =	vld [tilespmem:s5+$0x0];
	[tilespmem:$0x1F300] =	vst v0;
	v0 =	vadd.f32 v38, v35  }
0x444: {  	v53 =	vadd.f32 v2, v1;
	v1 =	vld [tilespmem:$0x1EE80]  }
0x445: {  	s1 =	sor.u32 $0xD000, s9;
	[tilespmem:$0x1F310] =	vst v0;
	v0 =	vadd.f32 v39, v37;
	v2 =	vld [tilespmem:$0x1EE90]  }
0x446: {  	v41 =	vld [tilespmem:s14+$0x0];
	s14 =	sor.u32 s3, s1;
	s7 =	sor.u32 $0xF000, s9;
	[tilespmem:$0x1F170] =	vst v52  }
0x447: {  	v52 =	vld [tilespmem:s14+$0x0];
	s14 =	sor.u32 s3, s7;
	[tilespmem:$0x1F320] =	vst v0;
	v0 =	vadd.f32 v43, v40  }
0x448: {  	[tilespmem:$0x1F080] =	vst v36;
	v36 =	vld [tilespmem:s14+$0x0];
	s14 =	sor.u32 s13, s9  }
0x449: {  	[tilespmem:$0x1F330] =	vst v0;
	v0 =	vld [tilespmem:s14+$0x9900]  }
0x44a: {  	[tilespmem:$0x1F1B0] =	vst v60;
	v60 =	vadd.f32 v51, v50;
	v51 =	vadd.f32 v2, v1;
	v2 =	vld [tilespmem:$0x1EEA0];
	_ =	sdelay $0x2  }
0x44b: {  	s31 =	sor.u32 s13, s25  }
0x44c: {  	[tilespmem:$0x1F0F0] =	vst v59;
	v59 =	vld [tilespmem:s31+$0x0]  }
0x44d: {  	v50 =	vadd.f32 v2, v0;
	v0 =	vld [tilespmem:$0x1EEB0]  }
0x44e: {  	v2 =	vld [tilespmem:$0x1EEC0];
	_ =	sdelay $0x4  }
0x44f: {  	[tilespmem:$0x1F1A0] =	vst v59;
	v59 =	vadd.f32 v48, v47;
	v48 =	vadd.f32 v2, v0;
	v0 =	vld [tilespmem:$0x1EED0]  }
0x450: {  	v2 =	vld [tilespmem:$0x1EEE0];
	_ =	sdelay $0x2  }
0x451: {  	v58 =	vld [tilespmem:s6+$0x0]  }
0x452: {  	v61 =	vld [tilespmem:s10+$0x0]  }
0x453: {  	v47 =	vadd.f32 v2, v0;
	v0 =	vld [tilespmem:$0x1EEF0]  }
0x454: {  	v2 =	vld [tilespmem:$0x1EF00];
	_ =	sdelay $0x1  }
0x455: {  	[tilespmem:$0x1F0E0] =	vst v58;
	v58 =	vld [tilespmem:s23+$0x0];
	s23 =	sor.u32 $0xA800, s9  }
0x456: {  	s6 =	sor.u32 s3, s23  }
0x457: {  	[tilespmem:$0x1F110] =	vst v61;
	v61 =	vld [tilespmem:s6+$0x0]  }
0x458: {  	v46 =	vadd.f32 v2, v0;
	v0 =	vld [tilespmem:$0x1EF10]  }
0x459: {  	v2 =	vld [tilespmem:$0x1EF20];
	_ =	sdelay $0x4  }
0x45a: {  	[tilespmem:$0x1F1C0] =	vst v61;
	v61 =	vadd.f32 v45, v42;
	v45 =	vadd.f32 v2, v0;
	v0 =	vld [tilespmem:$0x1EF30]  }
0x45b: {  	v2 =	vld [tilespmem:$0x1EF40];
	_ =	sdelay $0x4  }
0x45c: {  	v43 =	vadd.f32 v2, v0;
	v0 =	vld [tilespmem:$0x1EF50]  }
0x45d: {  	v2 =	vld [tilespmem:$0x1EF60];
	_ =	sdelay $0x4  }
0x45e: {  	v42 =	vadd.f32 v2, v0;
	v0 =	vld [tilespmem:$0x1EF70]  }
0x45f: {  	v2 =	vld [tilespmem:$0x1EF80];
	_ =	sdelay $0x4  }
0x460: {  	v38 =	vadd.f32 v2, v0;
	v0 =	vld [tilespmem:$0x1EF90]  }
0x461: {  	v2 =	vld [tilespmem:$0x1EFA0];
	_ =	sdelay $0x3  }
0x462: {  	v1 =	vld [tilespmem:s29+$0x9880]  }
0x463: {  	v40 =	vadd.f32 v2, v0;
	v0 =	vld [tilespmem:$0x1EFB0];
	_ =	sdelay $0x3  }
0x464: {  	v2 =	vld [tilespmem:$0x1EFD0]  }
0x465: {  	v39 =	vadd.f32 v0, v1;
	v1 =	vld [tilespmem:$0x1EFC0];
	_ =	sdelay $0x4  }
0x466: {  	v35 =	vadd.f32 v2, v1;
	v1 =	vld [tilespmem:$0x1EFE0]  }
0x467: {  	v2 =	vld [tilespmem:$0x1EFF0];
	_ =	sdelay $0x4  }
0x468: {  	v37 =	vadd.f32 v2, v1;
	v1 =	vld [tilespmem:$0x1F000]  }
0x469: {  	v2 =	vld [tilespmem:$0x1F010];
	_ =	sdelay $0x4  }
0x46a: {  	v31 =	vadd.f32 v2, v1;
	v1 =	vld [tilespmem:$0x1F020]  }
0x46b: {  	v2 =	vld [tilespmem:$0x1F030];
	_ =	sdelay $0x4  }
0x46c: {  	v32 =	vadd.f32 v2, v1;
	v1 =	vld [tilespmem:$0x1F040]  }
0x46d: {  	v2 =	vld [tilespmem:$0x1F050];
	_ =	sdelay $0x2  }
0x46e: {  	s2 =	sor.u32 s13, s2  }
0x46f: {  	v49 =	vld [tilespmem:s2+$0x0]  }
0x470: {  	v30 =	vadd.f32 v2, v1;
	v1 =	vld [tilespmem:$0x1F060]  }
0x471: {  	v2 =	vld [tilespmem:$0x1F070];
	_ =	sdelay $0x4  }
0x472: {  	[tilespmem:$0x1F090] =	vst v49;
	v34 =	vadd.f32 v2, v1;
	v1 =	vld [tilespmem:$0x1F080]  }
0x473: {  	v2 =	vld [tilespmem:$0x1F090];
	_ =	sdelay $0x4  }
0x474: {  	v27 =	vadd.f32 v2, v1;
	v1 =	vld [tilespmem:$0x1F0A0]  }
0x475: {  	v2 =	vld [tilespmem:$0x1F0B0];
	_ =	sdelay $0x3  }
0x476: {  	v0 =	vld [tilespmem:s14+$0x9880]  }
0x477: {  	v28 =	vadd.f32 v2, v1;
	v2 =	vld [tilespmem:$0x1F0C0];
	_ =	sdelay $0x4  }
0x478: {  	v26 =	vadd.f32 v2, v0;
	v0 =	vld [tilespmem:$0x1F0D0]  }
0x479: {  	v2 =	vld [tilespmem:$0x1F0E0];
	_ =	sdelay $0x4  }
0x47a: {  	v25 =	vadd.f32 v2, v0;
	v0 =	vld [tilespmem:$0x1F0F0]  }
0x47b: {  	v2 =	vld [tilespmem:$0x1F100];
	_ =	sdelay $0x3  }
0x47c: {  	v63 =	vld [tilespmem:s12+$0x0]  }
0x47d: {  	v24 =	vadd.f32 v2, v0;
	v0 =	vld [tilespmem:$0x1F110]  }
0x47e: {  	v2 =	vld [tilespmem:$0x1F120];
	_ =	sdelay $0x1  }
0x47f: {  	v49 =	vld [tilespmem:s18+$0x0];
	s18 =	sor.u32 $0xB800, s9  }
0x480: {  	v44 =	vld [tilespmem:s17+$0x0];
	s8 =	sor.u32 s3, s18  }
0x481: {  	[tilespmem:$0x1F130] =	vst v63;
	v63 =	vld [tilespmem:s8+$0x0]  }
0x482: {  	[tilespmem:$0x1F140] =	vst v41;
	v22 =	vadd.f32 v2, v0;
	v0 =	vld [tilespmem:$0x1F130]  }
0x483: {  	v3 =	vadd.f32 v4, v3;
	s10 =	sor.u32 $0xC800, s9;
	v2 =	vld [tilespmem:$0x1F140]  }
0x484: {  	s12 =	sor.u32 s3, s10;
	s10 =	sor.u32 s13, s10  }
0x485: {  	v5 =	vadd.f32 v8, v5;
	[tilespmem:$0x1F210] =	vst v3;
	v8 =	vld [tilespmem:s10+$0x0];
	s1 =	sor.u32 s13, s1;
	s17 =	sor.u32 $0xC000, s9  }
0x486: {  	v3 =	vadd.f32 v7, v6;
	v7 =	vld [tilespmem:s1+$0x0];
	s11 =	sor.u32 s3, s17;
	[tilespmem:$0x1F150] =	vst v44  }
0x487: {  	[tilespmem:$0x1F1E0] =	vst v63;
	v63 =	vld [tilespmem:s11+$0x0]  }
0x488: {  	[tilespmem:$0x1F160] =	vst v49;
	s11 =	sor.u32 $0xE000, s9;
	v21 =	vadd.f32 v2, v0;
	v0 =	vld [tilespmem:$0x1F150]  }
0x489: {  	s2 =	sor.u32 $0xE800, s9;
	s25 =	sor.u32 s3, s11;
	v2 =	vld [tilespmem:$0x1F160]  }
0x48a: {  	s31 =	sor.u32 s3, s2;
	v44 =	vld [tilespmem:s25+$0x0];
	s6 =	sor.u32 $0xD800, s9  }
0x48b: {  	v41 =	vld [tilespmem:s31+$0x0];
	s20 =	sor.u32 s3, s6  }
0x48c: {  	v49 =	vld [tilespmem:s20+$0x0]  }
0x48d: {  	v17 =	vld [tilespmem:$0x1F180]  }
0x48e: {  	s6 =	sor.u32 s13, s6;
	v20 =	vadd.f32 v2, v0;
	v0 =	vld [tilespmem:$0x1F170]  }
0x48f: {  	s5 =	sor.u32 $0x10000, s9;
	v6 =	vld [tilespmem:s6+$0x0]  }
0x490: {  	s25 =	sor.u32 s3, s5;
	[tilespmem:$0x1F190] =	vst v58;
	v58 =	vld [tilespmem:s12+$0x0]  }
0x491: {  	v29 =	vld [tilespmem:s25+$0x0]  }
0x492: {  	s12 =	sor.u32 $0xF800, s9;
	v1 =	vld [tilespmem:s29+$0x9800]  }
0x493: {  	s20 =	sor.u32 s3, s12;
	v19 =	vadd.f32 v17, v0;
	v17 =	vld [tilespmem:$0x1F1B0]  }
0x494: {  	v33 =	vld [tilespmem:s20+$0x0]  }
0x495: {  	v14 =	vld [tilespmem:$0x1F1D0]  }
0x496: {  	v18 =	vld [tilespmem:$0x1F1A0]  }
0x497: {  	v0 =	vld [tilespmem:$0x1F190]  }
0x498: {  	s19 =	sor.u32 s13, s19;
	v17 =	vadd.f32 v17, v1;
	v1 =	vld [tilespmem:$0x1F1C0]  }
0x499: {  	v11 =	vld [tilespmem:s19+$0x0];
	s19 =	sor.u32 s13, s22  }
0x49a: {  	s24 =	sor.u32 s13, s24;
	v29 =	vadd.f32 v29, v33;
	v33 =	vld [tilespmem:s19+$0x0]  }
0x49b: {  	v13 =	vld [tilespmem:s24+$0x0]  }
0x49c: {  	s8 =	sor.u32 $0x10800, s9;
	v18 =	vadd.f32 v18, v0;
	v0 =	vld [tilespmem:s14+$0x9800]  }
0x49d: {  	s31 =	sor.u32 s3, s8;
	s20 =	sor.u32 $0x11000, s9;
	v15 =	vadd.f32 v14, v1;
	v14 =	vld [tilespmem:$0x1F1E0]  }
0x49e: {  	v23 =	vld [tilespmem:s31+$0x0];
	s31 =	sor.u32 s3, s20  }
0x49f: {  	v16 =	vld [tilespmem:s31+$0x0];
	s31 =	sor.u32 s13, s11  }
0x4a0: {  	[tilespmem:$0x1F1F0] =	vst v5;
	s10 =	sor.u32 s13, s12;
	v5 =	vld [tilespmem:s31+$0x0]  }
0x4a1: {  	v2 =	vld [tilespmem:s10+$0x0]  }
0x4a2: {  	s11 =	sor.u32 s13, s5;
	v63 =	vadd.f32 v63, v14;
	v14 =	vadd.f32 v13, v0;
	v0 =	vld [tilespmem:$0x1F1F0]  }
0x4a3: {  	v1 =	vld [tilespmem:s11+$0x0];
	_ =	sdelay $0x3  }
0x4a4: {  	v7 =	vadd.f32 v7, v8;
	v0 =	vadd.f32 v33, v0  }
0x4a5: {  	v8 =	vadd.f32 v5, v6;
	v5 =	vadd.f32 v1, v2;
	v1 =	vld [tilespmem:$0x1F210]  }
0x4a6: {  	[tilespmem:$0x1F340] =	vst v0;
	v0 =	vld [tilespmem:$0x1F200];
	_ =	sdelay $0x2  }
0x4a7: {  	s18 =	sor.u32 s13, s18  }
0x4a8: {  	s17 =	sor.u32 s13, s17;
	v10 =	vld [tilespmem:s18+$0x0];
	s18 =	sor.u32 $0x12900, s9  }
0x4a9: {  	v9 =	vld [tilespmem:s17+$0x0];
	s17 =	sor.u32 s13, s20;
	s20 =	sor.u32 s3, s18;
	v0 =	vadd.f32 v0, v1  }
0x4aa: {  	[tilespmem:$0x1F220] =	vst v3;
	v44 =	vadd.f32 v44, v49;
	v49 =	vld [tilespmem:s20+$0x0]  }
0x4ab: {  	[tilespmem:$0x1F350] =	vst v0;
	v0 =	vld [tilespmem:$0x1F220];
	_ =	sdelay $0x3  }
0x4ac: {  	s23 =	sor.u32 s13, s23  }
0x4ad: {  	v12 =	vld [tilespmem:s23+$0x0];
	v0 =	vadd.f32 v49, v0  }
0x4ae: {  	v1 =	vld [tilespmem:$0x1F240]  }
0x4af: {  	[tilespmem:$0x1F360] =	vst v0;
	v0 =	vld [tilespmem:$0x1F230];
	_ =	sdelay $0x4  }
0x4b0: {  	v11 =	vadd.f32 v11, v12;
	v12 =	vadd.f32 v1, v0;
	v0 =	vld [tilespmem:$0x1F250]  }
0x4b1: {  	v1 =	vld [tilespmem:$0x1F260];
	_ =	sdelay $0x1  }
0x4b2: {  	s7 =	sor.u32 s13, s7  }
0x4b3: {  	v3 =	vld [tilespmem:s7+$0x0];
	s6 =	sor.u32 s13, s2  }
0x4b4: {  	v4 =	vld [tilespmem:s6+$0x0]  }
0x4b5: {  	v16 =	vadd.f32 v16, v23;
	v23 =	vadd.f32 v1, v0;
	v0 =	vld [tilespmem:$0x1F270]  }
0x4b6: {  	v1 =	vld [tilespmem:$0x1F280];
	_ =	sdelay $0x2  }
0x4b7: {  	s22 =	sor.u32 s13, s18  }
0x4b8: {  	v6 =	vadd.f32 v3, v4;
	v4 =	vld [tilespmem:s22+$0x0]  }
0x4b9: {  	v33 =	vadd.f32 v1, v0;
	v0 =	vld [tilespmem:$0x1F290]  }
0x4ba: {  	s12 =	sor.u32 s13, s8  }
0x4bb: {  	v52 =	vadd.f32 v52, v58;
	v58 =	vld [tilespmem:s12+$0x0]  }
0x4bc: {  	v36 =	vadd.f32 v36, v41;
	v41 =	vld [tilespmem:s17+$0x0]  }
0x4bd: {  	v1 =	vld [tilespmem:$0x1F2B0]  }
0x4be: {  	v4 =	vadd.f32 v4, v0;
	v0 =	vld [tilespmem:$0x1F2A0];
	_ =	sdelay $0x2  }
0x4bf: {  	v56 =	vadd.f32 v56, v60  }
0x4c0: {  	v9 =	vadd.f32 v9, v10;
	v3 =	vadd.f32 v41, v58  }
0x4c1: {  	v16 =	vadd.f32 v16, v29;
	v41 =	vadd.f32 v1, v0;
	v0 =	vld [tilespmem:$0x1F2C0]  }
0x4c2: {  	v54 =	vadd.f32 v54, v57;
	v57 =	vadd.f32 v36, v44;
	v1 =	vld [tilespmem:$0x1F2D0]  }
0x4c3: {  	v59 =	vadd.f32 v59, v62;
	v62 =	vld [tilespmem:s29+$0x13900];
	v7 =	vadd.f32 v7, v9  }
0x4c4: {  	s23 =	sor.u32 $0x12880, s9;
	v9 =	vld [tilespmem:s14+$0x13800];
	v6 =	vadd.f32 v6, v8;
	v16 =	vadd.f32 v16, v57  }
0x4c5: {  	s24 =	sor.u32 s3, s23;
	v10 =	vld [tilespmem:$0x1F330];
	v51 =	vadd.f32 v51, v55;
	v48 =	vadd.f32 v48, v50  }
0x4c6: {  	v46 =	vadd.f32 v46, v47;
	v43 =	vadd.f32 v43, v45;
	v13 =	vld [tilespmem:s24+$0x0]  }
0x4c7: {  	v38 =	vadd.f32 v38, v42;
	v58 =	vadd.f32 v1, v0;
	v0 =	vld [tilespmem:$0x1F2E0]  }
0x4c8: {  	v35 =	vadd.f32 v35, v39;
	v31 =	vadd.f32 v31, v37;
	v1 =	vld [tilespmem:$0x1F2F0]  }
0x4c9: {  	v9 =	vshll.u32 v9, $0xB;
	v45 =	vld [tilespmem:s29+$0x13800];
	v43 =	vadd.f32 v38, v43;
	v39 =	vadd.f32 v56, v59  }
0x4ca: {  	s25 =	sor.u32 $0x12800, s9;
	v44 =	vlaneseq.u32;
	v55 =	vld [tilespmem:s28+$0x13800];
	v31 =	vadd.f32 v31, v35;
	v30 =	vadd.f32 v30, v32  }
0x4cb: {  	s31 =	sor.u32 s3, s25;
	v32 =	vshll.u32 v62, $0xB;
	v62 =	vld [tilespmem:s14+$0x13880];
	v28 =	vadd.f32 v28, v34;
	v25 =	vadd.f32 v25, v26  }
0x4cc: {  	v47 =	vmov s0;
	v22 =	vadd.f32 v22, v24;
	v13 =	vadd.f32 v13, v61;
	v61 =	vld [tilespmem:s31+$0x0]  }
0x4cd: {  	v50 =	vshll.u32 v47, $0x2;
	v28 =	vadd.f32 v28, v30;
	v2 =	vadd.f32 v1, v0;
	v0 =	vld [tilespmem:$0x1F300]  }
0x4ce: {  	v34 =	vshll.u32 v45, $0xB;
	v22 =	vadd.f32 v22, v25;
	v20 =	vadd.f32 v20, v21;
	v1 =	vld [tilespmem:$0x1F310]  }
0x4cf: {  	v42 =	vld [tilespmem:s30+$0x13800];
	v45 =	vor.u32 s0, v44;
	v18 =	vadd.f32 v18, v19;
	v15 =	vadd.f32 v15, v17  }
0x4d0: {  	s1 =	sor.u32 s13, s23;
	v37 =	vld [tilespmem:s29+$0x13880];
	v17 =	vand.u32 $0x600, v50;
	v11 =	vadd.f32 v11, v14;
	v3 =	vadd.f32 v3, v5  }
0x4d1: {  	v21 =	vshll.u32 v55, $0xB;
	v18 =	vadd.f32 v18, v20;
	v32 =	vor.u32 v17, v32;
	v49 =	vld [tilespmem:s1+$0x0];
	s1 =	sor.u32 s13, s25  }
0x4d2: {  	v14 =	vshll.u32 v62, $0xB;
	v7 =	vadd.f32 v7, v11;
	v3 =	vadd.f32 v3, v6;
	v60 =	vld [tilespmem:s1+$0x0]  }
0x4d3: {  	v11 =	vor.u32 s26, v44;
	v40 =	vadd.f32 v61, v40;
	v1 =	vadd.f32 v1, v0;
	v0 =	vld [tilespmem:$0x1F320]  }
0x4d4: {  	v61 =	vshll.u32 v42, $0xB;
	v42 =	vadd.f32 v46, v48;
	v46 =	vand.u32 $0x7F, v45  }
0x4d5: {  	v3 =	vadd.f32 v3, v7;
	v29 =	vor.u32 v17, v61;
	v48 =	vor.u32 v46, v32  }
0x4d6: {  	v49 =	vadd.f32 v49, v53;
	v53 =	vadd.f32 v52, v63;
	v63 =	vshll.u32 v37, $0xB  }
0x4d7: {  	v47 =	vor.u32 v46, v29;
	v27 =	vadd.f32 v60, v27;
	v60 =	vld [tilespmem:s14+$0x13900];
	v36 =	vor.u32 v17, v63  }
0x4d8: {  	v17 =	vor.u32 v17, v34;
	v15 =	vadd.f32 v53, v15;
	v0 =	vadd.f32 v10, v0  }
0x4d9: {  	v6 =	vadd.f32 v43, v42;
	v37 =	vmov s26;
	v17 =	vor.u32 v46, v17  }
0x4da: {  	v15 =	vadd.f32 v16, v15;
	v0 =	vadd.f32 v0, v1;
	v1 =	vshll.u32 v37, $0x2  }
0x4db: {  	v5 =	vadd.f32 v23, v12;
	v8 =	vadd.f32 v41, v33;
	v1 =	vand.u32 $0x600, v1  }
0x4dc: {  	v41 =	vshll.u32 v60, $0xB;
	v2 =	vadd.f32 v2, v58;
	v21 =	vor.u32 v1, v21  }
0x4dd: {  	v55 =	vld [tilespmem:$0x1F350];
	v23 =	vor.u32 v1, v41;
	v14 =	vor.u32 v1, v14;
	v1 =	vor.u32 v1, v9  }
0x4de: {  	v0 =	vadd.f32 v0, v2;
	v2 =	vand.u32 $0x6F, v11;
	v11 =	vor.u32 $0x180, v47  }
0x4df: {  	v7 =	vld [tilespmem:$0x1F340];
	v50 =	vor.u32 v46, v36;
	v3 =	vadd.f32 v27, v3;
	v1 =	vor.u32 v2, v1  }
0x4e0: {  	v53 =	vor.u32 $0x100, v48;
	v56 =	vadd.f32 v40, v15;
	v5 =	vadd.f32 v8, v5  }
0x4e1: {  	v3 =	vmul.f32 $5.555555730e-07, v3;
	v4 =	vadd.f32 v4, v6;
	v58 =	vld [tilespmem:$0x1F360];
	v9 =	vadd.f32 v51, v54  }
0x4e2: {  	v6 =	vor.u32 $0x80, v50;
	v5 =	vadd.f32 v55, v5;
	v10 =	vld.idx.msk [tilespmem:v17+s21+$0x0], $0xffff;
	v51 =	vor.u32 v2, v21  }
0x4e3: {  	v52 =	vor.u32 v2, v23;
	v2 =	vor.u32 v2, v14;
	v8 =	vadd.f32 v9, v39;
	v11 =	vld.idx.msk [tilespmem:v11+s21+$0x0], $0xffff  }
0x4e4: {  	v9 =	vadd.f32 v18, v22;
	v0 =	vadd.f32 v7, v0;
	v7 =	vor.u32 $0x180, v51;
	v1 =	vld.idx.msk [tilespmem:v1+s21+$0x0], $0xffff  }
0x4e5: {  	v60 =	vld.idx.msk [tilespmem:v53+s21+$0x0], $0xffff;
	v57 =	vor.u32 $0x100, v52;
	v59 =	vor.u32 $0x80, v2;
	v2 =	vmul.f32 $5.555555730e-07, v56  }
0x4e6: {  	v3 =	vadd.f32 $9.999999740e-06, v3;
	v5 =	vmul.f32 $5.555555730e-07, v5;
	v8 =	vadd.f32 v58, v8  }
0x4e7: {  	v61 =	vadd.f32 v49, v9;
	v9 =	vmul.f32 $9.999894490e-01, v10;
	v2 =	vadd.f32 $9.999999740e-06, v2  }
0x4e8: {  	v6 =	vld.idx.msk [tilespmem:v6+s21+$0x0], $0xffff;
	v5 =	vadd.f32 $9.999999740e-06, v5;
	v54 =	vadd.f32 v28, v31;
	v8 =	vmul.f32 $5.555555730e-07, v8  }
0x4e9: {  	v2 =	vadd.f32 v2, v9;
	v7 =	vld.idx.msk [tilespmem:v7+s21+$0x0], $0xffff;
	v9 =	vmul.f32 $9.999894490e-01, v11;
	v1 =	vmul.f32 $9.999894490e-01, v1  }
0x4ea: {  	v13 =	vadd.f32 v13, v54;
	v10 =	vld.idx.msk [tilespmem:v57+s21+$0x0], $0xffff;
	v8 =	vadd.f32 $9.999999740e-06, v8;
	v11 =	vmul.f32 $9.999894490e-01, v60  }
0x4eb: {  	v0 =	vmul.f32 $5.555555730e-07, v0;
	v9 =	vadd.f32 v5, v9;
	v3 =	vadd.f32 v3, v1;
	v1 =	vld.idx.msk [tilespmem:v59+s21+$0x0], $0xffff  }
0x4ec: {  	v5 =	vmul.f32 $5.555555730e-07, v4;
	v4 =	vadd.f32 v8, v11;
	v8 =	vmul.f32 $5.555555730e-07, v13  }
0x4ed: {  	v6 =	vmul.f32 $9.999894490e-01, v6;
	v11 =	vmul.f32 $5.555555730e-07, v61  }
0x4ee: {  	v0 =	vadd.f32 $9.999999740e-06, v0;
	v7 =	vmul.f32 $9.999894490e-01, v7;
	v8 =	vadd.f32 $9.999999740e-06, v8  }
0x4ef: {  	v62 =	vmul.f32 $9.999894490e-01, v10;
	v5 =	vadd.f32 $9.999999740e-06, v5;
	v63 =	vadd.f32 $9.999999740e-06, v11  }
0x4f0: {  	v11 =	vadd.f32 v0, v7;
	v10 =	vadd.f32 v8, v6;
	v1 =	vmul.f32 $9.999894490e-01, v1  }
0x4f1: {  	v0 =	vshra.s32 v3, $0x17;
	v8 =	vadd.f32 v5, v62;
	v5 =	vsub.f32 $1.000000000e+00, v2  }
0x4f2: {  	s28 =	simm.s32 $0x20;
	v6 =	vsub.f32 $1.000000000e+00, v3;
	v7 =	vadd.f32 v63, v1;
	v1 =	vshra.s32 v2, $0x17  }
.LBB2_13:
0x4f3: {  	v12 =	vand.u32 $0x7FFFFF, v3  }
0x4f4: {  	v13 =	vand.u32 $0x7FFFFF, v2;
	v32 =	vimm.s32 $0xFFFFFF81;
	v14 =	vsub.f32 $1.000000000e+00, v11  }
0x4f5: {  	v15 =	vsub.f32 $1.000000000e+00, v8;
	v16 =	vsub.f32 $1.000000000e+00, v4;
	v17 =	vshra.s32 v9, $0x17  }
0x4f6: {  	v18 =	vsub.f32 $1.000000000e+00, v10;
	v19 =	vshra.s32 v4, $0x17;
	v20 =	vshra.s32 v11, $0x17  }
0x4f7: {  	v21 =	vsub.f32 $1.000000000e+00, v7;
	v3 =	vshra.s32 v10, $0x17;
	v22 =	vshra.s32 v8, $0x17  }
0x4f8: {  	v2 =	vshra.s32 v7, $0x17;
	v11 =	vand.u32 $0x7FFFFF, v11;
	v23 =	vand.u32 $0x7FFFFF, v9  }
0x4f9: {  	s3 =	sadd.s32 $0x10, s28;
	s26 =	sadd.s32 $0x80, s26;
	v10 =	vand.u32 $0x7FFFFF, v10;
	v8 =	vand.u32 $0x7FFFFF, v8;
	v4 =	vand.u32 $0x7FFFFF, v4  }
0x4fa: {  	s0 =	sor.u32 s3, s26;
	v12 =	vor.u32 $0x3F800000, v12;
	v13 =	vor.u32 $0x3F800000, v13;
	v7 =	vand.u32 $0x7FFFFF, v7  }
0x4fb: {  	s1 =	sor.u32 s28, s26;
	v61 =	vmul.f32 v6, v6;
	v57 =	vmul.f32 v5, v5;
	s2 =	sor.u32 $0x180, s0;
	v5 =	vor.u32 $0x3F800000, v23  }
0x4fc: {  	s1 =	sor.u32 $0x180, s1;
	v6 =	vor.u32 $0x3F800000, v8;
	v4 =	vor.u32 $0x3F800000, v4;
	v8 =	vor.u32 $0x3F800000, v11;
	v53 =	vld [tilespmem:s2+$0x9800]  }
0x4fd: {  	s0 =	sand.u32 $0x600, s26;
	v11 =	vmul.f32 $5.000000000e-01, v13;
	v7 =	vor.u32 $0x3F800000, v7;
	v10 =	vor.u32 $0x3F800000, v10;
	v47 =	vld [tilespmem:s1+$0x9800]  }
0x4fe: {  	s30 =	sand.u32 $0x70, s3;
	v23 =	vmul.f32 $5.000000000e-01, v12;
	vm4 =	vgt.f32 v13, $1.414213540e+00;
	vm6 =	vgt.f32 v12, $1.414213540e+00;
	v34 =	vld [tilespmem:s2+$0x13800];
	s13 =	sor.u32 $0x12980, s0  }
0x4ff: {  	v24 =	vld [tilespmem:s1+$0x13800];
	v48 =	vmul.f32 v16, v16;
	s11 =	sor.u32 $0x11980, s0;
	v51 =	vsel vm4, $0xFFFFFF82, v32;
	v58 =	vmul.f32 v18, v18;
	s12 =	sor.u32 s30, s13  }
0x500: {  	s5 =	sor.u32 $0x12180, s0;
	v63 =	vsel vm6, $0xFFFFFF82, v32;
	vm5 =	vgt.f32 v8, $1.414213540e+00;
	vm7 =	vgt.f32 v5, $1.414213540e+00;
	s6 =	sor.u32 s30, s11;
	v60 =	vld [tilespmem:s12+$0x0]  }
0x501: {  	s29 =	sand.u32 $0x60, s28;
	vm3 =	vgt.f32 v4, $1.414213540e+00;
	v16 =	vmul.f32 $5.000000000e-01, v8;
	v18 =	vmul.f32 $5.000000000e-01, v5;
	s14 =	sor.u32 s30, s5;
	v55 =	vld [tilespmem:s6+$0x0]  }
0x502: {  	vm1 =	vgt.f32 v6, $1.414213540e+00;
	v40 =	vmul.f32 $5.000000000e-01, v6;
	v42 =	vmul.f32 $5.000000000e-01, v4;
	s8 =	sor.u32 $0x12100, s0;
	s17 =	sor.u32 s29, s11;
	v38 =	vld [tilespmem:s14+$0x0]  }
0x503: {  	vm0 =	vgt.f32 v7, $1.414213540e+00;
	vm2 =	vgt.f32 v10, $1.414213540e+00;
	v44 =	vmul.f32 $5.000000000e-01, v10;
	s2 =	sor.u32 $0xA980, s0;
	s20 =	sor.u32 s30, s8;
	v25 =	vld [tilespmem:s17+$0x0]  }
0x504: {  	v46 =	vmul.f32 $5.000000000e-01, v7;
	v27 =	vsel vm5, $0xFFFFFF82, v32;
	v28 =	vsel vm7, $0xFFFFFF82, v32;
	s24 =	sor.u32 s30, s2;
	v33 =	vld [tilespmem:s20+$0x0]  }
0x505: {  	s18 =	sor.u32 s29, s5;
	v49 =	vsel vm2, $0xFFFFFF82, v32;
	v30 =	vsel vm1, $0xFFFFFF82, v32;
	v31 =	vsel vm3, $0xFFFFFF82, v32;
	v56 =	vld [tilespmem:s24+$0x0];
	s24 =	sor.u32 $0xC180, s0  }
0x506: {  	s1 =	sor.u32 $0x11900, s0;
	v50 =	vsel vm0, $0xFFFFFF82, v32;
	v12 =	vsel vm6, v23, v12;
	v11 =	vsel vm4, v11, v13;
	v26 =	vld [tilespmem:s18+$0x0];
	s6 =	sor.u32 s30, s24  }
0x507: {  	s19 =	sor.u32 s30, s1;
	v54 =	vadd.s32 v17, v28;
	v59 =	vadd.f32 $1.000000000e+00, v11;
	v28 =	vadd.f32 $1.000000000e+00, v12;
	v32 =	vld [tilespmem:s6+$0x0];
	s6 =	sor.u32 $0xE180, s0  }
0x508: {  	v29 =	vld [tilespmem:s19+$0x0];
	v5 =	vsel vm7, v18, v5;
	s12 =	sor.u32 $0xC980, s0;
	v8 =	vsel vm5, v16, v8;
	v46 =	vsel vm0, v46, v7;
	s11 =	sor.u32 s30, s6;
	[tilespmem:$0x1EB30] =	vst v60  }
0x509: {  	s18 =	sor.u32 $0xD180, s0;
	s7 =	sor.u32 s30, s12;
	(erf) = vrcp.f32 v59;
	v7 =	vld [tilespmem:s11+$0x0];
	[tilespmem:$0x1E700] =	vst v38;
	v60 =	vadd.s32 v19, v31;
	v31 =	vadd.f32 $1.000000000e+00, v5  }
0x50a: {  	s5 =	sor.u32 $0xD980, s0;
	(erf) = vrcp.f32 v28;
	[tilespmem:$0x1E720] =	vst v33;
	v33 =	vsel vm3, v42, v4;
	v4 =	vadd.f32 $1.000000000e+00, v8;
	v38 =	vld [tilespmem:s7+$0x0];
	s7 =	sor.u32 s30, s18  }
0x50b: {  	v6 =	vsel vm1, v40, v6;
	s10 =	sor.u32 s30, s5;
	v40 =	vadd.f32 $1.000000000e+00, v33;
	v42 =	vld [tilespmem:s7+$0x0];
	(erf) = vrcp.f32 v31  }
0x50c: {  	v44 =	vsel vm2, v44, v10;
	v10 =	vadd.f32 $1.000000000e+00, v6;
	[tilespmem:$0x1EC30] =	vst v24;
	s7 =	sor.u32 $0xE980, s0;
	(erf) = vrcp.f32 v4;
	v4 =	vld [tilespmem:s10+$0x0]  }
0x50d: {  	s17 =	sor.u32 $0xA180, s0;
	[tilespmem:$0x1E6E0] =	vst v25;
	s19 =	sor.u32 s30, s7;
	(erf) = vrcp.f32 v40  }
0x50e: {  	s14 =	sor.u32 $0xB180, s0;
	s23 =	sor.u32 s30, s17;
	[tilespmem:$0x1E6F0] =	vst v26;
	(erf) = vrcp.f32 v10;
	v10 =	vld [tilespmem:s19+$0x0]  }
0x50f: {  	v1 =	vadd.s32 v1, v51;
	s25 =	sor.u32 s30, s14;
	v51 =	vld [tilespmem:s23+$0x0];
	s23 =	sor.u32 $0xB980, s0;
	[tilespmem:$0x1E710] =	vst v29  }
0x510: {  	v0 =	vadd.s32 v0, v63;
	v63 =	vadd.s32 v20, v27;
	v27 =	vld [tilespmem:s25+$0x0];
	s31 =	sor.u32 s30, s23;
	[tilespmem:$0x1E7B0] =	vst v7  }
0x511: {  	v22 =	vadd.s32 v22, v30;
	v3 =	vadd.s32 v3, v49;
	s23 =	sor.u32 s29, s23;
	v30 =	vld [tilespmem:s31+$0x0];
	s10 =	sor.u32 $0xF180, s0;
	[tilespmem:$0x1E7A0] =	vst v4;
	v4 =	vadd.f32 $1.000000000e+00, v44  }
0x512: {  	v3 =	vcvt.s32.f32 v3;
	v7 =	vcvt.s32.f32 v1;
	s20 =	sor.u32 s30, s10;
	[tilespmem:$0x1E790] =	vst v42;
	v42 =	vld [tilespmem:s23+$0x0]  }
0x513: {  	s8 =	sor.u32 s29, s8;
	s11 =	sor.u32 $0xF980, s0;
	v1 =	vadd.f32 $1.000000000e+00, v46;
	[tilespmem:$0x1E7C0] =	vst v10;
	v10 =	vcvt.s32.f32 v0;
	(erf) = vrcp.f32 v4;
	v0 =	vld [tilespmem:s20+$0x0]  }
0x514: {  	[tilespmem:$0x1E740] =	vst v56;
	s25 =	sor.u32 s30, s11;
	s19 =	sor.u32 $0x10180, s0;
	v4 =	vcvt.s32.f32 v60;
	v60 =	vadd.f32 $-1.000000000e+00, v5;
	v5 =	vmul.f32 $6.931471820e-01, v3;
	v3 =	vld [tilespmem:s8+$0x0]  }
0x515: {  	[tilespmem:$0x1E730] =	vst v51;
	s20 =	sor.u32 $0x10980, s0;
	(erf) = vrcp.f32 v1;
	v1 =	vld [tilespmem:s25+$0x0];
	s25 =	sor.u32 s30, s19  }
0x516: {  	s31 =	sor.u32 $0x11180, s0;
	[tilespmem:$0x1E750] =	vst v27;
	v49 =	vld [tilespmem:s25+$0x0];
	s25 =	sor.u32 s30, s20  }
0x517: {  	v43 =	vmul.f32 v14, v14;
	v52 =	vmul.f32 v15, v15;
	v2 =	vadd.s32 v2, v50;
	[tilespmem:$0x1E770] =	vst v32;
	v56 =	vld [tilespmem:s25+$0x0];
	s25 =	sor.u32 s30, s31  }
0x518: {  	v62 =	vmul.f32 v21, v21;
	v11 =	vadd.f32 $-1.000000000e+00, v11;
	v59 =	vcvt.s32.f32 v2;
	v2 =	vld [tilespmem:s25+$0x0];
	[tilespmem:$0x1E7D0] =	vst v0  }
0x519: {  	v50 =	vadd.f32 $-1.000000000e+00, v12;
	v28 =	vadd.f32 $-1.000000000e+00, v8;
	s25 =	sor.u32 s29, s17;
	v0 =	vcvt.s32.f32 v54;
	v54 =	vpop (erf);
	[tilespmem:$0x1E810] =	vst v3  }
0x51a: {  	v24 =	vadd.f32 $-1.000000000e+00, v33;
	v51 =	vcvt.s32.f32 v22;
	s8 =	sor.u32 s29, s2;
	s2 =	sor.u32 s29, s18;
	v3 =	vld [tilespmem:s25+$0x0];
	[tilespmem:$0x1E7E0] =	vst v1;
	v1 =	vcvt.s32.f32 v63;
	v63 =	vpop (erf)  }
0x51b: {  	v33 =	vadd.f32 $-1.000000000e+00, v46;
	[tilespmem:$0x1E760] =	vst v30;
	v7 =	vmul.f32 $6.931471820e-01, v7;
	s18 =	sor.u32 s29, s11;
	v46 =	vld [tilespmem:s2+$0x0];
	v14 =	vmul.f32 v54, v11;
	v8 =	vpop (erf)  }
0x51c: {  	s1 =	sor.u32 s29, s1;
	[tilespmem:$0x1E870] =	vst v42;
	v42 =	vld [tilespmem:s18+$0x0];
	v12 =	vmul.f32 $6.931471820e-01, v10;
	v17 =	vmul.f32 v63, v50;
	v29 =	vpop (erf)  }
0x51d: {  	v30 =	vadd.f32 $-1.000000000e+00, v6;
	v19 =	vmul.f32 v14, v14;
	[tilespmem:$0x1E830] =	vst v2;
	v2 =	vmul.f32 $6.931471820e-01, v4;
	v4 =	vld [tilespmem:s1+$0x0];
	v6 =	vpop (erf)  }
0x51e: {  	[tilespmem:$0x1E780] =	vst v38;
	v10 =	vmul.f32 $6.931471820e-01, v59;
	v20 =	vmul.f32 v17, v17;
	v32 =	vpop (erf)  }
0x51f: {  	v31 =	vadd.f32 $-1.000000000e+00, v44;
	s17 =	sor.u32 s29, s14;
	[tilespmem:$0x1E840] =	vst v3;
	v3 =	vmul.f32 v8, v60;
	v8 =	vld [tilespmem:s8+$0x0];
	v54 =	vmul.f32 $2.857142980e-01, v19;
	v38 =	vpop (erf)  }
0x520: {  	v40 =	vld [tilespmem:s17+$0x0];
	[tilespmem:$0x1E8A0] =	vst v46;
	v13 =	vmul.f32 v32, v30;
	v50 =	vmul.f32 $2.857142980e-01, v20;
	v11 =	vpop (erf)  }
0x521: {  	s14 =	sor.u32 s29, s7;
	[tilespmem:$0x1E8F0] =	vst v42;
	v15 =	vmul.f32 v38, v31;
	v26 =	vadd.f32 $4.000000060e-01, v54;
	v18 =	vmul.f32 v11, v33  }
0x522: {  	s24 =	sor.u32 s29, s24;
	v59 =	vld [tilespmem:s14+$0x0];
	v23 =	vmul.f32 v13, v13;
	[tilespmem:$0x1E800] =	vst v4;
	v4 =	vmul.f32 $6.931471820e-01, v51  }
0x523: {  	s25 =	sor.u32 s29, s12;
	[tilespmem:$0x1E7F0] =	vst v49;
	v11 =	vld [tilespmem:s24+$0x0];
	v22 =	vmul.f32 v15, v15;
	v26 =	vmul.f32 v26, v19  }
0x524: {  	v44 =	vld [tilespmem:s25+$0x0];
	[tilespmem:$0x1E850] =	vst v8;
	v8 =	vmul.f32 v6, v24;
	v6 =	vmul.f32 v29, v28  }
0x525: {  	s2 =	sor.u32 $0x12080, s0;
	[tilespmem:$0x1E860] =	vst v40;
	s8 =	sor.u32 s29, s5;
	v25 =	vmul.f32 v18, v18;
	v40 =	vmul.f32 $2.857142980e-01, v23  }
0x526: {  	s12 =	sor.u32 s29, s6;
	s6 =	sor.u32 s30, s2;
	[tilespmem:$0x1E820] =	vst v56;
	v49 =	vld [tilespmem:s8+$0x0];
	v24 =	vadd.f32 $4.000000060e-01, v50;
	v46 =	vmul.f32 $2.857142980e-01, v22;
	v21 =	vmul.f32 v8, v8  }
0x527: {  	[tilespmem:$0x1E8D0] =	vst v59;
	v59 =	vld [tilespmem:s6+$0x0];
	v54 =	vadd.f32 $6.666666860e-01, v26;
	v16 =	vmul.f32 v6, v6;
	v38 =	vmul.f32 $2.857142980e-01, v25  }
0x528: {  	s17 =	sor.u32 s29, s10;
	v51 =	vld [tilespmem:s12+$0x0];
	v24 =	vmul.f32 v24, v20;
	v31 =	vadd.f32 $4.000000060e-01, v40;
	[tilespmem:$0x1E880] =	vst v11;
	v11 =	vmul.f32 v3, v3  }
0x529: {  	s23 =	sor.u32 s29, s19;
	[tilespmem:$0x1E890] =	vst v44;
	s8 =	sor.u32 $0xA100, s0;
	v33 =	vld [tilespmem:s17+$0x0];
	v32 =	vadd.f32 $4.000000060e-01, v46;
	v60 =	vmul.f32 $2.857142980e-01, v21;
	v63 =	vmul.f32 $2.857142980e-01, v16  }
0x52a: {  	v44 =	vld [tilespmem:s23+$0x0];
	s24 =	sor.u32 s29, s20;
	v24 =	vadd.f32 $6.666666860e-01, v24;
	v30 =	vadd.f32 $4.000000060e-01, v38;
	v56 =	vmul.f32 $2.857142980e-01, v11  }
0x52b: {  	s1 =	sor.u32 $0x11880, s0;
	s7 =	sor.u32 s30, s8;
	[tilespmem:$0x1E8B0] =	vst v49;
	v49 =	vld [tilespmem:s24+$0x0];
	v19 =	vmul.f32 v54, v19;
	v28 =	vadd.f32 $4.000000060e-01, v60;
	v29 =	vadd.f32 $4.000000060e-01, v63  }
0x52c: {  	s25 =	sor.u32 s29, s31;
	s31 =	sor.u32 s30, s1;
	[tilespmem:$0x1E940] =	vst v59;
	v20 =	vmul.f32 v24, v20;
	v63 =	vld [tilespmem:s7+$0x0];
	v27 =	vadd.f32 $4.000000060e-01, v56;
	v56 =	vmul.f32 v30, v25  }
0x52d: {  	[tilespmem:$0x1E8C0] =	vst v51;
	v51 =	vld [tilespmem:s31+$0x0];
	v42 =	vmul.f32 v31, v23;
	v19 =	vadd.f32 $2.000000000e+00, v19;
	v28 =	vmul.f32 v28, v21  }
0x52e: {  	v50 =	vld [tilespmem:s25+$0x0];
	[tilespmem:$0x1E8E0] =	vst v33;
	v60 =	vmul.f32 v32, v22;
	v20 =	vadd.f32 $2.000000000e+00, v20;
	v33 =	vadd.f32 $6.666666860e-01, v56  }
0x52f: {  	[tilespmem:$0x1E900] =	vst v44;
	v14 =	vmul.f32 v19, v14;
	v29 =	vmul.f32 v29, v16;
	v59 =	vadd.f32 $6.666666860e-01, v28  }
0x530: {  	[tilespmem:$0x1E910] =	vst v49;
	v40 =	vadd.f32 $6.666666860e-01, v60;
	v17 =	vmul.f32 v20, v17;
	v44 =	vmul.f32 v33, v25  }
0x531: {  	v49 =	vadd.f32 $6.666666860e-01, v42;
	v27 =	vmul.f32 v27, v11;
	[tilespmem:$0x1E950] =	vst v63;
	v63 =	vmul.f32 v59, v21;
	v21 =	vld [tilespmem:$0x1EE10]  }
0x532: {  	[tilespmem:$0x1E930] =	vst v51;
	v22 =	vmul.f32 v40, v22;
	v12 =	vadd.f32 v17, v12;
	v51 =	vadd.f32 $2.000000000e+00, v44  }
0x533: {  	[tilespmem:$0x1E920] =	vst v50;
	v56 =	vmul.f32 v49, v23;
	v7 =	vadd.f32 v14, v7;
	v50 =	vadd.f32 $6.666666860e-01, v29  }
0x534: {  	v54 =	vadd.f32 $2.000000000e+00, v22;
	v12 =	vmul.f32 v12, v61;
	v60 =	vmul.f32 v51, v18  }
0x535: {  	v27 =	vadd.f32 $6.666666860e-01, v27;
	v7 =	vmul.f32 v7, v57;
	v61 =	vadd.f32 $2.000000000e+00, v56  }
0x536: {  	v15 =	vmul.f32 v54, v15;
	v12 =	vadd.f32 v12, v21;
	v10 =	vadd.f32 v60, v10  }
0x537: {  	v16 =	vmul.f32 v50, v16;
	v22 =	vadd.f32 $2.000000000e+00, v63;
	v13 =	vmul.f32 v61, v13  }
0x538: {  	v5 =	vadd.f32 v15, v5;
	v7 =	vadd.f32 v7, v12;
	v10 =	vmul.f32 v10, v62  }
0x539: {  	v11 =	vmul.f32 v27, v11;
	v23 =	vadd.f32 $2.000000000e+00, v16;
	v8 =	vmul.f32 v22, v8  }
0x53a: {  	v5 =	vmul.f32 v5, v58;
	v4 =	vadd.f32 v13, v4;
	v7 =	vadd.f32 v10, v7  }
0x53b: {  	v1 =	vmul.f32 $6.931471820e-01, v1;
	v6 =	vmul.f32 v23, v6;
	v2 =	vadd.f32 v8, v2  }
0x53c: {  	v4 =	vmul.f32 v4, v52;
	v10 =	vadd.f32 $2.000000000e+00, v11;
	v5 =	vadd.f32 v5, v7  }
0x53d: {  	v0 =	vmul.f32 $6.931471820e-01, v0;
	v1 =	vadd.f32 v6, v1;
	v2 =	vmul.f32 v2, v48  }
0x53e: {  	v7 =	vsub.f32 $1.000000000e+00, v9;
	v3 =	vmul.f32 v10, v3;
	v4 =	vadd.f32 v4, v5  }
0x53f: {  	v1 =	vmul.f32 v1, v43  }
0x540: {  	v5 =	vmul.f32 v7, v7;
	v0 =	vadd.f32 v3, v0;
	v2 =	vadd.f32 v2, v4  }
0x541: {  	s6 =	sor.u32 $0xB900, s0  }
0x542: {  	s14 =	sor.u32 s30, s6;
	s7 =	sor.u32 $0xC100, s0;
	v0 =	vmul.f32 v0, v5;
	v1 =	vadd.f32 v1, v2  }
0x543: {  	s5 =	sor.u32 $0xB100, s0;
	v46 =	vld [tilespmem:s14+$0x0];
	s17 =	sor.u32 s30, s7  }
0x544: {  	s11 =	sor.u32 s30, s5;
	v26 =	vld [tilespmem:s17+$0x0];
	s17 =	sor.u32 $0xE100, s0;
	v0 =	vadd.f32 v0, v1  }
0x545: {  	s12 =	sor.u32 $0xA900, s0;
	v31 =	vld [tilespmem:s11+$0x0];
	s23 =	sor.u32 s30, s17;
	s17 =	sor.u32 s29, s17  }
0x546: {  	s10 =	sor.u32 s30, s12;
	s11 =	sor.u32 $0xD100, s0;
	[tilespmem:$0x1EE10] =	vst v0;
	v0 =	vld [tilespmem:s17+$0x0]  }
0x547: {  	v38 =	vld [tilespmem:s10+$0x0];
	s10 =	sor.u32 $0xC900, s0;
	s19 =	sor.u32 s30, s11  }
0x548: {  	s14 =	sor.u32 $0xD900, s0;
	s18 =	sor.u32 s30, s10;
	v24 =	vld [tilespmem:s19+$0x0]  }
0x549: {  	s20 =	sor.u32 s30, s14;
	v29 =	vld [tilespmem:s18+$0x0];
	s18 =	sor.u32 $0xE900, s0  }
0x54a: {  	v28 =	vld [tilespmem:s20+$0x0];
	s24 =	sor.u32 s30, s18;
	s18 =	sor.u32 s29, s18  }
0x54b: {  	s19 =	sor.u32 $0xF100, s0;
	[tilespmem:$0x1E9A0] =	vst v0;
	v0 =	vld [tilespmem:s18+$0x0]  }
0x54c: {  	s25 =	sor.u32 s30, s19;
	v20 =	vld [tilespmem:s23+$0x0]  }
0x54d: {  	s23 =	sor.u32 $0x10100, s0;
	v25 =	vld [tilespmem:s25+$0x0]  }
0x54e: {  	s25 =	sor.u32 s30, s23;
	v30 =	vld [tilespmem:s24+$0x0]  }
0x54f: {  	s19 =	sor.u32 s29, s19;
	s20 =	sor.u32 $0xF900, s0;
	v27 =	vld [tilespmem:s25+$0x0]  }
0x550: {  	s31 =	sor.u32 s30, s20;
	s24 =	sor.u32 $0x10900, s0;
	[tilespmem:$0x1E9B0] =	vst v0;
	v0 =	vld [tilespmem:s19+$0x0]  }
0x551: {  	s25 =	sor.u32 s30, s24;
	v61 =	vld [tilespmem:s31+$0x0];
	s31 =	sor.u32 $0x11100, s0  }
0x552: {  	v58 =	vld [tilespmem:s25+$0x0];
	s25 =	sor.u32 s30, s31  }
0x553: {  	v11 =	vld [tilespmem:s25+$0x0];
	s25 =	sor.u32 s29, s8  }
0x554: {  	v6 =	vld [tilespmem:s25+$0x0];
	s25 =	sor.u32 s29, s20  }
0x555: {  	[tilespmem:$0x1E9C0] =	vst v0;
	v0 =	vld [tilespmem:s25+$0x0];
	_ =	sdelay $0x1  }
0x556: {  	s2 =	sor.u32 s29, s2  }
0x557: {  	v9 =	vld [tilespmem:s2+$0x0];
	s2 =	sor.u32 s29, s12  }
0x558: {  	v7 =	vld [tilespmem:s2+$0x0];
	s2 =	sor.u32 s29, s23  }
0x559: {  	[tilespmem:$0x1E9D0] =	vst v0;
	v0 =	vld [tilespmem:s2+$0x0];
	_ =	sdelay $0x2  }
0x55a: {  	s5 =	sor.u32 s29, s5  }
0x55b: {  	v4 =	vld [tilespmem:s5+$0x0];
	s5 =	sor.u32 s29, s24  }
0x55c: {  	[tilespmem:$0x1E9E0] =	vst v0;
	v0 =	vld [tilespmem:s5+$0x0];
	_ =	sdelay $0x2  }
0x55d: {  	s6 =	sor.u32 s29, s6  }
0x55e: {  	v3 =	vld [tilespmem:s6+$0x0];
	s6 =	sor.u32 s29, s31  }
0x55f: {  	[tilespmem:$0x1E9F0] =	vst v0;
	v0 =	vld [tilespmem:s6+$0x0];
	_ =	sdelay $0x1  }
0x560: {  	s1 =	sor.u32 s29, s1  }
0x561: {  	v8 =	vld [tilespmem:s1+$0x0];
	s1 =	sor.u32 $0x11800, s0  }
0x562: {  	s8 =	sor.u32 s29, s7;
	s7 =	sor.u32 s30, s1  }
0x563: {  	[tilespmem:$0x1EA00] =	vst v0;
	v0 =	vld [tilespmem:s7+$0x0];
	_ =	sdelay $0x2  }
0x564: {  	s2 =	sor.u32 $0x12000, s0  }
0x565: {  	v2 =	vld [tilespmem:s8+$0x0];
	s8 =	sor.u32 s30, s2  }
0x566: {  	[tilespmem:$0x1EA10] =	vst v0;
	v0 =	vld [tilespmem:s8+$0x0];
	_ =	sdelay $0x2  }
0x567: {  	s10 =	sor.u32 s29, s10;
	s5 =	sor.u32 $0xA080, s0  }
0x568: {  	v5 =	vld [tilespmem:s10+$0x0];
	s10 =	sor.u32 s30, s5  }
0x569: {  	[tilespmem:$0x1EA20] =	vst v0;
	v0 =	vld [tilespmem:s10+$0x0];
	_ =	sdelay $0x2  }
0x56a: {  	s6 =	sor.u32 $0xA880, s0  }
0x56b: {  	s12 =	sor.u32 s29, s11;
	s11 =	sor.u32 s30, s6  }
0x56c: {  	[tilespmem:$0x1EA30] =	vst v0;
	v0 =	vld [tilespmem:s11+$0x0];
	_ =	sdelay $0x2  }
0x56d: {  	s7 =	sor.u32 $0xB080, s0  }
0x56e: {  	v52 =	vld [tilespmem:s12+$0x0];
	s12 =	sor.u32 s30, s7  }
0x56f: {  	[tilespmem:$0x1EA40] =	vst v0;
	v0 =	vld [tilespmem:s12+$0x0];
	_ =	sdelay $0x2  }
0x570: {  	s14 =	sor.u32 s29, s14;
	s8 =	sor.u32 $0xB880, s0  }
0x571: {  	v43 =	vld [tilespmem:s14+$0x0];
	s14 =	sor.u32 s30, s8  }
0x572: {  	[tilespmem:$0x1EA50] =	vst v0;
	v0 =	vld [tilespmem:s14+$0x0];
	_ =	sdelay $0x2  }
0x573: {  	s10 =	sor.u32 $0xC080, s0  }
0x574: {  	s17 =	sor.u32 s30, s10  }
0x575: {  	[tilespmem:$0x1EA60] =	vst v0;
	v0 =	vld [tilespmem:s17+$0x0];
	_ =	sdelay $0x2  }
0x576: {  	s11 =	sor.u32 $0xC880, s0  }
0x577: {  	s18 =	sor.u32 s30, s11  }
0x578: {  	[tilespmem:$0x1EA70] =	vst v0;
	v0 =	vld [tilespmem:s18+$0x0];
	_ =	sdelay $0x2  }
0x579: {  	s12 =	sor.u32 $0xD080, s0  }
0x57a: {  	s19 =	sor.u32 s30, s12  }
0x57b: {  	[tilespmem:$0x1EA80] =	vst v0;
	v0 =	vld [tilespmem:s19+$0x0];
	_ =	sdelay $0x2  }
0x57c: {  	s14 =	sor.u32 $0xD880, s0  }
0x57d: {  	s20 =	sor.u32 s30, s14  }
0x57e: {  	[tilespmem:$0x1EA90] =	vst v0;
	v0 =	vld [tilespmem:s20+$0x0];
	_ =	sdelay $0x2  }
0x57f: {  	s19 =	sor.u32 $0xE880, s0  }
0x580: {  	s24 =	sor.u32 s30, s19  }
0x581: {  	[tilespmem:$0x1EAA0] =	vst v0;
	v0 =	vld [tilespmem:s24+$0x0]  }
0x582: {  	s18 =	sor.u32 $0xE080, s0  }
0x583: {  	s23 =	sor.u32 s30, s18  }
0x584: {  	v62 =	vld [tilespmem:s23+$0x0];
	s23 =	sor.u32 $0xF880, s0  }
0x585: {  	s31 =	sor.u32 s30, s23  }
0x586: {  	[tilespmem:$0x1EAB0] =	vst v0;
	v0 =	vld [tilespmem:s31+$0x0]  }
0x587: {  	s20 =	sor.u32 $0xF080, s0  }
0x588: {  	s25 =	sor.u32 s30, s20;
	s24 =	sor.u32 $0x10080, s0  }
0x589: {  	v60 =	vld [tilespmem:s25+$0x0];
	s25 =	sor.u32 $0x10880, s0;
	s17 =	sor.u32 s30, s24  }
0x58a: {  	v54 =	vld [tilespmem:s17+$0x0];
	s17 =	sor.u32 s30, s25  }
0x58b: {  	[tilespmem:$0x1EAC0] =	vst v0;
	v0 =	vld [tilespmem:s17+$0x0];
	_ =	sdelay $0x2  }
0x58c: {  	s31 =	sor.u32 $0x11080, s0  }
0x58d: {  	s17 =	sor.u32 s30, s31  }
0x58e: {  	[tilespmem:$0x1EAD0] =	vst v0;
	v0 =	vld [tilespmem:s17+$0x0];
	_ =	sdelay $0x3  }
0x58f: {  	s6 =	sor.u32 s29, s6  }
0x590: {  	[tilespmem:$0x1EAE0] =	vst v0;
	v0 =	vld [tilespmem:s6+$0x0];
	_ =	sdelay $0x3  }
0x591: {  	s8 =	sor.u32 s29, s8  }
0x592: {  	[tilespmem:$0x1EAF0] =	vst v0;
	v0 =	vld [tilespmem:s8+$0x0];
	_ =	sdelay $0x3  }
0x593: {  	s10 =	sor.u32 s29, s10  }
0x594: {  	[tilespmem:$0x1EB00] =	vst v0;
	v0 =	vld [tilespmem:s10+$0x0];
	_ =	sdelay $0x3  }
0x595: {  	v1 =	vld [tilespmem:$0x1E6F0]  }
0x596: {  	[tilespmem:$0x1EB10] =	vst v0;
	v0 =	vld [tilespmem:$0x1E6E0];
	_ =	sdelay $0x4  }
0x597: {  	v0 =	vadd.f32 v1, v0;
	_ =	sdelay $0x1  }
0x598: {  	[tilespmem:$0x1EB20] =	vst v0;
	v0 =	vld [tilespmem:$0x1E700];
	_ =	sdelay $0x4  }
0x599: {  	v0 =	vadd.f32 v0, v55  }
0x59a: {  	v1 =	vld [tilespmem:$0x1E720]  }
0x59b: {  	[tilespmem:$0x1EB40] =	vst v0;
	v0 =	vld [tilespmem:$0x1E710];
	_ =	sdelay $0x4  }
0x59c: {  	v0 =	vadd.f32 v1, v0;
	_ =	sdelay $0x1  }
0x59d: {  	[tilespmem:$0x1EB50] =	vst v0;
	v0 =	vld [tilespmem:$0x1E730];
	_ =	sdelay $0x4  }
0x59e: {  	v0 =	vadd.f32 v0, v53  }
0x59f: {  	v1 =	vld [tilespmem:$0x1E750]  }
0x5a0: {  	[tilespmem:$0x1EB60] =	vst v0;
	v0 =	vld [tilespmem:$0x1E740];
	_ =	sdelay $0x4  }
0x5a1: {  	v0 =	vadd.f32 v1, v0  }
0x5a2: {  	v1 =	vld [tilespmem:$0x1E770]  }
0x5a3: {  	[tilespmem:$0x1EB70] =	vst v0;
	v0 =	vld [tilespmem:$0x1E760];
	_ =	sdelay $0x4  }
0x5a4: {  	v0 =	vadd.f32 v1, v0  }
0x5a5: {  	v1 =	vld [tilespmem:$0x1E790]  }
0x5a6: {  	[tilespmem:$0x1EB80] =	vst v0;
	v0 =	vld [tilespmem:$0x1E780];
	_ =	sdelay $0x4  }
0x5a7: {  	v0 =	vadd.f32 v1, v0  }
0x5a8: {  	v1 =	vld [tilespmem:$0x1E7B0]  }
0x5a9: {  	[tilespmem:$0x1EB90] =	vst v0;
	v0 =	vld [tilespmem:$0x1E7A0];
	_ =	sdelay $0x4  }
0x5aa: {  	v0 =	vadd.f32 v1, v0  }
0x5ab: {  	v1 =	vld [tilespmem:$0x1E7D0]  }
0x5ac: {  	[tilespmem:$0x1EBA0] =	vst v0;
	v0 =	vld [tilespmem:$0x1E7C0];
	_ =	sdelay $0x4  }
0x5ad: {  	v0 =	vadd.f32 v1, v0  }
0x5ae: {  	v1 =	vld [tilespmem:$0x1E7F0]  }
0x5af: {  	[tilespmem:$0x1EBB0] =	vst v0;
	v0 =	vld [tilespmem:$0x1E7E0];
	_ =	sdelay $0x4  }
0x5b0: {  	v0 =	vadd.f32 v1, v0  }
0x5b1: {  	v1 =	vld [tilespmem:$0x1E810]  }
0x5b2: {  	[tilespmem:$0x1EBD0] =	vst v0;
	v0 =	vld [tilespmem:$0x1E800];
	_ =	sdelay $0x4  }
0x5b3: {  	v0 =	vadd.f32 v1, v0  }
0x5b4: {  	v1 =	vld [tilespmem:$0x1E830]  }
0x5b5: {  	[tilespmem:$0x1EBC0] =	vst v0;
	v0 =	vld [tilespmem:$0x1E820];
	_ =	sdelay $0x4  }
0x5b6: {  	v0 =	vadd.f32 v1, v0;
	_ =	sdelay $0x1  }
0x5b7: {  	[tilespmem:$0x1EBE0] =	vst v0;
	v0 =	vld [tilespmem:$0x1E840];
	_ =	sdelay $0x4  }
0x5b8: {  	v0 =	vadd.f32 v0, v47  }
0x5b9: {  	v1 =	vld [tilespmem:$0x1E860]  }
0x5ba: {  	[tilespmem:$0x1EBF0] =	vst v0;
	v0 =	vld [tilespmem:$0x1E850];
	_ =	sdelay $0x4  }
0x5bb: {  	v0 =	vadd.f32 v1, v0  }
0x5bc: {  	v1 =	vld [tilespmem:$0x1E880]  }
0x5bd: {  	[tilespmem:$0x1EC00] =	vst v0;
	v0 =	vld [tilespmem:$0x1E870];
	_ =	sdelay $0x4  }
0x5be: {  	v0 =	vadd.f32 v1, v0  }
0x5bf: {  	v1 =	vld [tilespmem:$0x1E8A0]  }
0x5c0: {  	[tilespmem:$0x1EC10] =	vst v0;
	v0 =	vld [tilespmem:$0x1E890];
	_ =	sdelay $0x4  }
0x5c1: {  	v0 =	vadd.f32 v1, v0  }
0x5c2: {  	v1 =	vld [tilespmem:$0x1E8C0]  }
0x5c3: {  	[tilespmem:$0x1EC20] =	vst v0;
	v0 =	vld [tilespmem:$0x1E8B0];
	_ =	sdelay $0x4  }
0x5c4: {  	v0 =	vadd.f32 v1, v0  }
0x5c5: {  	v1 =	vld [tilespmem:$0x1E8E0]  }
0x5c6: {  	[tilespmem:$0x1EC40] =	vst v0;
	v0 =	vld [tilespmem:$0x1E8D0];
	_ =	sdelay $0x4  }
0x5c7: {  	v0 =	vadd.f32 v1, v0  }
0x5c8: {  	v1 =	vld [tilespmem:$0x1E900]  }
0x5c9: {  	[tilespmem:$0x1EC50] =	vst v0;
	v0 =	vld [tilespmem:$0x1E8F0];
	_ =	sdelay $0x4  }
0x5ca: {  	v0 =	vadd.f32 v1, v0  }
0x5cb: {  	v1 =	vld [tilespmem:$0x1E920]  }
0x5cc: {  	[tilespmem:$0x1EC60] =	vst v0;
	v0 =	vld [tilespmem:$0x1E910];
	_ =	sdelay $0x4  }
0x5cd: {  	v0 =	vadd.f32 v1, v0  }
0x5ce: {  	v1 =	vld [tilespmem:$0x1E940]  }
0x5cf: {  	[tilespmem:$0x1EC70] =	vst v0;
	v0 =	vld [tilespmem:$0x1E930];
	_ =	sdelay $0x4  }
0x5d0: {  	s22 =	sor.u32 s0, s30;
	v0 =	vadd.f32 v1, v0  }
0x5d1: {  	v45 =	vld [tilespmem:s22+$0x9900]  }
0x5d2: {  	[tilespmem:$0x1EC80] =	vst v0;
	v0 =	vld [tilespmem:$0x1E950];
	_ =	sdelay $0x4  }
0x5d3: {  	v0 =	vadd.f32 v0, v45  }
0x5d4: {  	[tilespmem:$0x1E960] =	vst v38  }
0x5d5: {  	[tilespmem:$0x1EC90] =	vst v0;
	v0 =	vld [tilespmem:$0x1E960];
	_ =	sdelay $0x4  }
0x5d6: {  	v0 =	vadd.f32 v31, v0  }
0x5d7: {  	[tilespmem:$0x1E970] =	vst v46  }
0x5d8: {  	[tilespmem:$0x1ECA0] =	vst v0;
	v0 =	vld [tilespmem:$0x1E970];
	_ =	sdelay $0x4  }
0x5d9: {  	v0 =	vadd.f32 v26, v0;
	_ =	sdelay $0x1  }
0x5da: {  	[tilespmem:$0x1ECB0] =	vst v0;
	v0 =	vadd.f32 v20, v28;
	_ =	sdelay $0x1  }
0x5db: {  	[tilespmem:$0x1ECC0] =	vst v0;
	v0 =	vadd.f32 v25, v30  }
0x5dc: {  	[tilespmem:$0x1E980] =	vst v27  }
0x5dd: {  	[tilespmem:$0x1ECD0] =	vst v0;
	v0 =	vld [tilespmem:$0x1E980];
	_ =	sdelay $0x4  }
0x5de: {  	v0 =	vadd.f32 v0, v61;
	_ =	sdelay $0x1  }
0x5df: {  	[tilespmem:$0x1ECF0] =	vst v0;
	v0 =	vadd.f32 v9, v8  }
0x5e0: {  	[tilespmem:$0x1E990] =	vst v11  }
0x5e1: {  	[tilespmem:$0x1ECE0] =	vst v0;
	v0 =	vld [tilespmem:$0x1E990]  }
0x5e2: {  	s9 =	sor.u32 s29, s0  }
0x5e3: {  	v41 =	vld [tilespmem:s9+$0x9900];
	_ =	sdelay $0x2  }
0x5e4: {  	v0 =	vadd.f32 v0, v58;
	_ =	sdelay $0x1  }
0x5e5: {  	[tilespmem:$0x1ED00] =	vst v0;
	v0 =	vadd.f32 v6, v41;
	_ =	sdelay $0x1  }
0x5e6: {  	[tilespmem:$0x1ED10] =	vst v0;
	v0 =	vadd.f32 v4, v7;
	_ =	sdelay $0x1  }
0x5e7: {  	[tilespmem:$0x1ED20] =	vst v0;
	v0 =	vadd.f32 v2, v3;
	_ =	sdelay $0x1  }
0x5e8: {  	[tilespmem:$0x1ED30] =	vst v0;
	v0 =	vadd.f32 v52, v5;
	_ =	sdelay $0x1  }
0x5e9: {  	[tilespmem:$0x1ED40] =	vst v0;
	v0 =	vld [tilespmem:$0x1E9A0];
	_ =	sdelay $0x4  }
0x5ea: {  	v0 =	vadd.f32 v0, v43  }
0x5eb: {  	v1 =	vld [tilespmem:$0x1E9C0]  }
0x5ec: {  	[tilespmem:$0x1ED50] =	vst v0;
	v0 =	vld [tilespmem:$0x1E9B0];
	_ =	sdelay $0x4  }
0x5ed: {  	v0 =	vadd.f32 v1, v0  }
0x5ee: {  	v1 =	vld [tilespmem:$0x1E9E0]  }
0x5ef: {  	[tilespmem:$0x1ED60] =	vst v0;
	v0 =	vld [tilespmem:$0x1E9D0];
	_ =	sdelay $0x4  }
0x5f0: {  	v0 =	vadd.f32 v1, v0  }
0x5f1: {  	v1 =	vld [tilespmem:$0x1EA00]  }
0x5f2: {  	[tilespmem:$0x1ED70] =	vst v0;
	v0 =	vld [tilespmem:$0x1E9F0];
	_ =	sdelay $0x4  }
0x5f3: {  	v0 =	vadd.f32 v1, v0  }
0x5f4: {  	v1 =	vld [tilespmem:$0x1EA20]  }
0x5f5: {  	[tilespmem:$0x1ED80] =	vst v0;
	v0 =	vld [tilespmem:$0x1EA10];
	_ =	sdelay $0x4  }
0x5f6: {  	v0 =	vadd.f32 v1, v0  }
0x5f7: {  	v39 =	vld [tilespmem:s22+$0x9880]  }
0x5f8: {  	[tilespmem:$0x1ED90] =	vst v0;
	v0 =	vld [tilespmem:$0x1EA30];
	_ =	sdelay $0x2  }
0x5f9: {  	v36 =	vld [tilespmem:s22+$0x9800];
	s1 =	sor.u32 s29, s1  }
0x5fa: {  	v49 =	vld [tilespmem:s1+$0x0];
	s2 =	sor.u32 s29, s2  }
0x5fb: {  	v42 =	vld [tilespmem:s2+$0x0];
	v0 =	vadd.f32 v0, v39  }
0x5fc: {  	v1 =	vld [tilespmem:$0x1EA50]  }
0x5fd: {  	s5 =	sor.u32 s29, s5;
	[tilespmem:$0x1EDA0] =	vst v0;
	v0 =	vld [tilespmem:$0x1EA40]  }
0x5fe: {  	v48 =	vld [tilespmem:s5+$0x0];
	s7 =	sor.u32 s29, s7  }
0x5ff: {  	v40 =	vld [tilespmem:s7+$0x0];
	s11 =	sor.u32 s29, s11  }
0x600: {  	v63 =	vld [tilespmem:s11+$0x0];
	s12 =	sor.u32 s29, s12  }
0x601: {  	v57 =	vld [tilespmem:s12+$0x0]  }
0x602: {  	v61 =	vadd.f32 v1, v0;
	v0 =	vld [tilespmem:$0x1EA60]  }
0x603: {  	s2 =	sor.u32 s29, s23;
	v1 =	vld [tilespmem:$0x1EA70]  }
0x604: {  	s18 =	sor.u32 s29, s18;
	v50 =	vld [tilespmem:s2+$0x0];
	s2 =	sor.u32 $0xB000, s0  }
0x605: {  	v56 =	vld [tilespmem:s18+$0x0];
	s11 =	sor.u32 s30, s2  }
0x606: {  	s19 =	sor.u32 s29, s19;
	v23 =	vld [tilespmem:s11+$0x0];
	s11 =	sor.u32 $0xD800, s0  }
0x607: {  	v51 =	vld [tilespmem:s19+$0x0];
	s19 =	sor.u32 s30, s11  }
0x608: {  	v17 =	vld [tilespmem:s19+$0x0];
	v0 =	vadd.f32 v1, v0  }
0x609: {  	v1 =	vld [tilespmem:$0x1EA90]  }
0x60a: {  	s20 =	sor.u32 s29, s20;
	[tilespmem:$0x1EDB0] =	vst v0;
	v0 =	vld [tilespmem:$0x1EA80]  }
0x60b: {  	v46 =	vld [tilespmem:s20+$0x0];
	s5 =	sor.u32 s29, s24  }
0x60c: {  	v44 =	vld [tilespmem:s5+$0x0];
	s7 =	sor.u32 s29, s31  }
0x60d: {  	v33 =	vld [tilespmem:s7+$0x0];
	s7 =	sor.u32 $0xC000, s0;
	s17 =	sor.u32 s29, s14  }
0x60e: {  	s14 =	sor.u32 s30, s7;
	v59 =	vld [tilespmem:s17+$0x0]  }
0x60f: {  	v21 =	vld [tilespmem:s14+$0x0];
	s6 =	sor.u32 s29, s25;
	v0 =	vadd.f32 v1, v0  }
0x610: {  	v38 =	vld [tilespmem:s6+$0x0];
	s6 =	sor.u32 $0xB800, s0  }
0x611: {  	s14 =	sor.u32 $0xE800, s0;
	s12 =	sor.u32 s30, s6;
	[tilespmem:$0x1EDC0] =	vst v0;
	v0 =	vld [tilespmem:$0x1EAA0]  }
0x612: {  	s23 =	sor.u32 s30, s14;
	v22 =	vld [tilespmem:s12+$0x0];
	s12 =	sor.u32 $0xE000, s0  }
0x613: {  	s1 =	sor.u32 $0xA800, s0;
	v15 =	vld [tilespmem:s23+$0x0];
	s20 =	sor.u32 s30, s12  }
0x614: {  	s5 =	sor.u32 $0xA000, s0;
	v16 =	vld [tilespmem:s20+$0x0];
	s10 =	sor.u32 s30, s1  }
0x615: {  	s8 =	sor.u32 s30, s5;
	v27 =	vld [tilespmem:s10+$0x0];
	s10 =	sor.u32 $0xD000, s0  }
0x616: {  	v32 =	vld [tilespmem:s8+$0x0];
	s18 =	sor.u32 s30, s10;
	v0 =	vadd.f32 v62, v0  }
0x617: {  	s8 =	sor.u32 $0xC800, s0;
	v18 =	vld [tilespmem:s18+$0x0]  }
0x618: {  	s17 =	sor.u32 s30, s8;
	s18 =	sor.u32 $0xF800, s0;
	[tilespmem:$0x1EDD0] =	vst v0;
	v0 =	vld [tilespmem:$0x1EAB0]  }
0x619: {  	s20 =	sor.u32 $0x10800, s0;
	v19 =	vld [tilespmem:s17+$0x0];
	s25 =	sor.u32 s30, s18  }
0x61a: {  	s19 =	sor.u32 $0x10000, s0;
	v13 =	vld [tilespmem:s25+$0x0];
	s25 =	sor.u32 s30, s20  }
0x61b: {  	s31 =	sor.u32 s30, s19;
	v11 =	vld [tilespmem:s25+$0x0]  }
0x61c: {  	s23 =	sor.u32 $0x11000, s0;
	v31 =	vld [tilespmem:s31+$0x0]  }
0x61d: {  	s31 =	sor.u32 s30, s23;
	v60 =	vadd.f32 v60, v0;
	v0 =	vld [tilespmem:$0x1EAC0]  }
0x61e: {  	s17 =	sor.u32 $0xF000, s0;
	s25 =	sor.u32 s29, s2;
	v10 =	vld [tilespmem:s31+$0x0]  }
0x61f: {  	v37 =	vld [tilespmem:s9+$0x9880];
	s2 =	sor.u32 s29, s7;
	s7 =	sor.u32 s29, s11;
	s11 =	sor.u32 s29, s17  }
0x620: {  	v57 =	vadd.f32 v57, v63;
	v63 =	vld [tilespmem:s11+$0x0]  }
0x621: {  	v47 =	vadd.f32 v46, v51;
	v1 =	vld [tilespmem:$0x1EAE0]  }
0x622: {  	s24 =	sor.u32 s30, s17;
	s17 =	sor.u32 s29, s20;
	s20 =	sor.u32 s29, s13;
	v46 =	vadd.f32 v44, v50;
	v58 =	vadd.f32 v54, v0;
	v0 =	vld [tilespmem:$0x1EAD0]  }
0x623: {  	s5 =	sor.u32 s29, s5;
	v44 =	vadd.f32 v32, v36;
	v36 =	vadd.f32 v10, v11;
	v11 =	vld [tilespmem:s20+$0x0]  }
0x624: {  	v9 =	vld [tilespmem:s5+$0x0];
	s5 =	sor.u32 s29, s8  }
0x625: {  	v4 =	vld [tilespmem:s5+$0x0]  }
0x626: {  	v2 =	vld [tilespmem:s7+$0x0]  }
0x627: {  	s8 =	sor.u32 s29, s12;
	v55 =	vadd.f32 v1, v0;
	v0 =	vld [tilespmem:$0x1EAF0]  }
0x628: {  	s31 =	sor.u32 s29, s6;
	s6 =	sor.u32 s29, s10;
	v1 =	vld [tilespmem:s8+$0x0]  }
0x629: {  	v3 =	vld [tilespmem:s6+$0x0]  }
0x62a: {  	v62 =	vld [tilespmem:$0x1EB10]  }
0x62b: {  	s10 =	sor.u32 s29, s14;
	v54 =	vadd.f32 v42, v49;
	v49 =	vld [tilespmem:$0x1EB00]  }
0x62c: {  	v53 =	vadd.f32 v48, v37;
	v52 =	vadd.f32 v40, v0;
	v0 =	vld [tilespmem:s10+$0x0]  }
0x62d: {  	v37 =	vadd.f32 v31, v13;
	v31 =	vadd.f32 v1, v2;
	v2 =	vld [tilespmem:$0x1EB20];
	_ =	sdelay $0x2  }
0x62e: {  	s14 =	sor.u32 s29, s19;
	s19 =	sor.u32 $0x12900, s0  }
0x62f: {  	s12 =	sor.u32 s29, s18;
	s18 =	sor.u32 s29, s23;
	s23 =	sor.u32 s30, s19;
	v30 =	vadd.f32 v3, v4;
	v3 =	vld [tilespmem:$0x1EB40];
	v48 =	vadd.f32 v62, v49  }
0x630: {  	v62 =	vld [tilespmem:s23+$0x0];
	v50 =	vadd.f32 v63, v0;
	v0 =	vmov s3;
	v2 =	vadd.f32 v11, v2  }
0x631: {  	v11 =	vshll.u32 v0, $0x2;
	v0 =	vld [tilespmem:$0x1EB50]  }
0x632: {  	[tilespmem:$0x1EDE0] =	vst v2;
	v2 =	vld [tilespmem:$0x1EB30];
	_ =	sdelay $0x3  }
0x633: {  	v26 =	vld [tilespmem:s18+$0x0];
	v0 =	vadd.f32 v62, v0  }
0x634: {  	v43 =	vadd.f32 v23, v27;
	v27 =	vld [tilespmem:s17+$0x0];
	v2 =	vadd.f32 v2, v3  }
0x635: {  	[tilespmem:$0x1EE00] =	vst v0;
	v0 =	vld [tilespmem:$0x1EB60]  }
0x636: {  	[tilespmem:$0x1EDF0] =	vst v2;
	v2 =	vld [tilespmem:$0x1EB70];
	_ =	sdelay $0x1  }
0x637: {  	s1 =	sor.u32 s29, s1  }
0x638: {  	v8 =	vld [tilespmem:s1+$0x0]  }
0x639: {  	v6 =	vld [tilespmem:s25+$0x0]  }
0x63a: {  	v28 =	vadd.f32 v26, v27;
	v26 =	vadd.f32 v2, v0;
	v0 =	vld [tilespmem:$0x1EB80]  }
0x63b: {  	v2 =	vld [tilespmem:$0x1EB90];
	_ =	sdelay $0x2  }
0x63c: {  	v29 =	vadd.f32 v24, v29;
	v24 =	vlaneseq.u32  }
0x63d: {  	v14 =	vld [tilespmem:s24+$0x0];
	v45 =	vadd.f32 v33, v38;
	v25 =	vor.u32 s28, v24  }
0x63e: {  	v33 =	vadd.f32 v6, v8;
	v8 =	vor.u32 s3, v24;
	v24 =	vadd.f32 v2, v0;
	v0 =	vld [tilespmem:$0x1EBA0]  }
0x63f: {  	v2 =	vld [tilespmem:$0x1EBB0];
	_ =	sdelay $0x2  }
0x640: {  	s1 =	sor.u32 s29, s19  }
0x641: {  	v1 =	vld [tilespmem:s1+$0x0]  }
0x642: {  	v39 =	vadd.f32 v14, v15;
	v14 =	vand.u32 $0x6F, v25;
	v25 =	vadd.f32 v2, v0;
	v0 =	vld [tilespmem:$0x1EBC0];
	_ =	sdelay $0x4  }
0x643: {  	v49 =	vadd.f32 v1, v0;
	v0 =	vld [tilespmem:$0x1EBD0]  }
0x644: {  	v1 =	vld [tilespmem:$0x1EBE0];
	_ =	sdelay $0x4  }
0x645: {  	v23 =	vadd.f32 v1, v0;
	v0 =	vld [tilespmem:$0x1EBF0]  }
0x646: {  	v1 =	vld [tilespmem:$0x1EC00];
	_ =	sdelay $0x4  }
0x647: {  	v42 =	vadd.f32 v21, v22;
	v22 =	vadd.f32 v1, v0;
	v0 =	vld [tilespmem:$0x1EC10]  }
0x648: {  	v1 =	vld [tilespmem:$0x1EC20];
	_ =	sdelay $0x4  }
0x649: {  	v21 =	vadd.f32 v1, v0;
	v0 =	vld [tilespmem:$0x1EC30];
	_ =	sdelay $0x3  }
0x64a: {  	v1 =	vld [tilespmem:$0x1EC50]  }
0x64b: {  	v6 =	vshll.u32 v0, $0xB;
	v0 =	vld [tilespmem:$0x1EC40];
	_ =	sdelay $0x4  }
0x64c: {  	v20 =	vadd.f32 v1, v0;
	v0 =	vld [tilespmem:$0x1EC60]  }
0x64d: {  	v1 =	vld [tilespmem:$0x1EC70];
	_ =	sdelay $0x1  }
0x64e: {  	s24 =	sor.u32 $0x12880, s0  }
0x64f: {  	v35 =	vld [tilespmem:s9+$0x9800];
	s25 =	sor.u32 s30, s24  }
0x650: {  	v12 =	vld [tilespmem:s25+$0x0]  }
0x651: {  	v41 =	vadd.f32 v18, v19;
	v19 =	vadd.f32 v1, v0;
	v0 =	vld [tilespmem:$0x1EC80];
	_ =	sdelay $0x3  }
0x652: {  	v56 =	vadd.f32 v56, v59;
	v59 =	vmov s28;
	v35 =	vadd.f32 v9, v35;
	v9 =	vld [tilespmem:$0x1ECA0]  }
0x653: {  	v40 =	vadd.f32 v16, v17;
	v17 =	vshll.u32 v59, $0x2;
	v59 =	vadd.f32 v12, v0;
	v0 =	vld [tilespmem:$0x1EC90];
	_ =	sdelay $0x4  }
0x654: {  	v18 =	vadd.f32 v9, v0;
	v0 =	vld [tilespmem:$0x1ECB0];
	_ =	sdelay $0x3  }
0x655: {  	v9 =	vld [tilespmem:$0x1ECD0]  }
0x656: {  	v16 =	vadd.f32 v29, v0;
	v0 =	vld [tilespmem:$0x1ECC0];
	_ =	sdelay $0x1  }
0x657: {  	v7 =	vld [tilespmem:s31+$0x0]  }
0x658: {  	v5 =	vld [tilespmem:s2+$0x0];
	s1 =	sor.u32 s29, s24  }
0x659: {  	v2 =	vld [tilespmem:s1+$0x0]  }
0x65a: {  	v15 =	vadd.f32 v9, v0;
	v9 =	vld [tilespmem:$0x1ECE0];
	_ =	sdelay $0x4  }
0x65b: {  	v32 =	vadd.f32 v5, v7;
	v5 =	vshll.u32 v34, $0xB;
	v34 =	vadd.f32 v2, v9;
	v2 =	vld [tilespmem:$0x1ECF0]  }
0x65c: {  	v9 =	vld [tilespmem:$0x1ED00];
	_ =	sdelay $0x4  }
0x65d: {  	v13 =	vadd.f32 v9, v2;
	v2 =	vld [tilespmem:$0x1ED10]  }
0x65e: {  	v9 =	vld [tilespmem:$0x1ED20];
	_ =	sdelay $0x4  }
0x65f: {  	v12 =	vadd.f32 v9, v2;
	v2 =	vld [tilespmem:$0x1ED30]  }
0x660: {  	v9 =	vld [tilespmem:$0x1ED40];
	_ =	sdelay $0x2  }
0x661: {  	v38 =	vld [tilespmem:s14+$0x0]  }
0x662: {  	v51 =	vld [tilespmem:s12+$0x0]  }
0x663: {  	v10 =	vadd.f32 v9, v2;
	v2 =	vld [tilespmem:$0x1ED50]  }
0x664: {  	v9 =	vld [tilespmem:$0x1ED60];
	_ =	sdelay $0x2  }
0x665: {  	v38 =	vadd.f32 v38, v51;
	v51 =	vld [tilespmem:s22+$0x13880]  }
0x666: {  	v62 =	vld [tilespmem:$0x1ED80]  }
0x667: {  	v9 =	vadd.f32 v9, v2;
	v2 =	vld [tilespmem:$0x1ED70]  }
0x668: {  	v47 =	vadd.f32 v47, v56;
	v45 =	vadd.f32 v45, v46;
	v4 =	vld [tilespmem:s22+$0x13800]  }
0x669: {  	s0 =	sor.u32 $0x12800, s0;
	v7 =	vld [tilespmem:s22+$0x13900]  }
0x66a: {  	v47 =	vadd.f32 v45, v47;
	s31 =	sor.u32 s30, s0;
	v27 =	vld [tilespmem:s9+$0x13900]  }
0x66b: {  	v36 =	vadd.f32 v36, v37;
	v51 =	vshll.u32 v51, $0xB;
	v8 =	vand.u32 $0x7F, v8;
	v1 =	vld [tilespmem:s31+$0x0]  }
0x66c: {  	v33 =	vadd.f32 v33, v35;
	v11 =	vand.u32 $0x600, v11;
	v2 =	vadd.f32 v62, v2;
	v62 =	vld [tilespmem:$0x1ED90]  }
0x66d: {  	v30 =	vadd.f32 v30, v32;
	v4 =	vshll.u32 v4, $0xB;
	v5 =	vor.u32 v11, v5  }
0x66e: {  	v43 =	vadd.f32 v43, v44;
	v7 =	vshll.u32 v7, $0xB;
	v5 =	vor.u32 v8, v5  }
0x66f: {  	v38 =	vadd.f32 v28, v38;
	v41 =	vadd.f32 v41, v42;
	v5 =	vor.u32 $0x180, v5  }
0x670: {  	v27 =	vshll.u32 v27, $0xB;
	v48 =	vadd.f32 v57, v48;
	v52 =	vadd.f32 v52, v53;
	v63 =	vld [tilespmem:s9+$0x13880]  }
0x671: {  	v17 =	vand.u32 $0x600, v17;
	v39 =	vadd.f32 v39, v40;
	v29 =	vadd.f32 v1, v62;
	v1 =	vld [tilespmem:$0x1EDA0]  }
0x672: {  	v58 =	vadd.f32 v55, v58;
	v27 =	vor.u32 v17, v27;
	v46 =	vadd.f32 v48, v52  }
0x673: {  	v40 =	vor.u32 v14, v27;
	v48 =	vadd.f32 v36, v39;
	v7 =	vor.u32 v11, v7;
	v3 =	vld [tilespmem:s9+$0x13800]  }
0x674: {  	v53 =	vadd.f32 v47, v46;
	v4 =	vor.u32 v11, v4;
	v7 =	vor.u32 v8, v7;
	v5 =	vld.idx.msk [tilespmem:v5+s21+$0x0], $0xffff  }
0x675: {  	v4 =	vor.u32 v8, v4;
	v63 =	vshll.u32 v63, $0xB;
	v24 =	vadd.f32 v24, v26;
	v62 =	vld [tilespmem:$0x1EDC0]  }
0x676: {  	v63 =	vor.u32 v17, v63;
	v23 =	vadd.f32 v23, v25;
	v1 =	vadd.f32 v61, v1;
	v61 =	vld [tilespmem:$0x1EDB0]  }
0x677: {  	s0 =	sor.u32 s29, s0;
	v44 =	vor.u32 v14, v63;
	v56 =	vld [tilespmem:$0x1EDF0];
	v10 =	vadd.f32 v10, v12;
	v2 =	vadd.f32 v2, v9  }
0x678: {  	v7 =	vor.u32 $0x100, v7;
	v57 =	vor.u32 $0x80, v44;
	v3 =	vshll.u32 v3, $0xB;
	v0 =	vld [tilespmem:s0+$0x0]  }
0x679: {  	v3 =	vor.u32 v17, v3;
	v52 =	vadd.f32 v23, v24;
	v2 =	vadd.f32 v2, v10  }
0x67a: {  	v3 =	vor.u32 v14, v3;
	v21 =	vadd.f32 v21, v22;
	v19 =	vadd.f32 v19, v20  }
0x67b: {  	v5 =	vmul.f32 $9.999894490e-01, v5;
	v2 =	vadd.f32 v49, v2;
	v61 =	vadd.f32 v62, v61;
	v62 =	vld [tilespmem:$0x1EDD0]  }
0x67c: {  	v6 =	vor.u32 v17, v6;
	v16 =	vadd.f32 v16, v18;
	v13 =	vadd.f32 v13, v15  }
0x67d: {  	v0 =	vadd.f32 v0, v54;
	v15 =	vadd.f32 v56, v52;
	v2 =	vmul.f32 $5.555555730e-07, v2  }
0x67e: {  	v55 =	vld [tilespmem:$0x1EDE0];
	v6 =	vor.u32 v14, v6;
	v10 =	vadd.f32 v13, v16;
	v13 =	vadd.f32 v34, v53  }
0x67f: {  	v6 =	vor.u32 $0x180, v6;
	v63 =	vadd.f32 $9.999999740e-06, v2;
	v1 =	vadd.f32 v61, v1  }
0x680: {  	v3 =	vld.idx.msk [tilespmem:v3+s21+$0x0], $0xffff;
	v60 =	vadd.f32 v60, v62;
	v62 =	vor.u32 v11, v51;
	v11 =	vadd.f32 v50, v31  }
0x681: {  	v54 =	vor.u32 $0x100, v40;
	v50 =	vadd.f32 v30, v33;
	v51 =	vadd.f32 v19, v21  }
0x682: {  	v9 =	vor.u32 v8, v62;
	v8 =	vadd.f32 v41, v43;
	v42 =	vadd.f32 v58, v60;
	v58 =	vld [tilespmem:$0x1EE00]  }
0x683: {  	v15 =	vmul.f32 $5.555555730e-07, v15;
	v11 =	vadd.f32 v38, v11;
	v14 =	vadd.f32 v55, v51  }
0x684: {  	v4 =	vld.idx.msk [tilespmem:v4+s21+$0x0], $0xffff;
	v9 =	vor.u32 $0x80, v9;
	v8 =	vadd.f32 v48, v8;
	v1 =	vadd.f32 v42, v1  }
0x685: {  	v7 =	vld.idx.msk [tilespmem:v7+s21+$0x0], $0xffff;
	v3 =	vmul.f32 $9.999894490e-01, v3;
	v61 =	vadd.f32 $9.999999740e-06, v15;
	v11 =	vadd.f32 v11, v50  }
0x686: {  	v6 =	vld.idx.msk [tilespmem:v6+s21+$0x0], $0xffff;
	v14 =	vmul.f32 $5.555555730e-07, v14;
	v8 =	vadd.f32 v29, v8;
	v1 =	vadd.f32 v59, v1  }
0x687: {  	v0 =	vadd.f32 v0, v11;
	v11 =	vld.idx.msk [tilespmem:v54+s21+$0x0], $0xffff;
	v59 =	vmul.f32 $5.555555730e-07, v13;
	v10 =	vadd.f32 v58, v10  }
0x688: {  	v62 =	vld.idx.msk [tilespmem:v57+s21+$0x0], $0xffff;
	v60 =	vadd.f32 $9.999999740e-06, v14;
	v8 =	vmul.f32 $5.555555730e-07, v8;
	v1 =	vmul.f32 $5.555555730e-07, v1  }
0x689: {  	v9 =	vld.idx.msk [tilespmem:v9+s21+$0x0], $0xffff;
	v0 =	vmul.f32 $5.555555730e-07, v0;
	v12 =	vadd.f32 $9.999999740e-06, v59;
	v10 =	vmul.f32 $5.555555730e-07, v10  }
0x68a: {  	v2 =	vmul.f32 $9.999894490e-01, v4;
	v4 =	vadd.f32 $9.999999740e-06, v8;
	v1 =	vadd.f32 $9.999999740e-06, v1  }
0x68b: {  	v6 =	vmul.f32 $9.999894490e-01, v6;
	v0 =	vadd.f32 $9.999999740e-06, v0;
	v10 =	vadd.f32 $9.999999740e-06, v10  }
0x68c: {  	p0 =	sne.s32 s28, $0x1E0;
	v2 =	vadd.f32 v4, v2;
	v8 =	vmul.f32 $9.999894490e-01, v11;
	v4 =	vmul.f32 $9.999894490e-01, v7  }
.Ltmp5:
0x68d: {  	v7 =	vmul.f32 $9.999894490e-01, v62;
	v11 =	vadd.f32 v60, v6;
	v3 =	vadd.f32 v0, v3;
	(pc) =	sbr.rel @p0 .LBB2_13-.Ltmp5, $4  }
0x68e: {  	v0 =	vmul.f32 $9.999894490e-01, v9;
	v9 =	vadd.f32 v61, v5;
	v4 =	vadd.f32 v10, v4  }
0x68f: {  	v8 =	vadd.f32 v63, v8;
	v5 =	vsub.f32 $1.000000000e+00, v2  }
0x690: {  	v7 =	vadd.f32 v12, v7;
	v10 =	vadd.f32 v1, v0  }
0x691: {  	s28 =	sadd.s32 $0x20, s28;
	v6 =	vsub.f32 $1.000000000e+00, v3;
	v0 =	vshra.s32 v3, $0x17;
	v1 =	vshra.s32 v2, $0x17  }
0x692: {  	v3 =	vand.u32 $0x7FFFFF, v3  }
0x693: {  	v2 =	vand.u32 $0x7FFFFF, v2;
	v12 =	vsub.f32 $1.000000000e+00, v11;
	v13 =	vsub.f32 $1.000000000e+00, v8  }
0x694: {  	v14 =	vsub.f32 $1.000000000e+00, v4;
	v15 =	vshra.s32 v9, $0x17;
	v16 =	vsub.f32 $1.000000000e+00, v10  }
0x695: {  	v17 =	vshra.s32 v4, $0x17;
	v18 =	vshra.s32 v11, $0x17;
	v19 =	vsub.f32 $1.000000000e+00, v7  }
0x696: {  	v20 =	vshra.s32 v10, $0x17;
	v21 =	vshra.s32 v8, $0x17;
	v22 =	vshra.s32 v7, $0x17  }
0x697: {  	v46 =	vand.u32 $0x7FFFFF, v11;
	v23 =	vand.u32 $0x7FFFFF, v9;
	v47 =	vand.u32 $0x7FFFFF, v10  }
0x698: {  	v48 =	vand.u32 $0x7FFFFF, v8;
	v49 =	vand.u32 $0x7FFFFF, v4;
	v5 =	vmul.f32 v5, v5  }
0x699: {  	v39 =	vimm.s32 $0xFFFFFF81;
	v24 =	vor.u32 $0x3F800000, v3;
	v25 =	vor.u32 $0x3F800000, v2  }
0x69a: {  	v2 =	vand.u32 $0x7FFFFF, v7;
	v7 =	vmul.f32 v6, v6;
	v23 =	vor.u32 $0x3F800000, v23  }
0x69b: {  	v26 =	vor.u32 $0x3F800000, v48;
	v27 =	vor.u32 $0x3F800000, v49;
	v11 =	vor.u32 $0x3F800000, v46  }
0x69c: {  	v10 =	vor.u32 $0x3F800000, v47;
	v28 =	vmul.f32 $5.000000000e-01, v25;
	v29 =	vor.u32 $0x3F800000, v2  }
0x69d: {  	v30 =	vmul.f32 $5.000000000e-01, v24;
	vm1 =	vgt.f32 v25, $1.414213540e+00;
	v2 =	vmul.f32 v12, v12  }
0x69e: {  	vm2 =	vgt.f32 v24, $1.414213540e+00;
	v4 =	vmul.f32 v13, v13;
	v3 =	vmul.f32 v14, v14  }
0x69f: {  	v8 =	vmul.f32 v19, v19;
	v6 =	vmul.f32 v16, v16;
	vm3 =	vgt.f32 v11, $1.414213540e+00  }
0x6a0: {  	vm4 =	vgt.f32 v23, $1.414213540e+00;
	vm5 =	vgt.f32 v27, $1.414213540e+00;
	v52 =	vmul.f32 $5.000000000e-01, v11  }
0x6a1: {  	v53 =	vmul.f32 $5.000000000e-01, v23;
	vm6 =	vgt.f32 v26, $1.414213540e+00;
	v54 =	vmul.f32 $5.000000000e-01, v26  }
0x6a2: {  	v31 =	vmul.f32 $5.000000000e-01, v27;
	vm7 =	vgt.f32 v10, $1.414213540e+00;
	v32 =	vmul.f32 $5.000000000e-01, v10  }
0x6a3: {  	v50 =	vsel vm1, $0xFFFFFF82, v39;
	v51 =	vsel vm2, $0xFFFFFF82, v39;
	vm0 =	vgt.f32 v29, $1.414213540e+00  }
0x6a4: {  	v33 =	vmul.f32 $5.000000000e-01, v29;
	v34 =	vsel vm3, $0xFFFFFF82, v39;
	v35 =	vsel vm4, $0xFFFFFF82, v39  }
0x6a5: {  	v36 =	vsel vm7, $0xFFFFFF82, v39;
	v37 =	vsel vm6, $0xFFFFFF82, v39;
	v38 =	vsel vm5, $0xFFFFFF82, v39  }
0x6a6: {  	v0 =	vadd.s32 v0, v51;
	v1 =	vadd.s32 v1, v50;
	v55 =	vsel vm0, $0xFFFFFF82, v39  }
0x6a7: {  	v56 =	vsel vm2, v30, v24;
	v57 =	vsel vm1, v28, v25;
	v15 =	vadd.s32 v15, v35  }
0x6a8: {  	v17 =	vadd.s32 v17, v38;
	v18 =	vadd.s32 v18, v34;
	v21 =	vadd.s32 v21, v37  }
0x6a9: {  	v16 =	vsel vm4, v53, v23;
	v11 =	vsel vm3, v52, v11;
	v25 =	vadd.f32 $1.000000000e+00, v57  }
0x6aa: {  	v60 =	vsel vm5, v31, v27;
	v19 =	vsel vm6, v54, v26;
	v58 =	vadd.f32 $1.000000000e+00, v56  }
0x6ab: {  	v10 =	vsel vm7, v32, v10;
	v59 =	vadd.f32 $1.000000000e+00, v16;
	(erf) = vrcp.f32 v25  }
0x6ac: {  	v61 =	vadd.f32 $1.000000000e+00, v11;
	v62 =	vadd.f32 $1.000000000e+00, v60;
	(erf) = vrcp.f32 v58  }
0x6ad: {  	v63 =	vadd.f32 $1.000000000e+00, v19;
	v1 =	vcvt.s32.f32 v1;
	(erf) = vrcp.f32 v59  }
0x6ae: {  	v30 =	vsel vm0, v33, v29;
	v0 =	vcvt.s32.f32 v0;
	(erf) = vrcp.f32 v61  }
0x6af: {  	v31 =	vadd.f32 $1.000000000e+00, v10;
	v15 =	vcvt.s32.f32 v15;
	(erf) = vrcp.f32 v62  }
0x6b0: {  	v33 =	vadd.s32 v20, v36;
	v17 =	vcvt.s32.f32 v17;
	v18 =	vcvt.s32.f32 v18  }
0x6b1: {  	v12 =	vadd.s32 v22, v55;
	v21 =	vcvt.s32.f32 v21;
	(erf) = vrcp.f32 v63  }
0x6b2: {  	v32 =	vadd.f32 $1.000000000e+00, v30;
	v14 =	vcvt.s32.f32 v33;
	(erf) = vrcp.f32 v31  }
0x6b3: {  	v34 =	vadd.f32 $-1.000000000e+00, v57;
	v12 =	vcvt.s32.f32 v12;
	v1 =	vmul.f32 $6.931471820e-01, v1  }
0x6b4: {  	v13 =	vadd.f32 $-1.000000000e+00, v56;
	v0 =	vmul.f32 $6.931471820e-01, v0;
	(erf) = vrcp.f32 v32;
	v35 =	vpop (erf)  }
0x6b5: {  	v16 =	vadd.f32 $-1.000000000e+00, v16;
	v17 =	vmul.f32 $6.931471820e-01, v17;
	v21 =	vmul.f32 $6.931471820e-01, v21;
	v36 =	vpop (erf)  }
0x6b6: {  	v11 =	vadd.f32 $-1.000000000e+00, v11;
	v14 =	vmul.f32 $6.931471820e-01, v14;
	v20 =	vmul.f32 v35, v34;
	v37 =	vpop (erf)  }
0x6b7: {  	v23 =	vadd.f32 $-1.000000000e+00, v60;
	v13 =	vmul.f32 v36, v13;
	v38 =	vpop (erf);
	v16 =	vmul.f32 v37, v16  }
0x6b8: {  	v43 =	vmul.f32 v20, v20;
	v39 =	vpop (erf);
	v11 =	vmul.f32 v38, v11  }
0x6b9: {  	v19 =	vadd.f32 $-1.000000000e+00, v19;
	v44 =	vmul.f32 v13, v13;
	v22 =	vmul.f32 v39, v23  }
0x6ba: {  	v10 =	vadd.f32 $-1.000000000e+00, v10;
	v40 =	vpop (erf);
	v26 =	vmul.f32 v16, v16;
	v49 =	vmul.f32 $2.857142980e-01, v43  }
0x6bb: {  	v41 =	vpop (erf);
	v19 =	vmul.f32 v40, v19;
	v28 =	vmul.f32 v11, v11  }
0x6bc: {  	v25 =	vadd.f32 $-1.000000000e+00, v30;
	v47 =	vmul.f32 $2.857142980e-01, v44;
	v10 =	vmul.f32 v41, v10  }
0x6bd: {  	v42 =	vpop (erf);
	v27 =	vmul.f32 v22, v22;
	v50 =	vmul.f32 $2.857142980e-01, v26  }
0x6be: {  	v23 =	vmul.f32 v42, v25;
	v46 =	vmul.f32 v19, v19  }
0x6bf: {  	v33 =	vadd.f32 $4.000000060e-01, v49;
	v52 =	vmul.f32 $2.857142980e-01, v28;
	v45 =	vmul.f32 v10, v10  }
0x6c0: {  	v31 =	vadd.f32 $4.000000060e-01, v47;
	v51 =	vmul.f32 $2.857142980e-01, v27;
	v48 =	vmul.f32 v23, v23  }
0x6c1: {  	v33 =	vmul.f32 v33, v43;
	v54 =	vmul.f32 $2.857142980e-01, v46  }
0x6c2: {  	v34 =	vadd.f32 $4.000000060e-01, v50;
	v31 =	vmul.f32 v31, v44;
	v53 =	vmul.f32 $2.857142980e-01, v48  }
0x6c3: {  	v36 =	vadd.f32 $4.000000060e-01, v52;
	v55 =	vmul.f32 $2.857142980e-01, v45;
	v35 =	vadd.f32 $4.000000060e-01, v51  }
0x6c4: {  	v34 =	vmul.f32 v34, v26;
	v31 =	vadd.f32 $6.666666860e-01, v31;
	v37 =	vadd.f32 $4.000000060e-01, v53  }
0x6c5: {  	v56 =	vadd.f32 $6.666666860e-01, v33;
	v36 =	vmul.f32 v36, v28;
	v38 =	vadd.f32 $4.000000060e-01, v54  }
0x6c6: {  	v39 =	vadd.f32 $4.000000060e-01, v55;
	v25 =	vmul.f32 v31, v44;
	v57 =	vmul.f32 v37, v48  }
0x6c7: {  	v24 =	vmul.f32 v56, v43;
	v34 =	vadd.f32 $6.666666860e-01, v34;
	v61 =	vmul.f32 v38, v46  }
0x6c8: {  	v58 =	vmul.f32 v39, v45;
	v25 =	vadd.f32 $2.000000000e+00, v25;
	v59 =	vadd.f32 $6.666666860e-01, v57  }
0x6c9: {  	v35 =	vmul.f32 v35, v27;
	v24 =	vadd.f32 $2.000000000e+00, v24;
	v63 =	vadd.f32 $6.666666860e-01, v61  }
0x6ca: {  	v60 =	vadd.f32 $6.666666860e-01, v58;
	v13 =	vmul.f32 v25, v13;
	v62 =	vmul.f32 v59, v48  }
0x6cb: {  	v42 =	vadd.f32 $6.666666860e-01, v35;
	v38 =	vmul.f32 v24, v20;
	v41 =	vmul.f32 v63, v46;
	v46 =	vld [tilespmem:$0x1EE10]  }
0x6cc: {  	v29 =	vmul.f32 v60, v45;
	v0 =	vadd.f32 v13, v0;
	v39 =	vadd.f32 $2.000000000e+00, v62  }
0x6cd: {  	v12 =	vmul.f32 $6.931471820e-01, v12;
	v37 =	vadd.f32 $6.666666860e-01, v36;
	v1 =	vadd.f32 v38, v1  }
0x6ce: {  	v40 =	vadd.f32 $2.000000000e+00, v29;
	v0 =	vmul.f32 v0, v7;
	v43 =	vmul.f32 v39, v23  }
0x6cf: {  	v45 =	vmul.f32 v42, v27;
	v44 =	vadd.f32 $2.000000000e+00, v41;
	v1 =	vmul.f32 v1, v5  }
0x6d0: {  	v10 =	vmul.f32 v40, v10;
	v0 =	vadd.f32 v0, v46;
	v47 =	vadd.f32 v43, v12  }
0x6d1: {  	v50 =	vmul.f32 v37, v28;
	v49 =	vadd.f32 $2.000000000e+00, v45;
	v48 =	vmul.f32 v44, v19  }
0x6d2: {  	v51 =	vadd.f32 v10, v14;
	v0 =	vadd.f32 v1, v0;
	v1 =	vmul.f32 v47, v8  }
0x6d3: {  	v54 =	vmul.f32 v34, v26;
	v53 =	vadd.f32 $2.000000000e+00, v50;
	v52 =	vmul.f32 v49, v22  }
0x6d4: {  	v55 =	vadd.f32 v48, v21;
	v0 =	vadd.f32 v1, v0;
	v1 =	vmul.f32 v51, v6  }
0x6d5: {  	v56 =	vmul.f32 $6.931471820e-01, v18;
	v58 =	vadd.f32 $2.000000000e+00, v54;
	v57 =	vmul.f32 v53, v11  }
0x6d6: {  	v59 =	vadd.f32 v52, v17;
	v0 =	vadd.f32 v1, v0;
	v1 =	vmul.f32 v55, v4  }
0x6d7: {  	s0 =	rddreg [dreg:$0xf];
	v61 =	vmul.f32 $6.931471820e-01, v15;
	v60 =	vsub.f32 $1.000000000e+00, v9;
	v62 =	vmul.f32 v58, v16  }
0x6d8: {  	s0 =	sadd.s32 $0x1, s0;
	v0 =	vadd.f32 v1, v0;
	v1 =	vmul.f32 v59, v3;
	v3 =	vadd.f32 v57, v56  }
0x6d9: {  	p0 =	sne.s32 s0, $0x10;
	v63 =	vmul.f32 v60, v60  }
.Ltmp6:
0x6da: {  	v0 =	vadd.f32 v1, v0;
	v1 =	vmul.f32 v3, v2;
	v2 =	vadd.f32 v62, v61;
	(pc) =	sbr.rel @p0 .LBB2_4-.Ltmp6, $3  }
0x6db: {  	_ = 	snop  }
0x6dc: {  	v0 =	vadd.f32 v1, v0;
	v1 =	vmul.f32 v2, v63;
	_ =	sdelay $0x1  }
0x6dd: {  	v0 =	vadd.f32 v1, v0  }
0x6de: {  	_ = 	snop  }
0x6df: {  	s0 =	rddreg [dreg:$0xc];
	s1 =	simm.s32 $0x14000;
	s30 =	simm.s32 $0x3;
	[tilespmem:$0x14000] =	vst v0  }
0x6e0: {  	[hbm4b:s0+s4] =	stream.linear.scatter [tilespmem:s1], [sflag:$0x3], $0x80, $0x38;
	[tilespmem:$0x14080] =	vst v63  }
0x6e1: {  	_ =	swait.ge [sflag:s30], $0x80  }
0x6e2: {  	s2 =	rddreg [dreg:$0xe]  }
0x6e3: {  	s31 =	rddreg [dreg:$0xd];
	s2 =	sadd.s32 $0x1, s2  }
0x6e4: {  	p0 =	sne.s32 s2, s31  }
.Ltmp7:
0x6e5: {  	_ = 	snop;
	(pc) =	sbr.rel @p0 .LBB2_1-.Ltmp7, $3  }
0x6e6: {  	_ =	sdelay $0x1  }
0x6e7: {  	[sflag:s30] =	ssyncset.done $0x0  }
0x6e8: {  	[sflag:s30] =	ssyncadd.s32 $0xFFFFFF80  }
0x6e9: {  	_ =	sfence.sel $0x180000  }
0x6ea: {  	[bflag:$0x0] =	sbarrier.arrive $0xFFFF  }
0x6eb: {  	_ =	strace $0x90000047  }
0x6ec: {  	s0 =	stileid.u32;
	[bflag:$0x2] =	sbarrier.arrive $0xFFFF  }
0x6ed: {  	p0 =	sne.s32 s0, $0x0;
	s0 =	rddreg [dreg:$0x3]  }
0x6ee: {  	s0 =	sadd.s32 @!p0 $0x100000, s0  }
0x6ef: {  	[sflag:s0] =	ssyncadd.tile.s32 @!p0 $0x1;
	_ =	shalt  }
.Lfunc_end2:
_tile_overlayer_lowered:
.L_overlay_start_2:
0x6f0: {  	(tag) =	ssettag $0x2  }
0x6f1: {  	s0 =	rddreg [dreg:$0x0];
	s2 =	stileid.u32  }
0x6f2: {  	s1 =	rddreg [dreg:$0x1];
	p0 =	sne.s32 s2, $0x0  }
0x6f3: {  	s3 =	rddreg [dreg:$0x2];
	[bflag:$0x3] =	sbarrier.arrive $0xFFFF;
	s2 =	simm.s32 @!p0 $0x1C03  }
0x6f4: {  	[timem:s3], [sflag:s2] =	dma.local @!p0 [hbm:s0], s1  }
0x6f5: {  	s0 =	simm.s32 @!p0 $0x3  }
0x6f6: {  	_ =	swait.ge @!p0 [sflag:s0], s1  }
0x6f7: {  	s1 =	ssub.s32 @!p0 $0x0, s1;
	[sflag:s0] =	ssyncset.done @!p0 $0x0  }
0x6f8: {  	[sflag:s0] =	ssyncadd.s32 @!p0 s1  }
0x6f9: {  	[bflag:$0x3] =	sbarrier.arrive $0xFFFF  }
0x6fa: {  	_ =	shalt  }

</sc_bundles>
